<compile_context>
chip_gen: v7x
topology: tpu7x:2x2x1
jax: 0.10.2.dev20260603
libtpu: 0.0.44.dev20260713+nightly
codegen_flags: <defaults>
</compile_context>

<pallas_src>
import functools
import math

import jax
import jax.numpy as jnp
import numpy as np
from jax import lax
from jax.experimental import pallas as pl
from jax.experimental.pallas import tpu as pltpu
from jax.experimental.pallas import tpu_sc as plsc

D_MODEL = 64
CHUNK = 32
MAX_LEN = 512

_NUM_CORES = 2
_NUM_SUBCORES = 16
_NUM_WORKERS = _NUM_CORES * _NUM_SUBCORES
_LANES = 16

_GATHER_ROWS = 64


def _pe_chunk_mean(d_model: int, max_len: int, chunk: int) -> np.ndarray:
    position = np.arange(max_len, dtype=np.float32)[:, None]
    div_term = np.exp(
        np.arange(0, d_model, 2, dtype=np.float32) * (-math.log(10000.0) / d_model)
    )
    pe = np.zeros((max_len, d_model), dtype=np.float32)
    pe[:, 0::2] = np.sin(position * div_term)
    pe[:, 1::2] = np.cos(position * div_term)
    n_chunks = max_len // chunk
    return pe[: n_chunks * chunk].reshape(n_chunks, chunk, d_model).mean(axis=1)


@functools.lru_cache(maxsize=None)
def _build_sc_call(batch: int, seq: int, vocab: int, d: int):
    n_chunks = seq // CHUNK
    total_tokens = batch * seq
    steps = total_tokens // (_NUM_WORKERS * _GATHER_ROWS)
    out_rows_per_worker = batch * n_chunks // _NUM_WORKERS
    chunks_per_step = _GATHER_ROWS // CHUNK
    n_vregs = d // _LANES
    scale = math.sqrt(d) / CHUNK

    def body(ids_hbm, table_hbm, pe_hbm, out_hbm, idx_v, rows_v, out_v, pe_v,
             sem0, sem1):
        wid = lax.axis_index("s") * _NUM_CORES + lax.axis_index("c")
        sems = (sem0, sem1)

        pltpu.sync_copy(ids_hbm.at[pl.ds(wid * steps, steps)], idx_v)
        pltpu.sync_copy(pe_hbm, pe_v)

        def start(g, slot):
            pltpu.async_copy(table_hbm.at[idx_v.at[g]], rows_v.at[slot],
                             sems[slot])

        def wait(g, slot):
            pltpu.make_async_copy(table_hbm.at[idx_v.at[g]], rows_v.at[slot],
                                  sems[slot]).wait()

        def reduce(g, slot):
            pe_base = (g % (n_chunks // chunks_per_step)) * chunks_per_step
            out_base = g * chunks_per_step
            for c in range(chunks_per_step):
                accs = [rows_v[slot, CHUNK * c, pl.ds(_LANES * v, _LANES)]
                        for v in range(n_vregs)]
                for r in range(1, CHUNK):
                    for v in range(n_vregs):
                        accs[v] = accs[v] + rows_v[
                            slot, CHUNK * c + r, pl.ds(_LANES * v, _LANES)]
                for v in range(n_vregs):
                    out_v[out_base + c, pl.ds(_LANES * v, _LANES)] = (
                        accs[v] * scale
                        + pe_v[pe_base + c, pl.ds(_LANES * v, _LANES)])

        start(0, 0)
        start(1, 1)

        def loop_body(i, carry):
            g = 2 * i
            for slot in range(2):
                gg = g + slot
                wait(gg, slot)
                reduce(gg, slot)

                @pl.when(gg + 2 < steps)
                def _():
                    start(gg + 2, slot)
            return carry

        lax.fori_loop(0, steps // 2, loop_body, 0)

        pltpu.sync_copy(
            out_v,
            out_hbm.at[pl.ds(wid * out_rows_per_worker, out_rows_per_worker)])

    return pl.kernel(
        body,
        out_type=jax.ShapeDtypeStruct((batch * n_chunks, d), jnp.float32),
        mesh=plsc.VectorSubcoreMesh(core_axis_name="c", subcore_axis_name="s"),
        compiler_params=pltpu.CompilerParams(use_tc_tiling_on_sc=False),
        scratch_types=[
            pltpu.VMEM((steps, _GATHER_ROWS), jnp.int32),
            pltpu.VMEM((2, _GATHER_ROWS, d), jnp.float32),
            pltpu.VMEM((out_rows_per_worker, d), jnp.float32),
            pltpu.VMEM((n_chunks, d), jnp.float32),
            pltpu.SemaphoreType.DMA,
            pltpu.SemaphoreType.DMA,
        ],
    )


def kernel(token_ids, embedding):
    batch, seq = token_ids.shape
    vocab, d = embedding.shape
    n_chunks = seq // CHUNK
    ids = token_ids.astype(jnp.int32).reshape(-1, _GATHER_ROWS)
    pe_mean = jnp.asarray(_pe_chunk_mean(d, seq, CHUNK))
    sc_call = _build_sc_call(batch, seq, vocab, d)
    out = sc_call(ids, embedding, pe_mean)
    return out.reshape(batch, n_chunks, d)

# --- scband reference (transcript-rebuilt; emitter-appended) ---
"""Pipeline reference for scband-chunk-encoder-171798692640 (READ-ONLY COPY).

The authoritative reference and input builder live on the scoring server;
editing this copy changes nothing except your own understanding.
"""

import jax, jax.numpy as jnp
import numpy as np
import math

VOCAB = 100000
D_MODEL = 64
CHUNK = 32
MAX_LEN = 512
BATCH = 1024
SEQ = 512


def _make_pe(d_model, max_len):
    position = np.arange(max_len, dtype=np.float32)[:, None]
    div_term = np.exp(np.arange(0, d_model, 2, dtype=np.float32) * (-math.log(10000.0) / d_model))
    pe = np.zeros((max_len, d_model), dtype=np.float32)
    pe[:, 0::2] = np.sin(position * div_term)
    pe[:, 1::2] = np.cos(position * div_term)
    return jnp.asarray(pe)

_PE = _make_pe(D_MODEL, MAX_LEN)


def setup_inputs(seed: int = 0) -> dict:
    key = jax.random.key(seed)
    k1, k2 = jax.random.split(key)
    token_ids = jax.random.randint(k1, (BATCH, SEQ), 0, VOCAB, dtype=jnp.int64 if jax.config.read('jax_enable_x64') else jnp.int32)
    embedding = jax.random.normal(k2, (VOCAB, D_MODEL), dtype=jnp.float32)
    # padding_idx=0 -> row 0 is zero
    embedding = embedding.at[0].set(0.0)
    return {"token_ids": token_ids, "embedding": embedding}


def reference(token_ids, embedding):
    batch_size, seq_len = token_ids.shape
    scale = math.sqrt(D_MODEL)
    # embedding lookup (gather) + scale
    x = jnp.take(embedding, token_ids, axis=0) * scale
    # sinusoidal positional encoding (non-learnable buffer)
    x = x + _PE[None, :seq_len, :]
    # dropout p=0.0 -> identity
    n_chunks = seq_len // CHUNK
    x = x[:, : n_chunks * CHUNK, :].reshape(batch_size, n_chunks, CHUNK, D_MODEL)
    # mean pooling over each chunk
    chunk_latents = x.mean(axis=2)
    return chunk_latents

if __name__ == "__main__":
    import jax
    _d = setup_inputs()
    print(jax.jit(kernel)(*tuple(_d.values())))

</pallas_src>

<mosaic_0001>
#map = affine_map<(d0, d1) -> (0, 0)>
module attributes {stable_mosaic.version = 14 : i64} {
  func.func @body(%arg0: i32, %arg1: i32, %arg2: memref<8192x64xi32, #tpu.memory_space<hbm>>, %arg3: memref<100000x64xf32, #tpu.memory_space<hbm>>, %arg4: memref<16x64xf32, #tpu.memory_space<hbm>>, %arg5: memref<16384x64xf32, #tpu.memory_space<hbm>>, %arg6: memref<256x64xi32, #tpu.memory_space<vmem>>, %arg7: memref<2x64x64xf32, #tpu.memory_space<vmem>>, %arg8: memref<512x64xf32, #tpu.memory_space<vmem>>, %arg9: memref<16x64xf32, #tpu.memory_space<vmem>>, %arg10: memref<!tpu.dma_semaphore, #tpu.memory_space<semaphore_mem>>, %arg11: memref<!tpu.dma_semaphore, #tpu.memory_space<semaphore_mem>>) attributes {dimension_semantics = [#tpu.dimension_semantics<core_parallel>, #tpu.dimension_semantics<subcore_parallel>], iteration_bounds = array<i64: 2, 16>, scalar_prefetch = 0 : i64, scratch_operands = 6 : i64, tpu.core_type = #tpu.core_type<sc_vector_subcore>, window_params = [{transform_indices = #map}, {transform_indices = #map}, {transform_indices = #map}, {transform_indices = #map}]} {
    %mul3A = arith.constant 2 : i32
    %mul3A_0 = arith.muli %arg1, %mul3A : i32
    %add3A = arith.addi %mul3A_0, %arg0 : i32
    %mul3A_1 = arith.constant 256 : i32
    %mul3A_2 = arith.muli %add3A, %mul3A_1 : i32
    "tpu.region"() ({
      %run_scoped3A = tpu.sem_alloc : memref<!tpu.dma_semaphore, #tpu.memory_space<semaphore_mem>>
      %dma_start3A_33 = arith.constant 0 : i32
      %dma_start3A_34 = tpu.memref_slice %arg2[%mul3A_2, %dma_start3A_33] : memref<8192x64xi32, #tpu.memory_space<hbm>> -> memref<256x64xi32, #tpu.memory_space<hbm>>
      %dma_start3A_35 = arith.constant 0 : i32
      %dma_start3A_36 = tpu.memref_slice %arg2[%mul3A_2, %dma_start3A_35] : memref<8192x64xi32, #tpu.memory_space<hbm>> -> memref<256x64xi32, #tpu.memory_space<hbm>>
      tpu.enqueue_dma source(%dma_start3A_36 : memref<256x64xi32, #tpu.memory_space<hbm>>) target(%arg6 : memref<256x64xi32, #tpu.memory_space<vmem>>) target_semaphore(%run_scoped3A : memref<!tpu.dma_semaphore, #tpu.memory_space<semaphore_mem>>)
      %dma_wait3A = arith.constant 0 : i32
      %dma_wait3A_37 = tpu.memref_slice %arg2[%mul3A_2, %dma_wait3A] : memref<8192x64xi32, #tpu.memory_space<hbm>> -> memref<256x64xi32, #tpu.memory_space<hbm>>
      %dma_wait3A_38 = arith.constant 0 : i32
      %dma_wait3A_39 = tpu.memref_slice %arg2[%mul3A_2, %dma_wait3A_38] : memref<8192x64xi32, #tpu.memory_space<hbm>> -> memref<256x64xi32, #tpu.memory_space<hbm>>
      tpu.wait_dma2 semaphore(%run_scoped3A : memref<!tpu.dma_semaphore, #tpu.memory_space<semaphore_mem>>) src(%dma_wait3A_39 : memref<256x64xi32, #tpu.memory_space<hbm>>) dst(%arg6 : memref<256x64xi32, #tpu.memory_space<vmem>>)
      tpu.yield
    }) : () -> ()
    "tpu.region"() ({
      %run_scoped3A = tpu.sem_alloc : memref<!tpu.dma_semaphore, #tpu.memory_space<semaphore_mem>>
      tpu.enqueue_dma source(%arg4 : memref<16x64xf32, #tpu.memory_space<hbm>>) target(%arg9 : memref<16x64xf32, #tpu.memory_space<vmem>>) target_semaphore(%run_scoped3A : memref<!tpu.dma_semaphore, #tpu.memory_space<semaphore_mem>>)
      tpu.wait_dma2 semaphore(%run_scoped3A : memref<!tpu.dma_semaphore, #tpu.memory_space<semaphore_mem>>) src(%arg4 : memref<16x64xf32, #tpu.memory_space<hbm>>) dst(%arg9 : memref<16x64xf32, #tpu.memory_space<vmem>>)
      tpu.yield
    }) : () -> ()
    %dma_start3A = arith.constant 0 : i32
    %dma_start3A_3 = arith.constant 0 : i32
    %dma_start3A_4 = arith.constant 0 : i32
    %dma_start3A_5 = arith.constant 0 : i32
    %dma_start3A_6 = tpu.memref_slice %arg7[%dma_start3A_3, %dma_start3A_4, %dma_start3A_5] : memref<2x64x64xf32, #tpu.memory_space<vmem>> -> memref<1x64x64xf32, #tpu.memory_space<vmem>>
    %dma_start3A_7 = tpu.memref_squeeze %dma_start3A_6 : memref<1x64x64xf32, #tpu.memory_space<vmem>> -> memref<64x64xf32, #tpu.memory_space<vmem>>
    %dma_start3A_8 = arith.constant 0 : i32
    %dma_start3A_9 = tpu.memref_slice %arg6[%dma_start3A, %dma_start3A_8] : memref<256x64xi32, #tpu.memory_space<vmem>> -> memref<1x64xi32, #tpu.memory_space<vmem>>
    %dma_start3A_10 = tpu.memref_squeeze %dma_start3A_9 : memref<1x64xi32, #tpu.memory_space<vmem>> -> memref<64xi32, #tpu.memory_space<vmem>>
    %dma_start3A_11 = arith.constant 0 : i32
    %dma_start3A_12 = arith.constant 0 : i32
    %dma_start3A_13 = tpu.memref_slice %arg3[%dma_start3A_11, %dma_start3A_12] : memref<100000x64xf32, #tpu.memory_space<hbm>> -> memref<100000x64xf32, #tpu.memory_space<hbm>>
    tpu.enqueue_indirect_dma source(%dma_start3A_13 : memref<100000x64xf32, #tpu.memory_space<hbm>>) target(%dma_start3A_7 : memref<64x64xf32, #tpu.memory_space<vmem>>) offsets(%dma_start3A_10 : memref<64xi32, #tpu.memory_space<vmem>>) semaphore(%arg10 : memref<!tpu.dma_semaphore, #tpu.memory_space<semaphore_mem>>)
    %dma_start3A_14 = arith.constant 1 : i32
    %dma_start3A_15 = arith.constant 1 : i32
    %dma_start3A_16 = arith.constant 0 : i32
    %dma_start3A_17 = arith.constant 0 : i32
    %dma_start3A_18 = tpu.memref_slice %arg7[%dma_start3A_15, %dma_start3A_16, %dma_start3A_17] : memref<2x64x64xf32, #tpu.memory_space<vmem>> -> memref<1x64x64xf32, #tpu.memory_space<vmem>>
    %dma_start3A_19 = tpu.memref_squeeze %dma_start3A_18 : memref<1x64x64xf32, #tpu.memory_space<vmem>> -> memref<64x64xf32, #tpu.memory_space<vmem>>
    %dma_start3A_20 = arith.constant 0 : i32
    %dma_start3A_21 = tpu.memref_slice %arg6[%dma_start3A_14, %dma_start3A_20] : memref<256x64xi32, #tpu.memory_space<vmem>> -> memref<1x64xi32, #tpu.memory_space<vmem>>
    %dma_start3A_22 = tpu.memref_squeeze %dma_start3A_21 : memref<1x64xi32, #tpu.memory_space<vmem>> -> memref<64xi32, #tpu.memory_space<vmem>>
    %dma_start3A_23 = arith.constant 0 : i32
    %dma_start3A_24 = arith.constant 0 : i32
    %dma_start3A_25 = tpu.memref_slice %arg3[%dma_start3A_23, %dma_start3A_24] : memref<100000x64xf32, #tpu.memory_space<hbm>> -> memref<100000x64xf32, #tpu.memory_space<hbm>>
    tpu.enqueue_indirect_dma source(%dma_start3A_25 : memref<100000x64xf32, #tpu.memory_space<hbm>>) target(%dma_start3A_19 : memref<64x64xf32, #tpu.memory_space<vmem>>) offsets(%dma_start3A_22 : memref<64xi32, #tpu.memory_space<vmem>>) semaphore(%arg11 : memref<!tpu.dma_semaphore, #tpu.memory_space<semaphore_mem>>)
    %scan3A = arith.constant 0 : i32
    %scan3A_26 = arith.constant 0 : i32
    %scan3A_27 = arith.constant 128 : i32
    %scan3A_28 = arith.addi %scan3A_26, %scan3A_27 : i32
    %scan3A_29 = arith.constant 1 : i32
    scf.for %scan3A_33 = %scan3A_26 to %scan3A_28 step %scan3A_29  : i32 {
      %mul3A_34 = arith.constant 2 : i32
      %mul3A_35 = arith.muli %mul3A_34, %scan3A_33 : i32
      %add3A_36 = arith.constant 0 : i32
      %add3A_37 = arith.addi %mul3A_35, %add3A_36 : i32
      %dma_wait3A = arith.constant 0 : i32
      %dma_wait3A_38 = arith.constant 0 : i32
      %dma_wait3A_39 = arith.constant 0 : i32
      %dma_wait3A_40 = tpu.memref_slice %arg7[%dma_wait3A, %dma_wait3A_38, %dma_wait3A_39] : memref<2x64x64xf32, #tpu.memory_space<vmem>> -> memref<1x64x64xf32, #tpu.memory_space<vmem>>
      %dma_wait3A_41 = tpu.memref_squeeze %dma_wait3A_40 : memref<1x64x64xf32, #tpu.memory_space<vmem>> -> memref<64x64xf32, #tpu.memory_space<vmem>>
      %dma_wait3A_42 = arith.constant 0 : i32
      %dma_wait3A_43 = tpu.memref_slice %arg6[%add3A_37, %dma_wait3A_42] : memref<256x64xi32, #tpu.memory_space<vmem>> -> memref<1x64xi32, #tpu.memory_space<vmem>>
      %dma_wait3A_44 = tpu.memref_squeeze %dma_wait3A_43 : memref<1x64xi32, #tpu.memory_space<vmem>> -> memref<64xi32, #tpu.memory_space<vmem>>
      %dma_wait3A_45 = arith.constant 0 : i32
      %dma_wait3A_46 = arith.constant 0 : i32
      %dma_wait3A_47 = tpu.memref_slice %arg3[%dma_wait3A_45, %dma_wait3A_46] : memref<100000x64xf32, #tpu.memory_space<hbm>> -> memref<100000x64xf32, #tpu.memory_space<hbm>>
      tpu.wait_indirect_dma semaphore(%arg10 : memref<!tpu.dma_semaphore, #tpu.memory_space<semaphore_mem>>) src(%dma_wait3A_47 : memref<100000x64xf32, #tpu.memory_space<hbm>>) dst(%dma_wait3A_41 : memref<64x64xf32, #tpu.memory_space<vmem>>)
      %jit3A = arith.constant 8 : i32
      %eq3A = arith.constant 0 : i32
      %eq3A_48 = arith.cmpi eq, %jit3A, %eq3A : i32
      %jit3A_49 = arith.constant 1 : i32
      %select_n3A = arith.select %eq3A_48, %jit3A_49, %jit3A : i32
      %rem3A = arith.remsi %add3A_37, %select_n3A : i32
      %ne3A = arith.constant 0 : i32
      %ne3A_50 = arith.cmpi ne, %rem3A, %ne3A : i32
      %lt3A = arith.constant 0 : i32
      %lt3A_51 = arith.cmpi slt, %rem3A, %lt3A : i32
      %lt3A_52 = arith.constant 0 : i32
      %lt3A_53 = arith.cmpi slt, %select_n3A, %lt3A_52 : i32
      %ne3A_54 = arith.xori %lt3A_51, %lt3A_53 : i1
      %and3A = arith.andi %ne3A_54, %ne3A_50 : i1
      %add3A_55 = arith.addi %rem3A, %select_n3A : i32
      %select_n3A_56 = arith.select %and3A, %add3A_55, %rem3A : i32
      %mul3A_57 = arith.constant 2 : i32
      %mul3A_58 = arith.muli %select_n3A_56, %mul3A_57 : i32
      %mul3A_59 = arith.constant 2 : i32
      %mul3A_60 = arith.muli %add3A_37, %mul3A_59 : i32
      %get3A = arith.constant 0 : i32
      %get3A_61 = arith.constant 0 : i32
      %get3A_62 = arith.index_cast %get3A : i32 to index
      %get3A_63 = arith.index_cast %get3A_61 : i32 to index
      %get3A_64 = arith.constant 0 : index
      %get3A_65 = tpu.vector_load %arg7[%get3A_62, %get3A_63, %get3A_64] {strides = array<i32>} : memref<2x64x64xf32, #tpu.memory_space<vmem>>, vector<1x1x16xf32>,
      %get3A_66 = vector.shape_cast %get3A_65 : vector<1x1x16xf32> to vector<16xf32>
      %get3A_67 = arith.constant 0 : i32
      %get3A_68 = arith.constant 0 : i32
      %get3A_69 = arith.index_cast %get3A_67 : i32 to index
      %get3A_70 = arith.index_cast %get3A_68 : i32 to index
      %get3A_71 = arith.constant 16 : index
      %get3A_72 = tpu.vector_load %arg7[%get3A_69, %get3A_70, %get3A_71] {strides = array<i32>} : memref<2x64x64xf32, #tpu.memory_space<vmem>>, vector<1x1x16xf32>,
      %get3A_73 = vector.shape_cast %get3A_72 : vector<1x1x16xf32> to vector<16xf32>
      %get3A_74 = arith.constant 0 : i32
      %get3A_75 = arith.constant 0 : i32
      %get3A_76 = arith.index_cast %get3A_74 : i32 to index
      %get3A_77 = arith.index_cast %get3A_75 : i32 to index
      %get3A_78 = arith.constant 32 : index
      %get3A_79 = tpu.vector_load %arg7[%get3A_76, %get3A_77, %get3A_78] {strides = array<i32>} : memref<2x64x64xf32, #tpu.memory_space<vmem>>, vector<1x1x16xf32>,
      %get3A_80 = vector.shape_cast %get3A_79 : vector<1x1x16xf32> to vector<16xf32>
      %get3A_81 = arith.constant 0 : i32
      %get3A_82 = arith.constant 0 : i32
      %get3A_83 = arith.index_cast %get3A_81 : i32 to index
      %get3A_84 = arith.index_cast %get3A_82 : i32 to index
      %get3A_85 = arith.constant 48 : index
      %get3A_86 = tpu.vector_load %arg7[%get3A_83, %get3A_84, %get3A_85] {strides = array<i32>} : memref<2x64x64xf32, #tpu.memory_space<vmem>>, vector<1x1x16xf32>,
      %get3A_87 = vector.shape_cast %get3A_86 : vector<1x1x16xf32> to vector<16xf32>
      %get3A_88 = arith.constant 0 : i32
      %get3A_89 = arith.constant 1 : i32
      %get3A_90 = arith.index_cast %get3A_88 : i32 to index
      %get3A_91 = arith.index_cast %get3A_89 : i32 to index
      %get3A_92 = arith.constant 0 : index
      %get3A_93 = tpu.vector_load %arg7[%get3A_90, %get3A_91, %get3A_92] {strides = array<i32>} : memref<2x64x64xf32, #tpu.memory_space<vmem>>, vector<1x1x16xf32>,
      %get3A_94 = vector.shape_cast %get3A_93 : vector<1x1x16xf32> to vector<16xf32>
      %add3A_95 = arith.addf %get3A_66, %get3A_94 : vector<16xf32>
      %get3A_96 = arith.constant 0 : i32
      %get3A_97 = arith.constant 1 : i32
      %get3A_98 = arith.index_cast %get3A_96 : i32 to index
      %get3A_99 = arith.index_cast %get3A_97 : i32 to index
      %get3A_100 = arith.constant 16 : index
      %get3A_101 = tpu.vector_load %arg7[%get3A_98, %get3A_99, %get3A_100] {strides = array<i32>} : memref<2x64x64xf32, #tpu.memory_space<vmem>>, vector<1x1x16xf32>,
      %get3A_102 = vector.shape_cast %get3A_101 : vector<1x1x16xf32> to vector<16xf32>
      %add3A_103 = arith.addf %get3A_73, %get3A_102 : vector<16xf32>
      %get3A_104 = arith.constant 0 : i32
      %get3A_105 = arith.constant 1 : i32
      %get3A_106 = arith.index_cast %get3A_104 : i32 to index
      %get3A_107 = arith.index_cast %get3A_105 : i32 to index
      %get3A_108 = arith.constant 32 : index
      %get3A_109 = tpu.vector_load %arg7[%get3A_106, %get3A_107, %get3A_108] {strides = array<i32>} : memref<2x64x64xf32, #tpu.memory_space<vmem>>, vector<1x1x16xf32>,
      %get3A_110 = vector.shape_cast %get3A_109 : vector<1x1x16xf32> to vector<16xf32>
      %add3A_111 = arith.addf %get3A_80, %get3A_110 : vector<16xf32>
      %get3A_112 = arith.constant 0 : i32
      %get3A_113 = arith.constant 1 : i32
      %get3A_114 = arith.index_cast %get3A_112 : i32 to index
      %get3A_115 = arith.index_cast %get3A_113 : i32 to index
      %get3A_116 = arith.constant 48 : index
      %get3A_117 = tpu.vector_load %arg7[%get3A_114, %get3A_115, %get3A_116] {strides = array<i32>} : memref<2x64x64xf32, #tpu.memory_space<vmem>>, vector<1x1x16xf32>,
      %get3A_118 = vector.shape_cast %get3A_117 : vector<1x1x16xf32> to vector<16xf32>
      %add3A_119 = arith.addf %get3A_87, %get3A_118 : vector<16xf32>
      %get3A_120 = arith.constant 0 : i32
      %get3A_121 = arith.constant 2 : i32
      %get3A_122 = arith.index_cast %get3A_120 : i32 to index
      %get3A_123 = arith.index_cast %get3A_121 : i32 to index
      %get3A_124 = arith.constant 0 : index
      %get3A_125 = tpu.vector_load %arg7[%get3A_122, %get3A_123, %get3A_124] {strides = array<i32>} : memref<2x64x64xf32, #tpu.memory_space<vmem>>, vector<1x1x16xf32>,
      %get3A_126 = vector.shape_cast %get3A_125 : vector<1x1x16xf32> to vector<16xf32>
      %add3A_127 = arith.addf %add3A_95, %get3A_126 : vector<16xf32>
      %get3A_128 = arith.constant 0 : i32
      %get3A_129 = arith.constant 2 : i32
      %get3A_130 = arith.index_cast %get3A_128 : i32 to index
      %get3A_131 = arith.index_cast %get3A_129 : i32 to index
      %get3A_132 = arith.constant 16 : index
      %get3A_133 = tpu.vector_load %arg7[%get3A_130, %get3A_131, %get3A_132] {strides = array<i32>} : memref<2x64x64xf32, #tpu.memory_space<vmem>>, vector<1x1x16xf32>,
      %get3A_134 = vector.shape_cast %get3A_133 : vector<1x1x16xf32> to vector<16xf32>
      %add3A_135 = arith.addf %add3A_103, %get3A_134 : vector<16xf32>
      %get3A_136 = arith.constant 0 : i32
      %get3A_137 = arith.constant 2 : i32
      %get3A_138 = arith.index_cast %get3A_136 : i32 to index
      %get3A_139 = arith.index_cast %get3A_137 : i32 to index
      %get3A_140 = arith.constant 32 : index
      %get3A_141 = tpu.vector_load %arg7[%get3A_138, %get3A_139, %get3A_140] {strides = array<i32>} : memref<2x64x64xf32, #tpu.memory_space<vmem>>, vector<1x1x16xf32>,
      %get3A_142 = vector.shape_cast %get3A_141 : vector<1x1x16xf32> to vector<16xf32>
      %add3A_143 = arith.addf %add3A_111, %get3A_142 : vector<16xf32>
      %get3A_144 = arith.constant 0 : i32
      %get3A_145 = arith.constant 2 : i32
      %get3A_146 = arith.index_cast %get3A_144 : i32 to index
      %get3A_147 = arith.index_cast %get3A_145 : i32 to index
      %get3A_148 = arith.constant 48 : index
      %get3A_149 = tpu.vector_load %arg7[%get3A_146, %get3A_147, %get3A_148] {strides = array<i32>} : memref<2x64x64xf32, #tpu.memory_space<vmem>>, vector<1x1x16xf32>,
      %get3A_150 = vector.shape_cast %get3A_149 : vector<1x1x16xf32> to vector<16xf32>
      %add3A_151 = arith.addf %add3A_119, %get3A_150 : vector<16xf32>
      %get3A_152 = arith.constant 0 : i32
      %get3A_153 = arith.constant 3 : i32
      %get3A_154 = arith.index_cast %get3A_152 : i32 to index
      %get3A_155 = arith.index_cast %get3A_153 : i32 to index
      %get3A_156 = arith.constant 0 : index
      %get3A_157 = tpu.vector_load %arg7[%get3A_154, %get3A_155, %get3A_156] {strides = array<i32>} : memref<2x64x64xf32, #tpu.memory_space<vmem>>, vector<1x1x16xf32>,
      %get3A_158 = vector.shape_cast %get3A_157 : vector<1x1x16xf32> to vector<16xf32>
      %add3A_159 = arith.addf %add3A_127, %get3A_158 : vector<16xf32>
      %get3A_160 = arith.constant 0 : i32
      %get3A_161 = arith.constant 3 : i32
      %get3A_162 = arith.index_cast %get3A_160 : i32 to index
      %get3A_163 = arith.index_cast %get3A_161 : i32 to index
      %get3A_164 = arith.constant 16 : index
      %get3A_165 = tpu.vector_load %arg7[%get3A_162, %get3A_163, %get3A_164] {strides = array<i32>} : memref<2x64x64xf32, #tpu.memory_space<vmem>>, vector<1x1x16xf32>,
      %get3A_166 = vector.shape_cast %get3A_165 : vector<1x1x16xf32> to vector<16xf32>
      %add3A_167 = arith.addf %add3A_135, %get3A_166 : vector<16xf32>
      %get3A_168 = arith.constant 0 : i32
      %get3A_169 = arith.constant 3 : i32
      %get3A_170 = arith.index_cast %get3A_168 : i32 to index
      %get3A_171 = arith.index_cast %get3A_169 : i32 to index
      %get3A_172 = arith.constant 32 : index
      %get3A_173 = tpu.vector_load %arg7[%get3A_170, %get3A_171, %get3A_172] {strides = array<i32>} : memref<2x64x64xf32, #tpu.memory_space<vmem>>, vector<1x1x16xf32>,
      %get3A_174 = vector.shape_cast %get3A_173 : vector<1x1x16xf32> to vector<16xf32>
      %add3A_175 = arith.addf %add3A_143, %get3A_174 : vector<16xf32>
      %get3A_176 = arith.constant 0 : i32
      %get3A_177 = arith.constant 3 : i32
      %get3A_178 = arith.index_cast %get3A_176 : i32 to index
      %get3A_179 = arith.index_cast %get3A_177 : i32 to index
      %get3A_180 = arith.constant 48 : index
      %get3A_181 = tpu.vector_load %arg7[%get3A_178, %get3A_179, %get3A_180] {strides = array<i32>} : memref<2x64x64xf32, #tpu.memory_space<vmem>>, vector<1x1x16xf32>,
      %get3A_182 = vector.shape_cast %get3A_181 : vector<1x1x16xf32> to vector<16xf32>
      %add3A_183 = arith.addf %add3A_151, %get3A_182 : vector<16xf32>
      %get3A_184 = arith.constant 0 : i32
      %get3A_185 = arith.constant 4 : i32
      %get3A_186 = arith.index_cast %get3A_184 : i32 to index
      %get3A_187 = arith.index_cast %get3A_185 : i32 to index
      %get3A_188 = arith.constant 0 : index
      %get3A_189 = tpu.vector_load %arg7[%get3A_186, %get3A_187, %get3A_188] {strides = array<i32>} : memref<2x64x64xf32, #tpu.memory_space<vmem>>, vector<1x1x16xf32>,
      %get3A_190 = vector.shape_cast %get3A_189 : vector<1x1x16xf32> to vector<16xf32>
      %add3A_191 = arith.addf %add3A_159, %get3A_190 : vector<16xf32>
      %get3A_192 = arith.constant 0 : i32
      %get3A_193 = arith.constant 4 : i32
      %get3A_194 = arith.index_cast %get3A_192 : i32 to index
      %get3A_195 = arith.index_cast %get3A_193 : i32 to index
      %get3A_196 = arith.constant 16 : index
      %get3A_197 = tpu.vector_load %arg7[%get3A_194, %get3A_195, %get3A_196] {strides = array<i32>} : memref<2x64x64xf32, #tpu.memory_space<vmem>>, vector<1x1x16xf32>,
      %get3A_198 = vector.shape_cast %get3A_197 : vector<1x1x16xf32> to vector<16xf32>
      %add3A_199 = arith.addf %add3A_167, %get3A_198 : vector<16xf32>
      %get3A_200 = arith.constant 0 : i32
      %get3A_201 = arith.constant 4 : i32
      %get3A_202 = arith.index_cast %get3A_200 : i32 to index
      %get3A_203 = arith.index_cast %get3A_201 : i32 to index
      %get3A_204 = arith.constant 32 : index
      %get3A_205 = tpu.vector_load %arg7[%get3A_202, %get3A_203, %get3A_204] {strides = array<i32>} : memref<2x64x64xf32, #tpu.memory_space<vmem>>, vector<1x1x16xf32>,
      %get3A_206 = vector.shape_cast %get3A_205 : vector<1x1x16xf32> to vector<16xf32>
      %add3A_207 = arith.addf %add3A_175, %get3A_206 : vector<16xf32>
      %get3A_208 = arith.constant 0 : i32
      %get3A_209 = arith.constant 4 : i32
      %get3A_210 = arith.index_cast %get3A_208 : i32 to index
      %get3A_211 = arith.index_cast %get3A_209 : i32 to index
      %get3A_212 = arith.constant 48 : index
      %get3A_213 = tpu.vector_load %arg7[%get3A_210, %get3A_211, %get3A_212] {strides = array<i32>} : memref<2x64x64xf32, #tpu.memory_space<vmem>>, vector<1x1x16xf32>,
      %get3A_214 = vector.shape_cast %get3A_213 : vector<1x1x16xf32> to vector<16xf32>
      %add3A_215 = arith.addf %add3A_183, %get3A_214 : vector<16xf32>
      %get3A_216 = arith.constant 0 : i32
      %get3A_217 = arith.constant 5 : i32
      %get3A_218 = arith.index_cast %get3A_216 : i32 to index
      %get3A_219 = arith.index_cast %get3A_217 : i32 to index
      %get3A_220 = arith.constant 0 : index
      %get3A_221 = tpu.vector_load %arg7[%get3A_218, %get3A_219, %get3A_220] {strides = array<i32>} : memref<2x64x64xf32, #tpu.memory_space<vmem>>, vector<1x1x16xf32>,
      %get3A_222 = vector.shape_cast %get3A_221 : vector<1x1x16xf32> to vector<16xf32>
      %add3A_223 = arith.addf %add3A_191, %get3A_222 : vector<16xf32>
      %get3A_224 = arith.constant 0 : i32
      %get3A_225 = arith.constant 5 : i32
      %get3A_226 = arith.index_cast %get3A_224 : i32 to index
      %get3A_227 = arith.index_cast %get3A_225 : i32 to index
      %get3A_228 = arith.constant 16 : index
      %get3A_229 = tpu.vector_load %arg7[%get3A_226, %get3A_227, %get3A_228] {strides = array<i32>} : memref<2x64x64xf32, #tpu.memory_space<vmem>>, vector<1x1x16xf32>,
      %get3A_230 = vector.shape_cast %get3A_229 : vector<1x1x16xf32> to vector<16xf32>
      %add3A_231 = arith.addf %add3A_199, %get3A_230 : vector<16xf32>
      %get3A_232 = arith.constant 0 : i32
      %get3A_233 = arith.constant 5 : i32
      %get3A_234 = arith.index_cast %get3A_232 : i32 to index
      %get3A_235 = arith.index_cast %get3A_233 : i32 to index
      %get3A_236 = arith.constant 32 : index
      %get3A_237 = tpu.vector_load %arg7[%get3A_234, %get3A_235, %get3A_236] {strides = array<i32>} : memref<2x64x64xf32, #tpu.memory_space<vmem>>, vector<1x1x16xf32>,
      %get3A_238 = vector.shape_cast %get3A_237 : vector<1x1x16xf32> to vector<16xf32>
      %add3A_239 = arith.addf %add3A_207, %get3A_238 : vector<16xf32>
      %get3A_240 = arith.constant 0 : i32
      %get3A_241 = arith.constant 5 : i32
      %get3A_242 = arith.index_cast %get3A_240 : i32 to index
      %get3A_243 = arith.index_cast %get3A_241 : i32 to index
      %get3A_244 = arith.constant 48 : index
      %get3A_245 = tpu.vector_load %arg7[%get3A_242, %get3A_243, %get3A_244] {strides = array<i32>} : memref<2x64x64xf32, #tpu.memory_space<vmem>>, vector<1x1x16xf32>,
      %get3A_246 = vector.shape_cast %get3A_245 : vector<1x1x16xf32> to vector<16xf32>
      %add3A_247 = arith.addf %add3A_215, %get3A_246 : vector<16xf32>
      %get3A_248 = arith.constant 0 : i32
      %get3A_249 = arith.constant 6 : i32
      %get3A_250 = arith.index_cast %get3A_248 : i32 to index
      %get3A_251 = arith.index_cast %get3A_249 : i32 to index
      %get3A_252 = arith.constant 0 : index
      %get3A_253 = tpu.vector_load %arg7[%get3A_250, %get3A_251, %get3A_252] {strides = array<i32>} : memref<2x64x64xf32, #tpu.memory_space<vmem>>, vector<1x1x16xf32>,
      %get3A_254 = vector.shape_cast %get3A_253 : vector<1x1x16xf32> to vector<16xf32>
      %add3A_255 = arith.addf %add3A_223, %get3A_254 : vector<16xf32>
      %get3A_256 = arith.constant 0 : i32
      %get3A_257 = arith.constant 6 : i32
      %get3A_258 = arith.index_cast %get3A_256 : i32 to index
      %get3A_259 = arith.index_cast %get3A_257 : i32 to index
      %get3A_260 = arith.constant 16 : index
      %get3A_261 = tpu.vector_load %arg7[%get3A_258, %get3A_259, %get3A_260] {strides = array<i32>} : memref<2x64x64xf32, #tpu.memory_space<vmem>>, vector<1x1x16xf32>,
      %get3A_262 = vector.shape_cast %get3A_261 : vector<1x1x16xf32> to vector<16xf32>
      %add3A_263 = arith.addf %add3A_231, %get3A_262 : vector<16xf32>
      %get3A_264 = arith.constant 0 : i32
      %get3A_265 = arith.constant 6 : i32
      %get3A_266 = arith.index_cast %get3A_264 : i32 to index
      %get3A_267 = arith.index_cast %get3A_265 : i32 to index
      %get3A_268 = arith.constant 32 : index
      %get3A_269 = tpu.vector_load %arg7[%get3A_266, %get3A_267, %get3A_268] {strides = array<i32>} : memref<2x64x64xf32, #tpu.memory_space<vmem>>, vector<1x1x16xf32>,
      %get3A_270 = vector.shape_cast %get3A_269 : vector<1x1x16xf32> to vector<16xf32>
      %add3A_271 = arith.addf %add3A_239, %get3A_270 : vector<16xf32>
      %get3A_272 = arith.constant 0 : i32
      %get3A_273 = arith.constant 6 : i32
      %get3A_274 = arith.index_cast %get3A_272 : i32 to index
      %get3A_275 = arith.index_cast %get3A_273 : i32 to index
      %get3A_276 = arith.constant 48 : index
      %get3A_277 = tpu.vector_load %arg7[%get3A_274, %get3A_275, %get3A_276] {strides = array<i32>} : memref<2x64x64xf32, #tpu.memory_space<vmem>>, vector<1x1x16xf32>,
      %get3A_278 = vector.shape_cast %get3A_277 : vector<1x1x16xf32> to vector<16xf32>
      %add3A_279 = arith.addf %add3A_247, %get3A_278 : vector<16xf32>
      %get3A_280 = arith.constant 0 : i32
      %get3A_281 = arith.constant 7 : i32
      %get3A_282 = arith.index_cast %get3A_280 : i32 to index
      %get3A_283 = arith.index_cast %get3A_281 : i32 to index
      %get3A_284 = arith.constant 0 : index
      %get3A_285 = tpu.vector_load %arg7[%get3A_282, %get3A_283, %get3A_284] {strides = array<i32>} : memref<2x64x64xf32, #tpu.memory_space<vmem>>, vector<1x1x16xf32>,
      %get3A_286 = vector.shape_cast %get3A_285 : vector<1x1x16xf32> to vector<16xf32>
      %add3A_287 = arith.addf %add3A_255, %get3A_286 : vector<16xf32>
      %get3A_288 = arith.constant 0 : i32
      %get3A_289 = arith.constant 7 : i32
      %get3A_290 = arith.index_cast %get3A_288 : i32 to index
      %get3A_291 = arith.index_cast %get3A_289 : i32 to index
      %get3A_292 = arith.constant 16 : index
      %get3A_293 = tpu.vector_load %arg7[%get3A_290, %get3A_291, %get3A_292] {strides = array<i32>} : memref<2x64x64xf32, #tpu.memory_space<vmem>>, vector<1x1x16xf32>,
      %get3A_294 = vector.shape_cast %get3A_293 : vector<1x1x16xf32> to vector<16xf32>
      %add3A_295 = arith.addf %add3A_263, %get3A_294 : vector<16xf32>
      %get3A_296 = arith.constant 0 : i32
      %get3A_297 = arith.constant 7 : i32
      %get3A_298 = arith.index_cast %get3A_296 : i32 to index
      %get3A_299 = arith.index_cast %get3A_297 : i32 to index
      %get3A_300 = arith.constant 32 : index
      %get3A_301 = tpu.vector_load %arg7[%get3A_298, %get3A_299, %get3A_300] {strides = array<i32>} : memref<2x64x64xf32, #tpu.memory_space<vmem>>, vector<1x1x16xf32>,
      %get3A_302 = vector.shape_cast %get3A_301 : vector<1x1x16xf32> to vector<16xf32>
      %add3A_303 = arith.addf %add3A_271, %get3A_302 : vector<16xf32>
      %get3A_304 = arith.constant 0 : i32
      %get3A_305 = arith.constant 7 : i32
      %get3A_306 = arith.index_cast %get3A_304 : i32 to index
      %get3A_307 = arith.index_cast %get3A_305 : i32 to index
      %get3A_308 = arith.constant 48 : index
      %get3A_309 = tpu.vector_load %arg7[%get3A_306, %get3A_307, %get3A_308] {strides = array<i32>} : memref<2x64x64xf32, #tpu.memory_space<vmem>>, vector<1x1x16xf32>,
      %get3A_310 = vector.shape_cast %get3A_309 : vector<1x1x16xf32> to vector<16xf32>
      %add3A_311 = arith.addf %add3A_279, %get3A_310 : vector<16xf32>
      %get3A_312 = arith.constant 0 : i32
      %get3A_313 = arith.constant 8 : i32
      %get3A_314 = arith.index_cast %get3A_312 : i32 to index
      %get3A_315 = arith.index_cast %get3A_313 : i32 to index
      %get3A_316 = arith.constant 0 : index
      %get3A_317 = tpu.vector_load %arg7[%get3A_314, %get3A_315, %get3A_316] {strides = array<i32>} : memref<2x64x64xf32, #tpu.memory_space<vmem>>, vector<1x1x16xf32>,
      %get3A_318 = vector.shape_cast %get3A_317 : vector<1x1x16xf32> to vector<16xf32>
      %add3A_319 = arith.addf %add3A_287, %get3A_318 : vector<16xf32>
      %get3A_320 = arith.constant 0 : i32
      %get3A_321 = arith.constant 8 : i32
      %get3A_322 = arith.index_cast %get3A_320 : i32 to index
      %get3A_323 = arith.index_cast %get3A_321 : i32 to index
      %get3A_324 = arith.constant 16 : index
      %get3A_325 = tpu.vector_load %arg7[%get3A_322, %get3A_323, %get3A_324] {strides = array<i32>} : memref<2x64x64xf32, #tpu.memory_space<vmem>>, vector<1x1x16xf32>,
      %get3A_326 = vector.shape_cast %get3A_325 : vector<1x1x16xf32> to vector<16xf32>
      %add3A_327 = arith.addf %add3A_295, %get3A_326 : vector<16xf32>
      %get3A_328 = arith.constant 0 : i32
      %get3A_329 = arith.constant 8 : i32
      %get3A_330 = arith.index_cast %get3A_328 : i32 to index
      %get3A_331 = arith.index_cast %get3A_329 : i32 to index
      %get3A_332 = arith.constant 32 : index
      %get3A_333 = tpu.vector_load %arg7[%get3A_330, %get3A_331, %get3A_332] {strides = array<i32>} : memref<2x64x64xf32, #tpu.memory_space<vmem>>, vector<1x1x16xf32>,
      %get3A_334 = vector.shape_cast %get3A_333 : vector<1x1x16xf32> to vector<16xf32>
      %add3A_335 = arith.addf %add3A_303, %get3A_334 : vector<16xf32>
      %get3A_336 = arith.constant 0 : i32
      %get3A_337 = arith.constant 8 : i32
      %get3A_338 = arith.index_cast %get3A_336 : i32 to index
      %get3A_339 = arith.index_cast %get3A_337 : i32 to index
      %get3A_340 = arith.constant 48 : index
      %get3A_341 = tpu.vector_load %arg7[%get3A_338, %get3A_339, %get3A_340] {strides = array<i32>} : memref<2x64x64xf32, #tpu.memory_space<vmem>>, vector<1x1x16xf32>,
      %get3A_342 = vector.shape_cast %get3A_341 : vector<1x1x16xf32> to vector<16xf32>
      %add3A_343 = arith.addf %add3A_311, %get3A_342 : vector<16xf32>
      %get3A_344 = arith.constant 0 : i32
      %get3A_345 = arith.constant 9 : i32
      %get3A_346 = arith.index_cast %get3A_344 : i32 to index
      %get3A_347 = arith.index_cast %get3A_345 : i32 to index
      %get3A_348 = arith.constant 0 : index
      %get3A_349 = tpu.vector_load %arg7[%get3A_346, %get3A_347, %get3A_348] {strides = array<i32>} : memref<2x64x64xf32, #tpu.memory_space<vmem>>, vector<1x1x16xf32>,
      %get3A_350 = vector.shape_cast %get3A_349 : vector<1x1x16xf32> to vector<16xf32>
      %add3A_351 = arith.addf %add3A_319, %get3A_350 : vector<16xf32>
      %get3A_352 = arith.constant 0 : i32
      %get3A_353 = arith.constant 9 : i32
      %get3A_354 = arith.index_cast %get3A_352 : i32 to index
      %get3A_355 = arith.index_cast %get3A_353 : i32 to index
      %get3A_356 = arith.constant 16 : index
      %get3A_357 = tpu.vector_load %arg7[%get3A_354, %get3A_355, %get3A_356] {strides = array<i32>} : memref<2x64x64xf32, #tpu.memory_space<vmem>>, vector<1x1x16xf32>,
      %get3A_358 = vector.shape_cast %get3A_357 : vector<1x1x16xf32> to vector<16xf32>
      %add3A_359 = arith.addf %add3A_327, %get3A_358 : vector<16xf32>
      %get3A_360 = arith.constant 0 : i32
      %get3A_361 = arith.constant 9 : i32
      %get3A_362 = arith.index_cast %get3A_360 : i32 to index
      %get3A_363 = arith.index_cast %get3A_361 : i32 to index
      %get3A_364 = arith.constant 32 : index
      %get3A_365 = tpu.vector_load %arg7[%get3A_362, %get3A_363, %get3A_364] {strides = array<i32>} : memref<2x64x64xf32, #tpu.memory_space<vmem>>, vector<1x1x16xf32>,
      %get3A_366 = vector.shape_cast %get3A_365 : vector<1x1x16xf32> to vector<16xf32>
      %add3A_367 = arith.addf %add3A_335, %get3A_366 : vector<16xf32>
      %get3A_368 = arith.constant 0 : i32
      %get3A_369 = arith.constant 9 : i32
      %get3A_370 = arith.index_cast %get3A_368 : i32 to index
      %get3A_371 = arith.index_cast %get3A_369 : i32 to index
      %get3A_372 = arith.constant 48 : index
      %get3A_373 = tpu.vector_load %arg7[%get3A_370, %get3A_371, %get3A_372] {strides = array<i32>} : memref<2x64x64xf32, #tpu.memory_space<vmem>>, vector<1x1x16xf32>,
      %get3A_374 = vector.shape_cast %get3A_373 : vector<1x1x16xf32> to vector<16xf32>
      %add3A_375 = arith.addf %add3A_343, %get3A_374 : vector<16xf32>
      %get3A_376 = arith.constant 0 : i32
      %get3A_377 = arith.constant 10 : i32
      %get3A_378 = arith.index_cast %get3A_376 : i32 to index
      %get3A_379 = arith.index_cast %get3A_377 : i32 to index
      %get3A_380 = arith.constant 0 : index
      %get3A_381 = tpu.vector_load %arg7[%get3A_378, %get3A_379, %get3A_380] {strides = array<i32>} : memref<2x64x64xf32, #tpu.memory_space<vmem>>, vector<1x1x16xf32>,
      %get3A_382 = vector.shape_cast %get3A_381 : vector<1x1x16xf32> to vector<16xf32>
      %add3A_383 = arith.addf %add3A_351, %get3A_382 : vector<16xf32>
      %get3A_384 = arith.constant 0 : i32
      %get3A_385 = arith.constant 10 : i32
      %get3A_386 = arith.index_cast %get3A_384 : i32 to index
      %get3A_387 = arith.index_cast %get3A_385 : i32 to index
      %get3A_388 = arith.constant 16 : index
      %get3A_389 = tpu.vector_load %arg7[%get3A_386, %get3A_387, %get3A_388] {strides = array<i32>} : memref<2x64x64xf32, #tpu.memory_space<vmem>>, vector<1x1x16xf32>,
      %get3A_390 = vector.shape_cast %get3A_389 : vector<1x1x16xf32> to vector<16xf32>
      %add3A_391 = arith.addf %add3A_359, %get3A_390 : vector<16xf32>
      %get3A_392 = arith.constant 0 : i32
      %get3A_393 = arith.constant 10 : i32
      %get3A_394 = arith.index_cast %get3A_392 : i32 to index
      %get3A_395 = arith.index_cast %get3A_393 : i32 to index
      %get3A_396 = arith.constant 32 : index
      %get3A_397 = tpu.vector_load %arg7[%get3A_394, %get3A_395, %get3A_396] {strides = array<i32>} : memref<2x64x64xf32, #tpu.memory_space<vmem>>, vector<1x1x16xf32>,
      %get3A_398 = vector.shape_cast %get3A_397 : vector<1x1x16xf32> to vector<16xf32>
      %add3A_399 = arith.addf %add3A_367, %get3A_398 : vector<16xf32>
      %get3A_400 = arith.constant 0 : i32
      %get3A_401 = arith.constant 10 : i32
      %get3A_402 = arith.index_cast %get3A_400 : i32 to index
      %get3A_403 = arith.index_cast %get3A_401 : i32 to index
      %get3A_404 = arith.constant 48 : index
      %get3A_405 = tpu.vector_load %arg7[%get3A_402, %get3A_403, %get3A_404] {strides = array<i32>} : memref<2x64x64xf32, #tpu.memory_space<vmem>>, vector<1x1x16xf32>,
      %get3A_406 = vector.shape_cast %get3A_405 : vector<1x1x16xf32> to vector<16xf32>
      %add3A_407 = arith.addf %add3A_375, %get3A_406 : vector<16xf32>
      %get3A_408 = arith.constant 0 : i32
      %get3A_409 = arith.constant 11 : i32
      %get3A_410 = arith.index_cast %get3A_408 : i32 to index
      %get3A_411 = arith.index_cast %get3A_409 : i32 to index
      %get3A_412 = arith.constant 0 : index
      %get3A_413 = tpu.vector_load %arg7[%get3A_410, %get3A_411, %get3A_412] {strides = array<i32>} : memref<2x64x64xf32, #tpu.memory_space<vmem>>, vector<1x1x16xf32>,
      %get3A_414 = vector.shape_cast %get3A_413 : vector<1x1x16xf32> to vector<16xf32>
      %add3A_415 = arith.addf %add3A_383, %get3A_414 : vector<16xf32>
      %get3A_416 = arith.constant 0 : i32
      %get3A_417 = arith.constant 11 : i32
      %get3A_418 = arith.index_cast %get3A_416 : i32 to index
      %get3A_419 = arith.index_cast %get3A_417 : i32 to index
      %get3A_420 = arith.constant 16 : index
      %get3A_421 = tpu.vector_load %arg7[%get3A_418, %get3A_419, %get3A_420] {strides = array<i32>} : memref<2x64x64xf32, #tpu.memory_space<vmem>>, vector<1x1x16xf32>,
      %get3A_422 = vector.shape_cast %get3A_421 : vector<1x1x16xf32> to vector<16xf32>
      %add3A_423 = arith.addf %add3A_391, %get3A_422 : vector<16xf32>
      %get3A_424 = arith.constant 0 : i32
      %get3A_425 = arith.constant 11 : i32
      %get3A_426 = arith.index_cast %get3A_424 : i32 to index
      %get3A_427 = arith.index_cast %get3A_425 : i32 to index
      %get3A_428 = arith.constant 32 : index
      %get3A_429 = tpu.vector_load %arg7[%get3A_426, %get3A_427, %get3A_428] {strides = array<i32>} : memref<2x64x64xf32, #tpu.memory_space<vmem>>, vector<1x1x16xf32>,
      %get3A_430 = vector.shape_cast %get3A_429 : vector<1x1x16xf32> to vector<16xf32>
      %add3A_431 = arith.addf %add3A_399, %get3A_430 : vector<16xf32>
      %get3A_432 = arith.constant 0 : i32
      %get3A_433 = arith.constant 11 : i32
      %get3A_434 = arith.index_cast %get3A_432 : i32 to index
      %get3A_435 = arith.index_cast %get3A_433 : i32 to index
      %get3A_436 = arith.constant 48 : index
      %get3A_437 = tpu.vector_load %arg7[%get3A_434, %get3A_435, %get3A_436] {strides = array<i32>} : memref<2x64x64xf32, #tpu.memory_space<vmem>>, vector<1x1x16xf32>,
      %get3A_438 = vector.shape_cast %get3A_437 : vector<1x1x16xf32> to vector<16xf32>
      %add3A_439 = arith.addf %add3A_407, %get3A_438 : vector<16xf32>
      %get3A_440 = arith.constant 0 : i32
      %get3A_441 = arith.constant 12 : i32
      %get3A_442 = arith.index_cast %get3A_440 : i32 to index
      %get3A_443 = arith.index_cast %get3A_441 : i32 to index
      %get3A_444 = arith.constant 0 : index
      %get3A_445 = tpu.vector_load %arg7[%get3A_442, %get3A_443, %get3A_444] {strides = array<i32>} : memref<2x64x64xf32, #tpu.memory_space<vmem>>, vector<1x1x16xf32>,
      %get3A_446 = vector.shape_cast %get3A_445 : vector<1x1x16xf32> to vector<16xf32>
      %add3A_447 = arith.addf %add3A_415, %get3A_446 : vector<16xf32>
      %get3A_448 = arith.constant 0 : i32
      %get3A_449 = arith.constant 12 : i32
      %get3A_450 = arith.index_cast %get3A_448 : i32 to index
      %get3A_451 = arith.index_cast %get3A_449 : i32 to index
      %get3A_452 = arith.constant 16 : index
      %get3A_453 = tpu.vector_load %arg7[%get3A_450, %get3A_451, %get3A_452] {strides = array<i32>} : memref<2x64x64xf32, #tpu.memory_space<vmem>>, vector<1x1x16xf32>,
      %get3A_454 = vector.shape_cast %get3A_453 : vector<1x1x16xf32> to vector<16xf32>
      %add3A_455 = arith.addf %add3A_423, %get3A_454 : vector<16xf32>
      %get3A_456 = arith.constant 0 : i32
      %get3A_457 = arith.constant 12 : i32
      %get3A_458 = arith.index_cast %get3A_456 : i32 to index
      %get3A_459 = arith.index_cast %get3A_457 : i32 to index
      %get3A_460 = arith.constant 32 : index
      %get3A_461 = tpu.vector_load %arg7[%get3A_458, %get3A_459, %get3A_460] {strides = array<i32>} : memref<2x64x64xf32, #tpu.memory_space<vmem>>, vector<1x1x16xf32>,
      %get3A_462 = vector.shape_cast %get3A_461 : vector<1x1x16xf32> to vector<16xf32>
      %add3A_463 = arith.addf %add3A_431, %get3A_462 : vector<16xf32>
      %get3A_464 = arith.constant 0 : i32
      %get3A_465 = arith.constant 12 : i32
      %get3A_466 = arith.index_cast %get3A_464 : i32 to index
      %get3A_467 = arith.index_cast %get3A_465 : i32 to index
      %get3A_468 = arith.constant 48 : index
      %get3A_469 = tpu.vector_load %arg7[%get3A_466, %get3A_467, %get3A_468] {strides = array<i32>} : memref<2x64x64xf32, #tpu.memory_space<vmem>>, vector<1x1x16xf32>,
      %get3A_470 = vector.shape_cast %get3A_469 : vector<1x1x16xf32> to vector<16xf32>
      %add3A_471 = arith.addf %add3A_439, %get3A_470 : vector<16xf32>
      %get3A_472 = arith.constant 0 : i32
      %get3A_473 = arith.constant 13 : i32
      %get3A_474 = arith.index_cast %get3A_472 : i32 to index
      %get3A_475 = arith.index_cast %get3A_473 : i32 to index
      %get3A_476 = arith.constant 0 : index
      %get3A_477 = tpu.vector_load %arg7[%get3A_474, %get3A_475, %get3A_476] {strides = array<i32>} : memref<2x64x64xf32, #tpu.memory_space<vmem>>, vector<1x1x16xf32>,
      %get3A_478 = vector.shape_cast %get3A_477 : vector<1x1x16xf32> to vector<16xf32>
      %add3A_479 = arith.addf %add3A_447, %get3A_478 : vector<16xf32>
      %get3A_480 = arith.constant 0 : i32
      %get3A_481 = arith.constant 13 : i32
      %get3A_482 = arith.index_cast %get3A_480 : i32 to index
      %get3A_483 = arith.index_cast %get3A_481 : i32 to index
      %get3A_484 = arith.constant 16 : index
      %get3A_485 = tpu.vector_load %arg7[%get3A_482, %get3A_483, %get3A_484] {strides = array<i32>} : memref<2x64x64xf32, #tpu.memory_space<vmem>>, vector<1x1x16xf32>,
      %get3A_486 = vector.shape_cast %get3A_485 : vector<1x1x16xf32> to vector<16xf32>
      %add3A_487 = arith.addf %add3A_455, %get3A_486 : vector<16xf32>
      %get3A_488 = arith.constant 0 : i32
      %get3A_489 = arith.constant 13 : i32
      %get3A_490 = arith.index_cast %get3A_488 : i32 to index
      %get3A_491 = arith.index_cast %get3A_489 : i32 to index
      %get3A_492 = arith.constant 32 : index
      %get3A_493 = tpu.vector_load %arg7[%get3A_490, %get3A_491, %get3A_492] {strides = array<i32>} : memref<2x64x64xf32, #tpu.memory_space<vmem>>, vector<1x1x16xf32>,
      %get3A_494 = vector.shape_cast %get3A_493 : vector<1x1x16xf32> to vector<16xf32>
      %add3A_495 = arith.addf %add3A_463, %get3A_494 : vector<16xf32>
      %get3A_496 = arith.constant 0 : i32
      %get3A_497 = arith.constant 13 : i32
      %get3A_498 = arith.index_cast %get3A_496 : i32 to index
      %get3A_499 = arith.index_cast %get3A_497 : i32 to index
      %get3A_500 = arith.constant 48 : index
      %get3A_501 = tpu.vector_load %arg7[%get3A_498, %get3A_499, %get3A_500] {strides = array<i32>} : memref<2x64x64xf32, #tpu.memory_space<vmem>>, vector<1x1x16xf32>,
      %get3A_502 = vector.shape_cast %get3A_501 : vector<1x1x16xf32> to vector<16xf32>
      %add3A_503 = arith.addf %add3A_471, %get3A_502 : vector<16xf32>
      %get3A_504 = arith.constant 0 : i32
      %get3A_505 = arith.constant 14 : i32
      %get3A_506 = arith.index_cast %get3A_504 : i32 to index
      %get3A_507 = arith.index_cast %get3A_505 : i32 to index
      %get3A_508 = arith.constant 0 : index
      %get3A_509 = tpu.vector_load %arg7[%get3A_506, %get3A_507, %get3A_508] {strides = array<i32>} : memref<2x64x64xf32, #tpu.memory_space<vmem>>, vector<1x1x16xf32>,
      %get3A_510 = vector.shape_cast %get3A_509 : vector<1x1x16xf32> to vector<16xf32>
      %add3A_511 = arith.addf %add3A_479, %get3A_510 : vector<16xf32>
      %get3A_512 = arith.constant 0 : i32
      %get3A_513 = arith.constant 14 : i32
      %get3A_514 = arith.index_cast %get3A_512 : i32 to index
      %get3A_515 = arith.index_cast %get3A_513 : i32 to index
      %get3A_516 = arith.constant 16 : index
      %get3A_517 = tpu.vector_load %arg7[%get3A_514, %get3A_515, %get3A_516] {strides = array<i32>} : memref<2x64x64xf32, #tpu.memory_space<vmem>>, vector<1x1x16xf32>,
      %get3A_518 = vector.shape_cast %get3A_517 : vector<1x1x16xf32> to vector<16xf32>
      %add3A_519 = arith.addf %add3A_487, %get3A_518 : vector<16xf32>
      %get3A_520 = arith.constant 0 : i32
      %get3A_521 = arith.constant 14 : i32
      %get3A_522 = arith.index_cast %get3A_520 : i32 to index
      %get3A_523 = arith.index_cast %get3A_521 : i32 to index
      %get3A_524 = arith.constant 32 : index
      %get3A_525 = tpu.vector_load %arg7[%get3A_522, %get3A_523, %get3A_524] {strides = array<i32>} : memref<2x64x64xf32, #tpu.memory_space<vmem>>, vector<1x1x16xf32>,
      %get3A_526 = vector.shape_cast %get3A_525 : vector<1x1x16xf32> to vector<16xf32>
      %add3A_527 = arith.addf %add3A_495, %get3A_526 : vector<16xf32>
      %get3A_528 = arith.constant 0 : i32
      %get3A_529 = arith.constant 14 : i32
      %get3A_530 = arith.index_cast %get3A_528 : i32 to index
      %get3A_531 = arith.index_cast %get3A_529 : i32 to index
      %get3A_532 = arith.constant 48 : index
      %get3A_533 = tpu.vector_load %arg7[%get3A_530, %get3A_531, %get3A_532] {strides = array<i32>} : memref<2x64x64xf32, #tpu.memory_space<vmem>>, vector<1x1x16xf32>,
      %get3A_534 = vector.shape_cast %get3A_533 : vector<1x1x16xf32> to vector<16xf32>
      %add3A_535 = arith.addf %add3A_503, %get3A_534 : vector<16xf32>
      %get3A_536 = arith.constant 0 : i32
      %get3A_537 = arith.constant 15 : i32
      %get3A_538 = arith.index_cast %get3A_536 : i32 to index
      %get3A_539 = arith.index_cast %get3A_537 : i32 to index
      %get3A_540 = arith.constant 0 : index
      %get3A_541 = tpu.vector_load %arg7[%get3A_538, %get3A_539, %get3A_540] {strides = array<i32>} : memref<2x64x64xf32, #tpu.memory_space<vmem>>, vector<1x1x16xf32>,
      %get3A_542 = vector.shape_cast %get3A_541 : vector<1x1x16xf32> to vector<16xf32>
      %add3A_543 = arith.addf %add3A_511, %get3A_542 : vector<16xf32>
      %get3A_544 = arith.constant 0 : i32
      %get3A_545 = arith.constant 15 : i32
      %get3A_546 = arith.index_cast %get3A_544 : i32 to index
      %get3A_547 = arith.index_cast %get3A_545 : i32 to index
      %get3A_548 = arith.constant 16 : index
      %get3A_549 = tpu.vector_load %arg7[%get3A_546, %get3A_547, %get3A_548] {strides = array<i32>} : memref<2x64x64xf32, #tpu.memory_space<vmem>>, vector<1x1x16xf32>,
      %get3A_550 = vector.shape_cast %get3A_549 : vector<1x1x16xf32> to vector<16xf32>
      %add3A_551 = arith.addf %add3A_519, %get3A_550 : vector<16xf32>
      %get3A_552 = arith.constant 0 : i32
      %get3A_553 = arith.constant 15 : i32
      %get3A_554 = arith.index_cast %get3A_552 : i32 to index
      %get3A_555 = arith.index_cast %get3A_553 : i32 to index
      %get3A_556 = arith.constant 32 : index
      %get3A_557 = tpu.vector_load %arg7[%get3A_554, %get3A_555, %get3A_556] {strides = array<i32>} : memref<2x64x64xf32, #tpu.memory_space<vmem>>, vector<1x1x16xf32>,
      %get3A_558 = vector.shape_cast %get3A_557 : vector<1x1x16xf32> to vector<16xf32>
      %add3A_559 = arith.addf %add3A_527, %get3A_558 : vector<16xf32>
      %get3A_560 = arith.constant 0 : i32
      %get3A_561 = arith.constant 15 : i32
      %get3A_562 = arith.index_cast %get3A_560 : i32 to index
      %get3A_563 = arith.index_cast %get3A_561 : i32 to index
      %get3A_564 = arith.constant 48 : index
      %get3A_565 = tpu.vector_load %arg7[%get3A_562, %get3A_563, %get3A_564] {strides = array<i32>} : memref<2x64x64xf32, #tpu.memory_space<vmem>>, vector<1x1x16xf32>,
      %get3A_566 = vector.shape_cast %get3A_565 : vector<1x1x16xf32> to vector<16xf32>
      %add3A_567 = arith.addf %add3A_535, %get3A_566 : vector<16xf32>
      %get3A_568 = arith.constant 0 : i32
      %get3A_569 = arith.constant 16 : i32
      %get3A_570 = arith.index_cast %get3A_568 : i32 to index
      %get3A_571 = arith.index_cast %get3A_569 : i32 to index
      %get3A_572 = arith.constant 0 : index
      %get3A_573 = tpu.vector_load %arg7[%get3A_570, %get3A_571, %get3A_572] {strides = array<i32>} : memref<2x64x64xf32, #tpu.memory_space<vmem>>, vector<1x1x16xf32>,
      %get3A_574 = vector.shape_cast %get3A_573 : vector<1x1x16xf32> to vector<16xf32>
      %add3A_575 = arith.addf %add3A_543, %get3A_574 : vector<16xf32>
      %get3A_576 = arith.constant 0 : i32
      %get3A_577 = arith.constant 16 : i32
      %get3A_578 = arith.index_cast %get3A_576 : i32 to index
      %get3A_579 = arith.index_cast %get3A_577 : i32 to index
      %get3A_580 = arith.constant 16 : index
      %get3A_581 = tpu.vector_load %arg7[%get3A_578, %get3A_579, %get3A_580] {strides = array<i32>} : memref<2x64x64xf32, #tpu.memory_space<vmem>>, vector<1x1x16xf32>,
      %get3A_582 = vector.shape_cast %get3A_581 : vector<1x1x16xf32> to vector<16xf32>
      %add3A_583 = arith.addf %add3A_551, %get3A_582 : vector<16xf32>
      %get3A_584 = arith.constant 0 : i32
      %get3A_585 = arith.constant 16 : i32
      %get3A_586 = arith.index_cast %get3A_584 : i32 to index
      %get3A_587 = arith.index_cast %get3A_585 : i32 to index
      %get3A_588 = arith.constant 32 : index
      %get3A_589 = tpu.vector_load %arg7[%get3A_586, %get3A_587, %get3A_588] {strides = array<i32>} : memref<2x64x64xf32, #tpu.memory_space<vmem>>, vector<1x1x16xf32>,
      %get3A_590 = vector.shape_cast %get3A_589 : vector<1x1x16xf32> to vector<16xf32>
      %add3A_591 = arith.addf %add3A_559, %get3A_590 : vector<16xf32>
      %get3A_592 = arith.constant 0 : i32
      %get3A_593 = arith.constant 16 : i32
      %get3A_594 = arith.index_cast %get3A_592 : i32 to index
      %get3A_595 = arith.index_cast %get3A_593 : i32 to index
      %get3A_596 = arith.constant 48 : index
      %get3A_597 = tpu.vector_load %arg7[%get3A_594, %get3A_595, %get3A_596] {strides = array<i32>} : memref<2x64x64xf32, #tpu.memory_space<vmem>>, vector<1x1x16xf32>,
      %get3A_598 = vector.shape_cast %get3A_597 : vector<1x1x16xf32> to vector<16xf32>
      %add3A_599 = arith.addf %add3A_567, %get3A_598 : vector<16xf32>
      %get3A_600 = arith.constant 0 : i32
      %get3A_601 = arith.constant 17 : i32
      %get3A_602 = arith.index_cast %get3A_600 : i32 to index
      %get3A_603 = arith.index_cast %get3A_601 : i32 to index
      %get3A_604 = arith.constant 0 : index
      %get3A_605 = tpu.vector_load %arg7[%get3A_602, %get3A_603, %get3A_604] {strides = array<i32>} : memref<2x64x64xf32, #tpu.memory_space<vmem>>, vector<1x1x16xf32>,
      %get3A_606 = vector.shape_cast %get3A_605 : vector<1x1x16xf32> to vector<16xf32>
      %add3A_607 = arith.addf %add3A_575, %get3A_606 : vector<16xf32>
      %get3A_608 = arith.constant 0 : i32
      %get3A_609 = arith.constant 17 : i32
      %get3A_610 = arith.index_cast %get3A_608 : i32 to index
      %get3A_611 = arith.index_cast %get3A_609 : i32 to index
      %get3A_612 = arith.constant 16 : index
      %get3A_613 = tpu.vector_load %arg7[%get3A_610, %get3A_611, %get3A_612] {strides = array<i32>} : memref<2x64x64xf32, #tpu.memory_space<vmem>>, vector<1x1x16xf32>,
      %get3A_614 = vector.shape_cast %get3A_613 : vector<1x1x16xf32> to vector<16xf32>
      %add3A_615 = arith.addf %add3A_583, %get3A_614 : vector<16xf32>
      %get3A_616 = arith.constant 0 : i32
      %get3A_617 = arith.constant 17 : i32
      %get3A_618 = arith.index_cast %get3A_616 : i32 to index
      %get3A_619 = arith.index_cast %get3A_617 : i32 to index
      %get3A_620 = arith.constant 32 : index
      %get3A_621 = tpu.vector_load %arg7[%get3A_618, %get3A_619, %get3A_620] {strides = array<i32>} : memref<2x64x64xf32, #tpu.memory_space<vmem>>, vector<1x1x16xf32>,
      %get3A_622 = vector.shape_cast %get3A_621 : vector<1x1x16xf32> to vector<16xf32>
      %add3A_623 = arith.addf %add3A_591, %get3A_622 : vector<16xf32>
      %get3A_624 = arith.constant 0 : i32
      %get3A_625 = arith.constant 17 : i32
      %get3A_626 = arith.index_cast %get3A_624 : i32 to index
      %get3A_627 = arith.index_cast %get3A_625 : i32 to index
      %get3A_628 = arith.constant 48 : index
      %get3A_629 = tpu.vector_load %arg7[%get3A_626, %get3A_627, %get3A_628] {strides = array<i32>} : memref<2x64x64xf32, #tpu.memory_space<vmem>>, vector<1x1x16xf32>,
      %get3A_630 = vector.shape_cast %get3A_629 : vector<1x1x16xf32> to vector<16xf32>
      %add3A_631 = arith.addf %add3A_599, %get3A_630 : vector<16xf32>
      %get3A_632 = arith.constant 0 : i32
      %get3A_633 = arith.constant 18 : i32
      %get3A_634 = arith.index_cast %get3A_632 : i32 to index
      %get3A_635 = arith.index_cast %get3A_633 : i32 to index
      %get3A_636 = arith.constant 0 : index
      %get3A_637 = tpu.vector_load %arg7[%get3A_634, %get3A_635, %get3A_636] {strides = array<i32>} : memref<2x64x64xf32, #tpu.memory_space<vmem>>, vector<1x1x16xf32>,
      %get3A_638 = vector.shape_cast %get3A_637 : vector<1x1x16xf32> to vector<16xf32>
      %add3A_639 = arith.addf %add3A_607, %get3A_638 : vector<16xf32>
      %get3A_640 = arith.constant 0 : i32
      %get3A_641 = arith.constant 18 : i32
      %get3A_642 = arith.index_cast %get3A_640 : i32 to index
      %get3A_643 = arith.index_cast %get3A_641 : i32 to index
      %get3A_644 = arith.constant 16 : index
      %get3A_645 = tpu.vector_load %arg7[%get3A_642, %get3A_643, %get3A_644] {strides = array<i32>} : memref<2x64x64xf32, #tpu.memory_space<vmem>>, vector<1x1x16xf32>,
      %get3A_646 = vector.shape_cast %get3A_645 : vector<1x1x16xf32> to vector<16xf32>
      %add3A_647 = arith.addf %add3A_615, %get3A_646 : vector<16xf32>
      %get3A_648 = arith.constant 0 : i32
      %get3A_649 = arith.constant 18 : i32
      %get3A_650 = arith.index_cast %get3A_648 : i32 to index
      %get3A_651 = arith.index_cast %get3A_649 : i32 to index
      %get3A_652 = arith.constant 32 : index
      %get3A_653 = tpu.vector_load %arg7[%get3A_650, %get3A_651, %get3A_652] {strides = array<i32>} : memref<2x64x64xf32, #tpu.memory_space<vmem>>, vector<1x1x16xf32>,
      %get3A_654 = vector.shape_cast %get3A_653 : vector<1x1x16xf32> to vector<16xf32>
      %add3A_655 = arith.addf %add3A_623, %get3A_654 : vector<16xf32>
      %get3A_656 = arith.constant 0 : i32
      %get3A_657 = arith.constant 18 : i32
      %get3A_658 = arith.index_cast %get3A_656 : i32 to index
      %get3A_659 = arith.index_cast %get3A_657 : i32 to index
      %get3A_660 = arith.constant 48 : index
      %get3A_661 = tpu.vector_load %arg7[%get3A_658, %get3A_659, %get3A_660] {strides = array<i32>} : memref<2x64x64xf32, #tpu.memory_space<vmem>>, vector<1x1x16xf32>,
      %get3A_662 = vector.shape_cast %get3A_661 : vector<1x1x16xf32> to vector<16xf32>
      %add3A_663 = arith.addf %add3A_631, %get3A_662 : vector<16xf32>
      %get3A_664 = arith.constant 0 : i32
      %get3A_665 = arith.constant 19 : i32
      %get3A_666 = arith.index_cast %get3A_664 : i32 to index
      %get3A_667 = arith.index_cast %get3A_665 : i32 to index
      %get3A_668 = arith.constant 0 : index
      %get3A_669 = tpu.vector_load %arg7[%get3A_666, %get3A_667, %get3A_668] {strides = array<i32>} : memref<2x64x64xf32, #tpu.memory_space<vmem>>, vector<1x1x16xf32>,
      %get3A_670 = vector.shape_cast %get3A_669 : vector<1x1x16xf32> to vector<16xf32>
      %add3A_671 = arith.addf %add3A_639, %get3A_670 : vector<16xf32>
      %get3A_672 = arith.constant 0 : i32
      %get3A_673 = arith.constant 19 : i32
      %get3A_674 = arith.index_cast %get3A_672 : i32 to index
      %get3A_675 = arith.index_cast %get3A_673 : i32 to index
      %get3A_676 = arith.constant 16 : index
      %get3A_677 = tpu.vector_load %arg7[%get3A_674, %get3A_675, %get3A_676] {strides = array<i32>} : memref<2x64x64xf32, #tpu.memory_space<vmem>>, vector<1x1x16xf32>,
      %get3A_678 = vector.shape_cast %get3A_677 : vector<1x1x16xf32> to vector<16xf32>
      %add3A_679 = arith.addf %add3A_647, %get3A_678 : vector<16xf32>
      %get3A_680 = arith.constant 0 : i32
      %get3A_681 = arith.constant 19 : i32
      %get3A_682 = arith.index_cast %get3A_680 : i32 to index
      %get3A_683 = arith.index_cast %get3A_681 : i32 to index
      %get3A_684 = arith.constant 32 : index
      %get3A_685 = tpu.vector_load %arg7[%get3A_682, %get3A_683, %get3A_684] {strides = array<i32>} : memref<2x64x64xf32, #tpu.memory_space<vmem>>, vector<1x1x16xf32>,
      %get3A_686 = vector.shape_cast %get3A_685 : vector<1x1x16xf32> to vector<16xf32>
      %add3A_687 = arith.addf %add3A_655, %get3A_686 : vector<16xf32>
      %get3A_688 = arith.constant 0 : i32
      %get3A_689 = arith.constant 19 : i32
      %get3A_690 = arith.index_cast %get3A_688 : i32 to index
      %get3A_691 = arith.index_cast %get3A_689 : i32 to index
      %get3A_692 = arith.constant 48 : index
      %get3A_693 = tpu.vector_load %arg7[%get3A_690, %get3A_691, %get3A_692] {strides = array<i32>} : memref<2x64x64xf32, #tpu.memory_space<vmem>>, vector<1x1x16xf32>,
      %get3A_694 = vector.shape_cast %get3A_693 : vector<1x1x16xf32> to vector<16xf32>
      %add3A_695 = arith.addf %add3A_663, %get3A_694 : vector<16xf32>
      %get3A_696 = arith.constant 0 : i32
      %get3A_697 = arith.constant 20 : i32
      %get3A_698 = arith.index_cast %get3A_696 : i32 to index
      %get3A_699 = arith.index_cast %get3A_697 : i32 to index
      %get3A_700 = arith.constant 0 : index
      %get3A_701 = tpu.vector_load %arg7[%get3A_698, %get3A_699, %get3A_700] {strides = array<i32>} : memref<2x64x64xf32, #tpu.memory_space<vmem>>, vector<1x1x16xf32>,
      %get3A_702 = vector.shape_cast %get3A_701 : vector<1x1x16xf32> to vector<16xf32>
      %add3A_703 = arith.addf %add3A_671, %get3A_702 : vector<16xf32>
      %get3A_704 = arith.constant 0 : i32
      %get3A_705 = arith.constant 20 : i32
      %get3A_706 = arith.index_cast %get3A_704 : i32 to index
      %get3A_707 = arith.index_cast %get3A_705 : i32 to index
      %get3A_708 = arith.constant 16 : index
      %get3A_709 = tpu.vector_load %arg7[%get3A_706, %get3A_707, %get3A_708] {strides = array<i32>} : memref<2x64x64xf32, #tpu.memory_space<vmem>>, vector<1x1x16xf32>,
      %get3A_710 = vector.shape_cast %get3A_709 : vector<1x1x16xf32> to vector<16xf32>
      %add3A_711 = arith.addf %add3A_679, %get3A_710 : vector<16xf32>
      %get3A_712 = arith.constant 0 : i32
      %get3A_713 = arith.constant 20 : i32
      %get3A_714 = arith.index_cast %get3A_712 : i32 to index
      %get3A_715 = arith.index_cast %get3A_713 : i32 to index
      %get3A_716 = arith.constant 32 : index
      %get3A_717 = tpu.vector_load %arg7[%get3A_714, %get3A_715, %get3A_716] {strides = array<i32>} : memref<2x64x64xf32, #tpu.memory_space<vmem>>, vector<1x1x16xf32>,
      %get3A_718 = vector.shape_cast %get3A_717 : vector<1x1x16xf32> to vector<16xf32>
      %add3A_719 = arith.addf %add3A_687, %get3A_718 : vector<16xf32>
      %get3A_720 = arith.constant 0 : i32
      %get3A_721 = arith.constant 20 : i32
      %get3A_722 = arith.index_cast %get3A_720 : i32 to index
      %get3A_723 = arith.index_cast %get3A_721 : i32 to index
      %get3A_724 = arith.constant 48 : index
      %get3A_725 = tpu.vector_load %arg7[%get3A_722, %get3A_723, %get3A_724] {strides = array<i32>} : memref<2x64x64xf32, #tpu.memory_space<vmem>>, vector<1x1x16xf32>,
      %get3A_726 = vector.shape_cast %get3A_725 : vector<1x1x16xf32> to vector<16xf32>
      %add3A_727 = arith.addf %add3A_695, %get3A_726 : vector<16xf32>
      %get3A_728 = arith.constant 0 : i32
      %get3A_729 = arith.constant 21 : i32
      %get3A_730 = arith.index_cast %get3A_728 : i32 to index
      %get3A_731 = arith.index_cast %get3A_729 : i32 to index
      %get3A_732 = arith.constant 0 : index
      %get3A_733 = tpu.vector_load %arg7[%get3A_730, %get3A_731, %get3A_732] {strides = array<i32>} : memref<2x64x64xf32, #tpu.memory_space<vmem>>, vector<1x1x16xf32>,
      %get3A_734 = vector.shape_cast %get3A_733 : vector<1x1x16xf32> to vector<16xf32>
      %add3A_735 = arith.addf %add3A_703, %get3A_734 : vector<16xf32>
      %get3A_736 = arith.constant 0 : i32
      %get3A_737 = arith.constant 21 : i32
      %get3A_738 = arith.index_cast %get3A_736 : i32 to index
      %get3A_739 = arith.index_cast %get3A_737 : i32 to index
      %get3A_740 = arith.constant 16 : index
      %get3A_741 = tpu.vector_load %arg7[%get3A_738, %get3A_739, %get3A_740] {strides = array<i32>} : memref<2x64x64xf32, #tpu.memory_space<vmem>>, vector<1x1x16xf32>,
      %get3A_742 = vector.shape_cast %get3A_741 : vector<1x1x16xf32> to vector<16xf32>
      %add3A_743 = arith.addf %add3A_711, %get3A_742 : vector<16xf32>
      %get3A_744 = arith.constant 0 : i32
      %get3A_745 = arith.constant 21 : i32
      %get3A_746 = arith.index_cast %get3A_744 : i32 to index
      %get3A_747 = arith.index_cast %get3A_745 : i32 to index
      %get3A_748 = arith.constant 32 : index
      %get3A_749 = tpu.vector_load %arg7[%get3A_746, %get3A_747, %get3A_748] {strides = array<i32>} : memref<2x64x64xf32, #tpu.memory_space<vmem>>, vector<1x1x16xf32>,
      %get3A_750 = vector.shape_cast %get3A_749 : vector<1x1x16xf32> to vector<16xf32>
      %add3A_751 = arith.addf %add3A_719, %get3A_750 : vector<16xf32>
      %get3A_752 = arith.constant 0 : i32
      %get3A_753 = arith.constant 21 : i32
      %get3A_754 = arith.index_cast %get3A_752 : i32 to index
      %get3A_755 = arith.index_cast %get3A_753 : i32 to index
      %get3A_756 = arith.constant 48 : index
      %get3A_757 = tpu.vector_load %arg7[%get3A_754, %get3A_755, %get3A_756] {strides = array<i32>} : memref<2x64x64xf32, #tpu.memory_space<vmem>>, vector<1x1x16xf32>,
      %get3A_758 = vector.shape_cast %get3A_757 : vector<1x1x16xf32> to vector<16xf32>
      %add3A_759 = arith.addf %add3A_727, %get3A_758 : vector<16xf32>
      %get3A_760 = arith.constant 0 : i32
      %get3A_761 = arith.constant 22 : i32
      %get3A_762 = arith.index_cast %get3A_760 : i32 to index
      %get3A_763 = arith.index_cast %get3A_761 : i32 to index
      %get3A_764 = arith.constant 0 : index
      %get3A_765 = tpu.vector_load %arg7[%get3A_762, %get3A_763, %get3A_764] {strides = array<i32>} : memref<2x64x64xf32, #tpu.memory_space<vmem>>, vector<1x1x16xf32>,
      %get3A_766 = vector.shape_cast %get3A_765 : vector<1x1x16xf32> to vector<16xf32>
      %add3A_767 = arith.addf %add3A_735, %get3A_766 : vector<16xf32>
      %get3A_768 = arith.constant 0 : i32
      %get3A_769 = arith.constant 22 : i32
      %get3A_770 = arith.index_cast %get3A_768 : i32 to index
      %get3A_771 = arith.index_cast %get3A_769 : i32 to index
      %get3A_772 = arith.constant 16 : index
      %get3A_773 = tpu.vector_load %arg7[%get3A_770, %get3A_771, %get3A_772] {strides = array<i32>} : memref<2x64x64xf32, #tpu.memory_space<vmem>>, vector<1x1x16xf32>,
      %get3A_774 = vector.shape_cast %get3A_773 : vector<1x1x16xf32> to vector<16xf32>
      %add3A_775 = arith.addf %add3A_743, %get3A_774 : vector<16xf32>
      %get3A_776 = arith.constant 0 : i32
      %get3A_777 = arith.constant 22 : i32
      %get3A_778 = arith.index_cast %get3A_776 : i32 to index
      %get3A_779 = arith.index_cast %get3A_777 : i32 to index
      %get3A_780 = arith.constant 32 : index
      %get3A_781 = tpu.vector_load %arg7[%get3A_778, %get3A_779, %get3A_780] {strides = array<i32>} : memref<2x64x64xf32, #tpu.memory_space<vmem>>, vector<1x1x16xf32>,
      %get3A_782 = vector.shape_cast %get3A_781 : vector<1x1x16xf32> to vector<16xf32>
      %add3A_783 = arith.addf %add3A_751, %get3A_782 : vector<16xf32>
      %get3A_784 = arith.constant 0 : i32
      %get3A_785 = arith.constant 22 : i32
      %get3A_786 = arith.index_cast %get3A_784 : i32 to index
      %get3A_787 = arith.index_cast %get3A_785 : i32 to index
      %get3A_788 = arith.constant 48 : index
      %get3A_789 = tpu.vector_load %arg7[%get3A_786, %get3A_787, %get3A_788] {strides = array<i32>} : memref<2x64x64xf32, #tpu.memory_space<vmem>>, vector<1x1x16xf32>,
      %get3A_790 = vector.shape_cast %get3A_789 : vector<1x1x16xf32> to vector<16xf32>
      %add3A_791 = arith.addf %add3A_759, %get3A_790 : vector<16xf32>
      %get3A_792 = arith.constant 0 : i32
      %get3A_793 = arith.constant 23 : i32
      %get3A_794 = arith.index_cast %get3A_792 : i32 to index
      %get3A_795 = arith.index_cast %get3A_793 : i32 to index
      %get3A_796 = arith.constant 0 : index
      %get3A_797 = tpu.vector_load %arg7[%get3A_794, %get3A_795, %get3A_796] {strides = array<i32>} : memref<2x64x64xf32, #tpu.memory_space<vmem>>, vector<1x1x16xf32>,
      %get3A_798 = vector.shape_cast %get3A_797 : vector<1x1x16xf32> to vector<16xf32>
      %add3A_799 = arith.addf %add3A_767, %get3A_798 : vector<16xf32>
      %get3A_800 = arith.constant 0 : i32
      %get3A_801 = arith.constant 23 : i32
      %get3A_802 = arith.index_cast %get3A_800 : i32 to index
      %get3A_803 = arith.index_cast %get3A_801 : i32 to index
      %get3A_804 = arith.constant 16 : index
      %get3A_805 = tpu.vector_load %arg7[%get3A_802, %get3A_803, %get3A_804] {strides = array<i32>} : memref<2x64x64xf32, #tpu.memory_space<vmem>>, vector<1x1x16xf32>,
      %get3A_806 = vector.shape_cast %get3A_805 : vector<1x1x16xf32> to vector<16xf32>
      %add3A_807 = arith.addf %add3A_775, %get3A_806 : vector<16xf32>
      %get3A_808 = arith.constant 0 : i32
      %get3A_809 = arith.constant 23 : i32
      %get3A_810 = arith.index_cast %get3A_808 : i32 to index
      %get3A_811 = arith.index_cast %get3A_809 : i32 to index
      %get3A_812 = arith.constant 32 : index
      %get3A_813 = tpu.vector_load %arg7[%get3A_810, %get3A_811, %get3A_812] {strides = array<i32>} : memref<2x64x64xf32, #tpu.memory_space<vmem>>, vector<1x1x16xf32>,
      %get3A_814 = vector.shape_cast %get3A_813 : vector<1x1x16xf32> to vector<16xf32>
      %add3A_815 = arith.addf %add3A_783, %get3A_814 : vector<16xf32>
      %get3A_816 = arith.constant 0 : i32
      %get3A_817 = arith.constant 23 : i32
      %get3A_818 = arith.index_cast %get3A_816 : i32 to index
      %get3A_819 = arith.index_cast %get3A_817 : i32 to index
      %get3A_820 = arith.constant 48 : index
      %get3A_821 = tpu.vector_load %arg7[%get3A_818, %get3A_819, %get3A_820] {strides = array<i32>} : memref<2x64x64xf32, #tpu.memory_space<vmem>>, vector<1x1x16xf32>,
      %get3A_822 = vector.shape_cast %get3A_821 : vector<1x1x16xf32> to vector<16xf32>
      %add3A_823 = arith.addf %add3A_791, %get3A_822 : vector<16xf32>
      %get3A_824 = arith.constant 0 : i32
      %get3A_825 = arith.constant 24 : i32
      %get3A_826 = arith.index_cast %get3A_824 : i32 to index
      %get3A_827 = arith.index_cast %get3A_825 : i32 to index
      %get3A_828 = arith.constant 0 : index
      %get3A_829 = tpu.vector_load %arg7[%get3A_826, %get3A_827, %get3A_828] {strides = array<i32>} : memref<2x64x64xf32, #tpu.memory_space<vmem>>, vector<1x1x16xf32>,
      %get3A_830 = vector.shape_cast %get3A_829 : vector<1x1x16xf32> to vector<16xf32>
      %add3A_831 = arith.addf %add3A_799, %get3A_830 : vector<16xf32>
      %get3A_832 = arith.constant 0 : i32
      %get3A_833 = arith.constant 24 : i32
      %get3A_834 = arith.index_cast %get3A_832 : i32 to index
      %get3A_835 = arith.index_cast %get3A_833 : i32 to index
      %get3A_836 = arith.constant 16 : index
      %get3A_837 = tpu.vector_load %arg7[%get3A_834, %get3A_835, %get3A_836] {strides = array<i32>} : memref<2x64x64xf32, #tpu.memory_space<vmem>>, vector<1x1x16xf32>,
      %get3A_838 = vector.shape_cast %get3A_837 : vector<1x1x16xf32> to vector<16xf32>
      %add3A_839 = arith.addf %add3A_807, %get3A_838 : vector<16xf32>
      %get3A_840 = arith.constant 0 : i32
      %get3A_841 = arith.constant 24 : i32
      %get3A_842 = arith.index_cast %get3A_840 : i32 to index
      %get3A_843 = arith.index_cast %get3A_841 : i32 to index
      %get3A_844 = arith.constant 32 : index
      %get3A_845 = tpu.vector_load %arg7[%get3A_842, %get3A_843, %get3A_844] {strides = array<i32>} : memref<2x64x64xf32, #tpu.memory_space<vmem>>, vector<1x1x16xf32>,
      %get3A_846 = vector.shape_cast %get3A_845 : vector<1x1x16xf32> to vector<16xf32>
      %add3A_847 = arith.addf %add3A_815, %get3A_846 : vector<16xf32>
      %get3A_848 = arith.constant 0 : i32
      %get3A_849 = arith.constant 24 : i32
      %get3A_850 = arith.index_cast %get3A_848 : i32 to index
      %get3A_851 = arith.index_cast %get3A_849 : i32 to index
      %get3A_852 = arith.constant 48 : index
      %get3A_853 = tpu.vector_load %arg7[%get3A_850, %get3A_851, %get3A_852] {strides = array<i32>} : memref<2x64x64xf32, #tpu.memory_space<vmem>>, vector<1x1x16xf32>,
      %get3A_854 = vector.shape_cast %get3A_853 : vector<1x1x16xf32> to vector<16xf32>
      %add3A_855 = arith.addf %add3A_823, %get3A_854 : vector<16xf32>
      %get3A_856 = arith.constant 0 : i32
      %get3A_857 = arith.constant 25 : i32
      %get3A_858 = arith.index_cast %get3A_856 : i32 to index
      %get3A_859 = arith.index_cast %get3A_857 : i32 to index
      %get3A_860 = arith.constant 0 : index
      %get3A_861 = tpu.vector_load %arg7[%get3A_858, %get3A_859, %get3A_860] {strides = array<i32>} : memref<2x64x64xf32, #tpu.memory_space<vmem>>, vector<1x1x16xf32>,
      %get3A_862 = vector.shape_cast %get3A_861 : vector<1x1x16xf32> to vector<16xf32>
      %add3A_863 = arith.addf %add3A_831, %get3A_862 : vector<16xf32>
      %get3A_864 = arith.constant 0 : i32
      %get3A_865 = arith.constant 25 : i32
      %get3A_866 = arith.index_cast %get3A_864 : i32 to index
      %get3A_867 = arith.index_cast %get3A_865 : i32 to index
      %get3A_868 = arith.constant 16 : index
      %get3A_869 = tpu.vector_load %arg7[%get3A_866, %get3A_867, %get3A_868] {strides = array<i32>} : memref<2x64x64xf32, #tpu.memory_space<vmem>>, vector<1x1x16xf32>,
      %get3A_870 = vector.shape_cast %get3A_869 : vector<1x1x16xf32> to vector<16xf32>
      %add3A_871 = arith.addf %add3A_839, %get3A_870 : vector<16xf32>
      %get3A_872 = arith.constant 0 : i32
      %get3A_873 = arith.constant 25 : i32
      %get3A_874 = arith.index_cast %get3A_872 : i32 to index
      %get3A_875 = arith.index_cast %get3A_873 : i32 to index
      %get3A_876 = arith.constant 32 : index
      %get3A_877 = tpu.vector_load %arg7[%get3A_874, %get3A_875, %get3A_876] {strides = array<i32>} : memref<2x64x64xf32, #tpu.memory_space<vmem>>, vector<1x1x16xf32>,
      %get3A_878 = vector.shape_cast %get3A_877 : vector<1x1x16xf32> to vector<16xf32>
      %add3A_879 = arith.addf %add3A_847, %get3A_878 : vector<16xf32>
      %get3A_880 = arith.constant 0 : i32
      %get3A_881 = arith.constant 25 : i32
      %get3A_882 = arith.index_cast %get3A_880 : i32 to index
      %get3A_883 = arith.index_cast %get3A_881 : i32 to index
      %get3A_884 = arith.constant 48 : index
      %get3A_885 = tpu.vector_load %arg7[%get3A_882, %get3A_883, %get3A_884] {strides = array<i32>} : memref<2x64x64xf32, #tpu.memory_space<vmem>>, vector<1x1x16xf32>,
      %get3A_886 = vector.shape_cast %get3A_885 : vector<1x1x16xf32> to vector<16xf32>
      %add3A_887 = arith.addf %add3A_855, %get3A_886 : vector<16xf32>
      %get3A_888 = arith.constant 0 : i32
      %get3A_889 = arith.constant 26 : i32
      %get3A_890 = arith.index_cast %get3A_888 : i32 to index
      %get3A_891 = arith.index_cast %get3A_889 : i32 to index
      %get3A_892 = arith.constant 0 : index
      %get3A_893 = tpu.vector_load %arg7[%get3A_890, %get3A_891, %get3A_892] {strides = array<i32>} : memref<2x64x64xf32, #tpu.memory_space<vmem>>, vector<1x1x16xf32>,
      %get3A_894 = vector.shape_cast %get3A_893 : vector<1x1x16xf32> to vector<16xf32>
      %add3A_895 = arith.addf %add3A_863, %get3A_894 : vector<16xf32>
      %get3A_896 = arith.constant 0 : i32
      %get3A_897 = arith.constant 26 : i32
      %get3A_898 = arith.index_cast %get3A_896 : i32 to index
      %get3A_899 = arith.index_cast %get3A_897 : i32 to index
      %get3A_900 = arith.constant 16 : index
      %get3A_901 = tpu.vector_load %arg7[%get3A_898, %get3A_899, %get3A_900] {strides = array<i32>} : memref<2x64x64xf32, #tpu.memory_space<vmem>>, vector<1x1x16xf32>,
      %get3A_902 = vector.shape_cast %get3A_901 : vector<1x1x16xf32> to vector<16xf32>
      %add3A_903 = arith.addf %add3A_871, %get3A_902 : vector<16xf32>
      %get3A_904 = arith.constant 0 : i32
      %get3A_905 = arith.constant 26 : i32
      %get3A_906 = arith.index_cast %get3A_904 : i32 to index
      %get3A_907 = arith.index_cast %get3A_905 : i32 to index
      %get3A_908 = arith.constant 32 : index
      %get3A_909 = tpu.vector_load %arg7[%get3A_906, %get3A_907, %get3A_908] {strides = array<i32>} : memref<2x64x64xf32, #tpu.memory_space<vmem>>, vector<1x1x16xf32>,
      %get3A_910 = vector.shape_cast %get3A_909 : vector<1x1x16xf32> to vector<16xf32>
      %add3A_911 = arith.addf %add3A_879, %get3A_910 : vector<16xf32>
      %get3A_912 = arith.constant 0 : i32
      %get3A_913 = arith.constant 26 : i32
      %get3A_914 = arith.index_cast %get3A_912 : i32 to index
      %get3A_915 = arith.index_cast %get3A_913 : i32 to index
      %get3A_916 = arith.constant 48 : index
      %get3A_917 = tpu.vector_load %arg7[%get3A_914, %get3A_915, %get3A_916] {strides = array<i32>} : memref<2x64x64xf32, #tpu.memory_space<vmem>>, vector<1x1x16xf32>,
      %get3A_918 = vector.shape_cast %get3A_917 : vector<1x1x16xf32> to vector<16xf32>
      %add3A_919 = arith.addf %add3A_887, %get3A_918 : vector<16xf32>
      %get3A_920 = arith.constant 0 : i32
      %get3A_921 = arith.constant 27 : i32
      %get3A_922 = arith.index_cast %get3A_920 : i32 to index
      %get3A_923 = arith.index_cast %get3A_921 : i32 to index
      %get3A_924 = arith.constant 0 : index
      %get3A_925 = tpu.vector_load %arg7[%get3A_922, %get3A_923, %get3A_924] {strides = array<i32>} : memref<2x64x64xf32, #tpu.memory_space<vmem>>, vector<1x1x16xf32>,
      %get3A_926 = vector.shape_cast %get3A_925 : vector<1x1x16xf32> to vector<16xf32>
      %add3A_927 = arith.addf %add3A_895, %get3A_926 : vector<16xf32>
      %get3A_928 = arith.constant 0 : i32
      %get3A_929 = arith.constant 27 : i32
      %get3A_930 = arith.index_cast %get3A_928 : i32 to index
      %get3A_931 = arith.index_cast %get3A_929 : i32 to index
      %get3A_932 = arith.constant 16 : index
      %get3A_933 = tpu.vector_load %arg7[%get3A_930, %get3A_931, %get3A_932] {strides = array<i32>} : memref<2x64x64xf32, #tpu.memory_space<vmem>>, vector<1x1x16xf32>,
      %get3A_934 = vector.shape_cast %get3A_933 : vector<1x1x16xf32> to vector<16xf32>
      %add3A_935 = arith.addf %add3A_903, %get3A_934 : vector<16xf32>
      %get3A_936 = arith.constant 0 : i32
      %get3A_937 = arith.constant 27 : i32
      %get3A_938 = arith.index_cast %get3A_936 : i32 to index
      %get3A_939 = arith.index_cast %get3A_937 : i32 to index
      %get3A_940 = arith.constant 32 : index
      %get3A_941 = tpu.vector_load %arg7[%get3A_938, %get3A_939, %get3A_940] {strides = array<i32>} : memref<2x64x64xf32, #tpu.memory_space<vmem>>, vector<1x1x16xf32>,
      %get3A_942 = vector.shape_cast %get3A_941 : vector<1x1x16xf32> to vector<16xf32>
      %add3A_943 = arith.addf %add3A_911, %get3A_942 : vector<16xf32>
      %get3A_944 = arith.constant 0 : i32
      %get3A_945 = arith.constant 27 : i32
      %get3A_946 = arith.index_cast %get3A_944 : i32 to index
      %get3A_947 = arith.index_cast %get3A_945 : i32 to index
      %get3A_948 = arith.constant 48 : index
      %get3A_949 = tpu.vector_load %arg7[%get3A_946, %get3A_947, %get3A_948] {strides = array<i32>} : memref<2x64x64xf32, #tpu.memory_space<vmem>>, vector<1x1x16xf32>,
      %get3A_950 = vector.shape_cast %get3A_949 : vector<1x1x16xf32> to vector<16xf32>
      %add3A_951 = arith.addf %add3A_919, %get3A_950 : vector<16xf32>
      %get3A_952 = arith.constant 0 : i32
      %get3A_953 = arith.constant 28 : i32
      %get3A_954 = arith.index_cast %get3A_952 : i32 to index
      %get3A_955 = arith.index_cast %get3A_953 : i32 to index
      %get3A_956 = arith.constant 0 : index
      %get3A_957 = tpu.vector_load %arg7[%get3A_954, %get3A_955, %get3A_956] {strides = array<i32>} : memref<2x64x64xf32, #tpu.memory_space<vmem>>, vector<1x1x16xf32>,
      %get3A_958 = vector.shape_cast %get3A_957 : vector<1x1x16xf32> to vector<16xf32>
      %add3A_959 = arith.addf %add3A_927, %get3A_958 : vector<16xf32>
      %get3A_960 = arith.constant 0 : i32
      %get3A_961 = arith.constant 28 : i32
      %get3A_962 = arith.index_cast %get3A_960 : i32 to index
      %get3A_963 = arith.index_cast %get3A_961 : i32 to index
      %get3A_964 = arith.constant 16 : index
      %get3A_965 = tpu.vector_load %arg7[%get3A_962, %get3A_963, %get3A_964] {strides = array<i32>} : memref<2x64x64xf32, #tpu.memory_space<vmem>>, vector<1x1x16xf32>,
      %get3A_966 = vector.shape_cast %get3A_965 : vector<1x1x16xf32> to vector<16xf32>
      %add3A_967 = arith.addf %add3A_935, %get3A_966 : vector<16xf32>
      %get3A_968 = arith.constant 0 : i32
      %get3A_969 = arith.constant 28 : i32
      %get3A_970 = arith.index_cast %get3A_968 : i32 to index
      %get3A_971 = arith.index_cast %get3A_969 : i32 to index
      %get3A_972 = arith.constant 32 : index
      %get3A_973 = tpu.vector_load %arg7[%get3A_970, %get3A_971, %get3A_972] {strides = array<i32>} : memref<2x64x64xf32, #tpu.memory_space<vmem>>, vector<1x1x16xf32>,
      %get3A_974 = vector.shape_cast %get3A_973 : vector<1x1x16xf32> to vector<16xf32>
      %add3A_975 = arith.addf %add3A_943, %get3A_974 : vector<16xf32>
      %get3A_976 = arith.constant 0 : i32
      %get3A_977 = arith.constant 28 : i32
      %get3A_978 = arith.index_cast %get3A_976 : i32 to index
      %get3A_979 = arith.index_cast %get3A_977 : i32 to index
      %get3A_980 = arith.constant 48 : index
      %get3A_981 = tpu.vector_load %arg7[%get3A_978, %get3A_979, %get3A_980] {strides = array<i32>} : memref<2x64x64xf32, #tpu.memory_space<vmem>>, vector<1x1x16xf32>,
      %get3A_982 = vector.shape_cast %get3A_981 : vector<1x1x16xf32> to vector<16xf32>
      %add3A_983 = arith.addf %add3A_951, %get3A_982 : vector<16xf32>
      %get3A_984 = arith.constant 0 : i32
      %get3A_985 = arith.constant 29 : i32
      %get3A_986 = arith.index_cast %get3A_984 : i32 to index
      %get3A_987 = arith.index_cast %get3A_985 : i32 to index
      %get3A_988 = arith.constant 0 : index
      %get3A_989 = tpu.vector_load %arg7[%get3A_986, %get3A_987, %get3A_988] {strides = array<i32>} : memref<2x64x64xf32, #tpu.memory_space<vmem>>, vector<1x1x16xf32>,
      %get3A_990 = vector.shape_cast %get3A_989 : vector<1x1x16xf32> to vector<16xf32>
      %add3A_991 = arith.addf %add3A_959, %get3A_990 : vector<16xf32>
      %get3A_992 = arith.constant 0 : i32
      %get3A_993 = arith.constant 29 : i32
      %get3A_994 = arith.index_cast %get3A_992 : i32 to index
      %get3A_995 = arith.index_cast %get3A_993 : i32 to index
      %get3A_996 = arith.constant 16 : index
      %get3A_997 = tpu.vector_load %arg7[%get3A_994, %get3A_995, %get3A_996] {strides = array<i32>} : memref<2x64x64xf32, #tpu.memory_space<vmem>>, vector<1x1x16xf32>,
      %get3A_998 = vector.shape_cast %get3A_997 : vector<1x1x16xf32> to vector<16xf32>
      %add3A_999 = arith.addf %add3A_967, %get3A_998 : vector<16xf32>
      %get3A_1000 = arith.constant 0 : i32
      %get3A_1001 = arith.constant 29 : i32
      %get3A_1002 = arith.index_cast %get3A_1000 : i32 to index
      %get3A_1003 = arith.index_cast %get3A_1001 : i32 to index
      %get3A_1004 = arith.constant 32 : index
      %get3A_1005 = tpu.vector_load %arg7[%get3A_1002, %get3A_1003, %get3A_1004] {strides = array<i32>} : memref<2x64x64xf32, #tpu.memory_space<vmem>>, vector<1x1x16xf32>,
      %get3A_1006 = vector.shape_cast %get3A_1005 : vector<1x1x16xf32> to vector<16xf32>
      %add3A_1007 = arith.addf %add3A_975, %get3A_1006 : vector<16xf32>
      %get3A_1008 = arith.constant 0 : i32
      %get3A_1009 = arith.constant 29 : i32
      %get3A_1010 = arith.index_cast %get3A_1008 : i32 to index
      %get3A_1011 = arith.index_cast %get3A_1009 : i32 to index
      %get3A_1012 = arith.constant 48 : index
      %get3A_1013 = tpu.vector_load %arg7[%get3A_1010, %get3A_1011, %get3A_1012] {strides = array<i32>} : memref<2x64x64xf32, #tpu.memory_space<vmem>>, vector<1x1x16xf32>,
      %get3A_1014 = vector.shape_cast %get3A_1013 : vector<1x1x16xf32> to vector<16xf32>
      %add3A_1015 = arith.addf %add3A_983, %get3A_1014 : vector<16xf32>
      %get3A_1016 = arith.constant 0 : i32
      %get3A_1017 = arith.constant 30 : i32
      %get3A_1018 = arith.index_cast %get3A_1016 : i32 to index
      %get3A_1019 = arith.index_cast %get3A_1017 : i32 to index
      %get3A_1020 = arith.constant 0 : index
      %get3A_1021 = tpu.vector_load %arg7[%get3A_1018, %get3A_1019, %get3A_1020] {strides = array<i32>} : memref<2x64x64xf32, #tpu.memory_space<vmem>>, vector<1x1x16xf32>,
      %get3A_1022 = vector.shape_cast %get3A_1021 : vector<1x1x16xf32> to vector<16xf32>
      %add3A_1023 = arith.addf %add3A_991, %get3A_1022 : vector<16xf32>
      %get3A_1024 = arith.constant 0 : i32
      %get3A_1025 = arith.constant 30 : i32
      %get3A_1026 = arith.index_cast %get3A_1024 : i32 to index
      %get3A_1027 = arith.index_cast %get3A_1025 : i32 to index
      %get3A_1028 = arith.constant 16 : index
      %get3A_1029 = tpu.vector_load %arg7[%get3A_1026, %get3A_1027, %get3A_1028] {strides = array<i32>} : memref<2x64x64xf32, #tpu.memory_space<vmem>>, vector<1x1x16xf32>,
      %get3A_1030 = vector.shape_cast %get3A_1029 : vector<1x1x16xf32> to vector<16xf32>
      %add3A_1031 = arith.addf %add3A_999, %get3A_1030 : vector<16xf32>
      %get3A_1032 = arith.constant 0 : i32
      %get3A_1033 = arith.constant 30 : i32
      %get3A_1034 = arith.index_cast %get3A_1032 : i32 to index
      %get3A_1035 = arith.index_cast %get3A_1033 : i32 to index
      %get3A_1036 = arith.constant 32 : index
      %get3A_1037 = tpu.vector_load %arg7[%get3A_1034, %get3A_1035, %get3A_1036] {strides = array<i32>} : memref<2x64x64xf32, #tpu.memory_space<vmem>>, vector<1x1x16xf32>,
      %get3A_1038 = vector.shape_cast %get3A_1037 : vector<1x1x16xf32> to vector<16xf32>
      %add3A_1039 = arith.addf %add3A_1007, %get3A_1038 : vector<16xf32>
      %get3A_1040 = arith.constant 0 : i32
      %get3A_1041 = arith.constant 30 : i32
      %get3A_1042 = arith.index_cast %get3A_1040 : i32 to index
      %get3A_1043 = arith.index_cast %get3A_1041 : i32 to index
      %get3A_1044 = arith.constant 48 : index
      %get3A_1045 = tpu.vector_load %arg7[%get3A_1042, %get3A_1043, %get3A_1044] {strides = array<i32>} : memref<2x64x64xf32, #tpu.memory_space<vmem>>, vector<1x1x16xf32>,
      %get3A_1046 = vector.shape_cast %get3A_1045 : vector<1x1x16xf32> to vector<16xf32>
      %add3A_1047 = arith.addf %add3A_1015, %get3A_1046 : vector<16xf32>
      %get3A_1048 = arith.constant 0 : i32
      %get3A_1049 = arith.constant 31 : i32
      %get3A_1050 = arith.index_cast %get3A_1048 : i32 to index
      %get3A_1051 = arith.index_cast %get3A_1049 : i32 to index
      %get3A_1052 = arith.constant 0 : index
      %get3A_1053 = tpu.vector_load %arg7[%get3A_1050, %get3A_1051, %get3A_1052] {strides = array<i32>} : memref<2x64x64xf32, #tpu.memory_space<vmem>>, vector<1x1x16xf32>,
      %get3A_1054 = vector.shape_cast %get3A_1053 : vector<1x1x16xf32> to vector<16xf32>
      %add3A_1055 = arith.addf %add3A_1023, %get3A_1054 : vector<16xf32>
      %get3A_1056 = arith.constant 0 : i32
      %get3A_1057 = arith.constant 31 : i32
      %get3A_1058 = arith.index_cast %get3A_1056 : i32 to index
      %get3A_1059 = arith.index_cast %get3A_1057 : i32 to index
      %get3A_1060 = arith.constant 16 : index
      %get3A_1061 = tpu.vector_load %arg7[%get3A_1058, %get3A_1059, %get3A_1060] {strides = array<i32>} : memref<2x64x64xf32, #tpu.memory_space<vmem>>, vector<1x1x16xf32>,
      %get3A_1062 = vector.shape_cast %get3A_1061 : vector<1x1x16xf32> to vector<16xf32>
      %add3A_1063 = arith.addf %add3A_1031, %get3A_1062 : vector<16xf32>
      %get3A_1064 = arith.constant 0 : i32
      %get3A_1065 = arith.constant 31 : i32
      %get3A_1066 = arith.index_cast %get3A_1064 : i32 to index
      %get3A_1067 = arith.index_cast %get3A_1065 : i32 to index
      %get3A_1068 = arith.constant 32 : index
      %get3A_1069 = tpu.vector_load %arg7[%get3A_1066, %get3A_1067, %get3A_1068] {strides = array<i32>} : memref<2x64x64xf32, #tpu.memory_space<vmem>>, vector<1x1x16xf32>,
      %get3A_1070 = vector.shape_cast %get3A_1069 : vector<1x1x16xf32> to vector<16xf32>
      %add3A_1071 = arith.addf %add3A_1039, %get3A_1070 : vector<16xf32>
      %get3A_1072 = arith.constant 0 : i32
      %get3A_1073 = arith.constant 31 : i32
      %get3A_1074 = arith.index_cast %get3A_1072 : i32 to index
      %get3A_1075 = arith.index_cast %get3A_1073 : i32 to index
      %get3A_1076 = arith.constant 48 : index
      %get3A_1077 = tpu.vector_load %arg7[%get3A_1074, %get3A_1075, %get3A_1076] {strides = array<i32>} : memref<2x64x64xf32, #tpu.memory_space<vmem>>, vector<1x1x16xf32>,
      %get3A_1078 = vector.shape_cast %get3A_1077 : vector<1x1x16xf32> to vector<16xf32>
      %add3A_1079 = arith.addf %add3A_1047, %get3A_1078 : vector<16xf32>
      %mul3A_1080 = arith.constant 2.500000e-01 : f32
      %mul3A_1081 = vector.broadcast %mul3A_1080 : f32 to vector<16xf32>
      %mul3A_1082 = arith.mulf %add3A_1055, %mul3A_1081 : vector<16xf32>
      %add3A_1083 = arith.constant 0 : i32
      %add3A_1084 = arith.addi %mul3A_58, %add3A_1083 : i32
      %get3A_1085 = arith.index_cast %add3A_1084 : i32 to index
      %get3A_1086 = arith.constant 0 : index
      %get3A_1087 = tpu.vector_load %arg9[%get3A_1085, %get3A_1086] {strides = array<i32>} : memref<16x64xf32, #tpu.memory_space<vmem>>, vector<1x16xf32>,
      %get3A_1088 = vector.shape_cast %get3A_1087 : vector<1x16xf32> to vector<16xf32>
      %add3A_1089 = arith.addf %mul3A_1082, %get3A_1088 : vector<16xf32>
      %add3A_1090 = arith.constant 0 : i32
      %add3A_1091 = arith.addi %mul3A_60, %add3A_1090 : i32
      %swap3A = arith.index_cast %add3A_1091 : i32 to index
      %swap3A_1092 = arith.constant 0 : index
      %swap3A_1093 = tpu.vector_load %arg8[%swap3A, %swap3A_1092] {strides = array<i32>} : memref<512x64xf32, #tpu.memory_space<vmem>>, vector<1x16xf32>,
      %swap3A_1094 = vector.shape_cast %swap3A_1093 : vector<1x16xf32> to vector<16xf32>
      %swap3A_1095 = vector.shape_cast %add3A_1089 : vector<16xf32> to vector<1x16xf32>
      tpu.vector_store %arg8[%swap3A, %swap3A_1092], %swap3A_1095 {strides = array<i32>} : memref<512x64xf32, #tpu.memory_space<vmem>>, vector<1x16xf32>,
      %mul3A_1096 = arith.constant 2.500000e-01 : f32
      %mul3A_1097 = vector.broadcast %mul3A_1096 : f32 to vector<16xf32>
      %mul3A_1098 = arith.mulf %add3A_1063, %mul3A_1097 : vector<16xf32>
      %add3A_1099 = arith.constant 0 : i32
      %add3A_1100 = arith.addi %mul3A_58, %add3A_1099 : i32
      %get3A_1101 = arith.index_cast %add3A_1100 : i32 to index
      %get3A_1102 = arith.constant 16 : index
      %get3A_1103 = tpu.vector_load %arg9[%get3A_1101, %get3A_1102] {strides = array<i32>} : memref<16x64xf32, #tpu.memory_space<vmem>>, vector<1x16xf32>,
      %get3A_1104 = vector.shape_cast %get3A_1103 : vector<1x16xf32> to vector<16xf32>
      %add3A_1105 = arith.addf %mul3A_1098, %get3A_1104 : vector<16xf32>
      %add3A_1106 = arith.constant 0 : i32
      %add3A_1107 = arith.addi %mul3A_60, %add3A_1106 : i32
      %swap3A_1108 = arith.index_cast %add3A_1107 : i32 to index
      %swap3A_1109 = arith.constant 16 : index
      %swap3A_1110 = tpu.vector_load %arg8[%swap3A_1108, %swap3A_1109] {strides = array<i32>} : memref<512x64xf32, #tpu.memory_space<vmem>>, vector<1x16xf32>,
      %swap3A_1111 = vector.shape_cast %swap3A_1110 : vector<1x16xf32> to vector<16xf32>
      %swap3A_1112 = vector.shape_cast %add3A_1105 : vector<16xf32> to vector<1x16xf32>
      tpu.vector_store %arg8[%swap3A_1108, %swap3A_1109], %swap3A_1112 {strides = array<i32>} : memref<512x64xf32, #tpu.memory_space<vmem>>, vector<1x16xf32>,
      %mul3A_1113 = arith.constant 2.500000e-01 : f32
      %mul3A_1114 = vector.broadcast %mul3A_1113 : f32 to vector<16xf32>
      %mul3A_1115 = arith.mulf %add3A_1071, %mul3A_1114 : vector<16xf32>
      %add3A_1116 = arith.constant 0 : i32
      %add3A_1117 = arith.addi %mul3A_58, %add3A_1116 : i32
      %get3A_1118 = arith.index_cast %add3A_1117 : i32 to index
      %get3A_1119 = arith.constant 32 : index
      %get3A_1120 = tpu.vector_load %arg9[%get3A_1118, %get3A_1119] {strides = array<i32>} : memref<16x64xf32, #tpu.memory_space<vmem>>, vector<1x16xf32>,
      %get3A_1121 = vector.shape_cast %get3A_1120 : vector<1x16xf32> to vector<16xf32>
      %add3A_1122 = arith.addf %mul3A_1115, %get3A_1121 : vector<16xf32>
      %add3A_1123 = arith.constant 0 : i32
      %add3A_1124 = arith.addi %mul3A_60, %add3A_1123 : i32
      %swap3A_1125 = arith.index_cast %add3A_1124 : i32 to index
      %swap3A_1126 = arith.constant 32 : index
      %swap3A_1127 = tpu.vector_load %arg8[%swap3A_1125, %swap3A_1126] {strides = array<i32>} : memref<512x64xf32, #tpu.memory_space<vmem>>, vector<1x16xf32>,
      %swap3A_1128 = vector.shape_cast %swap3A_1127 : vector<1x16xf32> to vector<16xf32>
      %swap3A_1129 = vector.shape_cast %add3A_1122 : vector<16xf32> to vector<1x16xf32>
      tpu.vector_store %arg8[%swap3A_1125, %swap3A_1126], %swap3A_1129 {strides = array<i32>} : memref<512x64xf32, #tpu.memory_space<vmem>>, vector<1x16xf32>,
      %mul3A_1130 = arith.constant 2.500000e-01 : f32
      %mul3A_1131 = vector.broadcast %mul3A_1130 : f32 to vector<16xf32>
      %mul3A_1132 = arith.mulf %add3A_1079, %mul3A_1131 : vector<16xf32>
      %add3A_1133 = arith.constant 0 : i32
      %add3A_1134 = arith.addi %mul3A_58, %add3A_1133 : i32
      %get3A_1135 = arith.index_cast %add3A_1134 : i32 to index
      %get3A_1136 = arith.constant 48 : index
      %get3A_1137 = tpu.vector_load %arg9[%get3A_1135, %get3A_1136] {strides = array<i32>} : memref<16x64xf32, #tpu.memory_space<vmem>>, vector<1x16xf32>,
      %get3A_1138 = vector.shape_cast %get3A_1137 : vector<1x16xf32> to vector<16xf32>
      %add3A_1139 = arith.addf %mul3A_1132, %get3A_1138 : vector<16xf32>
      %add3A_1140 = arith.constant 0 : i32
      %add3A_1141 = arith.addi %mul3A_60, %add3A_1140 : i32
      %swap3A_1142 = arith.index_cast %add3A_1141 : i32 to index
      %swap3A_1143 = arith.constant 48 : index
      %swap3A_1144 = tpu.vector_load %arg8[%swap3A_1142, %swap3A_1143] {strides = array<i32>} : memref<512x64xf32, #tpu.memory_space<vmem>>, vector<1x16xf32>,
      %swap3A_1145 = vector.shape_cast %swap3A_1144 : vector<1x16xf32> to vector<16xf32>
      %swap3A_1146 = vector.shape_cast %add3A_1139 : vector<16xf32> to vector<1x16xf32>
      tpu.vector_store %arg8[%swap3A_1142, %swap3A_1143], %swap3A_1146 {strides = array<i32>} : memref<512x64xf32, #tpu.memory_space<vmem>>, vector<1x16xf32>,
      %get3A_1147 = arith.constant 0 : i32
      %get3A_1148 = arith.constant 32 : i32
      %get3A_1149 = arith.index_cast %get3A_1147 : i32 to index
      %get3A_1150 = arith.index_cast %get3A_1148 : i32 to index
      %get3A_1151 = arith.constant 0 : index
      %get3A_1152 = tpu.vector_load %arg7[%get3A_1149, %get3A_1150, %get3A_1151] {strides = array<i32>} : memref<2x64x64xf32, #tpu.memory_space<vmem>>, vector<1x1x16xf32>,
      %get3A_1153 = vector.shape_cast %get3A_1152 : vector<1x1x16xf32> to vector<16xf32>
      %get3A_1154 = arith.constant 0 : i32
      %get3A_1155 = arith.constant 32 : i32
      %get3A_1156 = arith.index_cast %get3A_1154 : i32 to index
      %get3A_1157 = arith.index_cast %get3A_1155 : i32 to index
      %get3A_1158 = arith.constant 16 : index
      %get3A_1159 = tpu.vector_load %arg7[%get3A_1156, %get3A_1157, %get3A_1158] {strides = array<i32>} : memref<2x64x64xf32, #tpu.memory_space<vmem>>, vector<1x1x16xf32>,
      %get3A_1160 = vector.shape_cast %get3A_1159 : vector<1x1x16xf32> to vector<16xf32>
      %get3A_1161 = arith.constant 0 : i32
      %get3A_1162 = arith.constant 32 : i32
      %get3A_1163 = arith.index_cast %get3A_1161 : i32 to index
      %get3A_1164 = arith.index_cast %get3A_1162 : i32 to index
      %get3A_1165 = arith.constant 32 : index
      %get3A_1166 = tpu.vector_load %arg7[%get3A_1163, %get3A_1164, %get3A_1165] {strides = array<i32>} : memref<2x64x64xf32, #tpu.memory_space<vmem>>, vector<1x1x16xf32>,
      %get3A_1167 = vector.shape_cast %get3A_1166 : vector<1x1x16xf32> to vector<16xf32>
      %get3A_1168 = arith.constant 0 : i32
      %get3A_1169 = arith.constant 32 : i32
      %get3A_1170 = arith.index_cast %get3A_1168 : i32 to index
      %get3A_1171 = arith.index_cast %get3A_1169 : i32 to index
      %get3A_1172 = arith.constant 48 : index
      %get3A_1173 = tpu.vector_load %arg7[%get3A_1170, %get3A_1171, %get3A_1172] {strides = array<i32>} : memref<2x64x64xf32, #tpu.memory_space<vmem>>, vector<1x1x16xf32>,
      %get3A_1174 = vector.shape_cast %get3A_1173 : vector<1x1x16xf32> to vector<16xf32>
      %get3A_1175 = arith.constant 0 : i32
      %get3A_1176 = arith.constant 33 : i32
      %get3A_1177 = arith.index_cast %get3A_1175 : i32 to index
      %get3A_1178 = arith.index_cast %get3A_1176 : i32 to index
      %get3A_1179 = arith.constant 0 : index
      %get3A_1180 = tpu.vector_load %arg7[%get3A_1177, %get3A_1178, %get3A_1179] {strides = array<i32>} : memref<2x64x64xf32, #tpu.memory_space<vmem>>, vector<1x1x16xf32>,
      %get3A_1181 = vector.shape_cast %get3A_1180 : vector<1x1x16xf32> to vector<16xf32>
      %add3A_1182 = arith.addf %get3A_1153, %get3A_1181 : vector<16xf32>
      %get3A_1183 = arith.constant 0 : i32
      %get3A_1184 = arith.constant 33 : i32
      %get3A_1185 = arith.index_cast %get3A_1183 : i32 to index
      %get3A_1186 = arith.index_cast %get3A_1184 : i32 to index
      %get3A_1187 = arith.constant 16 : index
      %get3A_1188 = tpu.vector_load %arg7[%get3A_1185, %get3A_1186, %get3A_1187] {strides = array<i32>} : memref<2x64x64xf32, #tpu.memory_space<vmem>>, vector<1x1x16xf32>,
      %get3A_1189 = vector.shape_cast %get3A_1188 : vector<1x1x16xf32> to vector<16xf32>
      %add3A_1190 = arith.addf %get3A_1160, %get3A_1189 : vector<16xf32>
      %get3A_1191 = arith.constant 0 : i32
      %get3A_1192 = arith.constant 33 : i32
      %get3A_1193 = arith.index_cast %get3A_1191 : i32 to index
      %get3A_1194 = arith.index_cast %get3A_1192 : i32 to index
      %get3A_1195 = arith.constant 32 : index
      %get3A_1196 = tpu.vector_load %arg7[%get3A_1193, %get3A_1194, %get3A_1195] {strides = array<i32>} : memref<2x64x64xf32, #tpu.memory_space<vmem>>, vector<1x1x16xf32>,
      %get3A_1197 = vector.shape_cast %get3A_1196 : vector<1x1x16xf32> to vector<16xf32>
      %add3A_1198 = arith.addf %get3A_1167, %get3A_1197 : vector<16xf32>
      %get3A_1199 = arith.constant 0 : i32
      %get3A_1200 = arith.constant 33 : i32
      %get3A_1201 = arith.index_cast %get3A_1199 : i32 to index
      %get3A_1202 = arith.index_cast %get3A_1200 : i32 to index
      %get3A_1203 = arith.constant 48 : index
      %get3A_1204 = tpu.vector_load %arg7[%get3A_1201, %get3A_1202, %get3A_1203] {strides = array<i32>} : memref<2x64x64xf32, #tpu.memory_space<vmem>>, vector<1x1x16xf32>,
      %get3A_1205 = vector.shape_cast %get3A_1204 : vector<1x1x16xf32> to vector<16xf32>
      %add3A_1206 = arith.addf %get3A_1174, %get3A_1205 : vector<16xf32>
      %get3A_1207 = arith.constant 0 : i32
      %get3A_1208 = arith.constant 34 : i32
      %get3A_1209 = arith.index_cast %get3A_1207 : i32 to index
      %get3A_1210 = arith.index_cast %get3A_1208 : i32 to index
      %get3A_1211 = arith.constant 0 : index
      %get3A_1212 = tpu.vector_load %arg7[%get3A_1209, %get3A_1210, %get3A_1211] {strides = array<i32>} : memref<2x64x64xf32, #tpu.memory_space<vmem>>, vector<1x1x16xf32>,
      %get3A_1213 = vector.shape_cast %get3A_1212 : vector<1x1x16xf32> to vector<16xf32>
      %add3A_1214 = arith.addf %add3A_1182, %get3A_1213 : vector<16xf32>
      %get3A_1215 = arith.constant 0 : i32
      %get3A_1216 = arith.constant 34 : i32
      %get3A_1217 = arith.index_cast %get3A_1215 : i32 to index
      %get3A_1218 = arith.index_cast %get3A_1216 : i32 to index
      %get3A_1219 = arith.constant 16 : index
      %get3A_1220 = tpu.vector_load %arg7[%get3A_1217, %get3A_1218, %get3A_1219] {strides = array<i32>} : memref<2x64x64xf32, #tpu.memory_space<vmem>>, vector<1x1x16xf32>,
      %get3A_1221 = vector.shape_cast %get3A_1220 : vector<1x1x16xf32> to vector<16xf32>
      %add3A_1222 = arith.addf %add3A_1190, %get3A_1221 : vector<16xf32>
      %get3A_1223 = arith.constant 0 : i32
      %get3A_1224 = arith.constant 34 : i32
      %get3A_1225 = arith.index_cast %get3A_1223 : i32 to index
      %get3A_1226 = arith.index_cast %get3A_1224 : i32 to index
      %get3A_1227 = arith.constant 32 : index
      %get3A_1228 = tpu.vector_load %arg7[%get3A_1225, %get3A_1226, %get3A_1227] {strides = array<i32>} : memref<2x64x64xf32, #tpu.memory_space<vmem>>, vector<1x1x16xf32>,
      %get3A_1229 = vector.shape_cast %get3A_1228 : vector<1x1x16xf32> to vector<16xf32>
      %add3A_1230 = arith.addf %add3A_1198, %get3A_1229 : vector<16xf32>
      %get3A_1231 = arith.constant 0 : i32
      %get3A_1232 = arith.constant 34 : i32
      %get3A_1233 = arith.index_cast %get3A_1231 : i32 to index
      %get3A_1234 = arith.index_cast %get3A_1232 : i32 to index
      %get3A_1235 = arith.constant 48 : index
      %get3A_1236 = tpu.vector_load %arg7[%get3A_1233, %get3A_1234, %get3A_1235] {strides = array<i32>} : memref<2x64x64xf32, #tpu.memory_space<vmem>>, vector<1x1x16xf32>,
      %get3A_1237 = vector.shape_cast %get3A_1236 : vector<1x1x16xf32> to vector<16xf32>
      %add3A_1238 = arith.addf %add3A_1206, %get3A_1237 : vector<16xf32>
      %get3A_1239 = arith.constant 0 : i32
      %get3A_1240 = arith.constant 35 : i32
      %get3A_1241 = arith.index_cast %get3A_1239 : i32 to index
      %get3A_1242 = arith.index_cast %get3A_1240 : i32 to index
      %get3A_1243 = arith.constant 0 : index
      %get3A_1244 = tpu.vector_load %arg7[%get3A_1241, %get3A_1242, %get3A_1243] {strides = array<i32>} : memref<2x64x64xf32, #tpu.memory_space<vmem>>, vector<1x1x16xf32>,
      %get3A_1245 = vector.shape_cast %get3A_1244 : vector<1x1x16xf32> to vector<16xf32>
      %add3A_1246 = arith.addf %add3A_1214, %get3A_1245 : vector<16xf32>
      %get3A_1247 = arith.constant 0 : i32
      %get3A_1248 = arith.constant 35 : i32
      %get3A_1249 = arith.index_cast %get3A_1247 : i32 to index
      %get3A_1250 = arith.index_cast %get3A_1248 : i32 to index
      %get3A_1251 = arith.constant 16 : index
      %get3A_1252 = tpu.vector_load %arg7[%get3A_1249, %get3A_1250, %get3A_1251] {strides = array<i32>} : memref<2x64x64xf32, #tpu.memory_space<vmem>>, vector<1x1x16xf32>,
      %get3A_1253 = vector.shape_cast %get3A_1252 : vector<1x1x16xf32> to vector<16xf32>
      %add3A_1254 = arith.addf %add3A_1222, %get3A_1253 : vector<16xf32>
      %get3A_1255 = arith.constant 0 : i32
      %get3A_1256 = arith.constant 35 : i32
      %get3A_1257 = arith.index_cast %get3A_1255 : i32 to index
      %get3A_1258 = arith.index_cast %get3A_1256 : i32 to index
      %get3A_1259 = arith.constant 32 : index
      %get3A_1260 = tpu.vector_load %arg7[%get3A_1257, %get3A_1258, %get3A_1259] {strides = array<i32>} : memref<2x64x64xf32, #tpu.memory_space<vmem>>, vector<1x1x16xf32>,
      %get3A_1261 = vector.shape_cast %get3A_1260 : vector<1x1x16xf32> to vector<16xf32>
      %add3A_1262 = arith.addf %add3A_1230, %get3A_1261 : vector<16xf32>
      %get3A_1263 = arith.constant 0 : i32
      %get3A_1264 = arith.constant 35 : i32
      %get3A_1265 = arith.index_cast %get3A_1263 : i32 to index
      %get3A_1266 = arith.index_cast %get3A_1264 : i32 to index
      %get3A_1267 = arith.constant 48 : index
      %get3A_1268 = tpu.vector_load %arg7[%get3A_1265, %get3A_1266, %get3A_1267] {strides = array<i32>} : memref<2x64x64xf32, #tpu.memory_space<vmem>>, vector<1x1x16xf32>,
      %get3A_1269 = vector.shape_cast %get3A_1268 : vector<1x1x16xf32> to vector<16xf32>
      %add3A_1270 = arith.addf %add3A_1238, %get3A_1269 : vector<16xf32>
      %get3A_1271 = arith.constant 0 : i32
      %get3A_1272 = arith.constant 36 : i32
      %get3A_1273 = arith.index_cast %get3A_1271 : i32 to index
      %get3A_1274 = arith.index_cast %get3A_1272 : i32 to index
      %get3A_1275 = arith.constant 0 : index
      %get3A_1276 = tpu.vector_load %arg7[%get3A_1273, %get3A_1274, %get3A_1275] {strides = array<i32>} : memref<2x64x64xf32, #tpu.memory_space<vmem>>, vector<1x1x16xf32>,
      %get3A_1277 = vector.shape_cast %get3A_1276 : vector<1x1x16xf32> to vector<16xf32>
      %add3A_1278 = arith.addf %add3A_1246, %get3A_1277 : vector<16xf32>
      %get3A_1279 = arith.constant 0 : i32
      %get3A_1280 = arith.constant 36 : i32
      %get3A_1281 = arith.index_cast %get3A_1279 : i32 to index
      %get3A_1282 = arith.index_cast %get3A_1280 : i32 to index
      %get3A_1283 = arith.constant 16 : index
      %get3A_1284 = tpu.vector_load %arg7[%get3A_1281, %get3A_1282, %get3A_1283] {strides = array<i32>} : memref<2x64x64xf32, #tpu.memory_space<vmem>>, vector<1x1x16xf32>,
      %get3A_1285 = vector.shape_cast %get3A_1284 : vector<1x1x16xf32> to vector<16xf32>
      %add3A_1286 = arith.addf %add3A_1254, %get3A_1285 : vector<16xf32>
      %get3A_1287 = arith.constant 0 : i32
      %get3A_1288 = arith.constant 36 : i32
      %get3A_1289 = arith.index_cast %get3A_1287 : i32 to index
      %get3A_1290 = arith.index_cast %get3A_1288 : i32 to index
      %get3A_1291 = arith.constant 32 : index
      %get3A_1292 = tpu.vector_load %arg7[%get3A_1289, %get3A_1290, %get3A_1291] {strides = array<i32>} : memref<2x64x64xf32, #tpu.memory_space<vmem>>, vector<1x1x16xf32>,
      %get3A_1293 = vector.shape_cast %get3A_1292 : vector<1x1x16xf32> to vector<16xf32>
      %add3A_1294 = arith.addf %add3A_1262, %get3A_1293 : vector<16xf32>
      %get3A_1295 = arith.constant 0 : i32
      %get3A_1296 = arith.constant 36 : i32
      %get3A_1297 = arith.index_cast %get3A_1295 : i32 to index
      %get3A_1298 = arith.index_cast %get3A_1296 : i32 to index
      %get3A_1299 = arith.constant 48 : index
      %get3A_1300 = tpu.vector_load %arg7[%get3A_1297, %get3A_1298, %get3A_1299] {strides = array<i32>} : memref<2x64x64xf32, #tpu.memory_space<vmem>>, vector<1x1x16xf32>,
      %get3A_1301 = vector.shape_cast %get3A_1300 : vector<1x1x16xf32> to vector<16xf32>
      %add3A_1302 = arith.addf %add3A_1270, %get3A_1301 : vector<16xf32>
      %get3A_1303 = arith.constant 0 : i32
      %get3A_1304 = arith.constant 37 : i32
      %get3A_1305 = arith.index_cast %get3A_1303 : i32 to index
      %get3A_1306 = arith.index_cast %get3A_1304 : i32 to index
      %get3A_1307 = arith.constant 0 : index
      %get3A_1308 = tpu.vector_load %arg7[%get3A_1305, %get3A_1306, %get3A_1307] {strides = array<i32>} : memref<2x64x64xf32, #tpu.memory_space<vmem>>, vector<1x1x16xf32>,
      %get3A_1309 = vector.shape_cast %get3A_1308 : vector<1x1x16xf32> to vector<16xf32>
      %add3A_1310 = arith.addf %add3A_1278, %get3A_1309 : vector<16xf32>
      %get3A_1311 = arith.constant 0 : i32
      %get3A_1312 = arith.constant 37 : i32
      %get3A_1313 = arith.index_cast %get3A_1311 : i32 to index
      %get3A_1314 = arith.index_cast %get3A_1312 : i32 to index
      %get3A_1315 = arith.constant 16 : index
      %get3A_1316 = tpu.vector_load %arg7[%get3A_1313, %get3A_1314, %get3A_1315] {strides = array<i32>} : memref<2x64x64xf32, #tpu.memory_space<vmem>>, vector<1x1x16xf32>,
      %get3A_1317 = vector.shape_cast %get3A_1316 : vector<1x1x16xf32> to vector<16xf32>
      %add3A_1318 = arith.addf %add3A_1286, %get3A_1317 : vector<16xf32>
      %get3A_1319 = arith.constant 0 : i32
      %get3A_1320 = arith.constant 37 : i32
      %get3A_1321 = arith.index_cast %get3A_1319 : i32 to index
      %get3A_1322 = arith.index_cast %get3A_1320 : i32 to index
      %get3A_1323 = arith.constant 32 : index
      %get3A_1324 = tpu.vector_load %arg7[%get3A_1321, %get3A_1322, %get3A_1323] {strides = array<i32>} : memref<2x64x64xf32, #tpu.memory_space<vmem>>, vector<1x1x16xf32>,
      %get3A_1325 = vector.shape_cast %get3A_1324 : vector<1x1x16xf32> to vector<16xf32>
      %add3A_1326 = arith.addf %add3A_1294, %get3A_1325 : vector<16xf32>
      %get3A_1327 = arith.constant 0 : i32
      %get3A_1328 = arith.constant 37 : i32
      %get3A_1329 = arith.index_cast %get3A_1327 : i32 to index
      %get3A_1330 = arith.index_cast %get3A_1328 : i32 to index
      %get3A_1331 = arith.constant 48 : index
      %get3A_1332 = tpu.vector_load %arg7[%get3A_1329, %get3A_1330, %get3A_1331] {strides = array<i32>} : memref<2x64x64xf32, #tpu.memory_space<vmem>>, vector<1x1x16xf32>,
      %get3A_1333 = vector.shape_cast %get3A_1332 : vector<1x1x16xf32> to vector<16xf32>
      %add3A_1334 = arith.addf %add3A_1302, %get3A_1333 : vector<16xf32>
      %get3A_1335 = arith.constant 0 : i32
      %get3A_1336 = arith.constant 38 : i32
      %get3A_1337 = arith.index_cast %get3A_1335 : i32 to index
      %get3A_1338 = arith.index_cast %get3A_1336 : i32 to index
      %get3A_1339 = arith.constant 0 : index
      %get3A_1340 = tpu.vector_load %arg7[%get3A_1337, %get3A_1338, %get3A_1339] {strides = array<i32>} : memref<2x64x64xf32, #tpu.memory_space<vmem>>, vector<1x1x16xf32>,
      %get3A_1341 = vector.shape_cast %get3A_1340 : vector<1x1x16xf32> to vector<16xf32>
      %add3A_1342 = arith.addf %add3A_1310, %get3A_1341 : vector<16xf32>
      %get3A_1343 = arith.constant 0 : i32
      %get3A_1344 = arith.constant 38 : i32
      %get3A_1345 = arith.index_cast %get3A_1343 : i32 to index
      %get3A_1346 = arith.index_cast %get3A_1344 : i32 to index
      %get3A_1347 = arith.constant 16 : index
      %get3A_1348 = tpu.vector_load %arg7[%get3A_1345, %get3A_1346, %get3A_1347] {strides = array<i32>} : memref<2x64x64xf32, #tpu.memory_space<vmem>>, vector<1x1x16xf32>,
      %get3A_1349 = vector.shape_cast %get3A_1348 : vector<1x1x16xf32> to vector<16xf32>
      %add3A_1350 = arith.addf %add3A_1318, %get3A_1349 : vector<16xf32>
      %get3A_1351 = arith.constant 0 : i32
      %get3A_1352 = arith.constant 38 : i32
      %get3A_1353 = arith.index_cast %get3A_1351 : i32 to index
      %get3A_1354 = arith.index_cast %get3A_1352 : i32 to index
      %get3A_1355 = arith.constant 32 : index
      %get3A_1356 = tpu.vector_load %arg7[%get3A_1353, %get3A_1354, %get3A_1355] {strides = array<i32>} : memref<2x64x64xf32, #tpu.memory_space<vmem>>, vector<1x1x16xf32>,
      %get3A_1357 = vector.shape_cast %get3A_1356 : vector<1x1x16xf32> to vector<16xf32>
      %add3A_1358 = arith.addf %add3A_1326, %get3A_1357 : vector<16xf32>
      %get3A_1359 = arith.constant 0 : i32
      %get3A_1360 = arith.constant 38 : i32
      %get3A_1361 = arith.index_cast %get3A_1359 : i32 to index
      %get3A_1362 = arith.index_cast %get3A_1360 : i32 to index
      %get3A_1363 = arith.constant 48 : index
      %get3A_1364 = tpu.vector_load %arg7[%get3A_1361, %get3A_1362, %get3A_1363] {strides = array<i32>} : memref<2x64x64xf32, #tpu.memory_space<vmem>>, vector<1x1x16xf32>,
      %get3A_1365 = vector.shape_cast %get3A_1364 : vector<1x1x16xf32> to vector<16xf32>
      %add3A_1366 = arith.addf %add3A_1334, %get3A_1365 : vector<16xf32>
      %get3A_1367 = arith.constant 0 : i32
      %get3A_1368 = arith.constant 39 : i32
      %get3A_1369 = arith.index_cast %get3A_1367 : i32 to index
      %get3A_1370 = arith.index_cast %get3A_1368 : i32 to index
      %get3A_1371 = arith.constant 0 : index
      %get3A_1372 = tpu.vector_load %arg7[%get3A_1369, %get3A_1370, %get3A_1371] {strides = array<i32>} : memref<2x64x64xf32, #tpu.memory_space<vmem>>, vector<1x1x16xf32>,
      %get3A_1373 = vector.shape_cast %get3A_1372 : vector<1x1x16xf32> to vector<16xf32>
      %add3A_1374 = arith.addf %add3A_1342, %get3A_1373 : vector<16xf32>
      %get3A_1375 = arith.constant 0 : i32
      %get3A_1376 = arith.constant 39 : i32
      %get3A_1377 = arith.index_cast %get3A_1375 : i32 to index
      %get3A_1378 = arith.index_cast %get3A_1376 : i32 to index
      %get3A_1379 = arith.constant 16 : index
      %get3A_1380 = tpu.vector_load %arg7[%get3A_1377, %get3A_1378, %get3A_1379] {strides = array<i32>} : memref<2x64x64xf32, #tpu.memory_space<vmem>>, vector<1x1x16xf32>,
      %get3A_1381 = vector.shape_cast %get3A_1380 : vector<1x1x16xf32> to vector<16xf32>
      %add3A_1382 = arith.addf %add3A_1350, %get3A_1381 : vector<16xf32>
      %get3A_1383 = arith.constant 0 : i32
      %get3A_1384 = arith.constant 39 : i32
      %get3A_1385 = arith.index_cast %get3A_1383 : i32 to index
      %get3A_1386 = arith.index_cast %get3A_1384 : i32 to index
      %get3A_1387 = arith.constant 32 : index
      %get3A_1388 = tpu.vector_load %arg7[%get3A_1385, %get3A_1386, %get3A_1387] {strides = array<i32>} : memref<2x64x64xf32, #tpu.memory_space<vmem>>, vector<1x1x16xf32>,
      %get3A_1389 = vector.shape_cast %get3A_1388 : vector<1x1x16xf32> to vector<16xf32>
      %add3A_1390 = arith.addf %add3A_1358, %get3A_1389 : vector<16xf32>
      %get3A_1391 = arith.constant 0 : i32
      %get3A_1392 = arith.constant 39 : i32
      %get3A_1393 = arith.index_cast %get3A_1391 : i32 to index
      %get3A_1394 = arith.index_cast %get3A_1392 : i32 to index
      %get3A_1395 = arith.constant 48 : index
      %get3A_1396 = tpu.vector_load %arg7[%get3A_1393, %get3A_1394, %get3A_1395] {strides = array<i32>} : memref<2x64x64xf32, #tpu.memory_space<vmem>>, vector<1x1x16xf32>,
      %get3A_1397 = vector.shape_cast %get3A_1396 : vector<1x1x16xf32> to vector<16xf32>
      %add3A_1398 = arith.addf %add3A_1366, %get3A_1397 : vector<16xf32>
      %get3A_1399 = arith.constant 0 : i32
      %get3A_1400 = arith.constant 40 : i32
      %get3A_1401 = arith.index_cast %get3A_1399 : i32 to index
      %get3A_1402 = arith.index_cast %get3A_1400 : i32 to index
      %get3A_1403 = arith.constant 0 : index
      %get3A_1404 = tpu.vector_load %arg7[%get3A_1401, %get3A_1402, %get3A_1403] {strides = array<i32>} : memref<2x64x64xf32, #tpu.memory_space<vmem>>, vector<1x1x16xf32>,
      %get3A_1405 = vector.shape_cast %get3A_1404 : vector<1x1x16xf32> to vector<16xf32>
      %add3A_1406 = arith.addf %add3A_1374, %get3A_1405 : vector<16xf32>
      %get3A_1407 = arith.constant 0 : i32
      %get3A_1408 = arith.constant 40 : i32
      %get3A_1409 = arith.index_cast %get3A_1407 : i32 to index
      %get3A_1410 = arith.index_cast %get3A_1408 : i32 to index
      %get3A_1411 = arith.constant 16 : index
      %get3A_1412 = tpu.vector_load %arg7[%get3A_1409, %get3A_1410, %get3A_1411] {strides = array<i32>} : memref<2x64x64xf32, #tpu.memory_space<vmem>>, vector<1x1x16xf32>,
      %get3A_1413 = vector.shape_cast %get3A_1412 : vector<1x1x16xf32> to vector<16xf32>
      %add3A_1414 = arith.addf %add3A_1382, %get3A_1413 : vector<16xf32>
      %get3A_1415 = arith.constant 0 : i32
      %get3A_1416 = arith.constant 40 : i32
      %get3A_1417 = arith.index_cast %get3A_1415 : i32 to index
      %get3A_1418 = arith.index_cast %get3A_1416 : i32 to index
      %get3A_1419 = arith.constant 32 : index
      %get3A_1420 = tpu.vector_load %arg7[%get3A_1417, %get3A_1418, %get3A_1419] {strides = array<i32>} : memref<2x64x64xf32, #tpu.memory_space<vmem>>, vector<1x1x16xf32>,
      %get3A_1421 = vector.shape_cast %get3A_1420 : vector<1x1x16xf32> to vector<16xf32>
      %add3A_1422 = arith.addf %add3A_1390, %get3A_1421 : vector<16xf32>
      %get3A_1423 = arith.constant 0 : i32
      %get3A_1424 = arith.constant 40 : i32
      %get3A_1425 = arith.index_cast %get3A_1423 : i32 to index
      %get3A_1426 = arith.index_cast %get3A_1424 : i32 to index
      %get3A_1427 = arith.constant 48 : index
      %get3A_1428 = tpu.vector_load %arg7[%get3A_1425, %get3A_1426, %get3A_1427] {strides = array<i32>} : memref<2x64x64xf32, #tpu.memory_space<vmem>>, vector<1x1x16xf32>,
      %get3A_1429 = vector.shape_cast %get3A_1428 : vector<1x1x16xf32> to vector<16xf32>
      %add3A_1430 = arith.addf %add3A_1398, %get3A_1429 : vector<16xf32>
      %get3A_1431 = arith.constant 0 : i32
      %get3A_1432 = arith.constant 41 : i32
      %get3A_1433 = arith.index_cast %get3A_1431 : i32 to index
      %get3A_1434 = arith.index_cast %get3A_1432 : i32 to index
      %get3A_1435 = arith.constant 0 : index
      %get3A_1436 = tpu.vector_load %arg7[%get3A_1433, %get3A_1434, %get3A_1435] {strides = array<i32>} : memref<2x64x64xf32, #tpu.memory_space<vmem>>, vector<1x1x16xf32>,
      %get3A_1437 = vector.shape_cast %get3A_1436 : vector<1x1x16xf32> to vector<16xf32>
      %add3A_1438 = arith.addf %add3A_1406, %get3A_1437 : vector<16xf32>
      %get3A_1439 = arith.constant 0 : i32
      %get3A_1440 = arith.constant 41 : i32
      %get3A_1441 = arith.index_cast %get3A_1439 : i32 to index
      %get3A_1442 = arith.index_cast %get3A_1440 : i32 to index
      %get3A_1443 = arith.constant 16 : index
      %get3A_1444 = tpu.vector_load %arg7[%get3A_1441, %get3A_1442, %get3A_1443] {strides = array<i32>} : memref<2x64x64xf32, #tpu.memory_space<vmem>>, vector<1x1x16xf32>,
      %get3A_1445 = vector.shape_cast %get3A_1444 : vector<1x1x16xf32> to vector<16xf32>
      %add3A_1446 = arith.addf %add3A_1414, %get3A_1445 : vector<16xf32>
      %get3A_1447 = arith.constant 0 : i32
      %get3A_1448 = arith.constant 41 : i32
      %get3A_1449 = arith.index_cast %get3A_1447 : i32 to index
      %get3A_1450 = arith.index_cast %get3A_1448 : i32 to index
      %get3A_1451 = arith.constant 32 : index
      %get3A_1452 = tpu.vector_load %arg7[%get3A_1449, %get3A_1450, %get3A_1451] {strides = array<i32>} : memref<2x64x64xf32, #tpu.memory_space<vmem>>, vector<1x1x16xf32>,
      %get3A_1453 = vector.shape_cast %get3A_1452 : vector<1x1x16xf32> to vector<16xf32>
      %add3A_1454 = arith.addf %add3A_1422, %get3A_1453 : vector<16xf32>
      %get3A_1455 = arith.constant 0 : i32
      %get3A_1456 = arith.constant 41 : i32
      %get3A_1457 = arith.index_cast %get3A_1455 : i32 to index
      %get3A_1458 = arith.index_cast %get3A_1456 : i32 to index
      %get3A_1459 = arith.constant 48 : index
      %get3A_1460 = tpu.vector_load %arg7[%get3A_1457, %get3A_1458, %get3A_1459] {strides = array<i32>} : memref<2x64x64xf32, #tpu.memory_space<vmem>>, vector<1x1x16xf32>,
      %get3A_1461 = vector.shape_cast %get3A_1460 : vector<1x1x16xf32> to vector<16xf32>
      %add3A_1462 = arith.addf %add3A_1430, %get3A_1461 : vector<16xf32>
      %get3A_1463 = arith.constant 0 : i32
      %get3A_1464 = arith.constant 42 : i32
      %get3A_1465 = arith.index_cast %get3A_1463 : i32 to index
      %get3A_1466 = arith.index_cast %get3A_1464 : i32 to index
      %get3A_1467 = arith.constant 0 : index
      %get3A_1468 = tpu.vector_load %arg7[%get3A_1465, %get3A_1466, %get3A_1467] {strides = array<i32>} : memref<2x64x64xf32, #tpu.memory_space<vmem>>, vector<1x1x16xf32>,
      %get3A_1469 = vector.shape_cast %get3A_1468 : vector<1x1x16xf32> to vector<16xf32>
      %add3A_1470 = arith.addf %add3A_1438, %get3A_1469 : vector<16xf32>
      %get3A_1471 = arith.constant 0 : i32
      %get3A_1472 = arith.constant 42 : i32
      %get3A_1473 = arith.index_cast %get3A_1471 : i32 to index
      %get3A_1474 = arith.index_cast %get3A_1472 : i32 to index
      %get3A_1475 = arith.constant 16 : index
      %get3A_1476 = tpu.vector_load %arg7[%get3A_1473, %get3A_1474, %get3A_1475] {strides = array<i32>} : memref<2x64x64xf32, #tpu.memory_space<vmem>>, vector<1x1x16xf32>,
      %get3A_1477 = vector.shape_cast %get3A_1476 : vector<1x1x16xf32> to vector<16xf32>
      %add3A_1478 = arith.addf %add3A_1446, %get3A_1477 : vector<16xf32>
      %get3A_1479 = arith.constant 0 : i32
      %get3A_1480 = arith.constant 42 : i32
      %get3A_1481 = arith.index_cast %get3A_1479 : i32 to index
      %get3A_1482 = arith.index_cast %get3A_1480 : i32 to index
      %get3A_1483 = arith.constant 32 : index
      %get3A_1484 = tpu.vector_load %arg7[%get3A_1481, %get3A_1482, %get3A_1483] {strides = array<i32>} : memref<2x64x64xf32, #tpu.memory_space<vmem>>, vector<1x1x16xf32>,
      %get3A_1485 = vector.shape_cast %get3A_1484 : vector<1x1x16xf32> to vector<16xf32>
      %add3A_1486 = arith.addf %add3A_1454, %get3A_1485 : vector<16xf32>
      %get3A_1487 = arith.constant 0 : i32
      %get3A_1488 = arith.constant 42 : i32
      %get3A_1489 = arith.index_cast %get3A_1487 : i32 to index
      %get3A_1490 = arith.index_cast %get3A_1488 : i32 to index
      %get3A_1491 = arith.constant 48 : index
      %get3A_1492 = tpu.vector_load %arg7[%get3A_1489, %get3A_1490, %get3A_1491] {strides = array<i32>} : memref<2x64x64xf32, #tpu.memory_space<vmem>>, vector<1x1x16xf32>,
      %get3A_1493 = vector.shape_cast %get3A_1492 : vector<1x1x16xf32> to vector<16xf32>
      %add3A_1494 = arith.addf %add3A_1462, %get3A_1493 : vector<16xf32>
      %get3A_1495 = arith.constant 0 : i32
      %get3A_1496 = arith.constant 43 : i32
      %get3A_1497 = arith.index_cast %get3A_1495 : i32 to index
      %get3A_1498 = arith.index_cast %get3A_1496 : i32 to index
      %get3A_1499 = arith.constant 0 : index
      %get3A_1500 = tpu.vector_load %arg7[%get3A_1497, %get3A_1498, %get3A_1499] {strides = array<i32>} : memref<2x64x64xf32, #tpu.memory_space<vmem>>, vector<1x1x16xf32>,
      %get3A_1501 = vector.shape_cast %get3A_1500 : vector<1x1x16xf32> to vector<16xf32>
      %add3A_1502 = arith.addf %add3A_1470, %get3A_1501 : vector<16xf32>
      %get3A_1503 = arith.constant 0 : i32
      %get3A_1504 = arith.constant 43 : i32
      %get3A_1505 = arith.index_cast %get3A_1503 : i32 to index
      %get3A_1506 = arith.index_cast %get3A_1504 : i32 to index
      %get3A_1507 = arith.constant 16 : index
      %get3A_1508 = tpu.vector_load %arg7[%get3A_1505, %get3A_1506, %get3A_1507] {strides = array<i32>} : memref<2x64x64xf32, #tpu.memory_space<vmem>>, vector<1x1x16xf32>,
      %get3A_1509 = vector.shape_cast %get3A_1508 : vector<1x1x16xf32> to vector<16xf32>
      %add3A_1510 = arith.addf %add3A_1478, %get3A_1509 : vector<16xf32>
      %get3A_1511 = arith.constant 0 : i32
      %get3A_1512 = arith.constant 43 : i32
      %get3A_1513 = arith.index_cast %get3A_1511 : i32 to index
      %get3A_1514 = arith.index_cast %get3A_1512 : i32 to index
      %get3A_1515 = arith.constant 32 : index
      %get3A_1516 = tpu.vector_load %arg7[%get3A_1513, %get3A_1514, %get3A_1515] {strides = array<i32>} : memref<2x64x64xf32, #tpu.memory_space<vmem>>, vector<1x1x16xf32>,
      %get3A_1517 = vector.shape_cast %get3A_1516 : vector<1x1x16xf32> to vector<16xf32>
      %add3A_1518 = arith.addf %add3A_1486, %get3A_1517 : vector<16xf32>
      %get3A_1519 = arith.constant 0 : i32
      %get3A_1520 = arith.constant 43 : i32
      %get3A_1521 = arith.index_cast %get3A_1519 : i32 to index
      %get3A_1522 = arith.index_cast %get3A_1520 : i32 to index
      %get3A_1523 = arith.constant 48 : index
      %get3A_1524 = tpu.vector_load %arg7[%get3A_1521, %get3A_1522, %get3A_1523] {strides = array<i32>} : memref<2x64x64xf32, #tpu.memory_space<vmem>>, vector<1x1x16xf32>,
      %get3A_1525 = vector.shape_cast %get3A_1524 : vector<1x1x16xf32> to vector<16xf32>
      %add3A_1526 = arith.addf %add3A_1494, %get3A_1525 : vector<16xf32>
      %get3A_1527 = arith.constant 0 : i32
      %get3A_1528 = arith.constant 44 : i32
      %get3A_1529 = arith.index_cast %get3A_1527 : i32 to index
      %get3A_1530 = arith.index_cast %get3A_1528 : i32 to index
      %get3A_1531 = arith.constant 0 : index
      %get3A_1532 = tpu.vector_load %arg7[%get3A_1529, %get3A_1530, %get3A_1531] {strides = array<i32>} : memref<2x64x64xf32, #tpu.memory_space<vmem>>, vector<1x1x16xf32>,
      %get3A_1533 = vector.shape_cast %get3A_1532 : vector<1x1x16xf32> to vector<16xf32>
      %add3A_1534 = arith.addf %add3A_1502, %get3A_1533 : vector<16xf32>
      %get3A_1535 = arith.constant 0 : i32
      %get3A_1536 = arith.constant 44 : i32
      %get3A_1537 = arith.index_cast %get3A_1535 : i32 to index
      %get3A_1538 = arith.index_cast %get3A_1536 : i32 to index
      %get3A_1539 = arith.constant 16 : index
      %get3A_1540 = tpu.vector_load %arg7[%get3A_1537, %get3A_1538, %get3A_1539] {strides = array<i32>} : memref<2x64x64xf32, #tpu.memory_space<vmem>>, vector<1x1x16xf32>,
      %get3A_1541 = vector.shape_cast %get3A_1540 : vector<1x1x16xf32> to vector<16xf32>
      %add3A_1542 = arith.addf %add3A_1510, %get3A_1541 : vector<16xf32>
      %get3A_1543 = arith.constant 0 : i32
      %get3A_1544 = arith.constant 44 : i32
      %get3A_1545 = arith.index_cast %get3A_1543 : i32 to index
      %get3A_1546 = arith.index_cast %get3A_1544 : i32 to index
      %get3A_1547 = arith.constant 32 : index
      %get3A_1548 = tpu.vector_load %arg7[%get3A_1545, %get3A_1546, %get3A_1547] {strides = array<i32>} : memref<2x64x64xf32, #tpu.memory_space<vmem>>, vector<1x1x16xf32>,
      %get3A_1549 = vector.shape_cast %get3A_1548 : vector<1x1x16xf32> to vector<16xf32>
      %add3A_1550 = arith.addf %add3A_1518, %get3A_1549 : vector<16xf32>
      %get3A_1551 = arith.constant 0 : i32
      %get3A_1552 = arith.constant 44 : i32
      %get3A_1553 = arith.index_cast %get3A_1551 : i32 to index
      %get3A_1554 = arith.index_cast %get3A_1552 : i32 to index
      %get3A_1555 = arith.constant 48 : index
      %get3A_1556 = tpu.vector_load %arg7[%get3A_1553, %get3A_1554, %get3A_1555] {strides = array<i32>} : memref<2x64x64xf32, #tpu.memory_space<vmem>>, vector<1x1x16xf32>,
      %get3A_1557 = vector.shape_cast %get3A_1556 : vector<1x1x16xf32> to vector<16xf32>
      %add3A_1558 = arith.addf %add3A_1526, %get3A_1557 : vector<16xf32>
      %get3A_1559 = arith.constant 0 : i32
      %get3A_1560 = arith.constant 45 : i32
      %get3A_1561 = arith.index_cast %get3A_1559 : i32 to index
      %get3A_1562 = arith.index_cast %get3A_1560 : i32 to index
      %get3A_1563 = arith.constant 0 : index
      %get3A_1564 = tpu.vector_load %arg7[%get3A_1561, %get3A_1562, %get3A_1563] {strides = array<i32>} : memref<2x64x64xf32, #tpu.memory_space<vmem>>, vector<1x1x16xf32>,
      %get3A_1565 = vector.shape_cast %get3A_1564 : vector<1x1x16xf32> to vector<16xf32>
      %add3A_1566 = arith.addf %add3A_1534, %get3A_1565 : vector<16xf32>
      %get3A_1567 = arith.constant 0 : i32
      %get3A_1568 = arith.constant 45 : i32
      %get3A_1569 = arith.index_cast %get3A_1567 : i32 to index
      %get3A_1570 = arith.index_cast %get3A_1568 : i32 to index
      %get3A_1571 = arith.constant 16 : index
      %get3A_1572 = tpu.vector_load %arg7[%get3A_1569, %get3A_1570, %get3A_1571] {strides = array<i32>} : memref<2x64x64xf32, #tpu.memory_space<vmem>>, vector<1x1x16xf32>,
      %get3A_1573 = vector.shape_cast %get3A_1572 : vector<1x1x16xf32> to vector<16xf32>
      %add3A_1574 = arith.addf %add3A_1542, %get3A_1573 : vector<16xf32>
      %get3A_1575 = arith.constant 0 : i32
      %get3A_1576 = arith.constant 45 : i32
      %get3A_1577 = arith.index_cast %get3A_1575 : i32 to index
      %get3A_1578 = arith.index_cast %get3A_1576 : i32 to index
      %get3A_1579 = arith.constant 32 : index
      %get3A_1580 = tpu.vector_load %arg7[%get3A_1577, %get3A_1578, %get3A_1579] {strides = array<i32>} : memref<2x64x64xf32, #tpu.memory_space<vmem>>, vector<1x1x16xf32>,
      %get3A_1581 = vector.shape_cast %get3A_1580 : vector<1x1x16xf32> to vector<16xf32>
      %add3A_1582 = arith.addf %add3A_1550, %get3A_1581 : vector<16xf32>
      %get3A_1583 = arith.constant 0 : i32
      %get3A_1584 = arith.constant 45 : i32
      %get3A_1585 = arith.index_cast %get3A_1583 : i32 to index
      %get3A_1586 = arith.index_cast %get3A_1584 : i32 to index
      %get3A_1587 = arith.constant 48 : index
      %get3A_1588 = tpu.vector_load %arg7[%get3A_1585, %get3A_1586, %get3A_1587] {strides = array<i32>} : memref<2x64x64xf32, #tpu.memory_space<vmem>>, vector<1x1x16xf32>,
      %get3A_1589 = vector.shape_cast %get3A_1588 : vector<1x1x16xf32> to vector<16xf32>
      %add3A_1590 = arith.addf %add3A_1558, %get3A_1589 : vector<16xf32>
      %get3A_1591 = arith.constant 0 : i32
      %get3A_1592 = arith.constant 46 : i32
      %get3A_1593 = arith.index_cast %get3A_1591 : i32 to index
      %get3A_1594 = arith.index_cast %get3A_1592 : i32 to index
      %get3A_1595 = arith.constant 0 : index
      %get3A_1596 = tpu.vector_load %arg7[%get3A_1593, %get3A_1594, %get3A_1595] {strides = array<i32>} : memref<2x64x64xf32, #tpu.memory_space<vmem>>, vector<1x1x16xf32>,
      %get3A_1597 = vector.shape_cast %get3A_1596 : vector<1x1x16xf32> to vector<16xf32>
      %add3A_1598 = arith.addf %add3A_1566, %get3A_1597 : vector<16xf32>
      %get3A_1599 = arith.constant 0 : i32
      %get3A_1600 = arith.constant 46 : i32
      %get3A_1601 = arith.index_cast %get3A_1599 : i32 to index
      %get3A_1602 = arith.index_cast %get3A_1600 : i32 to index
      %get3A_1603 = arith.constant 16 : index
      %get3A_1604 = tpu.vector_load %arg7[%get3A_1601, %get3A_1602, %get3A_1603] {strides = array<i32>} : memref<2x64x64xf32, #tpu.memory_space<vmem>>, vector<1x1x16xf32>,
      %get3A_1605 = vector.shape_cast %get3A_1604 : vector<1x1x16xf32> to vector<16xf32>
      %add3A_1606 = arith.addf %add3A_1574, %get3A_1605 : vector<16xf32>
      %get3A_1607 = arith.constant 0 : i32
      %get3A_1608 = arith.constant 46 : i32
      %get3A_1609 = arith.index_cast %get3A_1607 : i32 to index
      %get3A_1610 = arith.index_cast %get3A_1608 : i32 to index
      %get3A_1611 = arith.constant 32 : index
      %get3A_1612 = tpu.vector_load %arg7[%get3A_1609, %get3A_1610, %get3A_1611] {strides = array<i32>} : memref<2x64x64xf32, #tpu.memory_space<vmem>>, vector<1x1x16xf32>,
      %get3A_1613 = vector.shape_cast %get3A_1612 : vector<1x1x16xf32> to vector<16xf32>
      %add3A_1614 = arith.addf %add3A_1582, %get3A_1613 : vector<16xf32>
      %get3A_1615 = arith.constant 0 : i32
      %get3A_1616 = arith.constant 46 : i32
      %get3A_1617 = arith.index_cast %get3A_1615 : i32 to index
      %get3A_1618 = arith.index_cast %get3A_1616 : i32 to index
      %get3A_1619 = arith.constant 48 : index
      %get3A_1620 = tpu.vector_load %arg7[%get3A_1617, %get3A_1618, %get3A_1619] {strides = array<i32>} : memref<2x64x64xf32, #tpu.memory_space<vmem>>, vector<1x1x16xf32>,
      %get3A_1621 = vector.shape_cast %get3A_1620 : vector<1x1x16xf32> to vector<16xf32>
      %add3A_1622 = arith.addf %add3A_1590, %get3A_1621 : vector<16xf32>
      %get3A_1623 = arith.constant 0 : i32
      %get3A_1624 = arith.constant 47 : i32
      %get3A_1625 = arith.index_cast %get3A_1623 : i32 to index
      %get3A_1626 = arith.index_cast %get3A_1624 : i32 to index
      %get3A_1627 = arith.constant 0 : index
      %get3A_1628 = tpu.vector_load %arg7[%get3A_1625, %get3A_1626, %get3A_1627] {strides = array<i32>} : memref<2x64x64xf32, #tpu.memory_space<vmem>>, vector<1x1x16xf32>,
      %get3A_1629 = vector.shape_cast %get3A_1628 : vector<1x1x16xf32> to vector<16xf32>
      %add3A_1630 = arith.addf %add3A_1598, %get3A_1629 : vector<16xf32>
      %get3A_1631 = arith.constant 0 : i32
      %get3A_1632 = arith.constant 47 : i32
      %get3A_1633 = arith.index_cast %get3A_1631 : i32 to index
      %get3A_1634 = arith.index_cast %get3A_1632 : i32 to index
      %get3A_1635 = arith.constant 16 : index
      %get3A_1636 = tpu.vector_load %arg7[%get3A_1633, %get3A_1634, %get3A_1635] {strides = array<i32>} : memref<2x64x64xf32, #tpu.memory_space<vmem>>, vector<1x1x16xf32>,
      %get3A_1637 = vector.shape_cast %get3A_1636 : vector<1x1x16xf32> to vector<16xf32>
      %add3A_1638 = arith.addf %add3A_1606, %get3A_1637 : vector<16xf32>
      %get3A_1639 = arith.constant 0 : i32
      %get3A_1640 = arith.constant 47 : i32
      %get3A_1641 = arith.index_cast %get3A_1639 : i32 to index
      %get3A_1642 = arith.index_cast %get3A_1640 : i32 to index
      %get3A_1643 = arith.constant 32 : index
      %get3A_1644 = tpu.vector_load %arg7[%get3A_1641, %get3A_1642, %get3A_1643] {strides = array<i32>} : memref<2x64x64xf32, #tpu.memory_space<vmem>>, vector<1x1x16xf32>,
      %get3A_1645 = vector.shape_cast %get3A_1644 : vector<1x1x16xf32> to vector<16xf32>
      %add3A_1646 = arith.addf %add3A_1614, %get3A_1645 : vector<16xf32>
      %get3A_1647 = arith.constant 0 : i32
      %get3A_1648 = arith.constant 47 : i32
      %get3A_1649 = arith.index_cast %get3A_1647 : i32 to index
      %get3A_1650 = arith.index_cast %get3A_1648 : i32 to index
      %get3A_1651 = arith.constant 48 : index
      %get3A_1652 = tpu.vector_load %arg7[%get3A_1649, %get3A_1650, %get3A_1651] {strides = array<i32>} : memref<2x64x64xf32, #tpu.memory_space<vmem>>, vector<1x1x16xf32>,
      %get3A_1653 = vector.shape_cast %get3A_1652 : vector<1x1x16xf32> to vector<16xf32>
      %add3A_1654 = arith.addf %add3A_1622, %get3A_1653 : vector<16xf32>
      %get3A_1655 = arith.constant 0 : i32
      %get3A_1656 = arith.constant 48 : i32
      %get3A_1657 = arith.index_cast %get3A_1655 : i32 to index
      %get3A_1658 = arith.index_cast %get3A_1656 : i32 to index
      %get3A_1659 = arith.constant 0 : index
      %get3A_1660 = tpu.vector_load %arg7[%get3A_1657, %get3A_1658, %get3A_1659] {strides = array<i32>} : memref<2x64x64xf32, #tpu.memory_space<vmem>>, vector<1x1x16xf32>,
      %get3A_1661 = vector.shape_cast %get3A_1660 : vector<1x1x16xf32> to vector<16xf32>
      %add3A_1662 = arith.addf %add3A_1630, %get3A_1661 : vector<16xf32>
      %get3A_1663 = arith.constant 0 : i32
      %get3A_1664 = arith.constant 48 : i32
      %get3A_1665 = arith.index_cast %get3A_1663 : i32 to index
      %get3A_1666 = arith.index_cast %get3A_1664 : i32 to index
      %get3A_1667 = arith.constant 16 : index
      %get3A_1668 = tpu.vector_load %arg7[%get3A_1665, %get3A_1666, %get3A_1667] {strides = array<i32>} : memref<2x64x64xf32, #tpu.memory_space<vmem>>, vector<1x1x16xf32>,
      %get3A_1669 = vector.shape_cast %get3A_1668 : vector<1x1x16xf32> to vector<16xf32>
      %add3A_1670 = arith.addf %add3A_1638, %get3A_1669 : vector<16xf32>
      %get3A_1671 = arith.constant 0 : i32
      %get3A_1672 = arith.constant 48 : i32
      %get3A_1673 = arith.index_cast %get3A_1671 : i32 to index
      %get3A_1674 = arith.index_cast %get3A_1672 : i32 to index
      %get3A_1675 = arith.constant 32 : index
      %get3A_1676 = tpu.vector_load %arg7[%get3A_1673, %get3A_1674, %get3A_1675] {strides = array<i32>} : memref<2x64x64xf32, #tpu.memory_space<vmem>>, vector<1x1x16xf32>,
      %get3A_1677 = vector.shape_cast %get3A_1676 : vector<1x1x16xf32> to vector<16xf32>
      %add3A_1678 = arith.addf %add3A_1646, %get3A_1677 : vector<16xf32>
      %get3A_1679 = arith.constant 0 : i32
      %get3A_1680 = arith.constant 48 : i32
      %get3A_1681 = arith.index_cast %get3A_1679 : i32 to index
      %get3A_1682 = arith.index_cast %get3A_1680 : i32 to index
      %get3A_1683 = arith.constant 48 : index
      %get3A_1684 = tpu.vector_load %arg7[%get3A_1681, %get3A_1682, %get3A_1683] {strides = array<i32>} : memref<2x64x64xf32, #tpu.memory_space<vmem>>, vector<1x1x16xf32>,
      %get3A_1685 = vector.shape_cast %get3A_1684 : vector<1x1x16xf32> to vector<16xf32>
      %add3A_1686 = arith.addf %add3A_1654, %get3A_1685 : vector<16xf32>
      %get3A_1687 = arith.constant 0 : i32
      %get3A_1688 = arith.constant 49 : i32
      %get3A_1689 = arith.index_cast %get3A_1687 : i32 to index
      %get3A_1690 = arith.index_cast %get3A_1688 : i32 to index
      %get3A_1691 = arith.constant 0 : index
      %get3A_1692 = tpu.vector_load %arg7[%get3A_1689, %get3A_1690, %get3A_1691] {strides = array<i32>} : memref<2x64x64xf32, #tpu.memory_space<vmem>>, vector<1x1x16xf32>,
      %get3A_1693 = vector.shape_cast %get3A_1692 : vector<1x1x16xf32> to vector<16xf32>
      %add3A_1694 = arith.addf %add3A_1662, %get3A_1693 : vector<16xf32>
      %get3A_1695 = arith.constant 0 : i32
      %get3A_1696 = arith.constant 49 : i32
      %get3A_1697 = arith.index_cast %get3A_1695 : i32 to index
      %get3A_1698 = arith.index_cast %get3A_1696 : i32 to index
      %get3A_1699 = arith.constant 16 : index
      %get3A_1700 = tpu.vector_load %arg7[%get3A_1697, %get3A_1698, %get3A_1699] {strides = array<i32>} : memref<2x64x64xf32, #tpu.memory_space<vmem>>, vector<1x1x16xf32>,
      %get3A_1701 = vector.shape_cast %get3A_1700 : vector<1x1x16xf32> to vector<16xf32>
      %add3A_1702 = arith.addf %add3A_1670, %get3A_1701 : vector<16xf32>
      %get3A_1703 = arith.constant 0 : i32
      %get3A_1704 = arith.constant 49 : i32
      %get3A_1705 = arith.index_cast %get3A_1703 : i32 to index
      %get3A_1706 = arith.index_cast %get3A_1704 : i32 to index
      %get3A_1707 = arith.constant 32 : index
      %get3A_1708 = tpu.vector_load %arg7[%get3A_1705, %get3A_1706, %get3A_1707] {strides = array<i32>} : memref<2x64x64xf32, #tpu.memory_space<vmem>>, vector<1x1x16xf32>,
      %get3A_1709 = vector.shape_cast %get3A_1708 : vector<1x1x16xf32> to vector<16xf32>
      %add3A_1710 = arith.addf %add3A_1678, %get3A_1709 : vector<16xf32>
      %get3A_1711 = arith.constant 0 : i32
      %get3A_1712 = arith.constant 49 : i32
      %get3A_1713 = arith.index_cast %get3A_1711 : i32 to index
      %get3A_1714 = arith.index_cast %get3A_1712 : i32 to index
      %get3A_1715 = arith.constant 48 : index
      %get3A_1716 = tpu.vector_load %arg7[%get3A_1713, %get3A_1714, %get3A_1715] {strides = array<i32>} : memref<2x64x64xf32, #tpu.memory_space<vmem>>, vector<1x1x16xf32>,
      %get3A_1717 = vector.shape_cast %get3A_1716 : vector<1x1x16xf32> to vector<16xf32>
      %add3A_1718 = arith.addf %add3A_1686, %get3A_1717 : vector<16xf32>
      %get3A_1719 = arith.constant 0 : i32
      %get3A_1720 = arith.constant 50 : i32
      %get3A_1721 = arith.index_cast %get3A_1719 : i32 to index
      %get3A_1722 = arith.index_cast %get3A_1720 : i32 to index
      %get3A_1723 = arith.constant 0 : index
      %get3A_1724 = tpu.vector_load %arg7[%get3A_1721, %get3A_1722, %get3A_1723] {strides = array<i32>} : memref<2x64x64xf32, #tpu.memory_space<vmem>>, vector<1x1x16xf32>,
      %get3A_1725 = vector.shape_cast %get3A_1724 : vector<1x1x16xf32> to vector<16xf32>
      %add3A_1726 = arith.addf %add3A_1694, %get3A_1725 : vector<16xf32>
      %get3A_1727 = arith.constant 0 : i32
      %get3A_1728 = arith.constant 50 : i32
      %get3A_1729 = arith.index_cast %get3A_1727 : i32 to index
      %get3A_1730 = arith.index_cast %get3A_1728 : i32 to index
      %get3A_1731 = arith.constant 16 : index
      %get3A_1732 = tpu.vector_load %arg7[%get3A_1729, %get3A_1730, %get3A_1731] {strides = array<i32>} : memref<2x64x64xf32, #tpu.memory_space<vmem>>, vector<1x1x16xf32>,
      %get3A_1733 = vector.shape_cast %get3A_1732 : vector<1x1x16xf32> to vector<16xf32>
      %add3A_1734 = arith.addf %add3A_1702, %get3A_1733 : vector<16xf32>
      %get3A_1735 = arith.constant 0 : i32
      %get3A_1736 = arith.constant 50 : i32
      %get3A_1737 = arith.index_cast %get3A_1735 : i32 to index
      %get3A_1738 = arith.index_cast %get3A_1736 : i32 to index
      %get3A_1739 = arith.constant 32 : index
      %get3A_1740 = tpu.vector_load %arg7[%get3A_1737, %get3A_1738, %get3A_1739] {strides = array<i32>} : memref<2x64x64xf32, #tpu.memory_space<vmem>>, vector<1x1x16xf32>,
      %get3A_1741 = vector.shape_cast %get3A_1740 : vector<1x1x16xf32> to vector<16xf32>
      %add3A_1742 = arith.addf %add3A_1710, %get3A_1741 : vector<16xf32>
      %get3A_1743 = arith.constant 0 : i32
      %get3A_1744 = arith.constant 50 : i32
      %get3A_1745 = arith.index_cast %get3A_1743 : i32 to index
      %get3A_1746 = arith.index_cast %get3A_1744 : i32 to index
      %get3A_1747 = arith.constant 48 : index
      %get3A_1748 = tpu.vector_load %arg7[%get3A_1745, %get3A_1746, %get3A_1747] {strides = array<i32>} : memref<2x64x64xf32, #tpu.memory_space<vmem>>, vector<1x1x16xf32>,
      %get3A_1749 = vector.shape_cast %get3A_1748 : vector<1x1x16xf32> to vector<16xf32>
      %add3A_1750 = arith.addf %add3A_1718, %get3A_1749 : vector<16xf32>
      %get3A_1751 = arith.constant 0 : i32
      %get3A_1752 = arith.constant 51 : i32
      %get3A_1753 = arith.index_cast %get3A_1751 : i32 to index
      %get3A_1754 = arith.index_cast %get3A_1752 : i32 to index
      %get3A_1755 = arith.constant 0 : index
      %get3A_1756 = tpu.vector_load %arg7[%get3A_1753, %get3A_1754, %get3A_1755] {strides = array<i32>} : memref<2x64x64xf32, #tpu.memory_space<vmem>>, vector<1x1x16xf32>,
      %get3A_1757 = vector.shape_cast %get3A_1756 : vector<1x1x16xf32> to vector<16xf32>
      %add3A_1758 = arith.addf %add3A_1726, %get3A_1757 : vector<16xf32>
      %get3A_1759 = arith.constant 0 : i32
      %get3A_1760 = arith.constant 51 : i32
      %get3A_1761 = arith.index_cast %get3A_1759 : i32 to index
      %get3A_1762 = arith.index_cast %get3A_1760 : i32 to index
      %get3A_1763 = arith.constant 16 : index
      %get3A_1764 = tpu.vector_load %arg7[%get3A_1761, %get3A_1762, %get3A_1763] {strides = array<i32>} : memref<2x64x64xf32, #tpu.memory_space<vmem>>, vector<1x1x16xf32>,
      %get3A_1765 = vector.shape_cast %get3A_1764 : vector<1x1x16xf32> to vector<16xf32>
      %add3A_1766 = arith.addf %add3A_1734, %get3A_1765 : vector<16xf32>
      %get3A_1767 = arith.constant 0 : i32
      %get3A_1768 = arith.constant 51 : i32
      %get3A_1769 = arith.index_cast %get3A_1767 : i32 to index
      %get3A_1770 = arith.index_cast %get3A_1768 : i32 to index
      %get3A_1771 = arith.constant 32 : index
      %get3A_1772 = tpu.vector_load %arg7[%get3A_1769, %get3A_1770, %get3A_1771] {strides = array<i32>} : memref<2x64x64xf32, #tpu.memory_space<vmem>>, vector<1x1x16xf32>,
      %get3A_1773 = vector.shape_cast %get3A_1772 : vector<1x1x16xf32> to vector<16xf32>
      %add3A_1774 = arith.addf %add3A_1742, %get3A_1773 : vector<16xf32>
      %get3A_1775 = arith.constant 0 : i32
      %get3A_1776 = arith.constant 51 : i32
      %get3A_1777 = arith.index_cast %get3A_1775 : i32 to index
      %get3A_1778 = arith.index_cast %get3A_1776 : i32 to index
      %get3A_1779 = arith.constant 48 : index
      %get3A_1780 = tpu.vector_load %arg7[%get3A_1777, %get3A_1778, %get3A_1779] {strides = array<i32>} : memref<2x64x64xf32, #tpu.memory_space<vmem>>, vector<1x1x16xf32>,
      %get3A_1781 = vector.shape_cast %get3A_1780 : vector<1x1x16xf32> to vector<16xf32>
      %add3A_1782 = arith.addf %add3A_1750, %get3A_1781 : vector<16xf32>
      %get3A_1783 = arith.constant 0 : i32
      %get3A_1784 = arith.constant 52 : i32
      %get3A_1785 = arith.index_cast %get3A_1783 : i32 to index
      %get3A_1786 = arith.index_cast %get3A_1784 : i32 to index
      %get3A_1787 = arith.constant 0 : index
      %get3A_1788 = tpu.vector_load %arg7[%get3A_1785, %get3A_1786, %get3A_1787] {strides = array<i32>} : memref<2x64x64xf32, #tpu.memory_space<vmem>>, vector<1x1x16xf32>,
      %get3A_1789 = vector.shape_cast %get3A_1788 : vector<1x1x16xf32> to vector<16xf32>
      %add3A_1790 = arith.addf %add3A_1758, %get3A_1789 : vector<16xf32>
      %get3A_1791 = arith.constant 0 : i32
      %get3A_1792 = arith.constant 52 : i32
      %get3A_1793 = arith.index_cast %get3A_1791 : i32 to index
      %get3A_1794 = arith.index_cast %get3A_1792 : i32 to index
      %get3A_1795 = arith.constant 16 : index
      %get3A_1796 = tpu.vector_load %arg7[%get3A_1793, %get3A_1794, %get3A_1795] {strides = array<i32>} : memref<2x64x64xf32, #tpu.memory_space<vmem>>, vector<1x1x16xf32>,
      %get3A_1797 = vector.shape_cast %get3A_1796 : vector<1x1x16xf32> to vector<16xf32>
      %add3A_1798 = arith.addf %add3A_1766, %get3A_1797 : vector<16xf32>
      %get3A_1799 = arith.constant 0 : i32
      %get3A_1800 = arith.constant 52 : i32
      %get3A_1801 = arith.index_cast %get3A_1799 : i32 to index
      %get3A_1802 = arith.index_cast %get3A_1800 : i32 to index
      %get3A_1803 = arith.constant 32 : index
      %get3A_1804 = tpu.vector_load %arg7[%get3A_1801, %get3A_1802, %get3A_1803] {strides = array<i32>} : memref<2x64x64xf32, #tpu.memory_space<vmem>>, vector<1x1x16xf32>,
      %get3A_1805 = vector.shape_cast %get3A_1804 : vector<1x1x16xf32> to vector<16xf32>
      %add3A_1806 = arith.addf %add3A_1774, %get3A_1805 : vector<16xf32>
      %get3A_1807 = arith.constant 0 : i32
      %get3A_1808 = arith.constant 52 : i32
      %get3A_1809 = arith.index_cast %get3A_1807 : i32 to index
      %get3A_1810 = arith.index_cast %get3A_1808 : i32 to index
      %get3A_1811 = arith.constant 48 : index
      %get3A_1812 = tpu.vector_load %arg7[%get3A_1809, %get3A_1810, %get3A_1811] {strides = array<i32>} : memref<2x64x64xf32, #tpu.memory_space<vmem>>, vector<1x1x16xf32>,
      %get3A_1813 = vector.shape_cast %get3A_1812 : vector<1x1x16xf32> to vector<16xf32>
      %add3A_1814 = arith.addf %add3A_1782, %get3A_1813 : vector<16xf32>
      %get3A_1815 = arith.constant 0 : i32
      %get3A_1816 = arith.constant 53 : i32
      %get3A_1817 = arith.index_cast %get3A_1815 : i32 to index
      %get3A_1818 = arith.index_cast %get3A_1816 : i32 to index
      %get3A_1819 = arith.constant 0 : index
      %get3A_1820 = tpu.vector_load %arg7[%get3A_1817, %get3A_1818, %get3A_1819] {strides = array<i32>} : memref<2x64x64xf32, #tpu.memory_space<vmem>>, vector<1x1x16xf32>,
      %get3A_1821 = vector.shape_cast %get3A_1820 : vector<1x1x16xf32> to vector<16xf32>
      %add3A_1822 = arith.addf %add3A_1790, %get3A_1821 : vector<16xf32>
      %get3A_1823 = arith.constant 0 : i32
      %get3A_1824 = arith.constant 53 : i32
      %get3A_1825 = arith.index_cast %get3A_1823 : i32 to index
      %get3A_1826 = arith.index_cast %get3A_1824 : i32 to index
      %get3A_1827 = arith.constant 16 : index
      %get3A_1828 = tpu.vector_load %arg7[%get3A_1825, %get3A_1826, %get3A_1827] {strides = array<i32>} : memref<2x64x64xf32, #tpu.memory_space<vmem>>, vector<1x1x16xf32>,
      %get3A_1829 = vector.shape_cast %get3A_1828 : vector<1x1x16xf32> to vector<16xf32>
      %add3A_1830 = arith.addf %add3A_1798, %get3A_1829 : vector<16xf32>
      %get3A_1831 = arith.constant 0 : i32
      %get3A_1832 = arith.constant 53 : i32
      %get3A_1833 = arith.index_cast %get3A_1831 : i32 to index
      %get3A_1834 = arith.index_cast %get3A_1832 : i32 to index
      %get3A_1835 = arith.constant 32 : index
      %get3A_1836 = tpu.vector_load %arg7[%get3A_1833, %get3A_1834, %get3A_1835] {strides = array<i32>} : memref<2x64x64xf32, #tpu.memory_space<vmem>>, vector<1x1x16xf32>,
      %get3A_1837 = vector.shape_cast %get3A_1836 : vector<1x1x16xf32> to vector<16xf32>
      %add3A_1838 = arith.addf %add3A_1806, %get3A_1837 : vector<16xf32>
      %get3A_1839 = arith.constant 0 : i32
      %get3A_1840 = arith.constant 53 : i32
      %get3A_1841 = arith.index_cast %get3A_1839 : i32 to index
      %get3A_1842 = arith.index_cast %get3A_1840 : i32 to index
      %get3A_1843 = arith.constant 48 : index
      %get3A_1844 = tpu.vector_load %arg7[%get3A_1841, %get3A_1842, %get3A_1843] {strides = array<i32>} : memref<2x64x64xf32, #tpu.memory_space<vmem>>, vector<1x1x16xf32>,
      %get3A_1845 = vector.shape_cast %get3A_1844 : vector<1x1x16xf32> to vector<16xf32>
      %add3A_1846 = arith.addf %add3A_1814, %get3A_1845 : vector<16xf32>
      %get3A_1847 = arith.constant 0 : i32
      %get3A_1848 = arith.constant 54 : i32
      %get3A_1849 = arith.index_cast %get3A_1847 : i32 to index
      %get3A_1850 = arith.index_cast %get3A_1848 : i32 to index
      %get3A_1851 = arith.constant 0 : index
      %get3A_1852 = tpu.vector_load %arg7[%get3A_1849, %get3A_1850, %get3A_1851] {strides = array<i32>} : memref<2x64x64xf32, #tpu.memory_space<vmem>>, vector<1x1x16xf32>,
      %get3A_1853 = vector.shape_cast %get3A_1852 : vector<1x1x16xf32> to vector<16xf32>
      %add3A_1854 = arith.addf %add3A_1822, %get3A_1853 : vector<16xf32>
      %get3A_1855 = arith.constant 0 : i32
      %get3A_1856 = arith.constant 54 : i32
      %get3A_1857 = arith.index_cast %get3A_1855 : i32 to index
      %get3A_1858 = arith.index_cast %get3A_1856 : i32 to index
      %get3A_1859 = arith.constant 16 : index
      %get3A_1860 = tpu.vector_load %arg7[%get3A_1857, %get3A_1858, %get3A_1859] {strides = array<i32>} : memref<2x64x64xf32, #tpu.memory_space<vmem>>, vector<1x1x16xf32>,
      %get3A_1861 = vector.shape_cast %get3A_1860 : vector<1x1x16xf32> to vector<16xf32>
      %add3A_1862 = arith.addf %add3A_1830, %get3A_1861 : vector<16xf32>
      %get3A_1863 = arith.constant 0 : i32
      %get3A_1864 = arith.constant 54 : i32
      %get3A_1865 = arith.index_cast %get3A_1863 : i32 to index
      %get3A_1866 = arith.index_cast %get3A_1864 : i32 to index
      %get3A_1867 = arith.constant 32 : index
      %get3A_1868 = tpu.vector_load %arg7[%get3A_1865, %get3A_1866, %get3A_1867] {strides = array<i32>} : memref<2x64x64xf32, #tpu.memory_space<vmem>>, vector<1x1x16xf32>,
      %get3A_1869 = vector.shape_cast %get3A_1868 : vector<1x1x16xf32> to vector<16xf32>
      %add3A_1870 = arith.addf %add3A_1838, %get3A_1869 : vector<16xf32>
      %get3A_1871 = arith.constant 0 : i32
      %get3A_1872 = arith.constant 54 : i32
      %get3A_1873 = arith.index_cast %get3A_1871 : i32 to index
      %get3A_1874 = arith.index_cast %get3A_1872 : i32 to index
      %get3A_1875 = arith.constant 48 : index
      %get3A_1876 = tpu.vector_load %arg7[%get3A_1873, %get3A_1874, %get3A_1875] {strides = array<i32>} : memref<2x64x64xf32, #tpu.memory_space<vmem>>, vector<1x1x16xf32>,
      %get3A_1877 = vector.shape_cast %get3A_1876 : vector<1x1x16xf32> to vector<16xf32>
      %add3A_1878 = arith.addf %add3A_1846, %get3A_1877 : vector<16xf32>
      %get3A_1879 = arith.constant 0 : i32
      %get3A_1880 = arith.constant 55 : i32
      %get3A_1881 = arith.index_cast %get3A_1879 : i32 to index
      %get3A_1882 = arith.index_cast %get3A_1880 : i32 to index
      %get3A_1883 = arith.constant 0 : index
      %get3A_1884 = tpu.vector_load %arg7[%get3A_1881, %get3A_1882, %get3A_1883] {strides = array<i32>} : memref<2x64x64xf32, #tpu.memory_space<vmem>>, vector<1x1x16xf32>,
      %get3A_1885 = vector.shape_cast %get3A_1884 : vector<1x1x16xf32> to vector<16xf32>
      %add3A_1886 = arith.addf %add3A_1854, %get3A_1885 : vector<16xf32>
      %get3A_1887 = arith.constant 0 : i32
      %get3A_1888 = arith.constant 55 : i32
      %get3A_1889 = arith.index_cast %get3A_1887 : i32 to index
      %get3A_1890 = arith.index_cast %get3A_1888 : i32 to index
      %get3A_1891 = arith.constant 16 : index
      %get3A_1892 = tpu.vector_load %arg7[%get3A_1889, %get3A_1890, %get3A_1891] {strides = array<i32>} : memref<2x64x64xf32, #tpu.memory_space<vmem>>, vector<1x1x16xf32>,
      %get3A_1893 = vector.shape_cast %get3A_1892 : vector<1x1x16xf32> to vector<16xf32>
      %add3A_1894 = arith.addf %add3A_1862, %get3A_1893 : vector<16xf32>
      %get3A_1895 = arith.constant 0 : i32
      %get3A_1896 = arith.constant 55 : i32
      %get3A_1897 = arith.index_cast %get3A_1895 : i32 to index
      %get3A_1898 = arith.index_cast %get3A_1896 : i32 to index
      %get3A_1899 = arith.constant 32 : index
      %get3A_1900 = tpu.vector_load %arg7[%get3A_1897, %get3A_1898, %get3A_1899] {strides = array<i32>} : memref<2x64x64xf32, #tpu.memory_space<vmem>>, vector<1x1x16xf32>,
      %get3A_1901 = vector.shape_cast %get3A_1900 : vector<1x1x16xf32> to vector<16xf32>
      %add3A_1902 = arith.addf %add3A_1870, %get3A_1901 : vector<16xf32>
      %get3A_1903 = arith.constant 0 : i32
      %get3A_1904 = arith.constant 55 : i32
      %get3A_1905 = arith.index_cast %get3A_1903 : i32 to index
      %get3A_1906 = arith.index_cast %get3A_1904 : i32 to index
      %get3A_1907 = arith.constant 48 : index
      %get3A_1908 = tpu.vector_load %arg7[%get3A_1905, %get3A_1906, %get3A_1907] {strides = array<i32>} : memref<2x64x64xf32, #tpu.memory_space<vmem>>, vector<1x1x16xf32>,
      %get3A_1909 = vector.shape_cast %get3A_1908 : vector<1x1x16xf32> to vector<16xf32>
      %add3A_1910 = arith.addf %add3A_1878, %get3A_1909 : vector<16xf32>
      %get3A_1911 = arith.constant 0 : i32
      %get3A_1912 = arith.constant 56 : i32
      %get3A_1913 = arith.index_cast %get3A_1911 : i32 to index
      %get3A_1914 = arith.index_cast %get3A_1912 : i32 to index
      %get3A_1915 = arith.constant 0 : index
      %get3A_1916 = tpu.vector_load %arg7[%get3A_1913, %get3A_1914, %get3A_1915] {strides = array<i32>} : memref<2x64x64xf32, #tpu.memory_space<vmem>>, vector<1x1x16xf32>,
      %get3A_1917 = vector.shape_cast %get3A_1916 : vector<1x1x16xf32> to vector<16xf32>
      %add3A_1918 = arith.addf %add3A_1886, %get3A_1917 : vector<16xf32>
      %get3A_1919 = arith.constant 0 : i32
      %get3A_1920 = arith.constant 56 : i32
      %get3A_1921 = arith.index_cast %get3A_1919 : i32 to index
      %get3A_1922 = arith.index_cast %get3A_1920 : i32 to index
      %get3A_1923 = arith.constant 16 : index
      %get3A_1924 = tpu.vector_load %arg7[%get3A_1921, %get3A_1922, %get3A_1923] {strides = array<i32>} : memref<2x64x64xf32, #tpu.memory_space<vmem>>, vector<1x1x16xf32>,
      %get3A_1925 = vector.shape_cast %get3A_1924 : vector<1x1x16xf32> to vector<16xf32>
      %add3A_1926 = arith.addf %add3A_1894, %get3A_1925 : vector<16xf32>
      %get3A_1927 = arith.constant 0 : i32
      %get3A_1928 = arith.constant 56 : i32
      %get3A_1929 = arith.index_cast %get3A_1927 : i32 to index
      %get3A_1930 = arith.index_cast %get3A_1928 : i32 to index
      %get3A_1931 = arith.constant 32 : index
      %get3A_1932 = tpu.vector_load %arg7[%get3A_1929, %get3A_1930, %get3A_1931] {strides = array<i32>} : memref<2x64x64xf32, #tpu.memory_space<vmem>>, vector<1x1x16xf32>,
      %get3A_1933 = vector.shape_cast %get3A_1932 : vector<1x1x16xf32> to vector<16xf32>
      %add3A_1934 = arith.addf %add3A_1902, %get3A_1933 : vector<16xf32>
      %get3A_1935 = arith.constant 0 : i32
      %get3A_1936 = arith.constant 56 : i32
      %get3A_1937 = arith.index_cast %get3A_1935 : i32 to index
      %get3A_1938 = arith.index_cast %get3A_1936 : i32 to index
      %get3A_1939 = arith.constant 48 : index
      %get3A_1940 = tpu.vector_load %arg7[%get3A_1937, %get3A_1938, %get3A_1939] {strides = array<i32>} : memref<2x64x64xf32, #tpu.memory_space<vmem>>, vector<1x1x16xf32>,
      %get3A_1941 = vector.shape_cast %get3A_1940 : vector<1x1x16xf32> to vector<16xf32>
      %add3A_1942 = arith.addf %add3A_1910, %get3A_1941 : vector<16xf32>
      %get3A_1943 = arith.constant 0 : i32
      %get3A_1944 = arith.constant 57 : i32
      %get3A_1945 = arith.index_cast %get3A_1943 : i32 to index
      %get3A_1946 = arith.index_cast %get3A_1944 : i32 to index
      %get3A_1947 = arith.constant 0 : index
      %get3A_1948 = tpu.vector_load %arg7[%get3A_1945, %get3A_1946, %get3A_1947] {strides = array<i32>} : memref<2x64x64xf32, #tpu.memory_space<vmem>>, vector<1x1x16xf32>,
      %get3A_1949 = vector.shape_cast %get3A_1948 : vector<1x1x16xf32> to vector<16xf32>
      %add3A_1950 = arith.addf %add3A_1918, %get3A_1949 : vector<16xf32>
      %get3A_1951 = arith.constant 0 : i32
      %get3A_1952 = arith.constant 57 : i32
      %get3A_1953 = arith.index_cast %get3A_1951 : i32 to index
      %get3A_1954 = arith.index_cast %get3A_1952 : i32 to index
      %get3A_1955 = arith.constant 16 : index
      %get3A_1956 = tpu.vector_load %arg7[%get3A_1953, %get3A_1954, %get3A_1955] {strides = array<i32>} : memref<2x64x64xf32, #tpu.memory_space<vmem>>, vector<1x1x16xf32>,
      %get3A_1957 = vector.shape_cast %get3A_1956 : vector<1x1x16xf32> to vector<16xf32>
      %add3A_1958 = arith.addf %add3A_1926, %get3A_1957 : vector<16xf32>
      %get3A_1959 = arith.constant 0 : i32
      %get3A_1960 = arith.constant 57 : i32
      %get3A_1961 = arith.index_cast %get3A_1959 : i32 to index
      %get3A_1962 = arith.index_cast %get3A_1960 : i32 to index
      %get3A_1963 = arith.constant 32 : index
      %get3A_1964 = tpu.vector_load %arg7[%get3A_1961, %get3A_1962, %get3A_1963] {strides = array<i32>} : memref<2x64x64xf32, #tpu.memory_space<vmem>>, vector<1x1x16xf32>,
      %get3A_1965 = vector.shape_cast %get3A_1964 : vector<1x1x16xf32> to vector<16xf32>
      %add3A_1966 = arith.addf %add3A_1934, %get3A_1965 : vector<16xf32>
      %get3A_1967 = arith.constant 0 : i32
      %get3A_1968 = arith.constant 57 : i32
      %get3A_1969 = arith.index_cast %get3A_1967 : i32 to index
      %get3A_1970 = arith.index_cast %get3A_1968 : i32 to index
      %get3A_1971 = arith.constant 48 : index
      %get3A_1972 = tpu.vector_load %arg7[%get3A_1969, %get3A_1970, %get3A_1971] {strides = array<i32>} : memref<2x64x64xf32, #tpu.memory_space<vmem>>, vector<1x1x16xf32>,
      %get3A_1973 = vector.shape_cast %get3A_1972 : vector<1x1x16xf32> to vector<16xf32>
      %add3A_1974 = arith.addf %add3A_1942, %get3A_1973 : vector<16xf32>
      %get3A_1975 = arith.constant 0 : i32
      %get3A_1976 = arith.constant 58 : i32
      %get3A_1977 = arith.index_cast %get3A_1975 : i32 to index
      %get3A_1978 = arith.index_cast %get3A_1976 : i32 to index
      %get3A_1979 = arith.constant 0 : index
      %get3A_1980 = tpu.vector_load %arg7[%get3A_1977, %get3A_1978, %get3A_1979] {strides = array<i32>} : memref<2x64x64xf32, #tpu.memory_space<vmem>>, vector<1x1x16xf32>,
      %get3A_1981 = vector.shape_cast %get3A_1980 : vector<1x1x16xf32> to vector<16xf32>
      %add3A_1982 = arith.addf %add3A_1950, %get3A_1981 : vector<16xf32>
      %get3A_1983 = arith.constant 0 : i32
      %get3A_1984 = arith.constant 58 : i32
      %get3A_1985 = arith.index_cast %get3A_1983 : i32 to index
      %get3A_1986 = arith.index_cast %get3A_1984 : i32 to index
      %get3A_1987 = arith.constant 16 : index
      %get3A_1988 = tpu.vector_load %arg7[%get3A_1985, %get3A_1986, %get3A_1987] {strides = array<i32>} : memref<2x64x64xf32, #tpu.memory_space<vmem>>, vector<1x1x16xf32>,
      %get3A_1989 = vector.shape_cast %get3A_1988 : vector<1x1x16xf32> to vector<16xf32>
      %add3A_1990 = arith.addf %add3A_1958, %get3A_1989 : vector<16xf32>
      %get3A_1991 = arith.constant 0 : i32
      %get3A_1992 = arith.constant 58 : i32
      %get3A_1993 = arith.index_cast %get3A_1991 : i32 to index
      %get3A_1994 = arith.index_cast %get3A_1992 : i32 to index
      %get3A_1995 = arith.constant 32 : index
      %get3A_1996 = tpu.vector_load %arg7[%get3A_1993, %get3A_1994, %get3A_1995] {strides = array<i32>} : memref<2x64x64xf32, #tpu.memory_space<vmem>>, vector<1x1x16xf32>,
      %get3A_1997 = vector.shape_cast %get3A_1996 : vector<1x1x16xf32> to vector<16xf32>
      %add3A_1998 = arith.addf %add3A_1966, %get3A_1997 : vector<16xf32>
      %get3A_1999 = arith.constant 0 : i32
      %get3A_2000 = arith.constant 58 : i32
      %get3A_2001 = arith.index_cast %get3A_1999 : i32 to index
      %get3A_2002 = arith.index_cast %get3A_2000 : i32 to index
      %get3A_2003 = arith.constant 48 : index
      %get3A_2004 = tpu.vector_load %arg7[%get3A_2001, %get3A_2002, %get3A_2003] {strides = array<i32>} : memref<2x64x64xf32, #tpu.memory_space<vmem>>, vector<1x1x16xf32>,
      %get3A_2005 = vector.shape_cast %get3A_2004 : vector<1x1x16xf32> to vector<16xf32>
      %add3A_2006 = arith.addf %add3A_1974, %get3A_2005 : vector<16xf32>
      %get3A_2007 = arith.constant 0 : i32
      %get3A_2008 = arith.constant 59 : i32
      %get3A_2009 = arith.index_cast %get3A_2007 : i32 to index
      %get3A_2010 = arith.index_cast %get3A_2008 : i32 to index
      %get3A_2011 = arith.constant 0 : index
      %get3A_2012 = tpu.vector_load %arg7[%get3A_2009, %get3A_2010, %get3A_2011] {strides = array<i32>} : memref<2x64x64xf32, #tpu.memory_space<vmem>>, vector<1x1x16xf32>,
      %get3A_2013 = vector.shape_cast %get3A_2012 : vector<1x1x16xf32> to vector<16xf32>
      %add3A_2014 = arith.addf %add3A_1982, %get3A_2013 : vector<16xf32>
      %get3A_2015 = arith.constant 0 : i32
      %get3A_2016 = arith.constant 59 : i32
      %get3A_2017 = arith.index_cast %get3A_2015 : i32 to index
      %get3A_2018 = arith.index_cast %get3A_2016 : i32 to index
      %get3A_2019 = arith.constant 16 : index
      %get3A_2020 = tpu.vector_load %arg7[%get3A_2017, %get3A_2018, %get3A_2019] {strides = array<i32>} : memref<2x64x64xf32, #tpu.memory_space<vmem>>, vector<1x1x16xf32>,
      %get3A_2021 = vector.shape_cast %get3A_2020 : vector<1x1x16xf32> to vector<16xf32>
      %add3A_2022 = arith.addf %add3A_1990, %get3A_2021 : vector<16xf32>
      %get3A_2023 = arith.constant 0 : i32
      %get3A_2024 = arith.constant 59 : i32
      %get3A_2025 = arith.index_cast %get3A_2023 : i32 to index
      %get3A_2026 = arith.index_cast %get3A_2024 : i32 to index
      %get3A_2027 = arith.constant 32 : index
      %get3A_2028 = tpu.vector_load %arg7[%get3A_2025, %get3A_2026, %get3A_2027] {strides = array<i32>} : memref<2x64x64xf32, #tpu.memory_space<vmem>>, vector<1x1x16xf32>,
      %get3A_2029 = vector.shape_cast %get3A_2028 : vector<1x1x16xf32> to vector<16xf32>
      %add3A_2030 = arith.addf %add3A_1998, %get3A_2029 : vector<16xf32>
      %get3A_2031 = arith.constant 0 : i32
      %get3A_2032 = arith.constant 59 : i32
      %get3A_2033 = arith.index_cast %get3A_2031 : i32 to index
      %get3A_2034 = arith.index_cast %get3A_2032 : i32 to index
      %get3A_2035 = arith.constant 48 : index
      %get3A_2036 = tpu.vector_load %arg7[%get3A_2033, %get3A_2034, %get3A_2035] {strides = array<i32>} : memref<2x64x64xf32, #tpu.memory_space<vmem>>, vector<1x1x16xf32>,
      %get3A_2037 = vector.shape_cast %get3A_2036 : vector<1x1x16xf32> to vector<16xf32>
      %add3A_2038 = arith.addf %add3A_2006, %get3A_2037 : vector<16xf32>
      %get3A_2039 = arith.constant 0 : i32
      %get3A_2040 = arith.constant 60 : i32
      %get3A_2041 = arith.index_cast %get3A_2039 : i32 to index
      %get3A_2042 = arith.index_cast %get3A_2040 : i32 to index
      %get3A_2043 = arith.constant 0 : index
      %get3A_2044 = tpu.vector_load %arg7[%get3A_2041, %get3A_2042, %get3A_2043] {strides = array<i32>} : memref<2x64x64xf32, #tpu.memory_space<vmem>>, vector<1x1x16xf32>,
      %get3A_2045 = vector.shape_cast %get3A_2044 : vector<1x1x16xf32> to vector<16xf32>
      %add3A_2046 = arith.addf %add3A_2014, %get3A_2045 : vector<16xf32>
      %get3A_2047 = arith.constant 0 : i32
      %get3A_2048 = arith.constant 60 : i32
      %get3A_2049 = arith.index_cast %get3A_2047 : i32 to index
      %get3A_2050 = arith.index_cast %get3A_2048 : i32 to index
      %get3A_2051 = arith.constant 16 : index
      %get3A_2052 = tpu.vector_load %arg7[%get3A_2049, %get3A_2050, %get3A_2051] {strides = array<i32>} : memref<2x64x64xf32, #tpu.memory_space<vmem>>, vector<1x1x16xf32>,
      %get3A_2053 = vector.shape_cast %get3A_2052 : vector<1x1x16xf32> to vector<16xf32>
      %add3A_2054 = arith.addf %add3A_2022, %get3A_2053 : vector<16xf32>
      %get3A_2055 = arith.constant 0 : i32
      %get3A_2056 = arith.constant 60 : i32
      %get3A_2057 = arith.index_cast %get3A_2055 : i32 to index
      %get3A_2058 = arith.index_cast %get3A_2056 : i32 to index
      %get3A_2059 = arith.constant 32 : index
      %get3A_2060 = tpu.vector_load %arg7[%get3A_2057, %get3A_2058, %get3A_2059] {strides = array<i32>} : memref<2x64x64xf32, #tpu.memory_space<vmem>>, vector<1x1x16xf32>,
      %get3A_2061 = vector.shape_cast %get3A_2060 : vector<1x1x16xf32> to vector<16xf32>
      %add3A_2062 = arith.addf %add3A_2030, %get3A_2061 : vector<16xf32>
      %get3A_2063 = arith.constant 0 : i32
      %get3A_2064 = arith.constant 60 : i32
      %get3A_2065 = arith.index_cast %get3A_2063 : i32 to index
      %get3A_2066 = arith.index_cast %get3A_2064 : i32 to index
      %get3A_2067 = arith.constant 48 : index
      %get3A_2068 = tpu.vector_load %arg7[%get3A_2065, %get3A_2066, %get3A_2067] {strides = array<i32>} : memref<2x64x64xf32, #tpu.memory_space<vmem>>, vector<1x1x16xf32>,
      %get3A_2069 = vector.shape_cast %get3A_2068 : vector<1x1x16xf32> to vector<16xf32>
      %add3A_2070 = arith.addf %add3A_2038, %get3A_2069 : vector<16xf32>
      %get3A_2071 = arith.constant 0 : i32
      %get3A_2072 = arith.constant 61 : i32
      %get3A_2073 = arith.index_cast %get3A_2071 : i32 to index
      %get3A_2074 = arith.index_cast %get3A_2072 : i32 to index
      %get3A_2075 = arith.constant 0 : index
      %get3A_2076 = tpu.vector_load %arg7[%get3A_2073, %get3A_2074, %get3A_2075] {strides = array<i32>} : memref<2x64x64xf32, #tpu.memory_space<vmem>>, vector<1x1x16xf32>,
      %get3A_2077 = vector.shape_cast %get3A_2076 : vector<1x1x16xf32> to vector<16xf32>
      %add3A_2078 = arith.addf %add3A_2046, %get3A_2077 : vector<16xf32>
      %get3A_2079 = arith.constant 0 : i32
      %get3A_2080 = arith.constant 61 : i32
      %get3A_2081 = arith.index_cast %get3A_2079 : i32 to index
      %get3A_2082 = arith.index_cast %get3A_2080 : i32 to index
      %get3A_2083 = arith.constant 16 : index
      %get3A_2084 = tpu.vector_load %arg7[%get3A_2081, %get3A_2082, %get3A_2083] {strides = array<i32>} : memref<2x64x64xf32, #tpu.memory_space<vmem>>, vector<1x1x16xf32>,
      %get3A_2085 = vector.shape_cast %get3A_2084 : vector<1x1x16xf32> to vector<16xf32>
      %add3A_2086 = arith.addf %add3A_2054, %get3A_2085 : vector<16xf32>
      %get3A_2087 = arith.constant 0 : i32
      %get3A_2088 = arith.constant 61 : i32
      %get3A_2089 = arith.index_cast %get3A_2087 : i32 to index
      %get3A_2090 = arith.index_cast %get3A_2088 : i32 to index
      %get3A_2091 = arith.constant 32 : index
      %get3A_2092 = tpu.vector_load %arg7[%get3A_2089, %get3A_2090, %get3A_2091] {strides = array<i32>} : memref<2x64x64xf32, #tpu.memory_space<vmem>>, vector<1x1x16xf32>,
      %get3A_2093 = vector.shape_cast %get3A_2092 : vector<1x1x16xf32> to vector<16xf32>
      %add3A_2094 = arith.addf %add3A_2062, %get3A_2093 : vector<16xf32>
      %get3A_2095 = arith.constant 0 : i32
      %get3A_2096 = arith.constant 61 : i32
      %get3A_2097 = arith.index_cast %get3A_2095 : i32 to index
      %get3A_2098 = arith.index_cast %get3A_2096 : i32 to index
      %get3A_2099 = arith.constant 48 : index
      %get3A_2100 = tpu.vector_load %arg7[%get3A_2097, %get3A_2098, %get3A_2099] {strides = array<i32>} : memref<2x64x64xf32, #tpu.memory_space<vmem>>, vector<1x1x16xf32>,
      %get3A_2101 = vector.shape_cast %get3A_2100 : vector<1x1x16xf32> to vector<16xf32>
      %add3A_2102 = arith.addf %add3A_2070, %get3A_2101 : vector<16xf32>
      %get3A_2103 = arith.constant 0 : i32
      %get3A_2104 = arith.constant 62 : i32
      %get3A_2105 = arith.index_cast %get3A_2103 : i32 to index
      %get3A_2106 = arith.index_cast %get3A_2104 : i32 to index
      %get3A_2107 = arith.constant 0 : index
      %get3A_2108 = tpu.vector_load %arg7[%get3A_2105, %get3A_2106, %get3A_2107] {strides = array<i32>} : memref<2x64x64xf32, #tpu.memory_space<vmem>>, vector<1x1x16xf32>,
      %get3A_2109 = vector.shape_cast %get3A_2108 : vector<1x1x16xf32> to vector<16xf32>
      %add3A_2110 = arith.addf %add3A_2078, %get3A_2109 : vector<16xf32>
      %get3A_2111 = arith.constant 0 : i32
      %get3A_2112 = arith.constant 62 : i32
      %get3A_2113 = arith.index_cast %get3A_2111 : i32 to index
      %get3A_2114 = arith.index_cast %get3A_2112 : i32 to index
      %get3A_2115 = arith.constant 16 : index
      %get3A_2116 = tpu.vector_load %arg7[%get3A_2113, %get3A_2114, %get3A_2115] {strides = array<i32>} : memref<2x64x64xf32, #tpu.memory_space<vmem>>, vector<1x1x16xf32>,
      %get3A_2117 = vector.shape_cast %get3A_2116 : vector<1x1x16xf32> to vector<16xf32>
      %add3A_2118 = arith.addf %add3A_2086, %get3A_2117 : vector<16xf32>
      %get3A_2119 = arith.constant 0 : i32
      %get3A_2120 = arith.constant 62 : i32
      %get3A_2121 = arith.index_cast %get3A_2119 : i32 to index
      %get3A_2122 = arith.index_cast %get3A_2120 : i32 to index
      %get3A_2123 = arith.constant 32 : index
      %get3A_2124 = tpu.vector_load %arg7[%get3A_2121, %get3A_2122, %get3A_2123] {strides = array<i32>} : memref<2x64x64xf32, #tpu.memory_space<vmem>>, vector<1x1x16xf32>,
      %get3A_2125 = vector.shape_cast %get3A_2124 : vector<1x1x16xf32> to vector<16xf32>
      %add3A_2126 = arith.addf %add3A_2094, %get3A_2125 : vector<16xf32>
      %get3A_2127 = arith.constant 0 : i32
      %get3A_2128 = arith.constant 62 : i32
      %get3A_2129 = arith.index_cast %get3A_2127 : i32 to index
      %get3A_2130 = arith.index_cast %get3A_2128 : i32 to index
      %get3A_2131 = arith.constant 48 : index
      %get3A_2132 = tpu.vector_load %arg7[%get3A_2129, %get3A_2130, %get3A_2131] {strides = array<i32>} : memref<2x64x64xf32, #tpu.memory_space<vmem>>, vector<1x1x16xf32>,
      %get3A_2133 = vector.shape_cast %get3A_2132 : vector<1x1x16xf32> to vector<16xf32>
      %add3A_2134 = arith.addf %add3A_2102, %get3A_2133 : vector<16xf32>
      %get3A_2135 = arith.constant 0 : i32
      %get3A_2136 = arith.constant 63 : i32
      %get3A_2137 = arith.index_cast %get3A_2135 : i32 to index
      %get3A_2138 = arith.index_cast %get3A_2136 : i32 to index
      %get3A_2139 = arith.constant 0 : index
      %get3A_2140 = tpu.vector_load %arg7[%get3A_2137, %get3A_2138, %get3A_2139] {strides = array<i32>} : memref<2x64x64xf32, #tpu.memory_space<vmem>>, vector<1x1x16xf32>,
      %get3A_2141 = vector.shape_cast %get3A_2140 : vector<1x1x16xf32> to vector<16xf32>
      %add3A_2142 = arith.addf %add3A_2110, %get3A_2141 : vector<16xf32>
      %get3A_2143 = arith.constant 0 : i32
      %get3A_2144 = arith.constant 63 : i32
      %get3A_2145 = arith.index_cast %get3A_2143 : i32 to index
      %get3A_2146 = arith.index_cast %get3A_2144 : i32 to index
      %get3A_2147 = arith.constant 16 : index
      %get3A_2148 = tpu.vector_load %arg7[%get3A_2145, %get3A_2146, %get3A_2147] {strides = array<i32>} : memref<2x64x64xf32, #tpu.memory_space<vmem>>, vector<1x1x16xf32>,
      %get3A_2149 = vector.shape_cast %get3A_2148 : vector<1x1x16xf32> to vector<16xf32>
      %add3A_2150 = arith.addf %add3A_2118, %get3A_2149 : vector<16xf32>
      %get3A_2151 = arith.constant 0 : i32
      %get3A_2152 = arith.constant 63 : i32
      %get3A_2153 = arith.index_cast %get3A_2151 : i32 to index
      %get3A_2154 = arith.index_cast %get3A_2152 : i32 to index
      %get3A_2155 = arith.constant 32 : index
      %get3A_2156 = tpu.vector_load %arg7[%get3A_2153, %get3A_2154, %get3A_2155] {strides = array<i32>} : memref<2x64x64xf32, #tpu.memory_space<vmem>>, vector<1x1x16xf32>,
      %get3A_2157 = vector.shape_cast %get3A_2156 : vector<1x1x16xf32> to vector<16xf32>
      %add3A_2158 = arith.addf %add3A_2126, %get3A_2157 : vector<16xf32>
      %get3A_2159 = arith.constant 0 : i32
      %get3A_2160 = arith.constant 63 : i32
      %get3A_2161 = arith.index_cast %get3A_2159 : i32 to index
      %get3A_2162 = arith.index_cast %get3A_2160 : i32 to index
      %get3A_2163 = arith.constant 48 : index
      %get3A_2164 = tpu.vector_load %arg7[%get3A_2161, %get3A_2162, %get3A_2163] {strides = array<i32>} : memref<2x64x64xf32, #tpu.memory_space<vmem>>, vector<1x1x16xf32>,
      %get3A_2165 = vector.shape_cast %get3A_2164 : vector<1x1x16xf32> to vector<16xf32>
      %add3A_2166 = arith.addf %add3A_2134, %get3A_2165 : vector<16xf32>
      %mul3A_2167 = arith.constant 2.500000e-01 : f32
      %mul3A_2168 = vector.broadcast %mul3A_2167 : f32 to vector<16xf32>
      %mul3A_2169 = arith.mulf %add3A_2142, %mul3A_2168 : vector<16xf32>
      %add3A_2170 = arith.constant 1 : i32
      %add3A_2171 = arith.addi %mul3A_58, %add3A_2170 : i32
      %get3A_2172 = arith.index_cast %add3A_2171 : i32 to index
      %get3A_2173 = arith.constant 0 : index
      %get3A_2174 = tpu.vector_load %arg9[%get3A_2172, %get3A_2173] {strides = array<i32>} : memref<16x64xf32, #tpu.memory_space<vmem>>, vector<1x16xf32>,
      %get3A_2175 = vector.shape_cast %get3A_2174 : vector<1x16xf32> to vector<16xf32>
      %add3A_2176 = arith.addf %mul3A_2169, %get3A_2175 : vector<16xf32>
      %add3A_2177 = arith.constant 1 : i32
      %add3A_2178 = arith.addi %mul3A_60, %add3A_2177 : i32
      %swap3A_2179 = arith.index_cast %add3A_2178 : i32 to index
      %swap3A_2180 = arith.constant 0 : index
      %swap3A_2181 = tpu.vector_load %arg8[%swap3A_2179, %swap3A_2180] {strides = array<i32>} : memref<512x64xf32, #tpu.memory_space<vmem>>, vector<1x16xf32>,
      %swap3A_2182 = vector.shape_cast %swap3A_2181 : vector<1x16xf32> to vector<16xf32>
      %swap3A_2183 = vector.shape_cast %add3A_2176 : vector<16xf32> to vector<1x16xf32>
      tpu.vector_store %arg8[%swap3A_2179, %swap3A_2180], %swap3A_2183 {strides = array<i32>} : memref<512x64xf32, #tpu.memory_space<vmem>>, vector<1x16xf32>,
      %mul3A_2184 = arith.constant 2.500000e-01 : f32
      %mul3A_2185 = vector.broadcast %mul3A_2184 : f32 to vector<16xf32>
      %mul3A_2186 = arith.mulf %add3A_2150, %mul3A_2185 : vector<16xf32>
      %add3A_2187 = arith.constant 1 : i32
      %add3A_2188 = arith.addi %mul3A_58, %add3A_2187 : i32
      %get3A_2189 = arith.index_cast %add3A_2188 : i32 to index
      %get3A_2190 = arith.constant 16 : index
      %get3A_2191 = tpu.vector_load %arg9[%get3A_2189, %get3A_2190] {strides = array<i32>} : memref<16x64xf32, #tpu.memory_space<vmem>>, vector<1x16xf32>,
      %get3A_2192 = vector.shape_cast %get3A_2191 : vector<1x16xf32> to vector<16xf32>
      %add3A_2193 = arith.addf %mul3A_2186, %get3A_2192 : vector<16xf32>
      %add3A_2194 = arith.constant 1 : i32
      %add3A_2195 = arith.addi %mul3A_60, %add3A_2194 : i32
      %swap3A_2196 = arith.index_cast %add3A_2195 : i32 to index
      %swap3A_2197 = arith.constant 16 : index
      %swap3A_2198 = tpu.vector_load %arg8[%swap3A_2196, %swap3A_2197] {strides = array<i32>} : memref<512x64xf32, #tpu.memory_space<vmem>>, vector<1x16xf32>,
      %swap3A_2199 = vector.shape_cast %swap3A_2198 : vector<1x16xf32> to vector<16xf32>
      %swap3A_2200 = vector.shape_cast %add3A_2193 : vector<16xf32> to vector<1x16xf32>
      tpu.vector_store %arg8[%swap3A_2196, %swap3A_2197], %swap3A_2200 {strides = array<i32>} : memref<512x64xf32, #tpu.memory_space<vmem>>, vector<1x16xf32>,
      %mul3A_2201 = arith.constant 2.500000e-01 : f32
      %mul3A_2202 = vector.broadcast %mul3A_2201 : f32 to vector<16xf32>
      %mul3A_2203 = arith.mulf %add3A_2158, %mul3A_2202 : vector<16xf32>
      %add3A_2204 = arith.constant 1 : i32
      %add3A_2205 = arith.addi %mul3A_58, %add3A_2204 : i32
      %get3A_2206 = arith.index_cast %add3A_2205 : i32 to index
      %get3A_2207 = arith.constant 32 : index
      %get3A_2208 = tpu.vector_load %arg9[%get3A_2206, %get3A_2207] {strides = array<i32>} : memref<16x64xf32, #tpu.memory_space<vmem>>, vector<1x16xf32>,
      %get3A_2209 = vector.shape_cast %get3A_2208 : vector<1x16xf32> to vector<16xf32>
      %add3A_2210 = arith.addf %mul3A_2203, %get3A_2209 : vector<16xf32>
      %add3A_2211 = arith.constant 1 : i32
      %add3A_2212 = arith.addi %mul3A_60, %add3A_2211 : i32
      %swap3A_2213 = arith.index_cast %add3A_2212 : i32 to index
      %swap3A_2214 = arith.constant 32 : index
      %swap3A_2215 = tpu.vector_load %arg8[%swap3A_2213, %swap3A_2214] {strides = array<i32>} : memref<512x64xf32, #tpu.memory_space<vmem>>, vector<1x16xf32>,
      %swap3A_2216 = vector.shape_cast %swap3A_2215 : vector<1x16xf32> to vector<16xf32>
      %swap3A_2217 = vector.shape_cast %add3A_2210 : vector<16xf32> to vector<1x16xf32>
      tpu.vector_store %arg8[%swap3A_2213, %swap3A_2214], %swap3A_2217 {strides = array<i32>} : memref<512x64xf32, #tpu.memory_space<vmem>>, vector<1x16xf32>,
      %mul3A_2218 = arith.constant 2.500000e-01 : f32
      %mul3A_2219 = vector.broadcast %mul3A_2218 : f32 to vector<16xf32>
      %mul3A_2220 = arith.mulf %add3A_2166, %mul3A_2219 : vector<16xf32>
      %add3A_2221 = arith.constant 1 : i32
      %add3A_2222 = arith.addi %mul3A_58, %add3A_2221 : i32
      %get3A_2223 = arith.index_cast %add3A_2222 : i32 to index
      %get3A_2224 = arith.constant 48 : index
      %get3A_2225 = tpu.vector_load %arg9[%get3A_2223, %get3A_2224] {strides = array<i32>} : memref<16x64xf32, #tpu.memory_space<vmem>>, vector<1x16xf32>,
      %get3A_2226 = vector.shape_cast %get3A_2225 : vector<1x16xf32> to vector<16xf32>
      %add3A_2227 = arith.addf %mul3A_2220, %get3A_2226 : vector<16xf32>
      %add3A_2228 = arith.constant 1 : i32
      %add3A_2229 = arith.addi %mul3A_60, %add3A_2228 : i32
      %swap3A_2230 = arith.index_cast %add3A_2229 : i32 to index
      %swap3A_2231 = arith.constant 48 : index
      %swap3A_2232 = tpu.vector_load %arg8[%swap3A_2230, %swap3A_2231] {strides = array<i32>} : memref<512x64xf32, #tpu.memory_space<vmem>>, vector<1x16xf32>,
      %swap3A_2233 = vector.shape_cast %swap3A_2232 : vector<1x16xf32> to vector<16xf32>
      %swap3A_2234 = vector.shape_cast %add3A_2227 : vector<16xf32> to vector<1x16xf32>
      tpu.vector_store %arg8[%swap3A_2230, %swap3A_2231], %swap3A_2234 {strides = array<i32>} : memref<512x64xf32, #tpu.memory_space<vmem>>, vector<1x16xf32>,
      %add3A_2235 = arith.constant 2 : i32
      %add3A_2236 = arith.addi %add3A_37, %add3A_2235 : i32
      %lt3A_2237 = arith.constant 256 : i32
      %lt3A_2238 = arith.cmpi slt, %add3A_2236, %lt3A_2237 : i32
      %convert_element_type3A = arith.extui %lt3A_2238 : i1 to i32
      %cond3A = arith.constant 0 : i32
      %cond3A_2239 = arith.cmpi ne, %convert_element_type3A, %cond3A : i32
      scf.if %cond3A_2239 {
        %add3A_4456 = arith.constant 2 : i32
        %add3A_4457 = arith.addi %add3A_37, %add3A_4456 : i32
        %dma_start3A_4458 = arith.constant 0 : i32
        %dma_start3A_4459 = arith.constant 0 : i32
        %dma_start3A_4460 = arith.constant 0 : i32
        %dma_start3A_4461 = tpu.memref_slice %arg7[%dma_start3A_4458, %dma_start3A_4459, %dma_start3A_4460] : memref<2x64x64xf32, #tpu.memory_space<vmem>> -> memref<1x64x64xf32, #tpu.memory_space<vmem>>
        %dma_start3A_4462 = tpu.memref_squeeze %dma_start3A_4461 : memref<1x64x64xf32, #tpu.memory_space<vmem>> -> memref<64x64xf32, #tpu.memory_space<vmem>>
        %dma_start3A_4463 = arith.constant 0 : i32
        %dma_start3A_4464 = tpu.memref_slice %arg6[%add3A_4457, %dma_start3A_4463] : memref<256x64xi32, #tpu.memory_space<vmem>> -> memref<1x64xi32, #tpu.memory_space<vmem>>
        %dma_start3A_4465 = tpu.memref_squeeze %dma_start3A_4464 : memref<1x64xi32, #tpu.memory_space<vmem>> -> memref<64xi32, #tpu.memory_space<vmem>>
        %dma_start3A_4466 = arith.constant 0 : i32
        %dma_start3A_4467 = arith.constant 0 : i32
        %dma_start3A_4468 = tpu.memref_slice %arg3[%dma_start3A_4466, %dma_start3A_4467] : memref<100000x64xf32, #tpu.memory_space<hbm>> -> memref<100000x64xf32, #tpu.memory_space<hbm>>
        tpu.enqueue_indirect_dma source(%dma_start3A_4468 : memref<100000x64xf32, #tpu.memory_space<hbm>>) target(%dma_start3A_4462 : memref<64x64xf32, #tpu.memory_space<vmem>>) offsets(%dma_start3A_4465 : memref<64xi32, #tpu.memory_space<vmem>>) semaphore(%arg10 : memref<!tpu.dma_semaphore, #tpu.memory_space<semaphore_mem>>)
      } else {
      }
      %add3A_2240 = arith.constant 1 : i32
      %add3A_2241 = arith.addi %mul3A_35, %add3A_2240 : i32
      %dma_wait3A_2242 = arith.constant 1 : i32
      %dma_wait3A_2243 = arith.constant 0 : i32
      %dma_wait3A_2244 = arith.constant 0 : i32
      %dma_wait3A_2245 = tpu.memref_slice %arg7[%dma_wait3A_2242, %dma_wait3A_2243, %dma_wait3A_2244] : memref<2x64x64xf32, #tpu.memory_space<vmem>> -> memref<1x64x64xf32, #tpu.memory_space<vmem>>
      %dma_wait3A_2246 = tpu.memref_squeeze %dma_wait3A_2245 : memref<1x64x64xf32, #tpu.memory_space<vmem>> -> memref<64x64xf32, #tpu.memory_space<vmem>>
      %dma_wait3A_2247 = arith.constant 0 : i32
      %dma_wait3A_2248 = tpu.memref_slice %arg6[%add3A_2241, %dma_wait3A_2247] : memref<256x64xi32, #tpu.memory_space<vmem>> -> memref<1x64xi32, #tpu.memory_space<vmem>>
      %dma_wait3A_2249 = tpu.memref_squeeze %dma_wait3A_2248 : memref<1x64xi32, #tpu.memory_space<vmem>> -> memref<64xi32, #tpu.memory_space<vmem>>
      %dma_wait3A_2250 = arith.constant 0 : i32
      %dma_wait3A_2251 = arith.constant 0 : i32
      %dma_wait3A_2252 = tpu.memref_slice %arg3[%dma_wait3A_2250, %dma_wait3A_2251] : memref<100000x64xf32, #tpu.memory_space<hbm>> -> memref<100000x64xf32, #tpu.memory_space<hbm>>
      tpu.wait_indirect_dma semaphore(%arg11 : memref<!tpu.dma_semaphore, #tpu.memory_space<semaphore_mem>>) src(%dma_wait3A_2252 : memref<100000x64xf32, #tpu.memory_space<hbm>>) dst(%dma_wait3A_2246 : memref<64x64xf32, #tpu.memory_space<vmem>>)
      %jit3A_2253 = arith.constant 8 : i32
      %eq3A_2254 = arith.constant 0 : i32
      %eq3A_2255 = arith.cmpi eq, %jit3A_2253, %eq3A_2254 : i32
      %jit3A_2256 = arith.constant 1 : i32
      %select_n3A_2257 = arith.select %eq3A_2255, %jit3A_2256, %jit3A_2253 : i32
      %rem3A_2258 = arith.remsi %add3A_2241, %select_n3A_2257 : i32
      %ne3A_2259 = arith.constant 0 : i32
      %ne3A_2260 = arith.cmpi ne, %rem3A_2258, %ne3A_2259 : i32
      %lt3A_2261 = arith.constant 0 : i32
      %lt3A_2262 = arith.cmpi slt, %rem3A_2258, %lt3A_2261 : i32
      %lt3A_2263 = arith.constant 0 : i32
      %lt3A_2264 = arith.cmpi slt, %select_n3A_2257, %lt3A_2263 : i32
      %ne3A_2265 = arith.xori %lt3A_2262, %lt3A_2264 : i1
      %and3A_2266 = arith.andi %ne3A_2265, %ne3A_2260 : i1
      %add3A_2267 = arith.addi %rem3A_2258, %select_n3A_2257 : i32
      %select_n3A_2268 = arith.select %and3A_2266, %add3A_2267, %rem3A_2258 : i32
      %mul3A_2269 = arith.constant 2 : i32
      %mul3A_2270 = arith.muli %select_n3A_2268, %mul3A_2269 : i32
      %mul3A_2271 = arith.constant 2 : i32
      %mul3A_2272 = arith.muli %add3A_2241, %mul3A_2271 : i32
      %get3A_2273 = arith.constant 1 : i32
      %get3A_2274 = arith.constant 0 : i32
      %get3A_2275 = arith.index_cast %get3A_2273 : i32 to index
      %get3A_2276 = arith.index_cast %get3A_2274 : i32 to index
      %get3A_2277 = arith.constant 0 : index
      %get3A_2278 = tpu.vector_load %arg7[%get3A_2275, %get3A_2276, %get3A_2277] {strides = array<i32>} : memref<2x64x64xf32, #tpu.memory_space<vmem>>, vector<1x1x16xf32>,
      %get3A_2279 = vector.shape_cast %get3A_2278 : vector<1x1x16xf32> to vector<16xf32>
      %get3A_2280 = arith.constant 1 : i32
      %get3A_2281 = arith.constant 0 : i32
      %get3A_2282 = arith.index_cast %get3A_2280 : i32 to index
      %get3A_2283 = arith.index_cast %get3A_2281 : i32 to index
      %get3A_2284 = arith.constant 16 : index
      %get3A_2285 = tpu.vector_load %arg7[%get3A_2282, %get3A_2283, %get3A_2284] {strides = array<i32>} : memref<2x64x64xf32, #tpu.memory_space<vmem>>, vector<1x1x16xf32>,
      %get3A_2286 = vector.shape_cast %get3A_2285 : vector<1x1x16xf32> to vector<16xf32>
      %get3A_2287 = arith.constant 1 : i32
      %get3A_2288 = arith.constant 0 : i32
      %get3A_2289 = arith.index_cast %get3A_2287 : i32 to index
      %get3A_2290 = arith.index_cast %get3A_2288 : i32 to index
      %get3A_2291 = arith.constant 32 : index
      %get3A_2292 = tpu.vector_load %arg7[%get3A_2289, %get3A_2290, %get3A_2291] {strides = array<i32>} : memref<2x64x64xf32, #tpu.memory_space<vmem>>, vector<1x1x16xf32>,
      %get3A_2293 = vector.shape_cast %get3A_2292 : vector<1x1x16xf32> to vector<16xf32>
      %get3A_2294 = arith.constant 1 : i32
      %get3A_2295 = arith.constant 0 : i32
      %get3A_2296 = arith.index_cast %get3A_2294 : i32 to index
      %get3A_2297 = arith.index_cast %get3A_2295 : i32 to index
      %get3A_2298 = arith.constant 48 : index
      %get3A_2299 = tpu.vector_load %arg7[%get3A_2296, %get3A_2297, %get3A_2298] {strides = array<i32>} : memref<2x64x64xf32, #tpu.memory_space<vmem>>, vector<1x1x16xf32>,
      %get3A_2300 = vector.shape_cast %get3A_2299 : vector<1x1x16xf32> to vector<16xf32>
      %get3A_2301 = arith.constant 1 : i32
      %get3A_2302 = arith.constant 1 : i32
      %get3A_2303 = arith.index_cast %get3A_2301 : i32 to index
      %get3A_2304 = arith.index_cast %get3A_2302 : i32 to index
      %get3A_2305 = arith.constant 0 : index
      %get3A_2306 = tpu.vector_load %arg7[%get3A_2303, %get3A_2304, %get3A_2305] {strides = array<i32>} : memref<2x64x64xf32, #tpu.memory_space<vmem>>, vector<1x1x16xf32>,
      %get3A_2307 = vector.shape_cast %get3A_2306 : vector<1x1x16xf32> to vector<16xf32>
      %add3A_2308 = arith.addf %get3A_2279, %get3A_2307 : vector<16xf32>
      %get3A_2309 = arith.constant 1 : i32
      %get3A_2310 = arith.constant 1 : i32
      %get3A_2311 = arith.index_cast %get3A_2309 : i32 to index
      %get3A_2312 = arith.index_cast %get3A_2310 : i32 to index
      %get3A_2313 = arith.constant 16 : index
      %get3A_2314 = tpu.vector_load %arg7[%get3A_2311, %get3A_2312, %get3A_2313] {strides = array<i32>} : memref<2x64x64xf32, #tpu.memory_space<vmem>>, vector<1x1x16xf32>,
      %get3A_2315 = vector.shape_cast %get3A_2314 : vector<1x1x16xf32> to vector<16xf32>
      %add3A_2316 = arith.addf %get3A_2286, %get3A_2315 : vector<16xf32>
      %get3A_2317 = arith.constant 1 : i32
      %get3A_2318 = arith.constant 1 : i32
      %get3A_2319 = arith.index_cast %get3A_2317 : i32 to index
      %get3A_2320 = arith.index_cast %get3A_2318 : i32 to index
      %get3A_2321 = arith.constant 32 : index
      %get3A_2322 = tpu.vector_load %arg7[%get3A_2319, %get3A_2320, %get3A_2321] {strides = array<i32>} : memref<2x64x64xf32, #tpu.memory_space<vmem>>, vector<1x1x16xf32>,
      %get3A_2323 = vector.shape_cast %get3A_2322 : vector<1x1x16xf32> to vector<16xf32>
      %add3A_2324 = arith.addf %get3A_2293, %get3A_2323 : vector<16xf32>
      %get3A_2325 = arith.constant 1 : i32
      %get3A_2326 = arith.constant 1 : i32
      %get3A_2327 = arith.index_cast %get3A_2325 : i32 to index
      %get3A_2328 = arith.index_cast %get3A_2326 : i32 to index
      %get3A_2329 = arith.constant 48 : index
      %get3A_2330 = tpu.vector_load %arg7[%get3A_2327, %get3A_2328, %get3A_2329] {strides = array<i32>} : memref<2x64x64xf32, #tpu.memory_space<vmem>>, vector<1x1x16xf32>,
      %get3A_2331 = vector.shape_cast %get3A_2330 : vector<1x1x16xf32> to vector<16xf32>
      %add3A_2332 = arith.addf %get3A_2300, %get3A_2331 : vector<16xf32>
      %get3A_2333 = arith.constant 1 : i32
      %get3A_2334 = arith.constant 2 : i32
      %get3A_2335 = arith.index_cast %get3A_2333 : i32 to index
      %get3A_2336 = arith.index_cast %get3A_2334 : i32 to index
      %get3A_2337 = arith.constant 0 : index
      %get3A_2338 = tpu.vector_load %arg7[%get3A_2335, %get3A_2336, %get3A_2337] {strides = array<i32>} : memref<2x64x64xf32, #tpu.memory_space<vmem>>, vector<1x1x16xf32>,
      %get3A_2339 = vector.shape_cast %get3A_2338 : vector<1x1x16xf32> to vector<16xf32>
      %add3A_2340 = arith.addf %add3A_2308, %get3A_2339 : vector<16xf32>
      %get3A_2341 = arith.constant 1 : i32
      %get3A_2342 = arith.constant 2 : i32
      %get3A_2343 = arith.index_cast %get3A_2341 : i32 to index
      %get3A_2344 = arith.index_cast %get3A_2342 : i32 to index
      %get3A_2345 = arith.constant 16 : index
      %get3A_2346 = tpu.vector_load %arg7[%get3A_2343, %get3A_2344, %get3A_2345] {strides = array<i32>} : memref<2x64x64xf32, #tpu.memory_space<vmem>>, vector<1x1x16xf32>,
      %get3A_2347 = vector.shape_cast %get3A_2346 : vector<1x1x16xf32> to vector<16xf32>
      %add3A_2348 = arith.addf %add3A_2316, %get3A_2347 : vector<16xf32>
      %get3A_2349 = arith.constant 1 : i32
      %get3A_2350 = arith.constant 2 : i32
      %get3A_2351 = arith.index_cast %get3A_2349 : i32 to index
      %get3A_2352 = arith.index_cast %get3A_2350 : i32 to index
      %get3A_2353 = arith.constant 32 : index
      %get3A_2354 = tpu.vector_load %arg7[%get3A_2351, %get3A_2352, %get3A_2353] {strides = array<i32>} : memref<2x64x64xf32, #tpu.memory_space<vmem>>, vector<1x1x16xf32>,
      %get3A_2355 = vector.shape_cast %get3A_2354 : vector<1x1x16xf32> to vector<16xf32>
      %add3A_2356 = arith.addf %add3A_2324, %get3A_2355 : vector<16xf32>
      %get3A_2357 = arith.constant 1 : i32
      %get3A_2358 = arith.constant 2 : i32
      %get3A_2359 = arith.index_cast %get3A_2357 : i32 to index
      %get3A_2360 = arith.index_cast %get3A_2358 : i32 to index
      %get3A_2361 = arith.constant 48 : index
      %get3A_2362 = tpu.vector_load %arg7[%get3A_2359, %get3A_2360, %get3A_2361] {strides = array<i32>} : memref<2x64x64xf32, #tpu.memory_space<vmem>>, vector<1x1x16xf32>,
      %get3A_2363 = vector.shape_cast %get3A_2362 : vector<1x1x16xf32> to vector<16xf32>
      %add3A_2364 = arith.addf %add3A_2332, %get3A_2363 : vector<16xf32>
      %get3A_2365 = arith.constant 1 : i32
      %get3A_2366 = arith.constant 3 : i32
      %get3A_2367 = arith.index_cast %get3A_2365 : i32 to index
      %get3A_2368 = arith.index_cast %get3A_2366 : i32 to index
      %get3A_2369 = arith.constant 0 : index
      %get3A_2370 = tpu.vector_load %arg7[%get3A_2367, %get3A_2368, %get3A_2369] {strides = array<i32>} : memref<2x64x64xf32, #tpu.memory_space<vmem>>, vector<1x1x16xf32>,
      %get3A_2371 = vector.shape_cast %get3A_2370 : vector<1x1x16xf32> to vector<16xf32>
      %add3A_2372 = arith.addf %add3A_2340, %get3A_2371 : vector<16xf32>
      %get3A_2373 = arith.constant 1 : i32
      %get3A_2374 = arith.constant 3 : i32
      %get3A_2375 = arith.index_cast %get3A_2373 : i32 to index
      %get3A_2376 = arith.index_cast %get3A_2374 : i32 to index
      %get3A_2377 = arith.constant 16 : index
      %get3A_2378 = tpu.vector_load %arg7[%get3A_2375, %get3A_2376, %get3A_2377] {strides = array<i32>} : memref<2x64x64xf32, #tpu.memory_space<vmem>>, vector<1x1x16xf32>,
      %get3A_2379 = vector.shape_cast %get3A_2378 : vector<1x1x16xf32> to vector<16xf32>
      %add3A_2380 = arith.addf %add3A_2348, %get3A_2379 : vector<16xf32>
      %get3A_2381 = arith.constant 1 : i32
      %get3A_2382 = arith.constant 3 : i32
      %get3A_2383 = arith.index_cast %get3A_2381 : i32 to index
      %get3A_2384 = arith.index_cast %get3A_2382 : i32 to index
      %get3A_2385 = arith.constant 32 : index
      %get3A_2386 = tpu.vector_load %arg7[%get3A_2383, %get3A_2384, %get3A_2385] {strides = array<i32>} : memref<2x64x64xf32, #tpu.memory_space<vmem>>, vector<1x1x16xf32>,
      %get3A_2387 = vector.shape_cast %get3A_2386 : vector<1x1x16xf32> to vector<16xf32>
      %add3A_2388 = arith.addf %add3A_2356, %get3A_2387 : vector<16xf32>
      %get3A_2389 = arith.constant 1 : i32
      %get3A_2390 = arith.constant 3 : i32
      %get3A_2391 = arith.index_cast %get3A_2389 : i32 to index
      %get3A_2392 = arith.index_cast %get3A_2390 : i32 to index
      %get3A_2393 = arith.constant 48 : index
      %get3A_2394 = tpu.vector_load %arg7[%get3A_2391, %get3A_2392, %get3A_2393] {strides = array<i32>} : memref<2x64x64xf32, #tpu.memory_space<vmem>>, vector<1x1x16xf32>,
      %get3A_2395 = vector.shape_cast %get3A_2394 : vector<1x1x16xf32> to vector<16xf32>
      %add3A_2396 = arith.addf %add3A_2364, %get3A_2395 : vector<16xf32>
      %get3A_2397 = arith.constant 1 : i32
      %get3A_2398 = arith.constant 4 : i32
      %get3A_2399 = arith.index_cast %get3A_2397 : i32 to index
      %get3A_2400 = arith.index_cast %get3A_2398 : i32 to index
      %get3A_2401 = arith.constant 0 : index
      %get3A_2402 = tpu.vector_load %arg7[%get3A_2399, %get3A_2400, %get3A_2401] {strides = array<i32>} : memref<2x64x64xf32, #tpu.memory_space<vmem>>, vector<1x1x16xf32>,
      %get3A_2403 = vector.shape_cast %get3A_2402 : vector<1x1x16xf32> to vector<16xf32>
      %add3A_2404 = arith.addf %add3A_2372, %get3A_2403 : vector<16xf32>
      %get3A_2405 = arith.constant 1 : i32
      %get3A_2406 = arith.constant 4 : i32
      %get3A_2407 = arith.index_cast %get3A_2405 : i32 to index
      %get3A_2408 = arith.index_cast %get3A_2406 : i32 to index
      %get3A_2409 = arith.constant 16 : index
      %get3A_2410 = tpu.vector_load %arg7[%get3A_2407, %get3A_2408, %get3A_2409] {strides = array<i32>} : memref<2x64x64xf32, #tpu.memory_space<vmem>>, vector<1x1x16xf32>,
      %get3A_2411 = vector.shape_cast %get3A_2410 : vector<1x1x16xf32> to vector<16xf32>
      %add3A_2412 = arith.addf %add3A_2380, %get3A_2411 : vector<16xf32>
      %get3A_2413 = arith.constant 1 : i32
      %get3A_2414 = arith.constant 4 : i32
      %get3A_2415 = arith.index_cast %get3A_2413 : i32 to index
      %get3A_2416 = arith.index_cast %get3A_2414 : i32 to index
      %get3A_2417 = arith.constant 32 : index
      %get3A_2418 = tpu.vector_load %arg7[%get3A_2415, %get3A_2416, %get3A_2417] {strides = array<i32>} : memref<2x64x64xf32, #tpu.memory_space<vmem>>, vector<1x1x16xf32>,
      %get3A_2419 = vector.shape_cast %get3A_2418 : vector<1x1x16xf32> to vector<16xf32>
      %add3A_2420 = arith.addf %add3A_2388, %get3A_2419 : vector<16xf32>
      %get3A_2421 = arith.constant 1 : i32
      %get3A_2422 = arith.constant 4 : i32
      %get3A_2423 = arith.index_cast %get3A_2421 : i32 to index
      %get3A_2424 = arith.index_cast %get3A_2422 : i32 to index
      %get3A_2425 = arith.constant 48 : index
      %get3A_2426 = tpu.vector_load %arg7[%get3A_2423, %get3A_2424, %get3A_2425] {strides = array<i32>} : memref<2x64x64xf32, #tpu.memory_space<vmem>>, vector<1x1x16xf32>,
      %get3A_2427 = vector.shape_cast %get3A_2426 : vector<1x1x16xf32> to vector<16xf32>
      %add3A_2428 = arith.addf %add3A_2396, %get3A_2427 : vector<16xf32>
      %get3A_2429 = arith.constant 1 : i32
      %get3A_2430 = arith.constant 5 : i32
      %get3A_2431 = arith.index_cast %get3A_2429 : i32 to index
      %get3A_2432 = arith.index_cast %get3A_2430 : i32 to index
      %get3A_2433 = arith.constant 0 : index
      %get3A_2434 = tpu.vector_load %arg7[%get3A_2431, %get3A_2432, %get3A_2433] {strides = array<i32>} : memref<2x64x64xf32, #tpu.memory_space<vmem>>, vector<1x1x16xf32>,
      %get3A_2435 = vector.shape_cast %get3A_2434 : vector<1x1x16xf32> to vector<16xf32>
      %add3A_2436 = arith.addf %add3A_2404, %get3A_2435 : vector<16xf32>
      %get3A_2437 = arith.constant 1 : i32
      %get3A_2438 = arith.constant 5 : i32
      %get3A_2439 = arith.index_cast %get3A_2437 : i32 to index
      %get3A_2440 = arith.index_cast %get3A_2438 : i32 to index
      %get3A_2441 = arith.constant 16 : index
      %get3A_2442 = tpu.vector_load %arg7[%get3A_2439, %get3A_2440, %get3A_2441] {strides = array<i32>} : memref<2x64x64xf32, #tpu.memory_space<vmem>>, vector<1x1x16xf32>,
      %get3A_2443 = vector.shape_cast %get3A_2442 : vector<1x1x16xf32> to vector<16xf32>
      %add3A_2444 = arith.addf %add3A_2412, %get3A_2443 : vector<16xf32>
      %get3A_2445 = arith.constant 1 : i32
      %get3A_2446 = arith.constant 5 : i32
      %get3A_2447 = arith.index_cast %get3A_2445 : i32 to index
      %get3A_2448 = arith.index_cast %get3A_2446 : i32 to index
      %get3A_2449 = arith.constant 32 : index
      %get3A_2450 = tpu.vector_load %arg7[%get3A_2447, %get3A_2448, %get3A_2449] {strides = array<i32>} : memref<2x64x64xf32, #tpu.memory_space<vmem>>, vector<1x1x16xf32>,
      %get3A_2451 = vector.shape_cast %get3A_2450 : vector<1x1x16xf32> to vector<16xf32>
      %add3A_2452 = arith.addf %add3A_2420, %get3A_2451 : vector<16xf32>
      %get3A_2453 = arith.constant 1 : i32
      %get3A_2454 = arith.constant 5 : i32
      %get3A_2455 = arith.index_cast %get3A_2453 : i32 to index
      %get3A_2456 = arith.index_cast %get3A_2454 : i32 to index
      %get3A_2457 = arith.constant 48 : index
      %get3A_2458 = tpu.vector_load %arg7[%get3A_2455, %get3A_2456, %get3A_2457] {strides = array<i32>} : memref<2x64x64xf32, #tpu.memory_space<vmem>>, vector<1x1x16xf32>,
      %get3A_2459 = vector.shape_cast %get3A_2458 : vector<1x1x16xf32> to vector<16xf32>
      %add3A_2460 = arith.addf %add3A_2428, %get3A_2459 : vector<16xf32>
      %get3A_2461 = arith.constant 1 : i32
      %get3A_2462 = arith.constant 6 : i32
      %get3A_2463 = arith.index_cast %get3A_2461 : i32 to index
      %get3A_2464 = arith.index_cast %get3A_2462 : i32 to index
      %get3A_2465 = arith.constant 0 : index
      %get3A_2466 = tpu.vector_load %arg7[%get3A_2463, %get3A_2464, %get3A_2465] {strides = array<i32>} : memref<2x64x64xf32, #tpu.memory_space<vmem>>, vector<1x1x16xf32>,
      %get3A_2467 = vector.shape_cast %get3A_2466 : vector<1x1x16xf32> to vector<16xf32>
      %add3A_2468 = arith.addf %add3A_2436, %get3A_2467 : vector<16xf32>
      %get3A_2469 = arith.constant 1 : i32
      %get3A_2470 = arith.constant 6 : i32
      %get3A_2471 = arith.index_cast %get3A_2469 : i32 to index
      %get3A_2472 = arith.index_cast %get3A_2470 : i32 to index
      %get3A_2473 = arith.constant 16 : index
      %get3A_2474 = tpu.vector_load %arg7[%get3A_2471, %get3A_2472, %get3A_2473] {strides = array<i32>} : memref<2x64x64xf32, #tpu.memory_space<vmem>>, vector<1x1x16xf32>,
      %get3A_2475 = vector.shape_cast %get3A_2474 : vector<1x1x16xf32> to vector<16xf32>
      %add3A_2476 = arith.addf %add3A_2444, %get3A_2475 : vector<16xf32>
      %get3A_2477 = arith.constant 1 : i32
      %get3A_2478 = arith.constant 6 : i32
      %get3A_2479 = arith.index_cast %get3A_2477 : i32 to index
      %get3A_2480 = arith.index_cast %get3A_2478 : i32 to index
      %get3A_2481 = arith.constant 32 : index
      %get3A_2482 = tpu.vector_load %arg7[%get3A_2479, %get3A_2480, %get3A_2481] {strides = array<i32>} : memref<2x64x64xf32, #tpu.memory_space<vmem>>, vector<1x1x16xf32>,
      %get3A_2483 = vector.shape_cast %get3A_2482 : vector<1x1x16xf32> to vector<16xf32>
      %add3A_2484 = arith.addf %add3A_2452, %get3A_2483 : vector<16xf32>
      %get3A_2485 = arith.constant 1 : i32
      %get3A_2486 = arith.constant 6 : i32
      %get3A_2487 = arith.index_cast %get3A_2485 : i32 to index
      %get3A_2488 = arith.index_cast %get3A_2486 : i32 to index
      %get3A_2489 = arith.constant 48 : index
      %get3A_2490 = tpu.vector_load %arg7[%get3A_2487, %get3A_2488, %get3A_2489] {strides = array<i32>} : memref<2x64x64xf32, #tpu.memory_space<vmem>>, vector<1x1x16xf32>,
      %get3A_2491 = vector.shape_cast %get3A_2490 : vector<1x1x16xf32> to vector<16xf32>
      %add3A_2492 = arith.addf %add3A_2460, %get3A_2491 : vector<16xf32>
      %get3A_2493 = arith.constant 1 : i32
      %get3A_2494 = arith.constant 7 : i32
      %get3A_2495 = arith.index_cast %get3A_2493 : i32 to index
      %get3A_2496 = arith.index_cast %get3A_2494 : i32 to index
      %get3A_2497 = arith.constant 0 : index
      %get3A_2498 = tpu.vector_load %arg7[%get3A_2495, %get3A_2496, %get3A_2497] {strides = array<i32>} : memref<2x64x64xf32, #tpu.memory_space<vmem>>, vector<1x1x16xf32>,
      %get3A_2499 = vector.shape_cast %get3A_2498 : vector<1x1x16xf32> to vector<16xf32>
      %add3A_2500 = arith.addf %add3A_2468, %get3A_2499 : vector<16xf32>
      %get3A_2501 = arith.constant 1 : i32
      %get3A_2502 = arith.constant 7 : i32
      %get3A_2503 = arith.index_cast %get3A_2501 : i32 to index
      %get3A_2504 = arith.index_cast %get3A_2502 : i32 to index
      %get3A_2505 = arith.constant 16 : index
      %get3A_2506 = tpu.vector_load %arg7[%get3A_2503, %get3A_2504, %get3A_2505] {strides = array<i32>} : memref<2x64x64xf32, #tpu.memory_space<vmem>>, vector<1x1x16xf32>,
      %get3A_2507 = vector.shape_cast %get3A_2506 : vector<1x1x16xf32> to vector<16xf32>
      %add3A_2508 = arith.addf %add3A_2476, %get3A_2507 : vector<16xf32>
      %get3A_2509 = arith.constant 1 : i32
      %get3A_2510 = arith.constant 7 : i32
      %get3A_2511 = arith.index_cast %get3A_2509 : i32 to index
      %get3A_2512 = arith.index_cast %get3A_2510 : i32 to index
      %get3A_2513 = arith.constant 32 : index
      %get3A_2514 = tpu.vector_load %arg7[%get3A_2511, %get3A_2512, %get3A_2513] {strides = array<i32>} : memref<2x64x64xf32, #tpu.memory_space<vmem>>, vector<1x1x16xf32>,
      %get3A_2515 = vector.shape_cast %get3A_2514 : vector<1x1x16xf32> to vector<16xf32>
      %add3A_2516 = arith.addf %add3A_2484, %get3A_2515 : vector<16xf32>
      %get3A_2517 = arith.constant 1 : i32
      %get3A_2518 = arith.constant 7 : i32
      %get3A_2519 = arith.index_cast %get3A_2517 : i32 to index
      %get3A_2520 = arith.index_cast %get3A_2518 : i32 to index
      %get3A_2521 = arith.constant 48 : index
      %get3A_2522 = tpu.vector_load %arg7[%get3A_2519, %get3A_2520, %get3A_2521] {strides = array<i32>} : memref<2x64x64xf32, #tpu.memory_space<vmem>>, vector<1x1x16xf32>,
      %get3A_2523 = vector.shape_cast %get3A_2522 : vector<1x1x16xf32> to vector<16xf32>
      %add3A_2524 = arith.addf %add3A_2492, %get3A_2523 : vector<16xf32>
      %get3A_2525 = arith.constant 1 : i32
      %get3A_2526 = arith.constant 8 : i32
      %get3A_2527 = arith.index_cast %get3A_2525 : i32 to index
      %get3A_2528 = arith.index_cast %get3A_2526 : i32 to index
      %get3A_2529 = arith.constant 0 : index
      %get3A_2530 = tpu.vector_load %arg7[%get3A_2527, %get3A_2528, %get3A_2529] {strides = array<i32>} : memref<2x64x64xf32, #tpu.memory_space<vmem>>, vector<1x1x16xf32>,
      %get3A_2531 = vector.shape_cast %get3A_2530 : vector<1x1x16xf32> to vector<16xf32>
      %add3A_2532 = arith.addf %add3A_2500, %get3A_2531 : vector<16xf32>
      %get3A_2533 = arith.constant 1 : i32
      %get3A_2534 = arith.constant 8 : i32
      %get3A_2535 = arith.index_cast %get3A_2533 : i32 to index
      %get3A_2536 = arith.index_cast %get3A_2534 : i32 to index
      %get3A_2537 = arith.constant 16 : index
      %get3A_2538 = tpu.vector_load %arg7[%get3A_2535, %get3A_2536, %get3A_2537] {strides = array<i32>} : memref<2x64x64xf32, #tpu.memory_space<vmem>>, vector<1x1x16xf32>,
      %get3A_2539 = vector.shape_cast %get3A_2538 : vector<1x1x16xf32> to vector<16xf32>
      %add3A_2540 = arith.addf %add3A_2508, %get3A_2539 : vector<16xf32>
      %get3A_2541 = arith.constant 1 : i32
      %get3A_2542 = arith.constant 8 : i32
      %get3A_2543 = arith.index_cast %get3A_2541 : i32 to index
      %get3A_2544 = arith.index_cast %get3A_2542 : i32 to index
      %get3A_2545 = arith.constant 32 : index
      %get3A_2546 = tpu.vector_load %arg7[%get3A_2543, %get3A_2544, %get3A_2545] {strides = array<i32>} : memref<2x64x64xf32, #tpu.memory_space<vmem>>, vector<1x1x16xf32>,
      %get3A_2547 = vector.shape_cast %get3A_2546 : vector<1x1x16xf32> to vector<16xf32>
      %add3A_2548 = arith.addf %add3A_2516, %get3A_2547 : vector<16xf32>
      %get3A_2549 = arith.constant 1 : i32
      %get3A_2550 = arith.constant 8 : i32
      %get3A_2551 = arith.index_cast %get3A_2549 : i32 to index
      %get3A_2552 = arith.index_cast %get3A_2550 : i32 to index
      %get3A_2553 = arith.constant 48 : index
      %get3A_2554 = tpu.vector_load %arg7[%get3A_2551, %get3A_2552, %get3A_2553] {strides = array<i32>} : memref<2x64x64xf32, #tpu.memory_space<vmem>>, vector<1x1x16xf32>,
      %get3A_2555 = vector.shape_cast %get3A_2554 : vector<1x1x16xf32> to vector<16xf32>
      %add3A_2556 = arith.addf %add3A_2524, %get3A_2555 : vector<16xf32>
      %get3A_2557 = arith.constant 1 : i32
      %get3A_2558 = arith.constant 9 : i32
      %get3A_2559 = arith.index_cast %get3A_2557 : i32 to index
      %get3A_2560 = arith.index_cast %get3A_2558 : i32 to index
      %get3A_2561 = arith.constant 0 : index
      %get3A_2562 = tpu.vector_load %arg7[%get3A_2559, %get3A_2560, %get3A_2561] {strides = array<i32>} : memref<2x64x64xf32, #tpu.memory_space<vmem>>, vector<1x1x16xf32>,
      %get3A_2563 = vector.shape_cast %get3A_2562 : vector<1x1x16xf32> to vector<16xf32>
      %add3A_2564 = arith.addf %add3A_2532, %get3A_2563 : vector<16xf32>
      %get3A_2565 = arith.constant 1 : i32
      %get3A_2566 = arith.constant 9 : i32
      %get3A_2567 = arith.index_cast %get3A_2565 : i32 to index
      %get3A_2568 = arith.index_cast %get3A_2566 : i32 to index
      %get3A_2569 = arith.constant 16 : index
      %get3A_2570 = tpu.vector_load %arg7[%get3A_2567, %get3A_2568, %get3A_2569] {strides = array<i32>} : memref<2x64x64xf32, #tpu.memory_space<vmem>>, vector<1x1x16xf32>,
      %get3A_2571 = vector.shape_cast %get3A_2570 : vector<1x1x16xf32> to vector<16xf32>
      %add3A_2572 = arith.addf %add3A_2540, %get3A_2571 : vector<16xf32>
      %get3A_2573 = arith.constant 1 : i32
      %get3A_2574 = arith.constant 9 : i32
      %get3A_2575 = arith.index_cast %get3A_2573 : i32 to index
      %get3A_2576 = arith.index_cast %get3A_2574 : i32 to index
      %get3A_2577 = arith.constant 32 : index
      %get3A_2578 = tpu.vector_load %arg7[%get3A_2575, %get3A_2576, %get3A_2577] {strides = array<i32>} : memref<2x64x64xf32, #tpu.memory_space<vmem>>, vector<1x1x16xf32>,
      %get3A_2579 = vector.shape_cast %get3A_2578 : vector<1x1x16xf32> to vector<16xf32>
      %add3A_2580 = arith.addf %add3A_2548, %get3A_2579 : vector<16xf32>
      %get3A_2581 = arith.constant 1 : i32
      %get3A_2582 = arith.constant 9 : i32
      %get3A_2583 = arith.index_cast %get3A_2581 : i32 to index
      %get3A_2584 = arith.index_cast %get3A_2582 : i32 to index
      %get3A_2585 = arith.constant 48 : index
      %get3A_2586 = tpu.vector_load %arg7[%get3A_2583, %get3A_2584, %get3A_2585] {strides = array<i32>} : memref<2x64x64xf32, #tpu.memory_space<vmem>>, vector<1x1x16xf32>,
      %get3A_2587 = vector.shape_cast %get3A_2586 : vector<1x1x16xf32> to vector<16xf32>
      %add3A_2588 = arith.addf %add3A_2556, %get3A_2587 : vector<16xf32>
      %get3A_2589 = arith.constant 1 : i32
      %get3A_2590 = arith.constant 10 : i32
      %get3A_2591 = arith.index_cast %get3A_2589 : i32 to index
      %get3A_2592 = arith.index_cast %get3A_2590 : i32 to index
      %get3A_2593 = arith.constant 0 : index
      %get3A_2594 = tpu.vector_load %arg7[%get3A_2591, %get3A_2592, %get3A_2593] {strides = array<i32>} : memref<2x64x64xf32, #tpu.memory_space<vmem>>, vector<1x1x16xf32>,
      %get3A_2595 = vector.shape_cast %get3A_2594 : vector<1x1x16xf32> to vector<16xf32>
      %add3A_2596 = arith.addf %add3A_2564, %get3A_2595 : vector<16xf32>
      %get3A_2597 = arith.constant 1 : i32
      %get3A_2598 = arith.constant 10 : i32
      %get3A_2599 = arith.index_cast %get3A_2597 : i32 to index
      %get3A_2600 = arith.index_cast %get3A_2598 : i32 to index
      %get3A_2601 = arith.constant 16 : index
      %get3A_2602 = tpu.vector_load %arg7[%get3A_2599, %get3A_2600, %get3A_2601] {strides = array<i32>} : memref<2x64x64xf32, #tpu.memory_space<vmem>>, vector<1x1x16xf32>,
      %get3A_2603 = vector.shape_cast %get3A_2602 : vector<1x1x16xf32> to vector<16xf32>
      %add3A_2604 = arith.addf %add3A_2572, %get3A_2603 : vector<16xf32>
      %get3A_2605 = arith.constant 1 : i32
      %get3A_2606 = arith.constant 10 : i32
      %get3A_2607 = arith.index_cast %get3A_2605 : i32 to index
      %get3A_2608 = arith.index_cast %get3A_2606 : i32 to index
      %get3A_2609 = arith.constant 32 : index
      %get3A_2610 = tpu.vector_load %arg7[%get3A_2607, %get3A_2608, %get3A_2609] {strides = array<i32>} : memref<2x64x64xf32, #tpu.memory_space<vmem>>, vector<1x1x16xf32>,
      %get3A_2611 = vector.shape_cast %get3A_2610 : vector<1x1x16xf32> to vector<16xf32>
      %add3A_2612 = arith.addf %add3A_2580, %get3A_2611 : vector<16xf32>
      %get3A_2613 = arith.constant 1 : i32
      %get3A_2614 = arith.constant 10 : i32
      %get3A_2615 = arith.index_cast %get3A_2613 : i32 to index
      %get3A_2616 = arith.index_cast %get3A_2614 : i32 to index
      %get3A_2617 = arith.constant 48 : index
      %get3A_2618 = tpu.vector_load %arg7[%get3A_2615, %get3A_2616, %get3A_2617] {strides = array<i32>} : memref<2x64x64xf32, #tpu.memory_space<vmem>>, vector<1x1x16xf32>,
      %get3A_2619 = vector.shape_cast %get3A_2618 : vector<1x1x16xf32> to vector<16xf32>
      %add3A_2620 = arith.addf %add3A_2588, %get3A_2619 : vector<16xf32>
      %get3A_2621 = arith.constant 1 : i32
      %get3A_2622 = arith.constant 11 : i32
      %get3A_2623 = arith.index_cast %get3A_2621 : i32 to index
      %get3A_2624 = arith.index_cast %get3A_2622 : i32 to index
      %get3A_2625 = arith.constant 0 : index
      %get3A_2626 = tpu.vector_load %arg7[%get3A_2623, %get3A_2624, %get3A_2625] {strides = array<i32>} : memref<2x64x64xf32, #tpu.memory_space<vmem>>, vector<1x1x16xf32>,
      %get3A_2627 = vector.shape_cast %get3A_2626 : vector<1x1x16xf32> to vector<16xf32>
      %add3A_2628 = arith.addf %add3A_2596, %get3A_2627 : vector<16xf32>
      %get3A_2629 = arith.constant 1 : i32
      %get3A_2630 = arith.constant 11 : i32
      %get3A_2631 = arith.index_cast %get3A_2629 : i32 to index
      %get3A_2632 = arith.index_cast %get3A_2630 : i32 to index
      %get3A_2633 = arith.constant 16 : index
      %get3A_2634 = tpu.vector_load %arg7[%get3A_2631, %get3A_2632, %get3A_2633] {strides = array<i32>} : memref<2x64x64xf32, #tpu.memory_space<vmem>>, vector<1x1x16xf32>,
      %get3A_2635 = vector.shape_cast %get3A_2634 : vector<1x1x16xf32> to vector<16xf32>
      %add3A_2636 = arith.addf %add3A_2604, %get3A_2635 : vector<16xf32>
      %get3A_2637 = arith.constant 1 : i32
      %get3A_2638 = arith.constant 11 : i32
      %get3A_2639 = arith.index_cast %get3A_2637 : i32 to index
      %get3A_2640 = arith.index_cast %get3A_2638 : i32 to index
      %get3A_2641 = arith.constant 32 : index
      %get3A_2642 = tpu.vector_load %arg7[%get3A_2639, %get3A_2640, %get3A_2641] {strides = array<i32>} : memref<2x64x64xf32, #tpu.memory_space<vmem>>, vector<1x1x16xf32>,
      %get3A_2643 = vector.shape_cast %get3A_2642 : vector<1x1x16xf32> to vector<16xf32>
      %add3A_2644 = arith.addf %add3A_2612, %get3A_2643 : vector<16xf32>
      %get3A_2645 = arith.constant 1 : i32
      %get3A_2646 = arith.constant 11 : i32
      %get3A_2647 = arith.index_cast %get3A_2645 : i32 to index
      %get3A_2648 = arith.index_cast %get3A_2646 : i32 to index
      %get3A_2649 = arith.constant 48 : index
      %get3A_2650 = tpu.vector_load %arg7[%get3A_2647, %get3A_2648, %get3A_2649] {strides = array<i32>} : memref<2x64x64xf32, #tpu.memory_space<vmem>>, vector<1x1x16xf32>,
      %get3A_2651 = vector.shape_cast %get3A_2650 : vector<1x1x16xf32> to vector<16xf32>
      %add3A_2652 = arith.addf %add3A_2620, %get3A_2651 : vector<16xf32>
      %get3A_2653 = arith.constant 1 : i32
      %get3A_2654 = arith.constant 12 : i32
      %get3A_2655 = arith.index_cast %get3A_2653 : i32 to index
      %get3A_2656 = arith.index_cast %get3A_2654 : i32 to index
      %get3A_2657 = arith.constant 0 : index
      %get3A_2658 = tpu.vector_load %arg7[%get3A_2655, %get3A_2656, %get3A_2657] {strides = array<i32>} : memref<2x64x64xf32, #tpu.memory_space<vmem>>, vector<1x1x16xf32>,
      %get3A_2659 = vector.shape_cast %get3A_2658 : vector<1x1x16xf32> to vector<16xf32>
      %add3A_2660 = arith.addf %add3A_2628, %get3A_2659 : vector<16xf32>
      %get3A_2661 = arith.constant 1 : i32
      %get3A_2662 = arith.constant 12 : i32
      %get3A_2663 = arith.index_cast %get3A_2661 : i32 to index
      %get3A_2664 = arith.index_cast %get3A_2662 : i32 to index
      %get3A_2665 = arith.constant 16 : index
      %get3A_2666 = tpu.vector_load %arg7[%get3A_2663, %get3A_2664, %get3A_2665] {strides = array<i32>} : memref<2x64x64xf32, #tpu.memory_space<vmem>>, vector<1x1x16xf32>,
      %get3A_2667 = vector.shape_cast %get3A_2666 : vector<1x1x16xf32> to vector<16xf32>
      %add3A_2668 = arith.addf %add3A_2636, %get3A_2667 : vector<16xf32>
      %get3A_2669 = arith.constant 1 : i32
      %get3A_2670 = arith.constant 12 : i32
      %get3A_2671 = arith.index_cast %get3A_2669 : i32 to index
      %get3A_2672 = arith.index_cast %get3A_2670 : i32 to index
      %get3A_2673 = arith.constant 32 : index
      %get3A_2674 = tpu.vector_load %arg7[%get3A_2671, %get3A_2672, %get3A_2673] {strides = array<i32>} : memref<2x64x64xf32, #tpu.memory_space<vmem>>, vector<1x1x16xf32>,
      %get3A_2675 = vector.shape_cast %get3A_2674 : vector<1x1x16xf32> to vector<16xf32>
      %add3A_2676 = arith.addf %add3A_2644, %get3A_2675 : vector<16xf32>
      %get3A_2677 = arith.constant 1 : i32
      %get3A_2678 = arith.constant 12 : i32
      %get3A_2679 = arith.index_cast %get3A_2677 : i32 to index
      %get3A_2680 = arith.index_cast %get3A_2678 : i32 to index
      %get3A_2681 = arith.constant 48 : index
      %get3A_2682 = tpu.vector_load %arg7[%get3A_2679, %get3A_2680, %get3A_2681] {strides = array<i32>} : memref<2x64x64xf32, #tpu.memory_space<vmem>>, vector<1x1x16xf32>,
      %get3A_2683 = vector.shape_cast %get3A_2682 : vector<1x1x16xf32> to vector<16xf32>
      %add3A_2684 = arith.addf %add3A_2652, %get3A_2683 : vector<16xf32>
      %get3A_2685 = arith.constant 1 : i32
      %get3A_2686 = arith.constant 13 : i32
      %get3A_2687 = arith.index_cast %get3A_2685 : i32 to index
      %get3A_2688 = arith.index_cast %get3A_2686 : i32 to index
      %get3A_2689 = arith.constant 0 : index
      %get3A_2690 = tpu.vector_load %arg7[%get3A_2687, %get3A_2688, %get3A_2689] {strides = array<i32>} : memref<2x64x64xf32, #tpu.memory_space<vmem>>, vector<1x1x16xf32>,
      %get3A_2691 = vector.shape_cast %get3A_2690 : vector<1x1x16xf32> to vector<16xf32>
      %add3A_2692 = arith.addf %add3A_2660, %get3A_2691 : vector<16xf32>
      %get3A_2693 = arith.constant 1 : i32
      %get3A_2694 = arith.constant 13 : i32
      %get3A_2695 = arith.index_cast %get3A_2693 : i32 to index
      %get3A_2696 = arith.index_cast %get3A_2694 : i32 to index
      %get3A_2697 = arith.constant 16 : index
      %get3A_2698 = tpu.vector_load %arg7[%get3A_2695, %get3A_2696, %get3A_2697] {strides = array<i32>} : memref<2x64x64xf32, #tpu.memory_space<vmem>>, vector<1x1x16xf32>,
      %get3A_2699 = vector.shape_cast %get3A_2698 : vector<1x1x16xf32> to vector<16xf32>
      %add3A_2700 = arith.addf %add3A_2668, %get3A_2699 : vector<16xf32>
      %get3A_2701 = arith.constant 1 : i32
      %get3A_2702 = arith.constant 13 : i32
      %get3A_2703 = arith.index_cast %get3A_2701 : i32 to index
      %get3A_2704 = arith.index_cast %get3A_2702 : i32 to index
      %get3A_2705 = arith.constant 32 : index
      %get3A_2706 = tpu.vector_load %arg7[%get3A_2703, %get3A_2704, %get3A_2705] {strides = array<i32>} : memref<2x64x64xf32, #tpu.memory_space<vmem>>, vector<1x1x16xf32>,
      %get3A_2707 = vector.shape_cast %get3A_2706 : vector<1x1x16xf32> to vector<16xf32>
      %add3A_2708 = arith.addf %add3A_2676, %get3A_2707 : vector<16xf32>
      %get3A_2709 = arith.constant 1 : i32
      %get3A_2710 = arith.constant 13 : i32
      %get3A_2711 = arith.index_cast %get3A_2709 : i32 to index
      %get3A_2712 = arith.index_cast %get3A_2710 : i32 to index
      %get3A_2713 = arith.constant 48 : index
      %get3A_2714 = tpu.vector_load %arg7[%get3A_2711, %get3A_2712, %get3A_2713] {strides = array<i32>} : memref<2x64x64xf32, #tpu.memory_space<vmem>>, vector<1x1x16xf32>,
      %get3A_2715 = vector.shape_cast %get3A_2714 : vector<1x1x16xf32> to vector<16xf32>
      %add3A_2716 = arith.addf %add3A_2684, %get3A_2715 : vector<16xf32>
      %get3A_2717 = arith.constant 1 : i32
      %get3A_2718 = arith.constant 14 : i32
      %get3A_2719 = arith.index_cast %get3A_2717 : i32 to index
      %get3A_2720 = arith.index_cast %get3A_2718 : i32 to index
      %get3A_2721 = arith.constant 0 : index
      %get3A_2722 = tpu.vector_load %arg7[%get3A_2719, %get3A_2720, %get3A_2721] {strides = array<i32>} : memref<2x64x64xf32, #tpu.memory_space<vmem>>, vector<1x1x16xf32>,
      %get3A_2723 = vector.shape_cast %get3A_2722 : vector<1x1x16xf32> to vector<16xf32>
      %add3A_2724 = arith.addf %add3A_2692, %get3A_2723 : vector<16xf32>
      %get3A_2725 = arith.constant 1 : i32
      %get3A_2726 = arith.constant 14 : i32
      %get3A_2727 = arith.index_cast %get3A_2725 : i32 to index
      %get3A_2728 = arith.index_cast %get3A_2726 : i32 to index
      %get3A_2729 = arith.constant 16 : index
      %get3A_2730 = tpu.vector_load %arg7[%get3A_2727, %get3A_2728, %get3A_2729] {strides = array<i32>} : memref<2x64x64xf32, #tpu.memory_space<vmem>>, vector<1x1x16xf32>,
      %get3A_2731 = vector.shape_cast %get3A_2730 : vector<1x1x16xf32> to vector<16xf32>
      %add3A_2732 = arith.addf %add3A_2700, %get3A_2731 : vector<16xf32>
      %get3A_2733 = arith.constant 1 : i32
      %get3A_2734 = arith.constant 14 : i32
      %get3A_2735 = arith.index_cast %get3A_2733 : i32 to index
      %get3A_2736 = arith.index_cast %get3A_2734 : i32 to index
      %get3A_2737 = arith.constant 32 : index
      %get3A_2738 = tpu.vector_load %arg7[%get3A_2735, %get3A_2736, %get3A_2737] {strides = array<i32>} : memref<2x64x64xf32, #tpu.memory_space<vmem>>, vector<1x1x16xf32>,
      %get3A_2739 = vector.shape_cast %get3A_2738 : vector<1x1x16xf32> to vector<16xf32>
      %add3A_2740 = arith.addf %add3A_2708, %get3A_2739 : vector<16xf32>
      %get3A_2741 = arith.constant 1 : i32
      %get3A_2742 = arith.constant 14 : i32
      %get3A_2743 = arith.index_cast %get3A_2741 : i32 to index
      %get3A_2744 = arith.index_cast %get3A_2742 : i32 to index
      %get3A_2745 = arith.constant 48 : index
      %get3A_2746 = tpu.vector_load %arg7[%get3A_2743, %get3A_2744, %get3A_2745] {strides = array<i32>} : memref<2x64x64xf32, #tpu.memory_space<vmem>>, vector<1x1x16xf32>,
      %get3A_2747 = vector.shape_cast %get3A_2746 : vector<1x1x16xf32> to vector<16xf32>
      %add3A_2748 = arith.addf %add3A_2716, %get3A_2747 : vector<16xf32>
      %get3A_2749 = arith.constant 1 : i32
      %get3A_2750 = arith.constant 15 : i32
      %get3A_2751 = arith.index_cast %get3A_2749 : i32 to index
      %get3A_2752 = arith.index_cast %get3A_2750 : i32 to index
      %get3A_2753 = arith.constant 0 : index
      %get3A_2754 = tpu.vector_load %arg7[%get3A_2751, %get3A_2752, %get3A_2753] {strides = array<i32>} : memref<2x64x64xf32, #tpu.memory_space<vmem>>, vector<1x1x16xf32>,
      %get3A_2755 = vector.shape_cast %get3A_2754 : vector<1x1x16xf32> to vector<16xf32>
      %add3A_2756 = arith.addf %add3A_2724, %get3A_2755 : vector<16xf32>
      %get3A_2757 = arith.constant 1 : i32
      %get3A_2758 = arith.constant 15 : i32
      %get3A_2759 = arith.index_cast %get3A_2757 : i32 to index
      %get3A_2760 = arith.index_cast %get3A_2758 : i32 to index
      %get3A_2761 = arith.constant 16 : index
      %get3A_2762 = tpu.vector_load %arg7[%get3A_2759, %get3A_2760, %get3A_2761] {strides = array<i32>} : memref<2x64x64xf32, #tpu.memory_space<vmem>>, vector<1x1x16xf32>,
      %get3A_2763 = vector.shape_cast %get3A_2762 : vector<1x1x16xf32> to vector<16xf32>
      %add3A_2764 = arith.addf %add3A_2732, %get3A_2763 : vector<16xf32>
      %get3A_2765 = arith.constant 1 : i32
      %get3A_2766 = arith.constant 15 : i32
      %get3A_2767 = arith.index_cast %get3A_2765 : i32 to index
      %get3A_2768 = arith.index_cast %get3A_2766 : i32 to index
      %get3A_2769 = arith.constant 32 : index
      %get3A_2770 = tpu.vector_load %arg7[%get3A_2767, %get3A_2768, %get3A_2769] {strides = array<i32>} : memref<2x64x64xf32, #tpu.memory_space<vmem>>, vector<1x1x16xf32>,
      %get3A_2771 = vector.shape_cast %get3A_2770 : vector<1x1x16xf32> to vector<16xf32>
      %add3A_2772 = arith.addf %add3A_2740, %get3A_2771 : vector<16xf32>
      %get3A_2773 = arith.constant 1 : i32
      %get3A_2774 = arith.constant 15 : i32
      %get3A_2775 = arith.index_cast %get3A_2773 : i32 to index
      %get3A_2776 = arith.index_cast %get3A_2774 : i32 to index
      %get3A_2777 = arith.constant 48 : index
      %get3A_2778 = tpu.vector_load %arg7[%get3A_2775, %get3A_2776, %get3A_2777] {strides = array<i32>} : memref<2x64x64xf32, #tpu.memory_space<vmem>>, vector<1x1x16xf32>,
      %get3A_2779 = vector.shape_cast %get3A_2778 : vector<1x1x16xf32> to vector<16xf32>
      %add3A_2780 = arith.addf %add3A_2748, %get3A_2779 : vector<16xf32>
      %get3A_2781 = arith.constant 1 : i32
      %get3A_2782 = arith.constant 16 : i32
      %get3A_2783 = arith.index_cast %get3A_2781 : i32 to index
      %get3A_2784 = arith.index_cast %get3A_2782 : i32 to index
      %get3A_2785 = arith.constant 0 : index
      %get3A_2786 = tpu.vector_load %arg7[%get3A_2783, %get3A_2784, %get3A_2785] {strides = array<i32>} : memref<2x64x64xf32, #tpu.memory_space<vmem>>, vector<1x1x16xf32>,
      %get3A_2787 = vector.shape_cast %get3A_2786 : vector<1x1x16xf32> to vector<16xf32>
      %add3A_2788 = arith.addf %add3A_2756, %get3A_2787 : vector<16xf32>
      %get3A_2789 = arith.constant 1 : i32
      %get3A_2790 = arith.constant 16 : i32
      %get3A_2791 = arith.index_cast %get3A_2789 : i32 to index
      %get3A_2792 = arith.index_cast %get3A_2790 : i32 to index
      %get3A_2793 = arith.constant 16 : index
      %get3A_2794 = tpu.vector_load %arg7[%get3A_2791, %get3A_2792, %get3A_2793] {strides = array<i32>} : memref<2x64x64xf32, #tpu.memory_space<vmem>>, vector<1x1x16xf32>,
      %get3A_2795 = vector.shape_cast %get3A_2794 : vector<1x1x16xf32> to vector<16xf32>
      %add3A_2796 = arith.addf %add3A_2764, %get3A_2795 : vector<16xf32>
      %get3A_2797 = arith.constant 1 : i32
      %get3A_2798 = arith.constant 16 : i32
      %get3A_2799 = arith.index_cast %get3A_2797 : i32 to index
      %get3A_2800 = arith.index_cast %get3A_2798 : i32 to index
      %get3A_2801 = arith.constant 32 : index
      %get3A_2802 = tpu.vector_load %arg7[%get3A_2799, %get3A_2800, %get3A_2801] {strides = array<i32>} : memref<2x64x64xf32, #tpu.memory_space<vmem>>, vector<1x1x16xf32>,
      %get3A_2803 = vector.shape_cast %get3A_2802 : vector<1x1x16xf32> to vector<16xf32>
      %add3A_2804 = arith.addf %add3A_2772, %get3A_2803 : vector<16xf32>
      %get3A_2805 = arith.constant 1 : i32
      %get3A_2806 = arith.constant 16 : i32
      %get3A_2807 = arith.index_cast %get3A_2805 : i32 to index
      %get3A_2808 = arith.index_cast %get3A_2806 : i32 to index
      %get3A_2809 = arith.constant 48 : index
      %get3A_2810 = tpu.vector_load %arg7[%get3A_2807, %get3A_2808, %get3A_2809] {strides = array<i32>} : memref<2x64x64xf32, #tpu.memory_space<vmem>>, vector<1x1x16xf32>,
      %get3A_2811 = vector.shape_cast %get3A_2810 : vector<1x1x16xf32> to vector<16xf32>
      %add3A_2812 = arith.addf %add3A_2780, %get3A_2811 : vector<16xf32>
      %get3A_2813 = arith.constant 1 : i32
      %get3A_2814 = arith.constant 17 : i32
      %get3A_2815 = arith.index_cast %get3A_2813 : i32 to index
      %get3A_2816 = arith.index_cast %get3A_2814 : i32 to index
      %get3A_2817 = arith.constant 0 : index
      %get3A_2818 = tpu.vector_load %arg7[%get3A_2815, %get3A_2816, %get3A_2817] {strides = array<i32>} : memref<2x64x64xf32, #tpu.memory_space<vmem>>, vector<1x1x16xf32>,
      %get3A_2819 = vector.shape_cast %get3A_2818 : vector<1x1x16xf32> to vector<16xf32>
      %add3A_2820 = arith.addf %add3A_2788, %get3A_2819 : vector<16xf32>
      %get3A_2821 = arith.constant 1 : i32
      %get3A_2822 = arith.constant 17 : i32
      %get3A_2823 = arith.index_cast %get3A_2821 : i32 to index
      %get3A_2824 = arith.index_cast %get3A_2822 : i32 to index
      %get3A_2825 = arith.constant 16 : index
      %get3A_2826 = tpu.vector_load %arg7[%get3A_2823, %get3A_2824, %get3A_2825] {strides = array<i32>} : memref<2x64x64xf32, #tpu.memory_space<vmem>>, vector<1x1x16xf32>,
      %get3A_2827 = vector.shape_cast %get3A_2826 : vector<1x1x16xf32> to vector<16xf32>
      %add3A_2828 = arith.addf %add3A_2796, %get3A_2827 : vector<16xf32>
      %get3A_2829 = arith.constant 1 : i32
      %get3A_2830 = arith.constant 17 : i32
      %get3A_2831 = arith.index_cast %get3A_2829 : i32 to index
      %get3A_2832 = arith.index_cast %get3A_2830 : i32 to index
      %get3A_2833 = arith.constant 32 : index
      %get3A_2834 = tpu.vector_load %arg7[%get3A_2831, %get3A_2832, %get3A_2833] {strides = array<i32>} : memref<2x64x64xf32, #tpu.memory_space<vmem>>, vector<1x1x16xf32>,
      %get3A_2835 = vector.shape_cast %get3A_2834 : vector<1x1x16xf32> to vector<16xf32>
      %add3A_2836 = arith.addf %add3A_2804, %get3A_2835 : vector<16xf32>
      %get3A_2837 = arith.constant 1 : i32
      %get3A_2838 = arith.constant 17 : i32
      %get3A_2839 = arith.index_cast %get3A_2837 : i32 to index
      %get3A_2840 = arith.index_cast %get3A_2838 : i32 to index
      %get3A_2841 = arith.constant 48 : index
      %get3A_2842 = tpu.vector_load %arg7[%get3A_2839, %get3A_2840, %get3A_2841] {strides = array<i32>} : memref<2x64x64xf32, #tpu.memory_space<vmem>>, vector<1x1x16xf32>,
      %get3A_2843 = vector.shape_cast %get3A_2842 : vector<1x1x16xf32> to vector<16xf32>
      %add3A_2844 = arith.addf %add3A_2812, %get3A_2843 : vector<16xf32>
      %get3A_2845 = arith.constant 1 : i32
      %get3A_2846 = arith.constant 18 : i32
      %get3A_2847 = arith.index_cast %get3A_2845 : i32 to index
      %get3A_2848 = arith.index_cast %get3A_2846 : i32 to index
      %get3A_2849 = arith.constant 0 : index
      %get3A_2850 = tpu.vector_load %arg7[%get3A_2847, %get3A_2848, %get3A_2849] {strides = array<i32>} : memref<2x64x64xf32, #tpu.memory_space<vmem>>, vector<1x1x16xf32>,
      %get3A_2851 = vector.shape_cast %get3A_2850 : vector<1x1x16xf32> to vector<16xf32>
      %add3A_2852 = arith.addf %add3A_2820, %get3A_2851 : vector<16xf32>
      %get3A_2853 = arith.constant 1 : i32
      %get3A_2854 = arith.constant 18 : i32
      %get3A_2855 = arith.index_cast %get3A_2853 : i32 to index
      %get3A_2856 = arith.index_cast %get3A_2854 : i32 to index
      %get3A_2857 = arith.constant 16 : index
      %get3A_2858 = tpu.vector_load %arg7[%get3A_2855, %get3A_2856, %get3A_2857] {strides = array<i32>} : memref<2x64x64xf32, #tpu.memory_space<vmem>>, vector<1x1x16xf32>,
      %get3A_2859 = vector.shape_cast %get3A_2858 : vector<1x1x16xf32> to vector<16xf32>
      %add3A_2860 = arith.addf %add3A_2828, %get3A_2859 : vector<16xf32>
      %get3A_2861 = arith.constant 1 : i32
      %get3A_2862 = arith.constant 18 : i32
      %get3A_2863 = arith.index_cast %get3A_2861 : i32 to index
      %get3A_2864 = arith.index_cast %get3A_2862 : i32 to index
      %get3A_2865 = arith.constant 32 : index
      %get3A_2866 = tpu.vector_load %arg7[%get3A_2863, %get3A_2864, %get3A_2865] {strides = array<i32>} : memref<2x64x64xf32, #tpu.memory_space<vmem>>, vector<1x1x16xf32>,
      %get3A_2867 = vector.shape_cast %get3A_2866 : vector<1x1x16xf32> to vector<16xf32>
      %add3A_2868 = arith.addf %add3A_2836, %get3A_2867 : vector<16xf32>
      %get3A_2869 = arith.constant 1 : i32
      %get3A_2870 = arith.constant 18 : i32
      %get3A_2871 = arith.index_cast %get3A_2869 : i32 to index
      %get3A_2872 = arith.index_cast %get3A_2870 : i32 to index
      %get3A_2873 = arith.constant 48 : index
      %get3A_2874 = tpu.vector_load %arg7[%get3A_2871, %get3A_2872, %get3A_2873] {strides = array<i32>} : memref<2x64x64xf32, #tpu.memory_space<vmem>>, vector<1x1x16xf32>,
      %get3A_2875 = vector.shape_cast %get3A_2874 : vector<1x1x16xf32> to vector<16xf32>
      %add3A_2876 = arith.addf %add3A_2844, %get3A_2875 : vector<16xf32>
      %get3A_2877 = arith.constant 1 : i32
      %get3A_2878 = arith.constant 19 : i32
      %get3A_2879 = arith.index_cast %get3A_2877 : i32 to index
      %get3A_2880 = arith.index_cast %get3A_2878 : i32 to index
      %get3A_2881 = arith.constant 0 : index
      %get3A_2882 = tpu.vector_load %arg7[%get3A_2879, %get3A_2880, %get3A_2881] {strides = array<i32>} : memref<2x64x64xf32, #tpu.memory_space<vmem>>, vector<1x1x16xf32>,
      %get3A_2883 = vector.shape_cast %get3A_2882 : vector<1x1x16xf32> to vector<16xf32>
      %add3A_2884 = arith.addf %add3A_2852, %get3A_2883 : vector<16xf32>
      %get3A_2885 = arith.constant 1 : i32
      %get3A_2886 = arith.constant 19 : i32
      %get3A_2887 = arith.index_cast %get3A_2885 : i32 to index
      %get3A_2888 = arith.index_cast %get3A_2886 : i32 to index
      %get3A_2889 = arith.constant 16 : index
      %get3A_2890 = tpu.vector_load %arg7[%get3A_2887, %get3A_2888, %get3A_2889] {strides = array<i32>} : memref<2x64x64xf32, #tpu.memory_space<vmem>>, vector<1x1x16xf32>,
      %get3A_2891 = vector.shape_cast %get3A_2890 : vector<1x1x16xf32> to vector<16xf32>
      %add3A_2892 = arith.addf %add3A_2860, %get3A_2891 : vector<16xf32>
      %get3A_2893 = arith.constant 1 : i32
      %get3A_2894 = arith.constant 19 : i32
      %get3A_2895 = arith.index_cast %get3A_2893 : i32 to index
      %get3A_2896 = arith.index_cast %get3A_2894 : i32 to index
      %get3A_2897 = arith.constant 32 : index
      %get3A_2898 = tpu.vector_load %arg7[%get3A_2895, %get3A_2896, %get3A_2897] {strides = array<i32>} : memref<2x64x64xf32, #tpu.memory_space<vmem>>, vector<1x1x16xf32>,
      %get3A_2899 = vector.shape_cast %get3A_2898 : vector<1x1x16xf32> to vector<16xf32>
      %add3A_2900 = arith.addf %add3A_2868, %get3A_2899 : vector<16xf32>
      %get3A_2901 = arith.constant 1 : i32
      %get3A_2902 = arith.constant 19 : i32
      %get3A_2903 = arith.index_cast %get3A_2901 : i32 to index
      %get3A_2904 = arith.index_cast %get3A_2902 : i32 to index
      %get3A_2905 = arith.constant 48 : index
      %get3A_2906 = tpu.vector_load %arg7[%get3A_2903, %get3A_2904, %get3A_2905] {strides = array<i32>} : memref<2x64x64xf32, #tpu.memory_space<vmem>>, vector<1x1x16xf32>,
      %get3A_2907 = vector.shape_cast %get3A_2906 : vector<1x1x16xf32> to vector<16xf32>
      %add3A_2908 = arith.addf %add3A_2876, %get3A_2907 : vector<16xf32>
      %get3A_2909 = arith.constant 1 : i32
      %get3A_2910 = arith.constant 20 : i32
      %get3A_2911 = arith.index_cast %get3A_2909 : i32 to index
      %get3A_2912 = arith.index_cast %get3A_2910 : i32 to index
      %get3A_2913 = arith.constant 0 : index
      %get3A_2914 = tpu.vector_load %arg7[%get3A_2911, %get3A_2912, %get3A_2913] {strides = array<i32>} : memref<2x64x64xf32, #tpu.memory_space<vmem>>, vector<1x1x16xf32>,
      %get3A_2915 = vector.shape_cast %get3A_2914 : vector<1x1x16xf32> to vector<16xf32>
      %add3A_2916 = arith.addf %add3A_2884, %get3A_2915 : vector<16xf32>
      %get3A_2917 = arith.constant 1 : i32
      %get3A_2918 = arith.constant 20 : i32
      %get3A_2919 = arith.index_cast %get3A_2917 : i32 to index
      %get3A_2920 = arith.index_cast %get3A_2918 : i32 to index
      %get3A_2921 = arith.constant 16 : index
      %get3A_2922 = tpu.vector_load %arg7[%get3A_2919, %get3A_2920, %get3A_2921] {strides = array<i32>} : memref<2x64x64xf32, #tpu.memory_space<vmem>>, vector<1x1x16xf32>,
      %get3A_2923 = vector.shape_cast %get3A_2922 : vector<1x1x16xf32> to vector<16xf32>
      %add3A_2924 = arith.addf %add3A_2892, %get3A_2923 : vector<16xf32>
      %get3A_2925 = arith.constant 1 : i32
      %get3A_2926 = arith.constant 20 : i32
      %get3A_2927 = arith.index_cast %get3A_2925 : i32 to index
      %get3A_2928 = arith.index_cast %get3A_2926 : i32 to index
      %get3A_2929 = arith.constant 32 : index
      %get3A_2930 = tpu.vector_load %arg7[%get3A_2927, %get3A_2928, %get3A_2929] {strides = array<i32>} : memref<2x64x64xf32, #tpu.memory_space<vmem>>, vector<1x1x16xf32>,
      %get3A_2931 = vector.shape_cast %get3A_2930 : vector<1x1x16xf32> to vector<16xf32>
      %add3A_2932 = arith.addf %add3A_2900, %get3A_2931 : vector<16xf32>
      %get3A_2933 = arith.constant 1 : i32
      %get3A_2934 = arith.constant 20 : i32
      %get3A_2935 = arith.index_cast %get3A_2933 : i32 to index
      %get3A_2936 = arith.index_cast %get3A_2934 : i32 to index
      %get3A_2937 = arith.constant 48 : index
      %get3A_2938 = tpu.vector_load %arg7[%get3A_2935, %get3A_2936, %get3A_2937] {strides = array<i32>} : memref<2x64x64xf32, #tpu.memory_space<vmem>>, vector<1x1x16xf32>,
      %get3A_2939 = vector.shape_cast %get3A_2938 : vector<1x1x16xf32> to vector<16xf32>
      %add3A_2940 = arith.addf %add3A_2908, %get3A_2939 : vector<16xf32>
      %get3A_2941 = arith.constant 1 : i32
      %get3A_2942 = arith.constant 21 : i32
      %get3A_2943 = arith.index_cast %get3A_2941 : i32 to index
      %get3A_2944 = arith.index_cast %get3A_2942 : i32 to index
      %get3A_2945 = arith.constant 0 : index
      %get3A_2946 = tpu.vector_load %arg7[%get3A_2943, %get3A_2944, %get3A_2945] {strides = array<i32>} : memref<2x64x64xf32, #tpu.memory_space<vmem>>, vector<1x1x16xf32>,
      %get3A_2947 = vector.shape_cast %get3A_2946 : vector<1x1x16xf32> to vector<16xf32>
      %add3A_2948 = arith.addf %add3A_2916, %get3A_2947 : vector<16xf32>
      %get3A_2949 = arith.constant 1 : i32
      %get3A_2950 = arith.constant 21 : i32
      %get3A_2951 = arith.index_cast %get3A_2949 : i32 to index
      %get3A_2952 = arith.index_cast %get3A_2950 : i32 to index
      %get3A_2953 = arith.constant 16 : index
      %get3A_2954 = tpu.vector_load %arg7[%get3A_2951, %get3A_2952, %get3A_2953] {strides = array<i32>} : memref<2x64x64xf32, #tpu.memory_space<vmem>>, vector<1x1x16xf32>,
      %get3A_2955 = vector.shape_cast %get3A_2954 : vector<1x1x16xf32> to vector<16xf32>
      %add3A_2956 = arith.addf %add3A_2924, %get3A_2955 : vector<16xf32>
      %get3A_2957 = arith.constant 1 : i32
      %get3A_2958 = arith.constant 21 : i32
      %get3A_2959 = arith.index_cast %get3A_2957 : i32 to index
      %get3A_2960 = arith.index_cast %get3A_2958 : i32 to index
      %get3A_2961 = arith.constant 32 : index
      %get3A_2962 = tpu.vector_load %arg7[%get3A_2959, %get3A_2960, %get3A_2961] {strides = array<i32>} : memref<2x64x64xf32, #tpu.memory_space<vmem>>, vector<1x1x16xf32>,
      %get3A_2963 = vector.shape_cast %get3A_2962 : vector<1x1x16xf32> to vector<16xf32>
      %add3A_2964 = arith.addf %add3A_2932, %get3A_2963 : vector<16xf32>
      %get3A_2965 = arith.constant 1 : i32
      %get3A_2966 = arith.constant 21 : i32
      %get3A_2967 = arith.index_cast %get3A_2965 : i32 to index
      %get3A_2968 = arith.index_cast %get3A_2966 : i32 to index
      %get3A_2969 = arith.constant 48 : index
      %get3A_2970 = tpu.vector_load %arg7[%get3A_2967, %get3A_2968, %get3A_2969] {strides = array<i32>} : memref<2x64x64xf32, #tpu.memory_space<vmem>>, vector<1x1x16xf32>,
      %get3A_2971 = vector.shape_cast %get3A_2970 : vector<1x1x16xf32> to vector<16xf32>
      %add3A_2972 = arith.addf %add3A_2940, %get3A_2971 : vector<16xf32>
      %get3A_2973 = arith.constant 1 : i32
      %get3A_2974 = arith.constant 22 : i32
      %get3A_2975 = arith.index_cast %get3A_2973 : i32 to index
      %get3A_2976 = arith.index_cast %get3A_2974 : i32 to index
      %get3A_2977 = arith.constant 0 : index
      %get3A_2978 = tpu.vector_load %arg7[%get3A_2975, %get3A_2976, %get3A_2977] {strides = array<i32>} : memref<2x64x64xf32, #tpu.memory_space<vmem>>, vector<1x1x16xf32>,
      %get3A_2979 = vector.shape_cast %get3A_2978 : vector<1x1x16xf32> to vector<16xf32>
      %add3A_2980 = arith.addf %add3A_2948, %get3A_2979 : vector<16xf32>
      %get3A_2981 = arith.constant 1 : i32
      %get3A_2982 = arith.constant 22 : i32
      %get3A_2983 = arith.index_cast %get3A_2981 : i32 to index
      %get3A_2984 = arith.index_cast %get3A_2982 : i32 to index
      %get3A_2985 = arith.constant 16 : index
      %get3A_2986 = tpu.vector_load %arg7[%get3A_2983, %get3A_2984, %get3A_2985] {strides = array<i32>} : memref<2x64x64xf32, #tpu.memory_space<vmem>>, vector<1x1x16xf32>,
      %get3A_2987 = vector.shape_cast %get3A_2986 : vector<1x1x16xf32> to vector<16xf32>
      %add3A_2988 = arith.addf %add3A_2956, %get3A_2987 : vector<16xf32>
      %get3A_2989 = arith.constant 1 : i32
      %get3A_2990 = arith.constant 22 : i32
      %get3A_2991 = arith.index_cast %get3A_2989 : i32 to index
      %get3A_2992 = arith.index_cast %get3A_2990 : i32 to index
      %get3A_2993 = arith.constant 32 : index
      %get3A_2994 = tpu.vector_load %arg7[%get3A_2991, %get3A_2992, %get3A_2993] {strides = array<i32>} : memref<2x64x64xf32, #tpu.memory_space<vmem>>, vector<1x1x16xf32>,
      %get3A_2995 = vector.shape_cast %get3A_2994 : vector<1x1x16xf32> to vector<16xf32>
      %add3A_2996 = arith.addf %add3A_2964, %get3A_2995 : vector<16xf32>
      %get3A_2997 = arith.constant 1 : i32
      %get3A_2998 = arith.constant 22 : i32
      %get3A_2999 = arith.index_cast %get3A_2997 : i32 to index
      %get3A_3000 = arith.index_cast %get3A_2998 : i32 to index
      %get3A_3001 = arith.constant 48 : index
      %get3A_3002 = tpu.vector_load %arg7[%get3A_2999, %get3A_3000, %get3A_3001] {strides = array<i32>} : memref<2x64x64xf32, #tpu.memory_space<vmem>>, vector<1x1x16xf32>,
      %get3A_3003 = vector.shape_cast %get3A_3002 : vector<1x1x16xf32> to vector<16xf32>
      %add3A_3004 = arith.addf %add3A_2972, %get3A_3003 : vector<16xf32>
      %get3A_3005 = arith.constant 1 : i32
      %get3A_3006 = arith.constant 23 : i32
      %get3A_3007 = arith.index_cast %get3A_3005 : i32 to index
      %get3A_3008 = arith.index_cast %get3A_3006 : i32 to index
      %get3A_3009 = arith.constant 0 : index
      %get3A_3010 = tpu.vector_load %arg7[%get3A_3007, %get3A_3008, %get3A_3009] {strides = array<i32>} : memref<2x64x64xf32, #tpu.memory_space<vmem>>, vector<1x1x16xf32>,
      %get3A_3011 = vector.shape_cast %get3A_3010 : vector<1x1x16xf32> to vector<16xf32>
      %add3A_3012 = arith.addf %add3A_2980, %get3A_3011 : vector<16xf32>
      %get3A_3013 = arith.constant 1 : i32
      %get3A_3014 = arith.constant 23 : i32
      %get3A_3015 = arith.index_cast %get3A_3013 : i32 to index
      %get3A_3016 = arith.index_cast %get3A_3014 : i32 to index
      %get3A_3017 = arith.constant 16 : index
      %get3A_3018 = tpu.vector_load %arg7[%get3A_3015, %get3A_3016, %get3A_3017] {strides = array<i32>} : memref<2x64x64xf32, #tpu.memory_space<vmem>>, vector<1x1x16xf32>,
      %get3A_3019 = vector.shape_cast %get3A_3018 : vector<1x1x16xf32> to vector<16xf32>
      %add3A_3020 = arith.addf %add3A_2988, %get3A_3019 : vector<16xf32>
      %get3A_3021 = arith.constant 1 : i32
      %get3A_3022 = arith.constant 23 : i32
      %get3A_3023 = arith.index_cast %get3A_3021 : i32 to index
      %get3A_3024 = arith.index_cast %get3A_3022 : i32 to index
      %get3A_3025 = arith.constant 32 : index
      %get3A_3026 = tpu.vector_load %arg7[%get3A_3023, %get3A_3024, %get3A_3025] {strides = array<i32>} : memref<2x64x64xf32, #tpu.memory_space<vmem>>, vector<1x1x16xf32>,
      %get3A_3027 = vector.shape_cast %get3A_3026 : vector<1x1x16xf32> to vector<16xf32>
      %add3A_3028 = arith.addf %add3A_2996, %get3A_3027 : vector<16xf32>
      %get3A_3029 = arith.constant 1 : i32
      %get3A_3030 = arith.constant 23 : i32
      %get3A_3031 = arith.index_cast %get3A_3029 : i32 to index
      %get3A_3032 = arith.index_cast %get3A_3030 : i32 to index
      %get3A_3033 = arith.constant 48 : index
      %get3A_3034 = tpu.vector_load %arg7[%get3A_3031, %get3A_3032, %get3A_3033] {strides = array<i32>} : memref<2x64x64xf32, #tpu.memory_space<vmem>>, vector<1x1x16xf32>,
      %get3A_3035 = vector.shape_cast %get3A_3034 : vector<1x1x16xf32> to vector<16xf32>
      %add3A_3036 = arith.addf %add3A_3004, %get3A_3035 : vector<16xf32>
      %get3A_3037 = arith.constant 1 : i32
      %get3A_3038 = arith.constant 24 : i32
      %get3A_3039 = arith.index_cast %get3A_3037 : i32 to index
      %get3A_3040 = arith.index_cast %get3A_3038 : i32 to index
      %get3A_3041 = arith.constant 0 : index
      %get3A_3042 = tpu.vector_load %arg7[%get3A_3039, %get3A_3040, %get3A_3041] {strides = array<i32>} : memref<2x64x64xf32, #tpu.memory_space<vmem>>, vector<1x1x16xf32>,
      %get3A_3043 = vector.shape_cast %get3A_3042 : vector<1x1x16xf32> to vector<16xf32>
      %add3A_3044 = arith.addf %add3A_3012, %get3A_3043 : vector<16xf32>
      %get3A_3045 = arith.constant 1 : i32
      %get3A_3046 = arith.constant 24 : i32
      %get3A_3047 = arith.index_cast %get3A_3045 : i32 to index
      %get3A_3048 = arith.index_cast %get3A_3046 : i32 to index
      %get3A_3049 = arith.constant 16 : index
      %get3A_3050 = tpu.vector_load %arg7[%get3A_3047, %get3A_3048, %get3A_3049] {strides = array<i32>} : memref<2x64x64xf32, #tpu.memory_space<vmem>>, vector<1x1x16xf32>,
      %get3A_3051 = vector.shape_cast %get3A_3050 : vector<1x1x16xf32> to vector<16xf32>
      %add3A_3052 = arith.addf %add3A_3020, %get3A_3051 : vector<16xf32>
      %get3A_3053 = arith.constant 1 : i32
      %get3A_3054 = arith.constant 24 : i32
      %get3A_3055 = arith.index_cast %get3A_3053 : i32 to index
      %get3A_3056 = arith.index_cast %get3A_3054 : i32 to index
      %get3A_3057 = arith.constant 32 : index
      %get3A_3058 = tpu.vector_load %arg7[%get3A_3055, %get3A_3056, %get3A_3057] {strides = array<i32>} : memref<2x64x64xf32, #tpu.memory_space<vmem>>, vector<1x1x16xf32>,
      %get3A_3059 = vector.shape_cast %get3A_3058 : vector<1x1x16xf32> to vector<16xf32>
      %add3A_3060 = arith.addf %add3A_3028, %get3A_3059 : vector<16xf32>
      %get3A_3061 = arith.constant 1 : i32
      %get3A_3062 = arith.constant 24 : i32
      %get3A_3063 = arith.index_cast %get3A_3061 : i32 to index
      %get3A_3064 = arith.index_cast %get3A_3062 : i32 to index
      %get3A_3065 = arith.constant 48 : index
      %get3A_3066 = tpu.vector_load %arg7[%get3A_3063, %get3A_3064, %get3A_3065] {strides = array<i32>} : memref<2x64x64xf32, #tpu.memory_space<vmem>>, vector<1x1x16xf32>,
      %get3A_3067 = vector.shape_cast %get3A_3066 : vector<1x1x16xf32> to vector<16xf32>
      %add3A_3068 = arith.addf %add3A_3036, %get3A_3067 : vector<16xf32>
      %get3A_3069 = arith.constant 1 : i32
      %get3A_3070 = arith.constant 25 : i32
      %get3A_3071 = arith.index_cast %get3A_3069 : i32 to index
      %get3A_3072 = arith.index_cast %get3A_3070 : i32 to index
      %get3A_3073 = arith.constant 0 : index
      %get3A_3074 = tpu.vector_load %arg7[%get3A_3071, %get3A_3072, %get3A_3073] {strides = array<i32>} : memref<2x64x64xf32, #tpu.memory_space<vmem>>, vector<1x1x16xf32>,
      %get3A_3075 = vector.shape_cast %get3A_3074 : vector<1x1x16xf32> to vector<16xf32>
      %add3A_3076 = arith.addf %add3A_3044, %get3A_3075 : vector<16xf32>
      %get3A_3077 = arith.constant 1 : i32
      %get3A_3078 = arith.constant 25 : i32
      %get3A_3079 = arith.index_cast %get3A_3077 : i32 to index
      %get3A_3080 = arith.index_cast %get3A_3078 : i32 to index
      %get3A_3081 = arith.constant 16 : index
      %get3A_3082 = tpu.vector_load %arg7[%get3A_3079, %get3A_3080, %get3A_3081] {strides = array<i32>} : memref<2x64x64xf32, #tpu.memory_space<vmem>>, vector<1x1x16xf32>,
      %get3A_3083 = vector.shape_cast %get3A_3082 : vector<1x1x16xf32> to vector<16xf32>
      %add3A_3084 = arith.addf %add3A_3052, %get3A_3083 : vector<16xf32>
      %get3A_3085 = arith.constant 1 : i32
      %get3A_3086 = arith.constant 25 : i32
      %get3A_3087 = arith.index_cast %get3A_3085 : i32 to index
      %get3A_3088 = arith.index_cast %get3A_3086 : i32 to index
      %get3A_3089 = arith.constant 32 : index
      %get3A_3090 = tpu.vector_load %arg7[%get3A_3087, %get3A_3088, %get3A_3089] {strides = array<i32>} : memref<2x64x64xf32, #tpu.memory_space<vmem>>, vector<1x1x16xf32>,
      %get3A_3091 = vector.shape_cast %get3A_3090 : vector<1x1x16xf32> to vector<16xf32>
      %add3A_3092 = arith.addf %add3A_3060, %get3A_3091 : vector<16xf32>
      %get3A_3093 = arith.constant 1 : i32
      %get3A_3094 = arith.constant 25 : i32
      %get3A_3095 = arith.index_cast %get3A_3093 : i32 to index
      %get3A_3096 = arith.index_cast %get3A_3094 : i32 to index
      %get3A_3097 = arith.constant 48 : index
      %get3A_3098 = tpu.vector_load %arg7[%get3A_3095, %get3A_3096, %get3A_3097] {strides = array<i32>} : memref<2x64x64xf32, #tpu.memory_space<vmem>>, vector<1x1x16xf32>,
      %get3A_3099 = vector.shape_cast %get3A_3098 : vector<1x1x16xf32> to vector<16xf32>
      %add3A_3100 = arith.addf %add3A_3068, %get3A_3099 : vector<16xf32>
      %get3A_3101 = arith.constant 1 : i32
      %get3A_3102 = arith.constant 26 : i32
      %get3A_3103 = arith.index_cast %get3A_3101 : i32 to index
      %get3A_3104 = arith.index_cast %get3A_3102 : i32 to index
      %get3A_3105 = arith.constant 0 : index
      %get3A_3106 = tpu.vector_load %arg7[%get3A_3103, %get3A_3104, %get3A_3105] {strides = array<i32>} : memref<2x64x64xf32, #tpu.memory_space<vmem>>, vector<1x1x16xf32>,
      %get3A_3107 = vector.shape_cast %get3A_3106 : vector<1x1x16xf32> to vector<16xf32>
      %add3A_3108 = arith.addf %add3A_3076, %get3A_3107 : vector<16xf32>
      %get3A_3109 = arith.constant 1 : i32
      %get3A_3110 = arith.constant 26 : i32
      %get3A_3111 = arith.index_cast %get3A_3109 : i32 to index
      %get3A_3112 = arith.index_cast %get3A_3110 : i32 to index
      %get3A_3113 = arith.constant 16 : index
      %get3A_3114 = tpu.vector_load %arg7[%get3A_3111, %get3A_3112, %get3A_3113] {strides = array<i32>} : memref<2x64x64xf32, #tpu.memory_space<vmem>>, vector<1x1x16xf32>,
      %get3A_3115 = vector.shape_cast %get3A_3114 : vector<1x1x16xf32> to vector<16xf32>
      %add3A_3116 = arith.addf %add3A_3084, %get3A_3115 : vector<16xf32>
      %get3A_3117 = arith.constant 1 : i32
      %get3A_3118 = arith.constant 26 : i32
      %get3A_3119 = arith.index_cast %get3A_3117 : i32 to index
      %get3A_3120 = arith.index_cast %get3A_3118 : i32 to index
      %get3A_3121 = arith.constant 32 : index
      %get3A_3122 = tpu.vector_load %arg7[%get3A_3119, %get3A_3120, %get3A_3121] {strides = array<i32>} : memref<2x64x64xf32, #tpu.memory_space<vmem>>, vector<1x1x16xf32>,
      %get3A_3123 = vector.shape_cast %get3A_3122 : vector<1x1x16xf32> to vector<16xf32>
      %add3A_3124 = arith.addf %add3A_3092, %get3A_3123 : vector<16xf32>
      %get3A_3125 = arith.constant 1 : i32
      %get3A_3126 = arith.constant 26 : i32
      %get3A_3127 = arith.index_cast %get3A_3125 : i32 to index
      %get3A_3128 = arith.index_cast %get3A_3126 : i32 to index
      %get3A_3129 = arith.constant 48 : index
      %get3A_3130 = tpu.vector_load %arg7[%get3A_3127, %get3A_3128, %get3A_3129] {strides = array<i32>} : memref<2x64x64xf32, #tpu.memory_space<vmem>>, vector<1x1x16xf32>,
      %get3A_3131 = vector.shape_cast %get3A_3130 : vector<1x1x16xf32> to vector<16xf32>
      %add3A_3132 = arith.addf %add3A_3100, %get3A_3131 : vector<16xf32>
      %get3A_3133 = arith.constant 1 : i32
      %get3A_3134 = arith.constant 27 : i32
      %get3A_3135 = arith.index_cast %get3A_3133 : i32 to index
      %get3A_3136 = arith.index_cast %get3A_3134 : i32 to index
      %get3A_3137 = arith.constant 0 : index
      %get3A_3138 = tpu.vector_load %arg7[%get3A_3135, %get3A_3136, %get3A_3137] {strides = array<i32>} : memref<2x64x64xf32, #tpu.memory_space<vmem>>, vector<1x1x16xf32>,
      %get3A_3139 = vector.shape_cast %get3A_3138 : vector<1x1x16xf32> to vector<16xf32>
      %add3A_3140 = arith.addf %add3A_3108, %get3A_3139 : vector<16xf32>
      %get3A_3141 = arith.constant 1 : i32
      %get3A_3142 = arith.constant 27 : i32
      %get3A_3143 = arith.index_cast %get3A_3141 : i32 to index
      %get3A_3144 = arith.index_cast %get3A_3142 : i32 to index
      %get3A_3145 = arith.constant 16 : index
      %get3A_3146 = tpu.vector_load %arg7[%get3A_3143, %get3A_3144, %get3A_3145] {strides = array<i32>} : memref<2x64x64xf32, #tpu.memory_space<vmem>>, vector<1x1x16xf32>,
      %get3A_3147 = vector.shape_cast %get3A_3146 : vector<1x1x16xf32> to vector<16xf32>
      %add3A_3148 = arith.addf %add3A_3116, %get3A_3147 : vector<16xf32>
      %get3A_3149 = arith.constant 1 : i32
      %get3A_3150 = arith.constant 27 : i32
      %get3A_3151 = arith.index_cast %get3A_3149 : i32 to index
      %get3A_3152 = arith.index_cast %get3A_3150 : i32 to index
      %get3A_3153 = arith.constant 32 : index
      %get3A_3154 = tpu.vector_load %arg7[%get3A_3151, %get3A_3152, %get3A_3153] {strides = array<i32>} : memref<2x64x64xf32, #tpu.memory_space<vmem>>, vector<1x1x16xf32>,
      %get3A_3155 = vector.shape_cast %get3A_3154 : vector<1x1x16xf32> to vector<16xf32>
      %add3A_3156 = arith.addf %add3A_3124, %get3A_3155 : vector<16xf32>
      %get3A_3157 = arith.constant 1 : i32
      %get3A_3158 = arith.constant 27 : i32
      %get3A_3159 = arith.index_cast %get3A_3157 : i32 to index
      %get3A_3160 = arith.index_cast %get3A_3158 : i32 to index
      %get3A_3161 = arith.constant 48 : index
      %get3A_3162 = tpu.vector_load %arg7[%get3A_3159, %get3A_3160, %get3A_3161] {strides = array<i32>} : memref<2x64x64xf32, #tpu.memory_space<vmem>>, vector<1x1x16xf32>,
      %get3A_3163 = vector.shape_cast %get3A_3162 : vector<1x1x16xf32> to vector<16xf32>
      %add3A_3164 = arith.addf %add3A_3132, %get3A_3163 : vector<16xf32>
      %get3A_3165 = arith.constant 1 : i32
      %get3A_3166 = arith.constant 28 : i32
      %get3A_3167 = arith.index_cast %get3A_3165 : i32 to index
      %get3A_3168 = arith.index_cast %get3A_3166 : i32 to index
      %get3A_3169 = arith.constant 0 : index
      %get3A_3170 = tpu.vector_load %arg7[%get3A_3167, %get3A_3168, %get3A_3169] {strides = array<i32>} : memref<2x64x64xf32, #tpu.memory_space<vmem>>, vector<1x1x16xf32>,
      %get3A_3171 = vector.shape_cast %get3A_3170 : vector<1x1x16xf32> to vector<16xf32>
      %add3A_3172 = arith.addf %add3A_3140, %get3A_3171 : vector<16xf32>
      %get3A_3173 = arith.constant 1 : i32
      %get3A_3174 = arith.constant 28 : i32
      %get3A_3175 = arith.index_cast %get3A_3173 : i32 to index
      %get3A_3176 = arith.index_cast %get3A_3174 : i32 to index
      %get3A_3177 = arith.constant 16 : index
      %get3A_3178 = tpu.vector_load %arg7[%get3A_3175, %get3A_3176, %get3A_3177] {strides = array<i32>} : memref<2x64x64xf32, #tpu.memory_space<vmem>>, vector<1x1x16xf32>,
      %get3A_3179 = vector.shape_cast %get3A_3178 : vector<1x1x16xf32> to vector<16xf32>
      %add3A_3180 = arith.addf %add3A_3148, %get3A_3179 : vector<16xf32>
      %get3A_3181 = arith.constant 1 : i32
      %get3A_3182 = arith.constant 28 : i32
      %get3A_3183 = arith.index_cast %get3A_3181 : i32 to index
      %get3A_3184 = arith.index_cast %get3A_3182 : i32 to index
      %get3A_3185 = arith.constant 32 : index
      %get3A_3186 = tpu.vector_load %arg7[%get3A_3183, %get3A_3184, %get3A_3185] {strides = array<i32>} : memref<2x64x64xf32, #tpu.memory_space<vmem>>, vector<1x1x16xf32>,
      %get3A_3187 = vector.shape_cast %get3A_3186 : vector<1x1x16xf32> to vector<16xf32>
      %add3A_3188 = arith.addf %add3A_3156, %get3A_3187 : vector<16xf32>
      %get3A_3189 = arith.constant 1 : i32
      %get3A_3190 = arith.constant 28 : i32
      %get3A_3191 = arith.index_cast %get3A_3189 : i32 to index
      %get3A_3192 = arith.index_cast %get3A_3190 : i32 to index
      %get3A_3193 = arith.constant 48 : index
      %get3A_3194 = tpu.vector_load %arg7[%get3A_3191, %get3A_3192, %get3A_3193] {strides = array<i32>} : memref<2x64x64xf32, #tpu.memory_space<vmem>>, vector<1x1x16xf32>,
      %get3A_3195 = vector.shape_cast %get3A_3194 : vector<1x1x16xf32> to vector<16xf32>
      %add3A_3196 = arith.addf %add3A_3164, %get3A_3195 : vector<16xf32>
      %get3A_3197 = arith.constant 1 : i32
      %get3A_3198 = arith.constant 29 : i32
      %get3A_3199 = arith.index_cast %get3A_3197 : i32 to index
      %get3A_3200 = arith.index_cast %get3A_3198 : i32 to index
      %get3A_3201 = arith.constant 0 : index
      %get3A_3202 = tpu.vector_load %arg7[%get3A_3199, %get3A_3200, %get3A_3201] {strides = array<i32>} : memref<2x64x64xf32, #tpu.memory_space<vmem>>, vector<1x1x16xf32>,
      %get3A_3203 = vector.shape_cast %get3A_3202 : vector<1x1x16xf32> to vector<16xf32>
      %add3A_3204 = arith.addf %add3A_3172, %get3A_3203 : vector<16xf32>
      %get3A_3205 = arith.constant 1 : i32
      %get3A_3206 = arith.constant 29 : i32
      %get3A_3207 = arith.index_cast %get3A_3205 : i32 to index
      %get3A_3208 = arith.index_cast %get3A_3206 : i32 to index
      %get3A_3209 = arith.constant 16 : index
      %get3A_3210 = tpu.vector_load %arg7[%get3A_3207, %get3A_3208, %get3A_3209] {strides = array<i32>} : memref<2x64x64xf32, #tpu.memory_space<vmem>>, vector<1x1x16xf32>,
      %get3A_3211 = vector.shape_cast %get3A_3210 : vector<1x1x16xf32> to vector<16xf32>
      %add3A_3212 = arith.addf %add3A_3180, %get3A_3211 : vector<16xf32>
      %get3A_3213 = arith.constant 1 : i32
      %get3A_3214 = arith.constant 29 : i32
      %get3A_3215 = arith.index_cast %get3A_3213 : i32 to index
      %get3A_3216 = arith.index_cast %get3A_3214 : i32 to index
      %get3A_3217 = arith.constant 32 : index
      %get3A_3218 = tpu.vector_load %arg7[%get3A_3215, %get3A_3216, %get3A_3217] {strides = array<i32>} : memref<2x64x64xf32, #tpu.memory_space<vmem>>, vector<1x1x16xf32>,
      %get3A_3219 = vector.shape_cast %get3A_3218 : vector<1x1x16xf32> to vector<16xf32>
      %add3A_3220 = arith.addf %add3A_3188, %get3A_3219 : vector<16xf32>
      %get3A_3221 = arith.constant 1 : i32
      %get3A_3222 = arith.constant 29 : i32
      %get3A_3223 = arith.index_cast %get3A_3221 : i32 to index
      %get3A_3224 = arith.index_cast %get3A_3222 : i32 to index
      %get3A_3225 = arith.constant 48 : index
      %get3A_3226 = tpu.vector_load %arg7[%get3A_3223, %get3A_3224, %get3A_3225] {strides = array<i32>} : memref<2x64x64xf32, #tpu.memory_space<vmem>>, vector<1x1x16xf32>,
      %get3A_3227 = vector.shape_cast %get3A_3226 : vector<1x1x16xf32> to vector<16xf32>
      %add3A_3228 = arith.addf %add3A_3196, %get3A_3227 : vector<16xf32>
      %get3A_3229 = arith.constant 1 : i32
      %get3A_3230 = arith.constant 30 : i32
      %get3A_3231 = arith.index_cast %get3A_3229 : i32 to index
      %get3A_3232 = arith.index_cast %get3A_3230 : i32 to index
      %get3A_3233 = arith.constant 0 : index
      %get3A_3234 = tpu.vector_load %arg7[%get3A_3231, %get3A_3232, %get3A_3233] {strides = array<i32>} : memref<2x64x64xf32, #tpu.memory_space<vmem>>, vector<1x1x16xf32>,
      %get3A_3235 = vector.shape_cast %get3A_3234 : vector<1x1x16xf32> to vector<16xf32>
      %add3A_3236 = arith.addf %add3A_3204, %get3A_3235 : vector<16xf32>
      %get3A_3237 = arith.constant 1 : i32
      %get3A_3238 = arith.constant 30 : i32
      %get3A_3239 = arith.index_cast %get3A_3237 : i32 to index
      %get3A_3240 = arith.index_cast %get3A_3238 : i32 to index
      %get3A_3241 = arith.constant 16 : index
      %get3A_3242 = tpu.vector_load %arg7[%get3A_3239, %get3A_3240, %get3A_3241] {strides = array<i32>} : memref<2x64x64xf32, #tpu.memory_space<vmem>>, vector<1x1x16xf32>,
      %get3A_3243 = vector.shape_cast %get3A_3242 : vector<1x1x16xf32> to vector<16xf32>
      %add3A_3244 = arith.addf %add3A_3212, %get3A_3243 : vector<16xf32>
      %get3A_3245 = arith.constant 1 : i32
      %get3A_3246 = arith.constant 30 : i32
      %get3A_3247 = arith.index_cast %get3A_3245 : i32 to index
      %get3A_3248 = arith.index_cast %get3A_3246 : i32 to index
      %get3A_3249 = arith.constant 32 : index
      %get3A_3250 = tpu.vector_load %arg7[%get3A_3247, %get3A_3248, %get3A_3249] {strides = array<i32>} : memref<2x64x64xf32, #tpu.memory_space<vmem>>, vector<1x1x16xf32>,
      %get3A_3251 = vector.shape_cast %get3A_3250 : vector<1x1x16xf32> to vector<16xf32>
      %add3A_3252 = arith.addf %add3A_3220, %get3A_3251 : vector<16xf32>
      %get3A_3253 = arith.constant 1 : i32
      %get3A_3254 = arith.constant 30 : i32
      %get3A_3255 = arith.index_cast %get3A_3253 : i32 to index
      %get3A_3256 = arith.index_cast %get3A_3254 : i32 to index
      %get3A_3257 = arith.constant 48 : index
      %get3A_3258 = tpu.vector_load %arg7[%get3A_3255, %get3A_3256, %get3A_3257] {strides = array<i32>} : memref<2x64x64xf32, #tpu.memory_space<vmem>>, vector<1x1x16xf32>,
      %get3A_3259 = vector.shape_cast %get3A_3258 : vector<1x1x16xf32> to vector<16xf32>
      %add3A_3260 = arith.addf %add3A_3228, %get3A_3259 : vector<16xf32>
      %get3A_3261 = arith.constant 1 : i32
      %get3A_3262 = arith.constant 31 : i32
      %get3A_3263 = arith.index_cast %get3A_3261 : i32 to index
      %get3A_3264 = arith.index_cast %get3A_3262 : i32 to index
      %get3A_3265 = arith.constant 0 : index
      %get3A_3266 = tpu.vector_load %arg7[%get3A_3263, %get3A_3264, %get3A_3265] {strides = array<i32>} : memref<2x64x64xf32, #tpu.memory_space<vmem>>, vector<1x1x16xf32>,
      %get3A_3267 = vector.shape_cast %get3A_3266 : vector<1x1x16xf32> to vector<16xf32>
      %add3A_3268 = arith.addf %add3A_3236, %get3A_3267 : vector<16xf32>
      %get3A_3269 = arith.constant 1 : i32
      %get3A_3270 = arith.constant 31 : i32
      %get3A_3271 = arith.index_cast %get3A_3269 : i32 to index
      %get3A_3272 = arith.index_cast %get3A_3270 : i32 to index
      %get3A_3273 = arith.constant 16 : index
      %get3A_3274 = tpu.vector_load %arg7[%get3A_3271, %get3A_3272, %get3A_3273] {strides = array<i32>} : memref<2x64x64xf32, #tpu.memory_space<vmem>>, vector<1x1x16xf32>,
      %get3A_3275 = vector.shape_cast %get3A_3274 : vector<1x1x16xf32> to vector<16xf32>
      %add3A_3276 = arith.addf %add3A_3244, %get3A_3275 : vector<16xf32>
      %get3A_3277 = arith.constant 1 : i32
      %get3A_3278 = arith.constant 31 : i32
      %get3A_3279 = arith.index_cast %get3A_3277 : i32 to index
      %get3A_3280 = arith.index_cast %get3A_3278 : i32 to index
      %get3A_3281 = arith.constant 32 : index
      %get3A_3282 = tpu.vector_load %arg7[%get3A_3279, %get3A_3280, %get3A_3281] {strides = array<i32>} : memref<2x64x64xf32, #tpu.memory_space<vmem>>, vector<1x1x16xf32>,
      %get3A_3283 = vector.shape_cast %get3A_3282 : vector<1x1x16xf32> to vector<16xf32>
      %add3A_3284 = arith.addf %add3A_3252, %get3A_3283 : vector<16xf32>
      %get3A_3285 = arith.constant 1 : i32
      %get3A_3286 = arith.constant 31 : i32
      %get3A_3287 = arith.index_cast %get3A_3285 : i32 to index
      %get3A_3288 = arith.index_cast %get3A_3286 : i32 to index
      %get3A_3289 = arith.constant 48 : index
      %get3A_3290 = tpu.vector_load %arg7[%get3A_3287, %get3A_3288, %get3A_3289] {strides = array<i32>} : memref<2x64x64xf32, #tpu.memory_space<vmem>>, vector<1x1x16xf32>,
      %get3A_3291 = vector.shape_cast %get3A_3290 : vector<1x1x16xf32> to vector<16xf32>
      %add3A_3292 = arith.addf %add3A_3260, %get3A_3291 : vector<16xf32>
      %mul3A_3293 = arith.constant 2.500000e-01 : f32
      %mul3A_3294 = vector.broadcast %mul3A_3293 : f32 to vector<16xf32>
      %mul3A_3295 = arith.mulf %add3A_3268, %mul3A_3294 : vector<16xf32>
      %add3A_3296 = arith.constant 0 : i32
      %add3A_3297 = arith.addi %mul3A_2270, %add3A_3296 : i32
      %get3A_3298 = arith.index_cast %add3A_3297 : i32 to index
      %get3A_3299 = arith.constant 0 : index
      %get3A_3300 = tpu.vector_load %arg9[%get3A_3298, %get3A_3299] {strides = array<i32>} : memref<16x64xf32, #tpu.memory_space<vmem>>, vector<1x16xf32>,
      %get3A_3301 = vector.shape_cast %get3A_3300 : vector<1x16xf32> to vector<16xf32>
      %add3A_3302 = arith.addf %mul3A_3295, %get3A_3301 : vector<16xf32>
      %add3A_3303 = arith.constant 0 : i32
      %add3A_3304 = arith.addi %mul3A_2272, %add3A_3303 : i32
      %swap3A_3305 = arith.index_cast %add3A_3304 : i32 to index
      %swap3A_3306 = arith.constant 0 : index
      %swap3A_3307 = tpu.vector_load %arg8[%swap3A_3305, %swap3A_3306] {strides = array<i32>} : memref<512x64xf32, #tpu.memory_space<vmem>>, vector<1x16xf32>,
      %swap3A_3308 = vector.shape_cast %swap3A_3307 : vector<1x16xf32> to vector<16xf32>
      %swap3A_3309 = vector.shape_cast %add3A_3302 : vector<16xf32> to vector<1x16xf32>
      tpu.vector_store %arg8[%swap3A_3305, %swap3A_3306], %swap3A_3309 {strides = array<i32>} : memref<512x64xf32, #tpu.memory_space<vmem>>, vector<1x16xf32>,
      %mul3A_3310 = arith.constant 2.500000e-01 : f32
      %mul3A_3311 = vector.broadcast %mul3A_3310 : f32 to vector<16xf32>
      %mul3A_3312 = arith.mulf %add3A_3276, %mul3A_3311 : vector<16xf32>
      %add3A_3313 = arith.constant 0 : i32
      %add3A_3314 = arith.addi %mul3A_2270, %add3A_3313 : i32
      %get3A_3315 = arith.index_cast %add3A_3314 : i32 to index
      %get3A_3316 = arith.constant 16 : index
      %get3A_3317 = tpu.vector_load %arg9[%get3A_3315, %get3A_3316] {strides = array<i32>} : memref<16x64xf32, #tpu.memory_space<vmem>>, vector<1x16xf32>,
      %get3A_3318 = vector.shape_cast %get3A_3317 : vector<1x16xf32> to vector<16xf32>
      %add3A_3319 = arith.addf %mul3A_3312, %get3A_3318 : vector<16xf32>
      %add3A_3320 = arith.constant 0 : i32
      %add3A_3321 = arith.addi %mul3A_2272, %add3A_3320 : i32
      %swap3A_3322 = arith.index_cast %add3A_3321 : i32 to index
      %swap3A_3323 = arith.constant 16 : index
      %swap3A_3324 = tpu.vector_load %arg8[%swap3A_3322, %swap3A_3323] {strides = array<i32>} : memref<512x64xf32, #tpu.memory_space<vmem>>, vector<1x16xf32>,
      %swap3A_3325 = vector.shape_cast %swap3A_3324 : vector<1x16xf32> to vector<16xf32>
      %swap3A_3326 = vector.shape_cast %add3A_3319 : vector<16xf32> to vector<1x16xf32>
      tpu.vector_store %arg8[%swap3A_3322, %swap3A_3323], %swap3A_3326 {strides = array<i32>} : memref<512x64xf32, #tpu.memory_space<vmem>>, vector<1x16xf32>,
      %mul3A_3327 = arith.constant 2.500000e-01 : f32
      %mul3A_3328 = vector.broadcast %mul3A_3327 : f32 to vector<16xf32>
      %mul3A_3329 = arith.mulf %add3A_3284, %mul3A_3328 : vector<16xf32>
      %add3A_3330 = arith.constant 0 : i32
      %add3A_3331 = arith.addi %mul3A_2270, %add3A_3330 : i32
      %get3A_3332 = arith.index_cast %add3A_3331 : i32 to index
      %get3A_3333 = arith.constant 32 : index
      %get3A_3334 = tpu.vector_load %arg9[%get3A_3332, %get3A_3333] {strides = array<i32>} : memref<16x64xf32, #tpu.memory_space<vmem>>, vector<1x16xf32>,
      %get3A_3335 = vector.shape_cast %get3A_3334 : vector<1x16xf32> to vector<16xf32>
      %add3A_3336 = arith.addf %mul3A_3329, %get3A_3335 : vector<16xf32>
      %add3A_3337 = arith.constant 0 : i32
      %add3A_3338 = arith.addi %mul3A_2272, %add3A_3337 : i32
      %swap3A_3339 = arith.index_cast %add3A_3338 : i32 to index
      %swap3A_3340 = arith.constant 32 : index
      %swap3A_3341 = tpu.vector_load %arg8[%swap3A_3339, %swap3A_3340] {strides = array<i32>} : memref<512x64xf32, #tpu.memory_space<vmem>>, vector<1x16xf32>,
      %swap3A_3342 = vector.shape_cast %swap3A_3341 : vector<1x16xf32> to vector<16xf32>
      %swap3A_3343 = vector.shape_cast %add3A_3336 : vector<16xf32> to vector<1x16xf32>
      tpu.vector_store %arg8[%swap3A_3339, %swap3A_3340], %swap3A_3343 {strides = array<i32>} : memref<512x64xf32, #tpu.memory_space<vmem>>, vector<1x16xf32>,
      %mul3A_3344 = arith.constant 2.500000e-01 : f32
      %mul3A_3345 = vector.broadcast %mul3A_3344 : f32 to vector<16xf32>
      %mul3A_3346 = arith.mulf %add3A_3292, %mul3A_3345 : vector<16xf32>
      %add3A_3347 = arith.constant 0 : i32
      %add3A_3348 = arith.addi %mul3A_2270, %add3A_3347 : i32
      %get3A_3349 = arith.index_cast %add3A_3348 : i32 to index
      %get3A_3350 = arith.constant 48 : index
      %get3A_3351 = tpu.vector_load %arg9[%get3A_3349, %get3A_3350] {strides = array<i32>} : memref<16x64xf32, #tpu.memory_space<vmem>>, vector<1x16xf32>,
      %get3A_3352 = vector.shape_cast %get3A_3351 : vector<1x16xf32> to vector<16xf32>
      %add3A_3353 = arith.addf %mul3A_3346, %get3A_3352 : vector<16xf32>
      %add3A_3354 = arith.constant 0 : i32
      %add3A_3355 = arith.addi %mul3A_2272, %add3A_3354 : i32
      %swap3A_3356 = arith.index_cast %add3A_3355 : i32 to index
      %swap3A_3357 = arith.constant 48 : index
      %swap3A_3358 = tpu.vector_load %arg8[%swap3A_3356, %swap3A_3357] {strides = array<i32>} : memref<512x64xf32, #tpu.memory_space<vmem>>, vector<1x16xf32>,
      %swap3A_3359 = vector.shape_cast %swap3A_3358 : vector<1x16xf32> to vector<16xf32>
      %swap3A_3360 = vector.shape_cast %add3A_3353 : vector<16xf32> to vector<1x16xf32>
      tpu.vector_store %arg8[%swap3A_3356, %swap3A_3357], %swap3A_3360 {strides = array<i32>} : memref<512x64xf32, #tpu.memory_space<vmem>>, vector<1x16xf32>,
      %get3A_3361 = arith.constant 1 : i32
      %get3A_3362 = arith.constant 32 : i32
      %get3A_3363 = arith.index_cast %get3A_3361 : i32 to index
      %get3A_3364 = arith.index_cast %get3A_3362 : i32 to index
      %get3A_3365 = arith.constant 0 : index
      %get3A_3366 = tpu.vector_load %arg7[%get3A_3363, %get3A_3364, %get3A_3365] {strides = array<i32>} : memref<2x64x64xf32, #tpu.memory_space<vmem>>, vector<1x1x16xf32>,
      %get3A_3367 = vector.shape_cast %get3A_3366 : vector<1x1x16xf32> to vector<16xf32>
      %get3A_3368 = arith.constant 1 : i32
      %get3A_3369 = arith.constant 32 : i32
      %get3A_3370 = arith.index_cast %get3A_3368 : i32 to index
      %get3A_3371 = arith.index_cast %get3A_3369 : i32 to index
      %get3A_3372 = arith.constant 16 : index
      %get3A_3373 = tpu.vector_load %arg7[%get3A_3370, %get3A_3371, %get3A_3372] {strides = array<i32>} : memref<2x64x64xf32, #tpu.memory_space<vmem>>, vector<1x1x16xf32>,
      %get3A_3374 = vector.shape_cast %get3A_3373 : vector<1x1x16xf32> to vector<16xf32>
      %get3A_3375 = arith.constant 1 : i32
      %get3A_3376 = arith.constant 32 : i32
      %get3A_3377 = arith.index_cast %get3A_3375 : i32 to index
      %get3A_3378 = arith.index_cast %get3A_3376 : i32 to index
      %get3A_3379 = arith.constant 32 : index
      %get3A_3380 = tpu.vector_load %arg7[%get3A_3377, %get3A_3378, %get3A_3379] {strides = array<i32>} : memref<2x64x64xf32, #tpu.memory_space<vmem>>, vector<1x1x16xf32>,
      %get3A_3381 = vector.shape_cast %get3A_3380 : vector<1x1x16xf32> to vector<16xf32>
      %get3A_3382 = arith.constant 1 : i32
      %get3A_3383 = arith.constant 32 : i32
      %get3A_3384 = arith.index_cast %get3A_3382 : i32 to index
      %get3A_3385 = arith.index_cast %get3A_3383 : i32 to index
      %get3A_3386 = arith.constant 48 : index
      %get3A_3387 = tpu.vector_load %arg7[%get3A_3384, %get3A_3385, %get3A_3386] {strides = array<i32>} : memref<2x64x64xf32, #tpu.memory_space<vmem>>, vector<1x1x16xf32>,
      %get3A_3388 = vector.shape_cast %get3A_3387 : vector<1x1x16xf32> to vector<16xf32>
      %get3A_3389 = arith.constant 1 : i32
      %get3A_3390 = arith.constant 33 : i32
      %get3A_3391 = arith.index_cast %get3A_3389 : i32 to index
      %get3A_3392 = arith.index_cast %get3A_3390 : i32 to index
      %get3A_3393 = arith.constant 0 : index
      %get3A_3394 = tpu.vector_load %arg7[%get3A_3391, %get3A_3392, %get3A_3393] {strides = array<i32>} : memref<2x64x64xf32, #tpu.memory_space<vmem>>, vector<1x1x16xf32>,
      %get3A_3395 = vector.shape_cast %get3A_3394 : vector<1x1x16xf32> to vector<16xf32>
      %add3A_3396 = arith.addf %get3A_3367, %get3A_3395 : vector<16xf32>
      %get3A_3397 = arith.constant 1 : i32
      %get3A_3398 = arith.constant 33 : i32
      %get3A_3399 = arith.index_cast %get3A_3397 : i32 to index
      %get3A_3400 = arith.index_cast %get3A_3398 : i32 to index
      %get3A_3401 = arith.constant 16 : index
      %get3A_3402 = tpu.vector_load %arg7[%get3A_3399, %get3A_3400, %get3A_3401] {strides = array<i32>} : memref<2x64x64xf32, #tpu.memory_space<vmem>>, vector<1x1x16xf32>,
      %get3A_3403 = vector.shape_cast %get3A_3402 : vector<1x1x16xf32> to vector<16xf32>
      %add3A_3404 = arith.addf %get3A_3374, %get3A_3403 : vector<16xf32>
      %get3A_3405 = arith.constant 1 : i32
      %get3A_3406 = arith.constant 33 : i32
      %get3A_3407 = arith.index_cast %get3A_3405 : i32 to index
      %get3A_3408 = arith.index_cast %get3A_3406 : i32 to index
      %get3A_3409 = arith.constant 32 : index
      %get3A_3410 = tpu.vector_load %arg7[%get3A_3407, %get3A_3408, %get3A_3409] {strides = array<i32>} : memref<2x64x64xf32, #tpu.memory_space<vmem>>, vector<1x1x16xf32>,
      %get3A_3411 = vector.shape_cast %get3A_3410 : vector<1x1x16xf32> to vector<16xf32>
      %add3A_3412 = arith.addf %get3A_3381, %get3A_3411 : vector<16xf32>
      %get3A_3413 = arith.constant 1 : i32
      %get3A_3414 = arith.constant 33 : i32
      %get3A_3415 = arith.index_cast %get3A_3413 : i32 to index
      %get3A_3416 = arith.index_cast %get3A_3414 : i32 to index
      %get3A_3417 = arith.constant 48 : index
      %get3A_3418 = tpu.vector_load %arg7[%get3A_3415, %get3A_3416, %get3A_3417] {strides = array<i32>} : memref<2x64x64xf32, #tpu.memory_space<vmem>>, vector<1x1x16xf32>,
      %get3A_3419 = vector.shape_cast %get3A_3418 : vector<1x1x16xf32> to vector<16xf32>
      %add3A_3420 = arith.addf %get3A_3388, %get3A_3419 : vector<16xf32>
      %get3A_3421 = arith.constant 1 : i32
      %get3A_3422 = arith.constant 34 : i32
      %get3A_3423 = arith.index_cast %get3A_3421 : i32 to index
      %get3A_3424 = arith.index_cast %get3A_3422 : i32 to index
      %get3A_3425 = arith.constant 0 : index
      %get3A_3426 = tpu.vector_load %arg7[%get3A_3423, %get3A_3424, %get3A_3425] {strides = array<i32>} : memref<2x64x64xf32, #tpu.memory_space<vmem>>, vector<1x1x16xf32>,
      %get3A_3427 = vector.shape_cast %get3A_3426 : vector<1x1x16xf32> to vector<16xf32>
      %add3A_3428 = arith.addf %add3A_3396, %get3A_3427 : vector<16xf32>
      %get3A_3429 = arith.constant 1 : i32
      %get3A_3430 = arith.constant 34 : i32
      %get3A_3431 = arith.index_cast %get3A_3429 : i32 to index
      %get3A_3432 = arith.index_cast %get3A_3430 : i32 to index
      %get3A_3433 = arith.constant 16 : index
      %get3A_3434 = tpu.vector_load %arg7[%get3A_3431, %get3A_3432, %get3A_3433] {strides = array<i32>} : memref<2x64x64xf32, #tpu.memory_space<vmem>>, vector<1x1x16xf32>,
      %get3A_3435 = vector.shape_cast %get3A_3434 : vector<1x1x16xf32> to vector<16xf32>
      %add3A_3436 = arith.addf %add3A_3404, %get3A_3435 : vector<16xf32>
      %get3A_3437 = arith.constant 1 : i32
      %get3A_3438 = arith.constant 34 : i32
      %get3A_3439 = arith.index_cast %get3A_3437 : i32 to index
      %get3A_3440 = arith.index_cast %get3A_3438 : i32 to index
      %get3A_3441 = arith.constant 32 : index
      %get3A_3442 = tpu.vector_load %arg7[%get3A_3439, %get3A_3440, %get3A_3441] {strides = array<i32>} : memref<2x64x64xf32, #tpu.memory_space<vmem>>, vector<1x1x16xf32>,
      %get3A_3443 = vector.shape_cast %get3A_3442 : vector<1x1x16xf32> to vector<16xf32>
      %add3A_3444 = arith.addf %add3A_3412, %get3A_3443 : vector<16xf32>
      %get3A_3445 = arith.constant 1 : i32
      %get3A_3446 = arith.constant 34 : i32
      %get3A_3447 = arith.index_cast %get3A_3445 : i32 to index
      %get3A_3448 = arith.index_cast %get3A_3446 : i32 to index
      %get3A_3449 = arith.constant 48 : index
      %get3A_3450 = tpu.vector_load %arg7[%get3A_3447, %get3A_3448, %get3A_3449] {strides = array<i32>} : memref<2x64x64xf32, #tpu.memory_space<vmem>>, vector<1x1x16xf32>,
      %get3A_3451 = vector.shape_cast %get3A_3450 : vector<1x1x16xf32> to vector<16xf32>
      %add3A_3452 = arith.addf %add3A_3420, %get3A_3451 : vector<16xf32>
      %get3A_3453 = arith.constant 1 : i32
      %get3A_3454 = arith.constant 35 : i32
      %get3A_3455 = arith.index_cast %get3A_3453 : i32 to index
      %get3A_3456 = arith.index_cast %get3A_3454 : i32 to index
      %get3A_3457 = arith.constant 0 : index
      %get3A_3458 = tpu.vector_load %arg7[%get3A_3455, %get3A_3456, %get3A_3457] {strides = array<i32>} : memref<2x64x64xf32, #tpu.memory_space<vmem>>, vector<1x1x16xf32>,
      %get3A_3459 = vector.shape_cast %get3A_3458 : vector<1x1x16xf32> to vector<16xf32>
      %add3A_3460 = arith.addf %add3A_3428, %get3A_3459 : vector<16xf32>
      %get3A_3461 = arith.constant 1 : i32
      %get3A_3462 = arith.constant 35 : i32
      %get3A_3463 = arith.index_cast %get3A_3461 : i32 to index
      %get3A_3464 = arith.index_cast %get3A_3462 : i32 to index
      %get3A_3465 = arith.constant 16 : index
      %get3A_3466 = tpu.vector_load %arg7[%get3A_3463, %get3A_3464, %get3A_3465] {strides = array<i32>} : memref<2x64x64xf32, #tpu.memory_space<vmem>>, vector<1x1x16xf32>,
      %get3A_3467 = vector.shape_cast %get3A_3466 : vector<1x1x16xf32> to vector<16xf32>
      %add3A_3468 = arith.addf %add3A_3436, %get3A_3467 : vector<16xf32>
      %get3A_3469 = arith.constant 1 : i32
      %get3A_3470 = arith.constant 35 : i32
      %get3A_3471 = arith.index_cast %get3A_3469 : i32 to index
      %get3A_3472 = arith.index_cast %get3A_3470 : i32 to index
      %get3A_3473 = arith.constant 32 : index
      %get3A_3474 = tpu.vector_load %arg7[%get3A_3471, %get3A_3472, %get3A_3473] {strides = array<i32>} : memref<2x64x64xf32, #tpu.memory_space<vmem>>, vector<1x1x16xf32>,
      %get3A_3475 = vector.shape_cast %get3A_3474 : vector<1x1x16xf32> to vector<16xf32>
      %add3A_3476 = arith.addf %add3A_3444, %get3A_3475 : vector<16xf32>
      %get3A_3477 = arith.constant 1 : i32
      %get3A_3478 = arith.constant 35 : i32
      %get3A_3479 = arith.index_cast %get3A_3477 : i32 to index
      %get3A_3480 = arith.index_cast %get3A_3478 : i32 to index
      %get3A_3481 = arith.constant 48 : index
      %get3A_3482 = tpu.vector_load %arg7[%get3A_3479, %get3A_3480, %get3A_3481] {strides = array<i32>} : memref<2x64x64xf32, #tpu.memory_space<vmem>>, vector<1x1x16xf32>,
      %get3A_3483 = vector.shape_cast %get3A_3482 : vector<1x1x16xf32> to vector<16xf32>
      %add3A_3484 = arith.addf %add3A_3452, %get3A_3483 : vector<16xf32>
      %get3A_3485 = arith.constant 1 : i32
      %get3A_3486 = arith.constant 36 : i32
      %get3A_3487 = arith.index_cast %get3A_3485 : i32 to index
      %get3A_3488 = arith.index_cast %get3A_3486 : i32 to index
      %get3A_3489 = arith.constant 0 : index
      %get3A_3490 = tpu.vector_load %arg7[%get3A_3487, %get3A_3488, %get3A_3489] {strides = array<i32>} : memref<2x64x64xf32, #tpu.memory_space<vmem>>, vector<1x1x16xf32>,
      %get3A_3491 = vector.shape_cast %get3A_3490 : vector<1x1x16xf32> to vector<16xf32>
      %add3A_3492 = arith.addf %add3A_3460, %get3A_3491 : vector<16xf32>
      %get3A_3493 = arith.constant 1 : i32
      %get3A_3494 = arith.constant 36 : i32
      %get3A_3495 = arith.index_cast %get3A_3493 : i32 to index
      %get3A_3496 = arith.index_cast %get3A_3494 : i32 to index
      %get3A_3497 = arith.constant 16 : index
      %get3A_3498 = tpu.vector_load %arg7[%get3A_3495, %get3A_3496, %get3A_3497] {strides = array<i32>} : memref<2x64x64xf32, #tpu.memory_space<vmem>>, vector<1x1x16xf32>,
      %get3A_3499 = vector.shape_cast %get3A_3498 : vector<1x1x16xf32> to vector<16xf32>
      %add3A_3500 = arith.addf %add3A_3468, %get3A_3499 : vector<16xf32>
      %get3A_3501 = arith.constant 1 : i32
      %get3A_3502 = arith.constant 36 : i32
      %get3A_3503 = arith.index_cast %get3A_3501 : i32 to index
      %get3A_3504 = arith.index_cast %get3A_3502 : i32 to index
      %get3A_3505 = arith.constant 32 : index
      %get3A_3506 = tpu.vector_load %arg7[%get3A_3503, %get3A_3504, %get3A_3505] {strides = array<i32>} : memref<2x64x64xf32, #tpu.memory_space<vmem>>, vector<1x1x16xf32>,
      %get3A_3507 = vector.shape_cast %get3A_3506 : vector<1x1x16xf32> to vector<16xf32>
      %add3A_3508 = arith.addf %add3A_3476, %get3A_3507 : vector<16xf32>
      %get3A_3509 = arith.constant 1 : i32
      %get3A_3510 = arith.constant 36 : i32
      %get3A_3511 = arith.index_cast %get3A_3509 : i32 to index
      %get3A_3512 = arith.index_cast %get3A_3510 : i32 to index
      %get3A_3513 = arith.constant 48 : index
      %get3A_3514 = tpu.vector_load %arg7[%get3A_3511, %get3A_3512, %get3A_3513] {strides = array<i32>} : memref<2x64x64xf32, #tpu.memory_space<vmem>>, vector<1x1x16xf32>,
      %get3A_3515 = vector.shape_cast %get3A_3514 : vector<1x1x16xf32> to vector<16xf32>
      %add3A_3516 = arith.addf %add3A_3484, %get3A_3515 : vector<16xf32>
      %get3A_3517 = arith.constant 1 : i32
      %get3A_3518 = arith.constant 37 : i32
      %get3A_3519 = arith.index_cast %get3A_3517 : i32 to index
      %get3A_3520 = arith.index_cast %get3A_3518 : i32 to index
      %get3A_3521 = arith.constant 0 : index
      %get3A_3522 = tpu.vector_load %arg7[%get3A_3519, %get3A_3520, %get3A_3521] {strides = array<i32>} : memref<2x64x64xf32, #tpu.memory_space<vmem>>, vector<1x1x16xf32>,
      %get3A_3523 = vector.shape_cast %get3A_3522 : vector<1x1x16xf32> to vector<16xf32>
      %add3A_3524 = arith.addf %add3A_3492, %get3A_3523 : vector<16xf32>
      %get3A_3525 = arith.constant 1 : i32
      %get3A_3526 = arith.constant 37 : i32
      %get3A_3527 = arith.index_cast %get3A_3525 : i32 to index
      %get3A_3528 = arith.index_cast %get3A_3526 : i32 to index
      %get3A_3529 = arith.constant 16 : index
      %get3A_3530 = tpu.vector_load %arg7[%get3A_3527, %get3A_3528, %get3A_3529] {strides = array<i32>} : memref<2x64x64xf32, #tpu.memory_space<vmem>>, vector<1x1x16xf32>,
      %get3A_3531 = vector.shape_cast %get3A_3530 : vector<1x1x16xf32> to vector<16xf32>
      %add3A_3532 = arith.addf %add3A_3500, %get3A_3531 : vector<16xf32>
      %get3A_3533 = arith.constant 1 : i32
      %get3A_3534 = arith.constant 37 : i32
      %get3A_3535 = arith.index_cast %get3A_3533 : i32 to index
      %get3A_3536 = arith.index_cast %get3A_3534 : i32 to index
      %get3A_3537 = arith.constant 32 : index
      %get3A_3538 = tpu.vector_load %arg7[%get3A_3535, %get3A_3536, %get3A_3537] {strides = array<i32>} : memref<2x64x64xf32, #tpu.memory_space<vmem>>, vector<1x1x16xf32>,
      %get3A_3539 = vector.shape_cast %get3A_3538 : vector<1x1x16xf32> to vector<16xf32>
      %add3A_3540 = arith.addf %add3A_3508, %get3A_3539 : vector<16xf32>
      %get3A_3541 = arith.constant 1 : i32
      %get3A_3542 = arith.constant 37 : i32
      %get3A_3543 = arith.index_cast %get3A_3541 : i32 to index
      %get3A_3544 = arith.index_cast %get3A_3542 : i32 to index
      %get3A_3545 = arith.constant 48 : index
      %get3A_3546 = tpu.vector_load %arg7[%get3A_3543, %get3A_3544, %get3A_3545] {strides = array<i32>} : memref<2x64x64xf32, #tpu.memory_space<vmem>>, vector<1x1x16xf32>,
      %get3A_3547 = vector.shape_cast %get3A_3546 : vector<1x1x16xf32> to vector<16xf32>
      %add3A_3548 = arith.addf %add3A_3516, %get3A_3547 : vector<16xf32>
      %get3A_3549 = arith.constant 1 : i32
      %get3A_3550 = arith.constant 38 : i32
      %get3A_3551 = arith.index_cast %get3A_3549 : i32 to index
      %get3A_3552 = arith.index_cast %get3A_3550 : i32 to index
      %get3A_3553 = arith.constant 0 : index
      %get3A_3554 = tpu.vector_load %arg7[%get3A_3551, %get3A_3552, %get3A_3553] {strides = array<i32>} : memref<2x64x64xf32, #tpu.memory_space<vmem>>, vector<1x1x16xf32>,
      %get3A_3555 = vector.shape_cast %get3A_3554 : vector<1x1x16xf32> to vector<16xf32>
      %add3A_3556 = arith.addf %add3A_3524, %get3A_3555 : vector<16xf32>
      %get3A_3557 = arith.constant 1 : i32
      %get3A_3558 = arith.constant 38 : i32
      %get3A_3559 = arith.index_cast %get3A_3557 : i32 to index
      %get3A_3560 = arith.index_cast %get3A_3558 : i32 to index
      %get3A_3561 = arith.constant 16 : index
      %get3A_3562 = tpu.vector_load %arg7[%get3A_3559, %get3A_3560, %get3A_3561] {strides = array<i32>} : memref<2x64x64xf32, #tpu.memory_space<vmem>>, vector<1x1x16xf32>,
      %get3A_3563 = vector.shape_cast %get3A_3562 : vector<1x1x16xf32> to vector<16xf32>
      %add3A_3564 = arith.addf %add3A_3532, %get3A_3563 : vector<16xf32>
      %get3A_3565 = arith.constant 1 : i32
      %get3A_3566 = arith.constant 38 : i32
      %get3A_3567 = arith.index_cast %get3A_3565 : i32 to index
      %get3A_3568 = arith.index_cast %get3A_3566 : i32 to index
      %get3A_3569 = arith.constant 32 : index
      %get3A_3570 = tpu.vector_load %arg7[%get3A_3567, %get3A_3568, %get3A_3569] {strides = array<i32>} : memref<2x64x64xf32, #tpu.memory_space<vmem>>, vector<1x1x16xf32>,
      %get3A_3571 = vector.shape_cast %get3A_3570 : vector<1x1x16xf32> to vector<16xf32>
      %add3A_3572 = arith.addf %add3A_3540, %get3A_3571 : vector<16xf32>
      %get3A_3573 = arith.constant 1 : i32
      %get3A_3574 = arith.constant 38 : i32
      %get3A_3575 = arith.index_cast %get3A_3573 : i32 to index
      %get3A_3576 = arith.index_cast %get3A_3574 : i32 to index
      %get3A_3577 = arith.constant 48 : index
      %get3A_3578 = tpu.vector_load %arg7[%get3A_3575, %get3A_3576, %get3A_3577] {strides = array<i32>} : memref<2x64x64xf32, #tpu.memory_space<vmem>>, vector<1x1x16xf32>,
      %get3A_3579 = vector.shape_cast %get3A_3578 : vector<1x1x16xf32> to vector<16xf32>
      %add3A_3580 = arith.addf %add3A_3548, %get3A_3579 : vector<16xf32>
      %get3A_3581 = arith.constant 1 : i32
      %get3A_3582 = arith.constant 39 : i32
      %get3A_3583 = arith.index_cast %get3A_3581 : i32 to index
      %get3A_3584 = arith.index_cast %get3A_3582 : i32 to index
      %get3A_3585 = arith.constant 0 : index
      %get3A_3586 = tpu.vector_load %arg7[%get3A_3583, %get3A_3584, %get3A_3585] {strides = array<i32>} : memref<2x64x64xf32, #tpu.memory_space<vmem>>, vector<1x1x16xf32>,
      %get3A_3587 = vector.shape_cast %get3A_3586 : vector<1x1x16xf32> to vector<16xf32>
      %add3A_3588 = arith.addf %add3A_3556, %get3A_3587 : vector<16xf32>
      %get3A_3589 = arith.constant 1 : i32
      %get3A_3590 = arith.constant 39 : i32
      %get3A_3591 = arith.index_cast %get3A_3589 : i32 to index
      %get3A_3592 = arith.index_cast %get3A_3590 : i32 to index
      %get3A_3593 = arith.constant 16 : index
      %get3A_3594 = tpu.vector_load %arg7[%get3A_3591, %get3A_3592, %get3A_3593] {strides = array<i32>} : memref<2x64x64xf32, #tpu.memory_space<vmem>>, vector<1x1x16xf32>,
      %get3A_3595 = vector.shape_cast %get3A_3594 : vector<1x1x16xf32> to vector<16xf32>
      %add3A_3596 = arith.addf %add3A_3564, %get3A_3595 : vector<16xf32>
      %get3A_3597 = arith.constant 1 : i32
      %get3A_3598 = arith.constant 39 : i32
      %get3A_3599 = arith.index_cast %get3A_3597 : i32 to index
      %get3A_3600 = arith.index_cast %get3A_3598 : i32 to index
      %get3A_3601 = arith.constant 32 : index
      %get3A_3602 = tpu.vector_load %arg7[%get3A_3599, %get3A_3600, %get3A_3601] {strides = array<i32>} : memref<2x64x64xf32, #tpu.memory_space<vmem>>, vector<1x1x16xf32>,
      %get3A_3603 = vector.shape_cast %get3A_3602 : vector<1x1x16xf32> to vector<16xf32>
      %add3A_3604 = arith.addf %add3A_3572, %get3A_3603 : vector<16xf32>
      %get3A_3605 = arith.constant 1 : i32
      %get3A_3606 = arith.constant 39 : i32
      %get3A_3607 = arith.index_cast %get3A_3605 : i32 to index
      %get3A_3608 = arith.index_cast %get3A_3606 : i32 to index
      %get3A_3609 = arith.constant 48 : index
      %get3A_3610 = tpu.vector_load %arg7[%get3A_3607, %get3A_3608, %get3A_3609] {strides = array<i32>} : memref<2x64x64xf32, #tpu.memory_space<vmem>>, vector<1x1x16xf32>,
      %get3A_3611 = vector.shape_cast %get3A_3610 : vector<1x1x16xf32> to vector<16xf32>
      %add3A_3612 = arith.addf %add3A_3580, %get3A_3611 : vector<16xf32>
      %get3A_3613 = arith.constant 1 : i32
      %get3A_3614 = arith.constant 40 : i32
      %get3A_3615 = arith.index_cast %get3A_3613 : i32 to index
      %get3A_3616 = arith.index_cast %get3A_3614 : i32 to index
      %get3A_3617 = arith.constant 0 : index
      %get3A_3618 = tpu.vector_load %arg7[%get3A_3615, %get3A_3616, %get3A_3617] {strides = array<i32>} : memref<2x64x64xf32, #tpu.memory_space<vmem>>, vector<1x1x16xf32>,
      %get3A_3619 = vector.shape_cast %get3A_3618 : vector<1x1x16xf32> to vector<16xf32>
      %add3A_3620 = arith.addf %add3A_3588, %get3A_3619 : vector<16xf32>
      %get3A_3621 = arith.constant 1 : i32
      %get3A_3622 = arith.constant 40 : i32
      %get3A_3623 = arith.index_cast %get3A_3621 : i32 to index
      %get3A_3624 = arith.index_cast %get3A_3622 : i32 to index
      %get3A_3625 = arith.constant 16 : index
      %get3A_3626 = tpu.vector_load %arg7[%get3A_3623, %get3A_3624, %get3A_3625] {strides = array<i32>} : memref<2x64x64xf32, #tpu.memory_space<vmem>>, vector<1x1x16xf32>,
      %get3A_3627 = vector.shape_cast %get3A_3626 : vector<1x1x16xf32> to vector<16xf32>
      %add3A_3628 = arith.addf %add3A_3596, %get3A_3627 : vector<16xf32>
      %get3A_3629 = arith.constant 1 : i32
      %get3A_3630 = arith.constant 40 : i32
      %get3A_3631 = arith.index_cast %get3A_3629 : i32 to index
      %get3A_3632 = arith.index_cast %get3A_3630 : i32 to index
      %get3A_3633 = arith.constant 32 : index
      %get3A_3634 = tpu.vector_load %arg7[%get3A_3631, %get3A_3632, %get3A_3633] {strides = array<i32>} : memref<2x64x64xf32, #tpu.memory_space<vmem>>, vector<1x1x16xf32>,
      %get3A_3635 = vector.shape_cast %get3A_3634 : vector<1x1x16xf32> to vector<16xf32>
      %add3A_3636 = arith.addf %add3A_3604, %get3A_3635 : vector<16xf32>
      %get3A_3637 = arith.constant 1 : i32
      %get3A_3638 = arith.constant 40 : i32
      %get3A_3639 = arith.index_cast %get3A_3637 : i32 to index
      %get3A_3640 = arith.index_cast %get3A_3638 : i32 to index
      %get3A_3641 = arith.constant 48 : index
      %get3A_3642 = tpu.vector_load %arg7[%get3A_3639, %get3A_3640, %get3A_3641] {strides = array<i32>} : memref<2x64x64xf32, #tpu.memory_space<vmem>>, vector<1x1x16xf32>,
      %get3A_3643 = vector.shape_cast %get3A_3642 : vector<1x1x16xf32> to vector<16xf32>
      %add3A_3644 = arith.addf %add3A_3612, %get3A_3643 : vector<16xf32>
      %get3A_3645 = arith.constant 1 : i32
      %get3A_3646 = arith.constant 41 : i32
      %get3A_3647 = arith.index_cast %get3A_3645 : i32 to index
      %get3A_3648 = arith.index_cast %get3A_3646 : i32 to index
      %get3A_3649 = arith.constant 0 : index
      %get3A_3650 = tpu.vector_load %arg7[%get3A_3647, %get3A_3648, %get3A_3649] {strides = array<i32>} : memref<2x64x64xf32, #tpu.memory_space<vmem>>, vector<1x1x16xf32>,
      %get3A_3651 = vector.shape_cast %get3A_3650 : vector<1x1x16xf32> to vector<16xf32>
      %add3A_3652 = arith.addf %add3A_3620, %get3A_3651 : vector<16xf32>
      %get3A_3653 = arith.constant 1 : i32
      %get3A_3654 = arith.constant 41 : i32
      %get3A_3655 = arith.index_cast %get3A_3653 : i32 to index
      %get3A_3656 = arith.index_cast %get3A_3654 : i32 to index
      %get3A_3657 = arith.constant 16 : index
      %get3A_3658 = tpu.vector_load %arg7[%get3A_3655, %get3A_3656, %get3A_3657] {strides = array<i32>} : memref<2x64x64xf32, #tpu.memory_space<vmem>>, vector<1x1x16xf32>,
      %get3A_3659 = vector.shape_cast %get3A_3658 : vector<1x1x16xf32> to vector<16xf32>
      %add3A_3660 = arith.addf %add3A_3628, %get3A_3659 : vector<16xf32>
      %get3A_3661 = arith.constant 1 : i32
      %get3A_3662 = arith.constant 41 : i32
      %get3A_3663 = arith.index_cast %get3A_3661 : i32 to index
      %get3A_3664 = arith.index_cast %get3A_3662 : i32 to index
      %get3A_3665 = arith.constant 32 : index
      %get3A_3666 = tpu.vector_load %arg7[%get3A_3663, %get3A_3664, %get3A_3665] {strides = array<i32>} : memref<2x64x64xf32, #tpu.memory_space<vmem>>, vector<1x1x16xf32>,
      %get3A_3667 = vector.shape_cast %get3A_3666 : vector<1x1x16xf32> to vector<16xf32>
      %add3A_3668 = arith.addf %add3A_3636, %get3A_3667 : vector<16xf32>
      %get3A_3669 = arith.constant 1 : i32
      %get3A_3670 = arith.constant 41 : i32
      %get3A_3671 = arith.index_cast %get3A_3669 : i32 to index
      %get3A_3672 = arith.index_cast %get3A_3670 : i32 to index
      %get3A_3673 = arith.constant 48 : index
      %get3A_3674 = tpu.vector_load %arg7[%get3A_3671, %get3A_3672, %get3A_3673] {strides = array<i32>} : memref<2x64x64xf32, #tpu.memory_space<vmem>>, vector<1x1x16xf32>,
      %get3A_3675 = vector.shape_cast %get3A_3674 : vector<1x1x16xf32> to vector<16xf32>
      %add3A_3676 = arith.addf %add3A_3644, %get3A_3675 : vector<16xf32>
      %get3A_3677 = arith.constant 1 : i32
      %get3A_3678 = arith.constant 42 : i32
      %get3A_3679 = arith.index_cast %get3A_3677 : i32 to index
      %get3A_3680 = arith.index_cast %get3A_3678 : i32 to index
      %get3A_3681 = arith.constant 0 : index
      %get3A_3682 = tpu.vector_load %arg7[%get3A_3679, %get3A_3680, %get3A_3681] {strides = array<i32>} : memref<2x64x64xf32, #tpu.memory_space<vmem>>, vector<1x1x16xf32>,
      %get3A_3683 = vector.shape_cast %get3A_3682 : vector<1x1x16xf32> to vector<16xf32>
      %add3A_3684 = arith.addf %add3A_3652, %get3A_3683 : vector<16xf32>
      %get3A_3685 = arith.constant 1 : i32
      %get3A_3686 = arith.constant 42 : i32
      %get3A_3687 = arith.index_cast %get3A_3685 : i32 to index
      %get3A_3688 = arith.index_cast %get3A_3686 : i32 to index
      %get3A_3689 = arith.constant 16 : index
      %get3A_3690 = tpu.vector_load %arg7[%get3A_3687, %get3A_3688, %get3A_3689] {strides = array<i32>} : memref<2x64x64xf32, #tpu.memory_space<vmem>>, vector<1x1x16xf32>,
      %get3A_3691 = vector.shape_cast %get3A_3690 : vector<1x1x16xf32> to vector<16xf32>
      %add3A_3692 = arith.addf %add3A_3660, %get3A_3691 : vector<16xf32>
      %get3A_3693 = arith.constant 1 : i32
      %get3A_3694 = arith.constant 42 : i32
      %get3A_3695 = arith.index_cast %get3A_3693 : i32 to index
      %get3A_3696 = arith.index_cast %get3A_3694 : i32 to index
      %get3A_3697 = arith.constant 32 : index
      %get3A_3698 = tpu.vector_load %arg7[%get3A_3695, %get3A_3696, %get3A_3697] {strides = array<i32>} : memref<2x64x64xf32, #tpu.memory_space<vmem>>, vector<1x1x16xf32>,
      %get3A_3699 = vector.shape_cast %get3A_3698 : vector<1x1x16xf32> to vector<16xf32>
      %add3A_3700 = arith.addf %add3A_3668, %get3A_3699 : vector<16xf32>
      %get3A_3701 = arith.constant 1 : i32
      %get3A_3702 = arith.constant 42 : i32
      %get3A_3703 = arith.index_cast %get3A_3701 : i32 to index
      %get3A_3704 = arith.index_cast %get3A_3702 : i32 to index
      %get3A_3705 = arith.constant 48 : index
      %get3A_3706 = tpu.vector_load %arg7[%get3A_3703, %get3A_3704, %get3A_3705] {strides = array<i32>} : memref<2x64x64xf32, #tpu.memory_space<vmem>>, vector<1x1x16xf32>,
      %get3A_3707 = vector.shape_cast %get3A_3706 : vector<1x1x16xf32> to vector<16xf32>
      %add3A_3708 = arith.addf %add3A_3676, %get3A_3707 : vector<16xf32>
      %get3A_3709 = arith.constant 1 : i32
      %get3A_3710 = arith.constant 43 : i32
      %get3A_3711 = arith.index_cast %get3A_3709 : i32 to index
      %get3A_3712 = arith.index_cast %get3A_3710 : i32 to index
      %get3A_3713 = arith.constant 0 : index
      %get3A_3714 = tpu.vector_load %arg7[%get3A_3711, %get3A_3712, %get3A_3713] {strides = array<i32>} : memref<2x64x64xf32, #tpu.memory_space<vmem>>, vector<1x1x16xf32>,
      %get3A_3715 = vector.shape_cast %get3A_3714 : vector<1x1x16xf32> to vector<16xf32>
      %add3A_3716 = arith.addf %add3A_3684, %get3A_3715 : vector<16xf32>
      %get3A_3717 = arith.constant 1 : i32
      %get3A_3718 = arith.constant 43 : i32
      %get3A_3719 = arith.index_cast %get3A_3717 : i32 to index
      %get3A_3720 = arith.index_cast %get3A_3718 : i32 to index
      %get3A_3721 = arith.constant 16 : index
      %get3A_3722 = tpu.vector_load %arg7[%get3A_3719, %get3A_3720, %get3A_3721] {strides = array<i32>} : memref<2x64x64xf32, #tpu.memory_space<vmem>>, vector<1x1x16xf32>,
      %get3A_3723 = vector.shape_cast %get3A_3722 : vector<1x1x16xf32> to vector<16xf32>
      %add3A_3724 = arith.addf %add3A_3692, %get3A_3723 : vector<16xf32>
      %get3A_3725 = arith.constant 1 : i32
      %get3A_3726 = arith.constant 43 : i32
      %get3A_3727 = arith.index_cast %get3A_3725 : i32 to index
      %get3A_3728 = arith.index_cast %get3A_3726 : i32 to index
      %get3A_3729 = arith.constant 32 : index
      %get3A_3730 = tpu.vector_load %arg7[%get3A_3727, %get3A_3728, %get3A_3729] {strides = array<i32>} : memref<2x64x64xf32, #tpu.memory_space<vmem>>, vector<1x1x16xf32>,
      %get3A_3731 = vector.shape_cast %get3A_3730 : vector<1x1x16xf32> to vector<16xf32>
      %add3A_3732 = arith.addf %add3A_3700, %get3A_3731 : vector<16xf32>
      %get3A_3733 = arith.constant 1 : i32
      %get3A_3734 = arith.constant 43 : i32
      %get3A_3735 = arith.index_cast %get3A_3733 : i32 to index
      %get3A_3736 = arith.index_cast %get3A_3734 : i32 to index
      %get3A_3737 = arith.constant 48 : index
      %get3A_3738 = tpu.vector_load %arg7[%get3A_3735, %get3A_3736, %get3A_3737] {strides = array<i32>} : memref<2x64x64xf32, #tpu.memory_space<vmem>>, vector<1x1x16xf32>,
      %get3A_3739 = vector.shape_cast %get3A_3738 : vector<1x1x16xf32> to vector<16xf32>
      %add3A_3740 = arith.addf %add3A_3708, %get3A_3739 : vector<16xf32>
      %get3A_3741 = arith.constant 1 : i32
      %get3A_3742 = arith.constant 44 : i32
      %get3A_3743 = arith.index_cast %get3A_3741 : i32 to index
      %get3A_3744 = arith.index_cast %get3A_3742 : i32 to index
      %get3A_3745 = arith.constant 0 : index
      %get3A_3746 = tpu.vector_load %arg7[%get3A_3743, %get3A_3744, %get3A_3745] {strides = array<i32>} : memref<2x64x64xf32, #tpu.memory_space<vmem>>, vector<1x1x16xf32>,
      %get3A_3747 = vector.shape_cast %get3A_3746 : vector<1x1x16xf32> to vector<16xf32>
      %add3A_3748 = arith.addf %add3A_3716, %get3A_3747 : vector<16xf32>
      %get3A_3749 = arith.constant 1 : i32
      %get3A_3750 = arith.constant 44 : i32
      %get3A_3751 = arith.index_cast %get3A_3749 : i32 to index
      %get3A_3752 = arith.index_cast %get3A_3750 : i32 to index
      %get3A_3753 = arith.constant 16 : index
      %get3A_3754 = tpu.vector_load %arg7[%get3A_3751, %get3A_3752, %get3A_3753] {strides = array<i32>} : memref<2x64x64xf32, #tpu.memory_space<vmem>>, vector<1x1x16xf32>,
      %get3A_3755 = vector.shape_cast %get3A_3754 : vector<1x1x16xf32> to vector<16xf32>
      %add3A_3756 = arith.addf %add3A_3724, %get3A_3755 : vector<16xf32>
      %get3A_3757 = arith.constant 1 : i32
      %get3A_3758 = arith.constant 44 : i32
      %get3A_3759 = arith.index_cast %get3A_3757 : i32 to index
      %get3A_3760 = arith.index_cast %get3A_3758 : i32 to index
      %get3A_3761 = arith.constant 32 : index
      %get3A_3762 = tpu.vector_load %arg7[%get3A_3759, %get3A_3760, %get3A_3761] {strides = array<i32>} : memref<2x64x64xf32, #tpu.memory_space<vmem>>, vector<1x1x16xf32>,
      %get3A_3763 = vector.shape_cast %get3A_3762 : vector<1x1x16xf32> to vector<16xf32>
      %add3A_3764 = arith.addf %add3A_3732, %get3A_3763 : vector<16xf32>
      %get3A_3765 = arith.constant 1 : i32
      %get3A_3766 = arith.constant 44 : i32
      %get3A_3767 = arith.index_cast %get3A_3765 : i32 to index
      %get3A_3768 = arith.index_cast %get3A_3766 : i32 to index
      %get3A_3769 = arith.constant 48 : index
      %get3A_3770 = tpu.vector_load %arg7[%get3A_3767, %get3A_3768, %get3A_3769] {strides = array<i32>} : memref<2x64x64xf32, #tpu.memory_space<vmem>>, vector<1x1x16xf32>,
      %get3A_3771 = vector.shape_cast %get3A_3770 : vector<1x1x16xf32> to vector<16xf32>
      %add3A_3772 = arith.addf %add3A_3740, %get3A_3771 : vector<16xf32>
      %get3A_3773 = arith.constant 1 : i32
      %get3A_3774 = arith.constant 45 : i32
      %get3A_3775 = arith.index_cast %get3A_3773 : i32 to index
      %get3A_3776 = arith.index_cast %get3A_3774 : i32 to index
      %get3A_3777 = arith.constant 0 : index
      %get3A_3778 = tpu.vector_load %arg7[%get3A_3775, %get3A_3776, %get3A_3777] {strides = array<i32>} : memref<2x64x64xf32, #tpu.memory_space<vmem>>, vector<1x1x16xf32>,
      %get3A_3779 = vector.shape_cast %get3A_3778 : vector<1x1x16xf32> to vector<16xf32>
      %add3A_3780 = arith.addf %add3A_3748, %get3A_3779 : vector<16xf32>
      %get3A_3781 = arith.constant 1 : i32
      %get3A_3782 = arith.constant 45 : i32
      %get3A_3783 = arith.index_cast %get3A_3781 : i32 to index
      %get3A_3784 = arith.index_cast %get3A_3782 : i32 to index
      %get3A_3785 = arith.constant 16 : index
      %get3A_3786 = tpu.vector_load %arg7[%get3A_3783, %get3A_3784, %get3A_3785] {strides = array<i32>} : memref<2x64x64xf32, #tpu.memory_space<vmem>>, vector<1x1x16xf32>,
      %get3A_3787 = vector.shape_cast %get3A_3786 : vector<1x1x16xf32> to vector<16xf32>
      %add3A_3788 = arith.addf %add3A_3756, %get3A_3787 : vector<16xf32>
      %get3A_3789 = arith.constant 1 : i32
      %get3A_3790 = arith.constant 45 : i32
      %get3A_3791 = arith.index_cast %get3A_3789 : i32 to index
      %get3A_3792 = arith.index_cast %get3A_3790 : i32 to index
      %get3A_3793 = arith.constant 32 : index
      %get3A_3794 = tpu.vector_load %arg7[%get3A_3791, %get3A_3792, %get3A_3793] {strides = array<i32>} : memref<2x64x64xf32, #tpu.memory_space<vmem>>, vector<1x1x16xf32>,
      %get3A_3795 = vector.shape_cast %get3A_3794 : vector<1x1x16xf32> to vector<16xf32>
      %add3A_3796 = arith.addf %add3A_3764, %get3A_3795 : vector<16xf32>
      %get3A_3797 = arith.constant 1 : i32
      %get3A_3798 = arith.constant 45 : i32
      %get3A_3799 = arith.index_cast %get3A_3797 : i32 to index
      %get3A_3800 = arith.index_cast %get3A_3798 : i32 to index
      %get3A_3801 = arith.constant 48 : index
      %get3A_3802 = tpu.vector_load %arg7[%get3A_3799, %get3A_3800, %get3A_3801] {strides = array<i32>} : memref<2x64x64xf32, #tpu.memory_space<vmem>>, vector<1x1x16xf32>,
      %get3A_3803 = vector.shape_cast %get3A_3802 : vector<1x1x16xf32> to vector<16xf32>
      %add3A_3804 = arith.addf %add3A_3772, %get3A_3803 : vector<16xf32>
      %get3A_3805 = arith.constant 1 : i32
      %get3A_3806 = arith.constant 46 : i32
      %get3A_3807 = arith.index_cast %get3A_3805 : i32 to index
      %get3A_3808 = arith.index_cast %get3A_3806 : i32 to index
      %get3A_3809 = arith.constant 0 : index
      %get3A_3810 = tpu.vector_load %arg7[%get3A_3807, %get3A_3808, %get3A_3809] {strides = array<i32>} : memref<2x64x64xf32, #tpu.memory_space<vmem>>, vector<1x1x16xf32>,
      %get3A_3811 = vector.shape_cast %get3A_3810 : vector<1x1x16xf32> to vector<16xf32>
      %add3A_3812 = arith.addf %add3A_3780, %get3A_3811 : vector<16xf32>
      %get3A_3813 = arith.constant 1 : i32
      %get3A_3814 = arith.constant 46 : i32
      %get3A_3815 = arith.index_cast %get3A_3813 : i32 to index
      %get3A_3816 = arith.index_cast %get3A_3814 : i32 to index
      %get3A_3817 = arith.constant 16 : index
      %get3A_3818 = tpu.vector_load %arg7[%get3A_3815, %get3A_3816, %get3A_3817] {strides = array<i32>} : memref<2x64x64xf32, #tpu.memory_space<vmem>>, vector<1x1x16xf32>,
      %get3A_3819 = vector.shape_cast %get3A_3818 : vector<1x1x16xf32> to vector<16xf32>
      %add3A_3820 = arith.addf %add3A_3788, %get3A_3819 : vector<16xf32>
      %get3A_3821 = arith.constant 1 : i32
      %get3A_3822 = arith.constant 46 : i32
      %get3A_3823 = arith.index_cast %get3A_3821 : i32 to index
      %get3A_3824 = arith.index_cast %get3A_3822 : i32 to index
      %get3A_3825 = arith.constant 32 : index
      %get3A_3826 = tpu.vector_load %arg7[%get3A_3823, %get3A_3824, %get3A_3825] {strides = array<i32>} : memref<2x64x64xf32, #tpu.memory_space<vmem>>, vector<1x1x16xf32>,
      %get3A_3827 = vector.shape_cast %get3A_3826 : vector<1x1x16xf32> to vector<16xf32>
      %add3A_3828 = arith.addf %add3A_3796, %get3A_3827 : vector<16xf32>
      %get3A_3829 = arith.constant 1 : i32
      %get3A_3830 = arith.constant 46 : i32
      %get3A_3831 = arith.index_cast %get3A_3829 : i32 to index
      %get3A_3832 = arith.index_cast %get3A_3830 : i32 to index
      %get3A_3833 = arith.constant 48 : index
      %get3A_3834 = tpu.vector_load %arg7[%get3A_3831, %get3A_3832, %get3A_3833] {strides = array<i32>} : memref<2x64x64xf32, #tpu.memory_space<vmem>>, vector<1x1x16xf32>,
      %get3A_3835 = vector.shape_cast %get3A_3834 : vector<1x1x16xf32> to vector<16xf32>
      %add3A_3836 = arith.addf %add3A_3804, %get3A_3835 : vector<16xf32>
      %get3A_3837 = arith.constant 1 : i32
      %get3A_3838 = arith.constant 47 : i32
      %get3A_3839 = arith.index_cast %get3A_3837 : i32 to index
      %get3A_3840 = arith.index_cast %get3A_3838 : i32 to index
      %get3A_3841 = arith.constant 0 : index
      %get3A_3842 = tpu.vector_load %arg7[%get3A_3839, %get3A_3840, %get3A_3841] {strides = array<i32>} : memref<2x64x64xf32, #tpu.memory_space<vmem>>, vector<1x1x16xf32>,
      %get3A_3843 = vector.shape_cast %get3A_3842 : vector<1x1x16xf32> to vector<16xf32>
      %add3A_3844 = arith.addf %add3A_3812, %get3A_3843 : vector<16xf32>
      %get3A_3845 = arith.constant 1 : i32
      %get3A_3846 = arith.constant 47 : i32
      %get3A_3847 = arith.index_cast %get3A_3845 : i32 to index
      %get3A_3848 = arith.index_cast %get3A_3846 : i32 to index
      %get3A_3849 = arith.constant 16 : index
      %get3A_3850 = tpu.vector_load %arg7[%get3A_3847, %get3A_3848, %get3A_3849] {strides = array<i32>} : memref<2x64x64xf32, #tpu.memory_space<vmem>>, vector<1x1x16xf32>,
      %get3A_3851 = vector.shape_cast %get3A_3850 : vector<1x1x16xf32> to vector<16xf32>
      %add3A_3852 = arith.addf %add3A_3820, %get3A_3851 : vector<16xf32>
      %get3A_3853 = arith.constant 1 : i32
      %get3A_3854 = arith.constant 47 : i32
      %get3A_3855 = arith.index_cast %get3A_3853 : i32 to index
      %get3A_3856 = arith.index_cast %get3A_3854 : i32 to index
      %get3A_3857 = arith.constant 32 : index
      %get3A_3858 = tpu.vector_load %arg7[%get3A_3855, %get3A_3856, %get3A_3857] {strides = array<i32>} : memref<2x64x64xf32, #tpu.memory_space<vmem>>, vector<1x1x16xf32>,
      %get3A_3859 = vector.shape_cast %get3A_3858 : vector<1x1x16xf32> to vector<16xf32>
      %add3A_3860 = arith.addf %add3A_3828, %get3A_3859 : vector<16xf32>
      %get3A_3861 = arith.constant 1 : i32
      %get3A_3862 = arith.constant 47 : i32
      %get3A_3863 = arith.index_cast %get3A_3861 : i32 to index
      %get3A_3864 = arith.index_cast %get3A_3862 : i32 to index
      %get3A_3865 = arith.constant 48 : index
      %get3A_3866 = tpu.vector_load %arg7[%get3A_3863, %get3A_3864, %get3A_3865] {strides = array<i32>} : memref<2x64x64xf32, #tpu.memory_space<vmem>>, vector<1x1x16xf32>,
      %get3A_3867 = vector.shape_cast %get3A_3866 : vector<1x1x16xf32> to vector<16xf32>
      %add3A_3868 = arith.addf %add3A_3836, %get3A_3867 : vector<16xf32>
      %get3A_3869 = arith.constant 1 : i32
      %get3A_3870 = arith.constant 48 : i32
      %get3A_3871 = arith.index_cast %get3A_3869 : i32 to index
      %get3A_3872 = arith.index_cast %get3A_3870 : i32 to index
      %get3A_3873 = arith.constant 0 : index
      %get3A_3874 = tpu.vector_load %arg7[%get3A_3871, %get3A_3872, %get3A_3873] {strides = array<i32>} : memref<2x64x64xf32, #tpu.memory_space<vmem>>, vector<1x1x16xf32>,
      %get3A_3875 = vector.shape_cast %get3A_3874 : vector<1x1x16xf32> to vector<16xf32>
      %add3A_3876 = arith.addf %add3A_3844, %get3A_3875 : vector<16xf32>
      %get3A_3877 = arith.constant 1 : i32
      %get3A_3878 = arith.constant 48 : i32
      %get3A_3879 = arith.index_cast %get3A_3877 : i32 to index
      %get3A_3880 = arith.index_cast %get3A_3878 : i32 to index
      %get3A_3881 = arith.constant 16 : index
      %get3A_3882 = tpu.vector_load %arg7[%get3A_3879, %get3A_3880, %get3A_3881] {strides = array<i32>} : memref<2x64x64xf32, #tpu.memory_space<vmem>>, vector<1x1x16xf32>,
      %get3A_3883 = vector.shape_cast %get3A_3882 : vector<1x1x16xf32> to vector<16xf32>
      %add3A_3884 = arith.addf %add3A_3852, %get3A_3883 : vector<16xf32>
      %get3A_3885 = arith.constant 1 : i32
      %get3A_3886 = arith.constant 48 : i32
      %get3A_3887 = arith.index_cast %get3A_3885 : i32 to index
      %get3A_3888 = arith.index_cast %get3A_3886 : i32 to index
      %get3A_3889 = arith.constant 32 : index
      %get3A_3890 = tpu.vector_load %arg7[%get3A_3887, %get3A_3888, %get3A_3889] {strides = array<i32>} : memref<2x64x64xf32, #tpu.memory_space<vmem>>, vector<1x1x16xf32>,
      %get3A_3891 = vector.shape_cast %get3A_3890 : vector<1x1x16xf32> to vector<16xf32>
      %add3A_3892 = arith.addf %add3A_3860, %get3A_3891 : vector<16xf32>
      %get3A_3893 = arith.constant 1 : i32
      %get3A_3894 = arith.constant 48 : i32
      %get3A_3895 = arith.index_cast %get3A_3893 : i32 to index
      %get3A_3896 = arith.index_cast %get3A_3894 : i32 to index
      %get3A_3897 = arith.constant 48 : index
      %get3A_3898 = tpu.vector_load %arg7[%get3A_3895, %get3A_3896, %get3A_3897] {strides = array<i32>} : memref<2x64x64xf32, #tpu.memory_space<vmem>>, vector<1x1x16xf32>,
      %get3A_3899 = vector.shape_cast %get3A_3898 : vector<1x1x16xf32> to vector<16xf32>
      %add3A_3900 = arith.addf %add3A_3868, %get3A_3899 : vector<16xf32>
      %get3A_3901 = arith.constant 1 : i32
      %get3A_3902 = arith.constant 49 : i32
      %get3A_3903 = arith.index_cast %get3A_3901 : i32 to index
      %get3A_3904 = arith.index_cast %get3A_3902 : i32 to index
      %get3A_3905 = arith.constant 0 : index
      %get3A_3906 = tpu.vector_load %arg7[%get3A_3903, %get3A_3904, %get3A_3905] {strides = array<i32>} : memref<2x64x64xf32, #tpu.memory_space<vmem>>, vector<1x1x16xf32>,
      %get3A_3907 = vector.shape_cast %get3A_3906 : vector<1x1x16xf32> to vector<16xf32>
      %add3A_3908 = arith.addf %add3A_3876, %get3A_3907 : vector<16xf32>
      %get3A_3909 = arith.constant 1 : i32
      %get3A_3910 = arith.constant 49 : i32
      %get3A_3911 = arith.index_cast %get3A_3909 : i32 to index
      %get3A_3912 = arith.index_cast %get3A_3910 : i32 to index
      %get3A_3913 = arith.constant 16 : index
      %get3A_3914 = tpu.vector_load %arg7[%get3A_3911, %get3A_3912, %get3A_3913] {strides = array<i32>} : memref<2x64x64xf32, #tpu.memory_space<vmem>>, vector<1x1x16xf32>,
      %get3A_3915 = vector.shape_cast %get3A_3914 : vector<1x1x16xf32> to vector<16xf32>
      %add3A_3916 = arith.addf %add3A_3884, %get3A_3915 : vector<16xf32>
      %get3A_3917 = arith.constant 1 : i32
      %get3A_3918 = arith.constant 49 : i32
      %get3A_3919 = arith.index_cast %get3A_3917 : i32 to index
      %get3A_3920 = arith.index_cast %get3A_3918 : i32 to index
      %get3A_3921 = arith.constant 32 : index
      %get3A_3922 = tpu.vector_load %arg7[%get3A_3919, %get3A_3920, %get3A_3921] {strides = array<i32>} : memref<2x64x64xf32, #tpu.memory_space<vmem>>, vector<1x1x16xf32>,
      %get3A_3923 = vector.shape_cast %get3A_3922 : vector<1x1x16xf32> to vector<16xf32>
      %add3A_3924 = arith.addf %add3A_3892, %get3A_3923 : vector<16xf32>
      %get3A_3925 = arith.constant 1 : i32
      %get3A_3926 = arith.constant 49 : i32
      %get3A_3927 = arith.index_cast %get3A_3925 : i32 to index
      %get3A_3928 = arith.index_cast %get3A_3926 : i32 to index
      %get3A_3929 = arith.constant 48 : index
      %get3A_3930 = tpu.vector_load %arg7[%get3A_3927, %get3A_3928, %get3A_3929] {strides = array<i32>} : memref<2x64x64xf32, #tpu.memory_space<vmem>>, vector<1x1x16xf32>,
      %get3A_3931 = vector.shape_cast %get3A_3930 : vector<1x1x16xf32> to vector<16xf32>
      %add3A_3932 = arith.addf %add3A_3900, %get3A_3931 : vector<16xf32>
      %get3A_3933 = arith.constant 1 : i32
      %get3A_3934 = arith.constant 50 : i32
      %get3A_3935 = arith.index_cast %get3A_3933 : i32 to index
      %get3A_3936 = arith.index_cast %get3A_3934 : i32 to index
      %get3A_3937 = arith.constant 0 : index
      %get3A_3938 = tpu.vector_load %arg7[%get3A_3935, %get3A_3936, %get3A_3937] {strides = array<i32>} : memref<2x64x64xf32, #tpu.memory_space<vmem>>, vector<1x1x16xf32>,
      %get3A_3939 = vector.shape_cast %get3A_3938 : vector<1x1x16xf32> to vector<16xf32>
      %add3A_3940 = arith.addf %add3A_3908, %get3A_3939 : vector<16xf32>
      %get3A_3941 = arith.constant 1 : i32
      %get3A_3942 = arith.constant 50 : i32
      %get3A_3943 = arith.index_cast %get3A_3941 : i32 to index
      %get3A_3944 = arith.index_cast %get3A_3942 : i32 to index
      %get3A_3945 = arith.constant 16 : index
      %get3A_3946 = tpu.vector_load %arg7[%get3A_3943, %get3A_3944, %get3A_3945] {strides = array<i32>} : memref<2x64x64xf32, #tpu.memory_space<vmem>>, vector<1x1x16xf32>,
      %get3A_3947 = vector.shape_cast %get3A_3946 : vector<1x1x16xf32> to vector<16xf32>
      %add3A_3948 = arith.addf %add3A_3916, %get3A_3947 : vector<16xf32>
      %get3A_3949 = arith.constant 1 : i32
      %get3A_3950 = arith.constant 50 : i32
      %get3A_3951 = arith.index_cast %get3A_3949 : i32 to index
      %get3A_3952 = arith.index_cast %get3A_3950 : i32 to index
      %get3A_3953 = arith.constant 32 : index
      %get3A_3954 = tpu.vector_load %arg7[%get3A_3951, %get3A_3952, %get3A_3953] {strides = array<i32>} : memref<2x64x64xf32, #tpu.memory_space<vmem>>, vector<1x1x16xf32>,
      %get3A_3955 = vector.shape_cast %get3A_3954 : vector<1x1x16xf32> to vector<16xf32>
      %add3A_3956 = arith.addf %add3A_3924, %get3A_3955 : vector<16xf32>
      %get3A_3957 = arith.constant 1 : i32
      %get3A_3958 = arith.constant 50 : i32
      %get3A_3959 = arith.index_cast %get3A_3957 : i32 to index
      %get3A_3960 = arith.index_cast %get3A_3958 : i32 to index
      %get3A_3961 = arith.constant 48 : index
      %get3A_3962 = tpu.vector_load %arg7[%get3A_3959, %get3A_3960, %get3A_3961] {strides = array<i32>} : memref<2x64x64xf32, #tpu.memory_space<vmem>>, vector<1x1x16xf32>,
      %get3A_3963 = vector.shape_cast %get3A_3962 : vector<1x1x16xf32> to vector<16xf32>
      %add3A_3964 = arith.addf %add3A_3932, %get3A_3963 : vector<16xf32>
      %get3A_3965 = arith.constant 1 : i32
      %get3A_3966 = arith.constant 51 : i32
      %get3A_3967 = arith.index_cast %get3A_3965 : i32 to index
      %get3A_3968 = arith.index_cast %get3A_3966 : i32 to index
      %get3A_3969 = arith.constant 0 : index
      %get3A_3970 = tpu.vector_load %arg7[%get3A_3967, %get3A_3968, %get3A_3969] {strides = array<i32>} : memref<2x64x64xf32, #tpu.memory_space<vmem>>, vector<1x1x16xf32>,
      %get3A_3971 = vector.shape_cast %get3A_3970 : vector<1x1x16xf32> to vector<16xf32>
      %add3A_3972 = arith.addf %add3A_3940, %get3A_3971 : vector<16xf32>
      %get3A_3973 = arith.constant 1 : i32
      %get3A_3974 = arith.constant 51 : i32
      %get3A_3975 = arith.index_cast %get3A_3973 : i32 to index
      %get3A_3976 = arith.index_cast %get3A_3974 : i32 to index
      %get3A_3977 = arith.constant 16 : index
      %get3A_3978 = tpu.vector_load %arg7[%get3A_3975, %get3A_3976, %get3A_3977] {strides = array<i32>} : memref<2x64x64xf32, #tpu.memory_space<vmem>>, vector<1x1x16xf32>,
      %get3A_3979 = vector.shape_cast %get3A_3978 : vector<1x1x16xf32> to vector<16xf32>
      %add3A_3980 = arith.addf %add3A_3948, %get3A_3979 : vector<16xf32>
      %get3A_3981 = arith.constant 1 : i32
      %get3A_3982 = arith.constant 51 : i32
      %get3A_3983 = arith.index_cast %get3A_3981 : i32 to index
      %get3A_3984 = arith.index_cast %get3A_3982 : i32 to index
      %get3A_3985 = arith.constant 32 : index
      %get3A_3986 = tpu.vector_load %arg7[%get3A_3983, %get3A_3984, %get3A_3985] {strides = array<i32>} : memref<2x64x64xf32, #tpu.memory_space<vmem>>, vector<1x1x16xf32>,
      %get3A_3987 = vector.shape_cast %get3A_3986 : vector<1x1x16xf32> to vector<16xf32>
      %add3A_3988 = arith.addf %add3A_3956, %get3A_3987 : vector<16xf32>
      %get3A_3989 = arith.constant 1 : i32
      %get3A_3990 = arith.constant 51 : i32
      %get3A_3991 = arith.index_cast %get3A_3989 : i32 to index
      %get3A_3992 = arith.index_cast %get3A_3990 : i32 to index
      %get3A_3993 = arith.constant 48 : index
      %get3A_3994 = tpu.vector_load %arg7[%get3A_3991, %get3A_3992, %get3A_3993] {strides = array<i32>} : memref<2x64x64xf32, #tpu.memory_space<vmem>>, vector<1x1x16xf32>,
      %get3A_3995 = vector.shape_cast %get3A_3994 : vector<1x1x16xf32> to vector<16xf32>
      %add3A_3996 = arith.addf %add3A_3964, %get3A_3995 : vector<16xf32>
      %get3A_3997 = arith.constant 1 : i32
      %get3A_3998 = arith.constant 52 : i32
      %get3A_3999 = arith.index_cast %get3A_3997 : i32 to index
      %get3A_4000 = arith.index_cast %get3A_3998 : i32 to index
      %get3A_4001 = arith.constant 0 : index
      %get3A_4002 = tpu.vector_load %arg7[%get3A_3999, %get3A_4000, %get3A_4001] {strides = array<i32>} : memref<2x64x64xf32, #tpu.memory_space<vmem>>, vector<1x1x16xf32>,
      %get3A_4003 = vector.shape_cast %get3A_4002 : vector<1x1x16xf32> to vector<16xf32>
      %add3A_4004 = arith.addf %add3A_3972, %get3A_4003 : vector<16xf32>
      %get3A_4005 = arith.constant 1 : i32
      %get3A_4006 = arith.constant 52 : i32
      %get3A_4007 = arith.index_cast %get3A_4005 : i32 to index
      %get3A_4008 = arith.index_cast %get3A_4006 : i32 to index
      %get3A_4009 = arith.constant 16 : index
      %get3A_4010 = tpu.vector_load %arg7[%get3A_4007, %get3A_4008, %get3A_4009] {strides = array<i32>} : memref<2x64x64xf32, #tpu.memory_space<vmem>>, vector<1x1x16xf32>,
      %get3A_4011 = vector.shape_cast %get3A_4010 : vector<1x1x16xf32> to vector<16xf32>
      %add3A_4012 = arith.addf %add3A_3980, %get3A_4011 : vector<16xf32>
      %get3A_4013 = arith.constant 1 : i32
      %get3A_4014 = arith.constant 52 : i32
      %get3A_4015 = arith.index_cast %get3A_4013 : i32 to index
      %get3A_4016 = arith.index_cast %get3A_4014 : i32 to index
      %get3A_4017 = arith.constant 32 : index
      %get3A_4018 = tpu.vector_load %arg7[%get3A_4015, %get3A_4016, %get3A_4017] {strides = array<i32>} : memref<2x64x64xf32, #tpu.memory_space<vmem>>, vector<1x1x16xf32>,
      %get3A_4019 = vector.shape_cast %get3A_4018 : vector<1x1x16xf32> to vector<16xf32>
      %add3A_4020 = arith.addf %add3A_3988, %get3A_4019 : vector<16xf32>
      %get3A_4021 = arith.constant 1 : i32
      %get3A_4022 = arith.constant 52 : i32
      %get3A_4023 = arith.index_cast %get3A_4021 : i32 to index
      %get3A_4024 = arith.index_cast %get3A_4022 : i32 to index
      %get3A_4025 = arith.constant 48 : index
      %get3A_4026 = tpu.vector_load %arg7[%get3A_4023, %get3A_4024, %get3A_4025] {strides = array<i32>} : memref<2x64x64xf32, #tpu.memory_space<vmem>>, vector<1x1x16xf32>,
      %get3A_4027 = vector.shape_cast %get3A_4026 : vector<1x1x16xf32> to vector<16xf32>
      %add3A_4028 = arith.addf %add3A_3996, %get3A_4027 : vector<16xf32>
      %get3A_4029 = arith.constant 1 : i32
      %get3A_4030 = arith.constant 53 : i32
      %get3A_4031 = arith.index_cast %get3A_4029 : i32 to index
      %get3A_4032 = arith.index_cast %get3A_4030 : i32 to index
      %get3A_4033 = arith.constant 0 : index
      %get3A_4034 = tpu.vector_load %arg7[%get3A_4031, %get3A_4032, %get3A_4033] {strides = array<i32>} : memref<2x64x64xf32, #tpu.memory_space<vmem>>, vector<1x1x16xf32>,
      %get3A_4035 = vector.shape_cast %get3A_4034 : vector<1x1x16xf32> to vector<16xf32>
      %add3A_4036 = arith.addf %add3A_4004, %get3A_4035 : vector<16xf32>
      %get3A_4037 = arith.constant 1 : i32
      %get3A_4038 = arith.constant 53 : i32
      %get3A_4039 = arith.index_cast %get3A_4037 : i32 to index
      %get3A_4040 = arith.index_cast %get3A_4038 : i32 to index
      %get3A_4041 = arith.constant 16 : index
      %get3A_4042 = tpu.vector_load %arg7[%get3A_4039, %get3A_4040, %get3A_4041] {strides = array<i32>} : memref<2x64x64xf32, #tpu.memory_space<vmem>>, vector<1x1x16xf32>,
      %get3A_4043 = vector.shape_cast %get3A_4042 : vector<1x1x16xf32> to vector<16xf32>
      %add3A_4044 = arith.addf %add3A_4012, %get3A_4043 : vector<16xf32>
      %get3A_4045 = arith.constant 1 : i32
      %get3A_4046 = arith.constant 53 : i32
      %get3A_4047 = arith.index_cast %get3A_4045 : i32 to index
      %get3A_4048 = arith.index_cast %get3A_4046 : i32 to index
      %get3A_4049 = arith.constant 32 : index
      %get3A_4050 = tpu.vector_load %arg7[%get3A_4047, %get3A_4048, %get3A_4049] {strides = array<i32>} : memref<2x64x64xf32, #tpu.memory_space<vmem>>, vector<1x1x16xf32>,
      %get3A_4051 = vector.shape_cast %get3A_4050 : vector<1x1x16xf32> to vector<16xf32>
      %add3A_4052 = arith.addf %add3A_4020, %get3A_4051 : vector<16xf32>
      %get3A_4053 = arith.constant 1 : i32
      %get3A_4054 = arith.constant 53 : i32
      %get3A_4055 = arith.index_cast %get3A_4053 : i32 to index
      %get3A_4056 = arith.index_cast %get3A_4054 : i32 to index
      %get3A_4057 = arith.constant 48 : index
      %get3A_4058 = tpu.vector_load %arg7[%get3A_4055, %get3A_4056, %get3A_4057] {strides = array<i32>} : memref<2x64x64xf32, #tpu.memory_space<vmem>>, vector<1x1x16xf32>,
      %get3A_4059 = vector.shape_cast %get3A_4058 : vector<1x1x16xf32> to vector<16xf32>
      %add3A_4060 = arith.addf %add3A_4028, %get3A_4059 : vector<16xf32>
      %get3A_4061 = arith.constant 1 : i32
      %get3A_4062 = arith.constant 54 : i32
      %get3A_4063 = arith.index_cast %get3A_4061 : i32 to index
      %get3A_4064 = arith.index_cast %get3A_4062 : i32 to index
      %get3A_4065 = arith.constant 0 : index
      %get3A_4066 = tpu.vector_load %arg7[%get3A_4063, %get3A_4064, %get3A_4065] {strides = array<i32>} : memref<2x64x64xf32, #tpu.memory_space<vmem>>, vector<1x1x16xf32>,
      %get3A_4067 = vector.shape_cast %get3A_4066 : vector<1x1x16xf32> to vector<16xf32>
      %add3A_4068 = arith.addf %add3A_4036, %get3A_4067 : vector<16xf32>
      %get3A_4069 = arith.constant 1 : i32
      %get3A_4070 = arith.constant 54 : i32
      %get3A_4071 = arith.index_cast %get3A_4069 : i32 to index
      %get3A_4072 = arith.index_cast %get3A_4070 : i32 to index
      %get3A_4073 = arith.constant 16 : index
      %get3A_4074 = tpu.vector_load %arg7[%get3A_4071, %get3A_4072, %get3A_4073] {strides = array<i32>} : memref<2x64x64xf32, #tpu.memory_space<vmem>>, vector<1x1x16xf32>,
      %get3A_4075 = vector.shape_cast %get3A_4074 : vector<1x1x16xf32> to vector<16xf32>
      %add3A_4076 = arith.addf %add3A_4044, %get3A_4075 : vector<16xf32>
      %get3A_4077 = arith.constant 1 : i32
      %get3A_4078 = arith.constant 54 : i32
      %get3A_4079 = arith.index_cast %get3A_4077 : i32 to index
      %get3A_4080 = arith.index_cast %get3A_4078 : i32 to index
      %get3A_4081 = arith.constant 32 : index
      %get3A_4082 = tpu.vector_load %arg7[%get3A_4079, %get3A_4080, %get3A_4081] {strides = array<i32>} : memref<2x64x64xf32, #tpu.memory_space<vmem>>, vector<1x1x16xf32>,
      %get3A_4083 = vector.shape_cast %get3A_4082 : vector<1x1x16xf32> to vector<16xf32>
      %add3A_4084 = arith.addf %add3A_4052, %get3A_4083 : vector<16xf32>
      %get3A_4085 = arith.constant 1 : i32
      %get3A_4086 = arith.constant 54 : i32
      %get3A_4087 = arith.index_cast %get3A_4085 : i32 to index
      %get3A_4088 = arith.index_cast %get3A_4086 : i32 to index
      %get3A_4089 = arith.constant 48 : index
      %get3A_4090 = tpu.vector_load %arg7[%get3A_4087, %get3A_4088, %get3A_4089] {strides = array<i32>} : memref<2x64x64xf32, #tpu.memory_space<vmem>>, vector<1x1x16xf32>,
      %get3A_4091 = vector.shape_cast %get3A_4090 : vector<1x1x16xf32> to vector<16xf32>
      %add3A_4092 = arith.addf %add3A_4060, %get3A_4091 : vector<16xf32>
      %get3A_4093 = arith.constant 1 : i32
      %get3A_4094 = arith.constant 55 : i32
      %get3A_4095 = arith.index_cast %get3A_4093 : i32 to index
      %get3A_4096 = arith.index_cast %get3A_4094 : i32 to index
      %get3A_4097 = arith.constant 0 : index
      %get3A_4098 = tpu.vector_load %arg7[%get3A_4095, %get3A_4096, %get3A_4097] {strides = array<i32>} : memref<2x64x64xf32, #tpu.memory_space<vmem>>, vector<1x1x16xf32>,
      %get3A_4099 = vector.shape_cast %get3A_4098 : vector<1x1x16xf32> to vector<16xf32>
      %add3A_4100 = arith.addf %add3A_4068, %get3A_4099 : vector<16xf32>
      %get3A_4101 = arith.constant 1 : i32
      %get3A_4102 = arith.constant 55 : i32
      %get3A_4103 = arith.index_cast %get3A_4101 : i32 to index
      %get3A_4104 = arith.index_cast %get3A_4102 : i32 to index
      %get3A_4105 = arith.constant 16 : index
      %get3A_4106 = tpu.vector_load %arg7[%get3A_4103, %get3A_4104, %get3A_4105] {strides = array<i32>} : memref<2x64x64xf32, #tpu.memory_space<vmem>>, vector<1x1x16xf32>,
      %get3A_4107 = vector.shape_cast %get3A_4106 : vector<1x1x16xf32> to vector<16xf32>
      %add3A_4108 = arith.addf %add3A_4076, %get3A_4107 : vector<16xf32>
      %get3A_4109 = arith.constant 1 : i32
      %get3A_4110 = arith.constant 55 : i32
      %get3A_4111 = arith.index_cast %get3A_4109 : i32 to index
      %get3A_4112 = arith.index_cast %get3A_4110 : i32 to index
      %get3A_4113 = arith.constant 32 : index
      %get3A_4114 = tpu.vector_load %arg7[%get3A_4111, %get3A_4112, %get3A_4113] {strides = array<i32>} : memref<2x64x64xf32, #tpu.memory_space<vmem>>, vector<1x1x16xf32>,
      %get3A_4115 = vector.shape_cast %get3A_4114 : vector<1x1x16xf32> to vector<16xf32>
      %add3A_4116 = arith.addf %add3A_4084, %get3A_4115 : vector<16xf32>
      %get3A_4117 = arith.constant 1 : i32
      %get3A_4118 = arith.constant 55 : i32
      %get3A_4119 = arith.index_cast %get3A_4117 : i32 to index
      %get3A_4120 = arith.index_cast %get3A_4118 : i32 to index
      %get3A_4121 = arith.constant 48 : index
      %get3A_4122 = tpu.vector_load %arg7[%get3A_4119, %get3A_4120, %get3A_4121] {strides = array<i32>} : memref<2x64x64xf32, #tpu.memory_space<vmem>>, vector<1x1x16xf32>,
      %get3A_4123 = vector.shape_cast %get3A_4122 : vector<1x1x16xf32> to vector<16xf32>
      %add3A_4124 = arith.addf %add3A_4092, %get3A_4123 : vector<16xf32>
      %get3A_4125 = arith.constant 1 : i32
      %get3A_4126 = arith.constant 56 : i32
      %get3A_4127 = arith.index_cast %get3A_4125 : i32 to index
      %get3A_4128 = arith.index_cast %get3A_4126 : i32 to index
      %get3A_4129 = arith.constant 0 : index
      %get3A_4130 = tpu.vector_load %arg7[%get3A_4127, %get3A_4128, %get3A_4129] {strides = array<i32>} : memref<2x64x64xf32, #tpu.memory_space<vmem>>, vector<1x1x16xf32>,
      %get3A_4131 = vector.shape_cast %get3A_4130 : vector<1x1x16xf32> to vector<16xf32>
      %add3A_4132 = arith.addf %add3A_4100, %get3A_4131 : vector<16xf32>
      %get3A_4133 = arith.constant 1 : i32
      %get3A_4134 = arith.constant 56 : i32
      %get3A_4135 = arith.index_cast %get3A_4133 : i32 to index
      %get3A_4136 = arith.index_cast %get3A_4134 : i32 to index
      %get3A_4137 = arith.constant 16 : index
      %get3A_4138 = tpu.vector_load %arg7[%get3A_4135, %get3A_4136, %get3A_4137] {strides = array<i32>} : memref<2x64x64xf32, #tpu.memory_space<vmem>>, vector<1x1x16xf32>,
      %get3A_4139 = vector.shape_cast %get3A_4138 : vector<1x1x16xf32> to vector<16xf32>
      %add3A_4140 = arith.addf %add3A_4108, %get3A_4139 : vector<16xf32>
      %get3A_4141 = arith.constant 1 : i32
      %get3A_4142 = arith.constant 56 : i32
      %get3A_4143 = arith.index_cast %get3A_4141 : i32 to index
      %get3A_4144 = arith.index_cast %get3A_4142 : i32 to index
      %get3A_4145 = arith.constant 32 : index
      %get3A_4146 = tpu.vector_load %arg7[%get3A_4143, %get3A_4144, %get3A_4145] {strides = array<i32>} : memref<2x64x64xf32, #tpu.memory_space<vmem>>, vector<1x1x16xf32>,
      %get3A_4147 = vector.shape_cast %get3A_4146 : vector<1x1x16xf32> to vector<16xf32>
      %add3A_4148 = arith.addf %add3A_4116, %get3A_4147 : vector<16xf32>
      %get3A_4149 = arith.constant 1 : i32
      %get3A_4150 = arith.constant 56 : i32
      %get3A_4151 = arith.index_cast %get3A_4149 : i32 to index
      %get3A_4152 = arith.index_cast %get3A_4150 : i32 to index
      %get3A_4153 = arith.constant 48 : index
      %get3A_4154 = tpu.vector_load %arg7[%get3A_4151, %get3A_4152, %get3A_4153] {strides = array<i32>} : memref<2x64x64xf32, #tpu.memory_space<vmem>>, vector<1x1x16xf32>,
      %get3A_4155 = vector.shape_cast %get3A_4154 : vector<1x1x16xf32> to vector<16xf32>
      %add3A_4156 = arith.addf %add3A_4124, %get3A_4155 : vector<16xf32>
      %get3A_4157 = arith.constant 1 : i32
      %get3A_4158 = arith.constant 57 : i32
      %get3A_4159 = arith.index_cast %get3A_4157 : i32 to index
      %get3A_4160 = arith.index_cast %get3A_4158 : i32 to index
      %get3A_4161 = arith.constant 0 : index
      %get3A_4162 = tpu.vector_load %arg7[%get3A_4159, %get3A_4160, %get3A_4161] {strides = array<i32>} : memref<2x64x64xf32, #tpu.memory_space<vmem>>, vector<1x1x16xf32>,
      %get3A_4163 = vector.shape_cast %get3A_4162 : vector<1x1x16xf32> to vector<16xf32>
      %add3A_4164 = arith.addf %add3A_4132, %get3A_4163 : vector<16xf32>
      %get3A_4165 = arith.constant 1 : i32
      %get3A_4166 = arith.constant 57 : i32
      %get3A_4167 = arith.index_cast %get3A_4165 : i32 to index
      %get3A_4168 = arith.index_cast %get3A_4166 : i32 to index
      %get3A_4169 = arith.constant 16 : index
      %get3A_4170 = tpu.vector_load %arg7[%get3A_4167, %get3A_4168, %get3A_4169] {strides = array<i32>} : memref<2x64x64xf32, #tpu.memory_space<vmem>>, vector<1x1x16xf32>,
      %get3A_4171 = vector.shape_cast %get3A_4170 : vector<1x1x16xf32> to vector<16xf32>
      %add3A_4172 = arith.addf %add3A_4140, %get3A_4171 : vector<16xf32>
      %get3A_4173 = arith.constant 1 : i32
      %get3A_4174 = arith.constant 57 : i32
      %get3A_4175 = arith.index_cast %get3A_4173 : i32 to index
      %get3A_4176 = arith.index_cast %get3A_4174 : i32 to index
      %get3A_4177 = arith.constant 32 : index
      %get3A_4178 = tpu.vector_load %arg7[%get3A_4175, %get3A_4176, %get3A_4177] {strides = array<i32>} : memref<2x64x64xf32, #tpu.memory_space<vmem>>, vector<1x1x16xf32>,
      %get3A_4179 = vector.shape_cast %get3A_4178 : vector<1x1x16xf32> to vector<16xf32>
      %add3A_4180 = arith.addf %add3A_4148, %get3A_4179 : vector<16xf32>
      %get3A_4181 = arith.constant 1 : i32
      %get3A_4182 = arith.constant 57 : i32
      %get3A_4183 = arith.index_cast %get3A_4181 : i32 to index
      %get3A_4184 = arith.index_cast %get3A_4182 : i32 to index
      %get3A_4185 = arith.constant 48 : index
      %get3A_4186 = tpu.vector_load %arg7[%get3A_4183, %get3A_4184, %get3A_4185] {strides = array<i32>} : memref<2x64x64xf32, #tpu.memory_space<vmem>>, vector<1x1x16xf32>,
      %get3A_4187 = vector.shape_cast %get3A_4186 : vector<1x1x16xf32> to vector<16xf32>
      %add3A_4188 = arith.addf %add3A_4156, %get3A_4187 : vector<16xf32>
      %get3A_4189 = arith.constant 1 : i32
      %get3A_4190 = arith.constant 58 : i32
      %get3A_4191 = arith.index_cast %get3A_4189 : i32 to index
      %get3A_4192 = arith.index_cast %get3A_4190 : i32 to index
      %get3A_4193 = arith.constant 0 : index
      %get3A_4194 = tpu.vector_load %arg7[%get3A_4191, %get3A_4192, %get3A_4193] {strides = array<i32>} : memref<2x64x64xf32, #tpu.memory_space<vmem>>, vector<1x1x16xf32>,
      %get3A_4195 = vector.shape_cast %get3A_4194 : vector<1x1x16xf32> to vector<16xf32>
      %add3A_4196 = arith.addf %add3A_4164, %get3A_4195 : vector<16xf32>
      %get3A_4197 = arith.constant 1 : i32
      %get3A_4198 = arith.constant 58 : i32
      %get3A_4199 = arith.index_cast %get3A_4197 : i32 to index
      %get3A_4200 = arith.index_cast %get3A_4198 : i32 to index
      %get3A_4201 = arith.constant 16 : index
      %get3A_4202 = tpu.vector_load %arg7[%get3A_4199, %get3A_4200, %get3A_4201] {strides = array<i32>} : memref<2x64x64xf32, #tpu.memory_space<vmem>>, vector<1x1x16xf32>,
      %get3A_4203 = vector.shape_cast %get3A_4202 : vector<1x1x16xf32> to vector<16xf32>
      %add3A_4204 = arith.addf %add3A_4172, %get3A_4203 : vector<16xf32>
      %get3A_4205 = arith.constant 1 : i32
      %get3A_4206 = arith.constant 58 : i32
      %get3A_4207 = arith.index_cast %get3A_4205 : i32 to index
      %get3A_4208 = arith.index_cast %get3A_4206 : i32 to index
      %get3A_4209 = arith.constant 32 : index
      %get3A_4210 = tpu.vector_load %arg7[%get3A_4207, %get3A_4208, %get3A_4209] {strides = array<i32>} : memref<2x64x64xf32, #tpu.memory_space<vmem>>, vector<1x1x16xf32>,
      %get3A_4211 = vector.shape_cast %get3A_4210 : vector<1x1x16xf32> to vector<16xf32>
      %add3A_4212 = arith.addf %add3A_4180, %get3A_4211 : vector<16xf32>
      %get3A_4213 = arith.constant 1 : i32
      %get3A_4214 = arith.constant 58 : i32
      %get3A_4215 = arith.index_cast %get3A_4213 : i32 to index
      %get3A_4216 = arith.index_cast %get3A_4214 : i32 to index
      %get3A_4217 = arith.constant 48 : index
      %get3A_4218 = tpu.vector_load %arg7[%get3A_4215, %get3A_4216, %get3A_4217] {strides = array<i32>} : memref<2x64x64xf32, #tpu.memory_space<vmem>>, vector<1x1x16xf32>,
      %get3A_4219 = vector.shape_cast %get3A_4218 : vector<1x1x16xf32> to vector<16xf32>
      %add3A_4220 = arith.addf %add3A_4188, %get3A_4219 : vector<16xf32>
      %get3A_4221 = arith.constant 1 : i32
      %get3A_4222 = arith.constant 59 : i32
      %get3A_4223 = arith.index_cast %get3A_4221 : i32 to index
      %get3A_4224 = arith.index_cast %get3A_4222 : i32 to index
      %get3A_4225 = arith.constant 0 : index
      %get3A_4226 = tpu.vector_load %arg7[%get3A_4223, %get3A_4224, %get3A_4225] {strides = array<i32>} : memref<2x64x64xf32, #tpu.memory_space<vmem>>, vector<1x1x16xf32>,
      %get3A_4227 = vector.shape_cast %get3A_4226 : vector<1x1x16xf32> to vector<16xf32>
      %add3A_4228 = arith.addf %add3A_4196, %get3A_4227 : vector<16xf32>
      %get3A_4229 = arith.constant 1 : i32
      %get3A_4230 = arith.constant 59 : i32
      %get3A_4231 = arith.index_cast %get3A_4229 : i32 to index
      %get3A_4232 = arith.index_cast %get3A_4230 : i32 to index
      %get3A_4233 = arith.constant 16 : index
      %get3A_4234 = tpu.vector_load %arg7[%get3A_4231, %get3A_4232, %get3A_4233] {strides = array<i32>} : memref<2x64x64xf32, #tpu.memory_space<vmem>>, vector<1x1x16xf32>,
      %get3A_4235 = vector.shape_cast %get3A_4234 : vector<1x1x16xf32> to vector<16xf32>
      %add3A_4236 = arith.addf %add3A_4204, %get3A_4235 : vector<16xf32>
      %get3A_4237 = arith.constant 1 : i32
      %get3A_4238 = arith.constant 59 : i32
      %get3A_4239 = arith.index_cast %get3A_4237 : i32 to index
      %get3A_4240 = arith.index_cast %get3A_4238 : i32 to index
      %get3A_4241 = arith.constant 32 : index
      %get3A_4242 = tpu.vector_load %arg7[%get3A_4239, %get3A_4240, %get3A_4241] {strides = array<i32>} : memref<2x64x64xf32, #tpu.memory_space<vmem>>, vector<1x1x16xf32>,
      %get3A_4243 = vector.shape_cast %get3A_4242 : vector<1x1x16xf32> to vector<16xf32>
      %add3A_4244 = arith.addf %add3A_4212, %get3A_4243 : vector<16xf32>
      %get3A_4245 = arith.constant 1 : i32
      %get3A_4246 = arith.constant 59 : i32
      %get3A_4247 = arith.index_cast %get3A_4245 : i32 to index
      %get3A_4248 = arith.index_cast %get3A_4246 : i32 to index
      %get3A_4249 = arith.constant 48 : index
      %get3A_4250 = tpu.vector_load %arg7[%get3A_4247, %get3A_4248, %get3A_4249] {strides = array<i32>} : memref<2x64x64xf32, #tpu.memory_space<vmem>>, vector<1x1x16xf32>,
      %get3A_4251 = vector.shape_cast %get3A_4250 : vector<1x1x16xf32> to vector<16xf32>
      %add3A_4252 = arith.addf %add3A_4220, %get3A_4251 : vector<16xf32>
      %get3A_4253 = arith.constant 1 : i32
      %get3A_4254 = arith.constant 60 : i32
      %get3A_4255 = arith.index_cast %get3A_4253 : i32 to index
      %get3A_4256 = arith.index_cast %get3A_4254 : i32 to index
      %get3A_4257 = arith.constant 0 : index
      %get3A_4258 = tpu.vector_load %arg7[%get3A_4255, %get3A_4256, %get3A_4257] {strides = array<i32>} : memref<2x64x64xf32, #tpu.memory_space<vmem>>, vector<1x1x16xf32>,
      %get3A_4259 = vector.shape_cast %get3A_4258 : vector<1x1x16xf32> to vector<16xf32>
      %add3A_4260 = arith.addf %add3A_4228, %get3A_4259 : vector<16xf32>
      %get3A_4261 = arith.constant 1 : i32
      %get3A_4262 = arith.constant 60 : i32
      %get3A_4263 = arith.index_cast %get3A_4261 : i32 to index
      %get3A_4264 = arith.index_cast %get3A_4262 : i32 to index
      %get3A_4265 = arith.constant 16 : index
      %get3A_4266 = tpu.vector_load %arg7[%get3A_4263, %get3A_4264, %get3A_4265] {strides = array<i32>} : memref<2x64x64xf32, #tpu.memory_space<vmem>>, vector<1x1x16xf32>,
      %get3A_4267 = vector.shape_cast %get3A_4266 : vector<1x1x16xf32> to vector<16xf32>
      %add3A_4268 = arith.addf %add3A_4236, %get3A_4267 : vector<16xf32>
      %get3A_4269 = arith.constant 1 : i32
      %get3A_4270 = arith.constant 60 : i32
      %get3A_4271 = arith.index_cast %get3A_4269 : i32 to index
      %get3A_4272 = arith.index_cast %get3A_4270 : i32 to index
      %get3A_4273 = arith.constant 32 : index
      %get3A_4274 = tpu.vector_load %arg7[%get3A_4271, %get3A_4272, %get3A_4273] {strides = array<i32>} : memref<2x64x64xf32, #tpu.memory_space<vmem>>, vector<1x1x16xf32>,
      %get3A_4275 = vector.shape_cast %get3A_4274 : vector<1x1x16xf32> to vector<16xf32>
      %add3A_4276 = arith.addf %add3A_4244, %get3A_4275 : vector<16xf32>
      %get3A_4277 = arith.constant 1 : i32
      %get3A_4278 = arith.constant 60 : i32
      %get3A_4279 = arith.index_cast %get3A_4277 : i32 to index
      %get3A_4280 = arith.index_cast %get3A_4278 : i32 to index
      %get3A_4281 = arith.constant 48 : index
      %get3A_4282 = tpu.vector_load %arg7[%get3A_4279, %get3A_4280, %get3A_4281] {strides = array<i32>} : memref<2x64x64xf32, #tpu.memory_space<vmem>>, vector<1x1x16xf32>,
      %get3A_4283 = vector.shape_cast %get3A_4282 : vector<1x1x16xf32> to vector<16xf32>
      %add3A_4284 = arith.addf %add3A_4252, %get3A_4283 : vector<16xf32>
      %get3A_4285 = arith.constant 1 : i32
      %get3A_4286 = arith.constant 61 : i32
      %get3A_4287 = arith.index_cast %get3A_4285 : i32 to index
      %get3A_4288 = arith.index_cast %get3A_4286 : i32 to index
      %get3A_4289 = arith.constant 0 : index
      %get3A_4290 = tpu.vector_load %arg7[%get3A_4287, %get3A_4288, %get3A_4289] {strides = array<i32>} : memref<2x64x64xf32, #tpu.memory_space<vmem>>, vector<1x1x16xf32>,
      %get3A_4291 = vector.shape_cast %get3A_4290 : vector<1x1x16xf32> to vector<16xf32>
      %add3A_4292 = arith.addf %add3A_4260, %get3A_4291 : vector<16xf32>
      %get3A_4293 = arith.constant 1 : i32
      %get3A_4294 = arith.constant 61 : i32
      %get3A_4295 = arith.index_cast %get3A_4293 : i32 to index
      %get3A_4296 = arith.index_cast %get3A_4294 : i32 to index
      %get3A_4297 = arith.constant 16 : index
      %get3A_4298 = tpu.vector_load %arg7[%get3A_4295, %get3A_4296, %get3A_4297] {strides = array<i32>} : memref<2x64x64xf32, #tpu.memory_space<vmem>>, vector<1x1x16xf32>,
      %get3A_4299 = vector.shape_cast %get3A_4298 : vector<1x1x16xf32> to vector<16xf32>
      %add3A_4300 = arith.addf %add3A_4268, %get3A_4299 : vector<16xf32>
      %get3A_4301 = arith.constant 1 : i32
      %get3A_4302 = arith.constant 61 : i32
      %get3A_4303 = arith.index_cast %get3A_4301 : i32 to index
      %get3A_4304 = arith.index_cast %get3A_4302 : i32 to index
      %get3A_4305 = arith.constant 32 : index
      %get3A_4306 = tpu.vector_load %arg7[%get3A_4303, %get3A_4304, %get3A_4305] {strides = array<i32>} : memref<2x64x64xf32, #tpu.memory_space<vmem>>, vector<1x1x16xf32>,
      %get3A_4307 = vector.shape_cast %get3A_4306 : vector<1x1x16xf32> to vector<16xf32>
      %add3A_4308 = arith.addf %add3A_4276, %get3A_4307 : vector<16xf32>
      %get3A_4309 = arith.constant 1 : i32
      %get3A_4310 = arith.constant 61 : i32
      %get3A_4311 = arith.index_cast %get3A_4309 : i32 to index
      %get3A_4312 = arith.index_cast %get3A_4310 : i32 to index
      %get3A_4313 = arith.constant 48 : index
      %get3A_4314 = tpu.vector_load %arg7[%get3A_4311, %get3A_4312, %get3A_4313] {strides = array<i32>} : memref<2x64x64xf32, #tpu.memory_space<vmem>>, vector<1x1x16xf32>,
      %get3A_4315 = vector.shape_cast %get3A_4314 : vector<1x1x16xf32> to vector<16xf32>
      %add3A_4316 = arith.addf %add3A_4284, %get3A_4315 : vector<16xf32>
      %get3A_4317 = arith.constant 1 : i32
      %get3A_4318 = arith.constant 62 : i32
      %get3A_4319 = arith.index_cast %get3A_4317 : i32 to index
      %get3A_4320 = arith.index_cast %get3A_4318 : i32 to index
      %get3A_4321 = arith.constant 0 : index
      %get3A_4322 = tpu.vector_load %arg7[%get3A_4319, %get3A_4320, %get3A_4321] {strides = array<i32>} : memref<2x64x64xf32, #tpu.memory_space<vmem>>, vector<1x1x16xf32>,
      %get3A_4323 = vector.shape_cast %get3A_4322 : vector<1x1x16xf32> to vector<16xf32>
      %add3A_4324 = arith.addf %add3A_4292, %get3A_4323 : vector<16xf32>
      %get3A_4325 = arith.constant 1 : i32
      %get3A_4326 = arith.constant 62 : i32
      %get3A_4327 = arith.index_cast %get3A_4325 : i32 to index
      %get3A_4328 = arith.index_cast %get3A_4326 : i32 to index
      %get3A_4329 = arith.constant 16 : index
      %get3A_4330 = tpu.vector_load %arg7[%get3A_4327, %get3A_4328, %get3A_4329] {strides = array<i32>} : memref<2x64x64xf32, #tpu.memory_space<vmem>>, vector<1x1x16xf32>,
      %get3A_4331 = vector.shape_cast %get3A_4330 : vector<1x1x16xf32> to vector<16xf32>
      %add3A_4332 = arith.addf %add3A_4300, %get3A_4331 : vector<16xf32>
      %get3A_4333 = arith.constant 1 : i32
      %get3A_4334 = arith.constant 62 : i32
      %get3A_4335 = arith.index_cast %get3A_4333 : i32 to index
      %get3A_4336 = arith.index_cast %get3A_4334 : i32 to index
      %get3A_4337 = arith.constant 32 : index
      %get3A_4338 = tpu.vector_load %arg7[%get3A_4335, %get3A_4336, %get3A_4337] {strides = array<i32>} : memref<2x64x64xf32, #tpu.memory_space<vmem>>, vector<1x1x16xf32>,
      %get3A_4339 = vector.shape_cast %get3A_4338 : vector<1x1x16xf32> to vector<16xf32>
      %add3A_4340 = arith.addf %add3A_4308, %get3A_4339 : vector<16xf32>
      %get3A_4341 = arith.constant 1 : i32
      %get3A_4342 = arith.constant 62 : i32
      %get3A_4343 = arith.index_cast %get3A_4341 : i32 to index
      %get3A_4344 = arith.index_cast %get3A_4342 : i32 to index
      %get3A_4345 = arith.constant 48 : index
      %get3A_4346 = tpu.vector_load %arg7[%get3A_4343, %get3A_4344, %get3A_4345] {strides = array<i32>} : memref<2x64x64xf32, #tpu.memory_space<vmem>>, vector<1x1x16xf32>,
      %get3A_4347 = vector.shape_cast %get3A_4346 : vector<1x1x16xf32> to vector<16xf32>
      %add3A_4348 = arith.addf %add3A_4316, %get3A_4347 : vector<16xf32>
      %get3A_4349 = arith.constant 1 : i32
      %get3A_4350 = arith.constant 63 : i32
      %get3A_4351 = arith.index_cast %get3A_4349 : i32 to index
      %get3A_4352 = arith.index_cast %get3A_4350 : i32 to index
      %get3A_4353 = arith.constant 0 : index
      %get3A_4354 = tpu.vector_load %arg7[%get3A_4351, %get3A_4352, %get3A_4353] {strides = array<i32>} : memref<2x64x64xf32, #tpu.memory_space<vmem>>, vector<1x1x16xf32>,
      %get3A_4355 = vector.shape_cast %get3A_4354 : vector<1x1x16xf32> to vector<16xf32>
      %add3A_4356 = arith.addf %add3A_4324, %get3A_4355 : vector<16xf32>
      %get3A_4357 = arith.constant 1 : i32
      %get3A_4358 = arith.constant 63 : i32
      %get3A_4359 = arith.index_cast %get3A_4357 : i32 to index
      %get3A_4360 = arith.index_cast %get3A_4358 : i32 to index
      %get3A_4361 = arith.constant 16 : index
      %get3A_4362 = tpu.vector_load %arg7[%get3A_4359, %get3A_4360, %get3A_4361] {strides = array<i32>} : memref<2x64x64xf32, #tpu.memory_space<vmem>>, vector<1x1x16xf32>,
      %get3A_4363 = vector.shape_cast %get3A_4362 : vector<1x1x16xf32> to vector<16xf32>
      %add3A_4364 = arith.addf %add3A_4332, %get3A_4363 : vector<16xf32>
      %get3A_4365 = arith.constant 1 : i32
      %get3A_4366 = arith.constant 63 : i32
      %get3A_4367 = arith.index_cast %get3A_4365 : i32 to index
      %get3A_4368 = arith.index_cast %get3A_4366 : i32 to index
      %get3A_4369 = arith.constant 32 : index
      %get3A_4370 = tpu.vector_load %arg7[%get3A_4367, %get3A_4368, %get3A_4369] {strides = array<i32>} : memref<2x64x64xf32, #tpu.memory_space<vmem>>, vector<1x1x16xf32>,
      %get3A_4371 = vector.shape_cast %get3A_4370 : vector<1x1x16xf32> to vector<16xf32>
      %add3A_4372 = arith.addf %add3A_4340, %get3A_4371 : vector<16xf32>
      %get3A_4373 = arith.constant 1 : i32
      %get3A_4374 = arith.constant 63 : i32
      %get3A_4375 = arith.index_cast %get3A_4373 : i32 to index
      %get3A_4376 = arith.index_cast %get3A_4374 : i32 to index
      %get3A_4377 = arith.constant 48 : index
      %get3A_4378 = tpu.vector_load %arg7[%get3A_4375, %get3A_4376, %get3A_4377] {strides = array<i32>} : memref<2x64x64xf32, #tpu.memory_space<vmem>>, vector<1x1x16xf32>,
      %get3A_4379 = vector.shape_cast %get3A_4378 : vector<1x1x16xf32> to vector<16xf32>
      %add3A_4380 = arith.addf %add3A_4348, %get3A_4379 : vector<16xf32>
      %mul3A_4381 = arith.constant 2.500000e-01 : f32
      %mul3A_4382 = vector.broadcast %mul3A_4381 : f32 to vector<16xf32>
      %mul3A_4383 = arith.mulf %add3A_4356, %mul3A_4382 : vector<16xf32>
      %add3A_4384 = arith.constant 1 : i32
      %add3A_4385 = arith.addi %mul3A_2270, %add3A_4384 : i32
      %get3A_4386 = arith.index_cast %add3A_4385 : i32 to index
      %get3A_4387 = arith.constant 0 : index
      %get3A_4388 = tpu.vector_load %arg9[%get3A_4386, %get3A_4387] {strides = array<i32>} : memref<16x64xf32, #tpu.memory_space<vmem>>, vector<1x16xf32>,
      %get3A_4389 = vector.shape_cast %get3A_4388 : vector<1x16xf32> to vector<16xf32>
      %add3A_4390 = arith.addf %mul3A_4383, %get3A_4389 : vector<16xf32>
      %add3A_4391 = arith.constant 1 : i32
      %add3A_4392 = arith.addi %mul3A_2272, %add3A_4391 : i32
      %swap3A_4393 = arith.index_cast %add3A_4392 : i32 to index
      %swap3A_4394 = arith.constant 0 : index
      %swap3A_4395 = tpu.vector_load %arg8[%swap3A_4393, %swap3A_4394] {strides = array<i32>} : memref<512x64xf32, #tpu.memory_space<vmem>>, vector<1x16xf32>,
      %swap3A_4396 = vector.shape_cast %swap3A_4395 : vector<1x16xf32> to vector<16xf32>
      %swap3A_4397 = vector.shape_cast %add3A_4390 : vector<16xf32> to vector<1x16xf32>
      tpu.vector_store %arg8[%swap3A_4393, %swap3A_4394], %swap3A_4397 {strides = array<i32>} : memref<512x64xf32, #tpu.memory_space<vmem>>, vector<1x16xf32>,
      %mul3A_4398 = arith.constant 2.500000e-01 : f32
      %mul3A_4399 = vector.broadcast %mul3A_4398 : f32 to vector<16xf32>
      %mul3A_4400 = arith.mulf %add3A_4364, %mul3A_4399 : vector<16xf32>
      %add3A_4401 = arith.constant 1 : i32
      %add3A_4402 = arith.addi %mul3A_2270, %add3A_4401 : i32
      %get3A_4403 = arith.index_cast %add3A_4402 : i32 to index
      %get3A_4404 = arith.constant 16 : index
      %get3A_4405 = tpu.vector_load %arg9[%get3A_4403, %get3A_4404] {strides = array<i32>} : memref<16x64xf32, #tpu.memory_space<vmem>>, vector<1x16xf32>,
      %get3A_4406 = vector.shape_cast %get3A_4405 : vector<1x16xf32> to vector<16xf32>
      %add3A_4407 = arith.addf %mul3A_4400, %get3A_4406 : vector<16xf32>
      %add3A_4408 = arith.constant 1 : i32
      %add3A_4409 = arith.addi %mul3A_2272, %add3A_4408 : i32
      %swap3A_4410 = arith.index_cast %add3A_4409 : i32 to index
      %swap3A_4411 = arith.constant 16 : index
      %swap3A_4412 = tpu.vector_load %arg8[%swap3A_4410, %swap3A_4411] {strides = array<i32>} : memref<512x64xf32, #tpu.memory_space<vmem>>, vector<1x16xf32>,
      %swap3A_4413 = vector.shape_cast %swap3A_4412 : vector<1x16xf32> to vector<16xf32>
      %swap3A_4414 = vector.shape_cast %add3A_4407 : vector<16xf32> to vector<1x16xf32>
      tpu.vector_store %arg8[%swap3A_4410, %swap3A_4411], %swap3A_4414 {strides = array<i32>} : memref<512x64xf32, #tpu.memory_space<vmem>>, vector<1x16xf32>,
      %mul3A_4415 = arith.constant 2.500000e-01 : f32
      %mul3A_4416 = vector.broadcast %mul3A_4415 : f32 to vector<16xf32>
      %mul3A_4417 = arith.mulf %add3A_4372, %mul3A_4416 : vector<16xf32>
      %add3A_4418 = arith.constant 1 : i32
      %add3A_4419 = arith.addi %mul3A_2270, %add3A_4418 : i32
      %get3A_4420 = arith.index_cast %add3A_4419 : i32 to index
      %get3A_4421 = arith.constant 32 : index
      %get3A_4422 = tpu.vector_load %arg9[%get3A_4420, %get3A_4421] {strides = array<i32>} : memref<16x64xf32, #tpu.memory_space<vmem>>, vector<1x16xf32>,
      %get3A_4423 = vector.shape_cast %get3A_4422 : vector<1x16xf32> to vector<16xf32>
      %add3A_4424 = arith.addf %mul3A_4417, %get3A_4423 : vector<16xf32>
      %add3A_4425 = arith.constant 1 : i32
      %add3A_4426 = arith.addi %mul3A_2272, %add3A_4425 : i32
      %swap3A_4427 = arith.index_cast %add3A_4426 : i32 to index
      %swap3A_4428 = arith.constant 32 : index
      %swap3A_4429 = tpu.vector_load %arg8[%swap3A_4427, %swap3A_4428] {strides = array<i32>} : memref<512x64xf32, #tpu.memory_space<vmem>>, vector<1x16xf32>,
      %swap3A_4430 = vector.shape_cast %swap3A_4429 : vector<1x16xf32> to vector<16xf32>
      %swap3A_4431 = vector.shape_cast %add3A_4424 : vector<16xf32> to vector<1x16xf32>
      tpu.vector_store %arg8[%swap3A_4427, %swap3A_4428], %swap3A_4431 {strides = array<i32>} : memref<512x64xf32, #tpu.memory_space<vmem>>, vector<1x16xf32>,
      %mul3A_4432 = arith.constant 2.500000e-01 : f32
      %mul3A_4433 = vector.broadcast %mul3A_4432 : f32 to vector<16xf32>
      %mul3A_4434 = arith.mulf %add3A_4380, %mul3A_4433 : vector<16xf32>
      %add3A_4435 = arith.constant 1 : i32
      %add3A_4436 = arith.addi %mul3A_2270, %add3A_4435 : i32
      %get3A_4437 = arith.index_cast %add3A_4436 : i32 to index
      %get3A_4438 = arith.constant 48 : index
      %get3A_4439 = tpu.vector_load %arg9[%get3A_4437, %get3A_4438] {strides = array<i32>} : memref<16x64xf32, #tpu.memory_space<vmem>>, vector<1x16xf32>,
      %get3A_4440 = vector.shape_cast %get3A_4439 : vector<1x16xf32> to vector<16xf32>
      %add3A_4441 = arith.addf %mul3A_4434, %get3A_4440 : vector<16xf32>
      %add3A_4442 = arith.constant 1 : i32
      %add3A_4443 = arith.addi %mul3A_2272, %add3A_4442 : i32
      %swap3A_4444 = arith.index_cast %add3A_4443 : i32 to index
      %swap3A_4445 = arith.constant 48 : index
      %swap3A_4446 = tpu.vector_load %arg8[%swap3A_4444, %swap3A_4445] {strides = array<i32>} : memref<512x64xf32, #tpu.memory_space<vmem>>, vector<1x16xf32>,
      %swap3A_4447 = vector.shape_cast %swap3A_4446 : vector<1x16xf32> to vector<16xf32>
      %swap3A_4448 = vector.shape_cast %add3A_4441 : vector<16xf32> to vector<1x16xf32>
      tpu.vector_store %arg8[%swap3A_4444, %swap3A_4445], %swap3A_4448 {strides = array<i32>} : memref<512x64xf32, #tpu.memory_space<vmem>>, vector<1x16xf32>,
      %add3A_4449 = arith.constant 2 : i32
      %add3A_4450 = arith.addi %add3A_2241, %add3A_4449 : i32
      %lt3A_4451 = arith.constant 256 : i32
      %lt3A_4452 = arith.cmpi slt, %add3A_4450, %lt3A_4451 : i32
      %convert_element_type3A_4453 = arith.extui %lt3A_4452 : i1 to i32
      %cond3A_4454 = arith.constant 0 : i32
      %cond3A_4455 = arith.cmpi ne, %convert_element_type3A_4453, %cond3A_4454 : i32
      scf.if %cond3A_4455 {
        %add3A_4456 = arith.constant 2 : i32
        %add3A_4457 = arith.addi %add3A_2241, %add3A_4456 : i32
        %dma_start3A_4458 = arith.constant 1 : i32
        %dma_start3A_4459 = arith.constant 0 : i32
        %dma_start3A_4460 = arith.constant 0 : i32
        %dma_start3A_4461 = tpu.memref_slice %arg7[%dma_start3A_4458, %dma_start3A_4459, %dma_start3A_4460] : memref<2x64x64xf32, #tpu.memory_space<vmem>> -> memref<1x64x64xf32, #tpu.memory_space<vmem>>
        %dma_start3A_4462 = tpu.memref_squeeze %dma_start3A_4461 : memref<1x64x64xf32, #tpu.memory_space<vmem>> -> memref<64x64xf32, #tpu.memory_space<vmem>>
        %dma_start3A_4463 = arith.constant 0 : i32
        %dma_start3A_4464 = tpu.memref_slice %arg6[%add3A_4457, %dma_start3A_4463] : memref<256x64xi32, #tpu.memory_space<vmem>> -> memref<1x64xi32, #tpu.memory_space<vmem>>
        %dma_start3A_4465 = tpu.memref_squeeze %dma_start3A_4464 : memref<1x64xi32, #tpu.memory_space<vmem>> -> memref<64xi32, #tpu.memory_space<vmem>>
        %dma_start3A_4466 = arith.constant 0 : i32
        %dma_start3A_4467 = arith.constant 0 : i32
        %dma_start3A_4468 = tpu.memref_slice %arg3[%dma_start3A_4466, %dma_start3A_4467] : memref<100000x64xf32, #tpu.memory_space<hbm>> -> memref<100000x64xf32, #tpu.memory_space<hbm>>
        tpu.enqueue_indirect_dma source(%dma_start3A_4468 : memref<100000x64xf32, #tpu.memory_space<hbm>>) target(%dma_start3A_4462 : memref<64x64xf32, #tpu.memory_space<vmem>>) offsets(%dma_start3A_4465 : memref<64xi32, #tpu.memory_space<vmem>>) semaphore(%arg11 : memref<!tpu.dma_semaphore, #tpu.memory_space<semaphore_mem>>)
      } else {
      }
    }
    %scan3A_30 = arith.constant 128 : i32
    %mul3A_31 = arith.constant 512 : i32
    %mul3A_32 = arith.muli %add3A, %mul3A_31 : i32
    "tpu.region"() ({
      %run_scoped3A = tpu.sem_alloc : memref<!tpu.dma_semaphore, #tpu.memory_space<semaphore_mem>>
      %dma_start3A_33 = arith.constant 0 : i32
      %dma_start3A_34 = tpu.memref_slice %arg5[%mul3A_32, %dma_start3A_33] : memref<16384x64xf32, #tpu.memory_space<hbm>> -> memref<512x64xf32, #tpu.memory_space<hbm>>
      %dma_start3A_35 = arith.constant 0 : i32
      %dma_start3A_36 = tpu.memref_slice %arg5[%mul3A_32, %dma_start3A_35] : memref<16384x64xf32, #tpu.memory_space<hbm>> -> memref<512x64xf32, #tpu.memory_space<hbm>>
      tpu.enqueue_dma source(%arg8 : memref<512x64xf32, #tpu.memory_space<vmem>>) target(%dma_start3A_36 : memref<512x64xf32, #tpu.memory_space<hbm>>) target_semaphore(%run_scoped3A : memref<!tpu.dma_semaphore, #tpu.memory_space<semaphore_mem>>)
      %dma_wait3A = arith.constant 0 : i32
      %dma_wait3A_37 = tpu.memref_slice %arg5[%mul3A_32, %dma_wait3A] : memref<16384x64xf32, #tpu.memory_space<hbm>> -> memref<512x64xf32, #tpu.memory_space<hbm>>
      %dma_wait3A_38 = arith.constant 0 : i32
      %dma_wait3A_39 = tpu.memref_slice %arg5[%mul3A_32, %dma_wait3A_38] : memref<16384x64xf32, #tpu.memory_space<hbm>> -> memref<512x64xf32, #tpu.memory_space<hbm>>
      tpu.wait_dma2 semaphore(%run_scoped3A : memref<!tpu.dma_semaphore, #tpu.memory_space<semaphore_mem>>) src(%arg8 : memref<512x64xf32, #tpu.memory_space<vmem>>) dst(%dma_wait3A_39 : memref<512x64xf32, #tpu.memory_space<hbm>>)
      tpu.yield
    }) : () -> ()
    return
  }
}

</mosaic_0001>

<sc_bundles>
// kernel: kernel.3.cloned.1.call-start
scs
__scs_entry_jumppad:
0x0: {  	(pc) =	sbr.rel $0x88, $3  }
0x1: {  	(tag) =	ssettag $0x0;
	lr =	simm.s32 $0x1  }
0x2: {  	[smem:$0x3F9F] =	sst lr;
	_ =	strace $0xD0000000  }
0x3: {  	_ = 	snop  }
0x4: {  	_ = 	snop  }
0x5: {  	_ = 	snop  }
0x6: {  	_ = 	snop  }
0x7: {  	_ = 	snop  }
__scs_overlays_trampoline_lowered:
0x8: {  	[smem:$0x3FAE] =	sst s0  }
0x9: {  	[smem:$0x3FAF] =	sst s1  }
0xa: {  	[smem:$0x3FB0] =	sst s2  }
0xb: {  	[smem:$0x3FB1] =	sst s3  }
0xc: {  	[smem:$0x3FB2] =	sst s4  }
0xd: {  	[smem:$0x3FB3] =	sst s5  }
0xe: {  	[smem:$0x3FB4] =	sst s6  }
0xf: {  	[smem:$0x3FB5] =	sst s7  }
0x10: {  	[smem:$0x3FB6] =	sst s8  }
0x11: {  	[smem:$0x3FB7] =	sst s9;
	s0 =	simm.s32 @!p0 $0x0  }
0x12: {  	s1 =	sld [smem:$0x3F9D];
	s0 =	simm.s32 @p0 $0x1  }
0x13: {  	[smem:$0x3FB8] =	sst s0;
	s0 =	simm.s32 @!p1 $0x0  }
0x14: {  	s2 =	sld [smem:$0x3F9C];
	s0 =	simm.s32 @p1 $0x1  }
0x15: {  	[smem:$0x3FB9] =	sst s0;
	s0 =	simm.s32 @!p2 $0x0  }
0x16: {  	s3 =	sld [smem:$0x3FDB];
	s0 =	simm.s32 @p2 $0x1  }
0x17: {  	s4 =	simm.s32 $0x1BF5;
	[smem:$0x3FBB] =	sst s0  }
0x18: {  	s0 =	sld [smem:$0x3F9E];
	_ =	swait.ge [sflag:s4], $0x0  }
0x19: {  	s7 =	sld [smem:$0x3F9F]  }
0x1a: {  	s8 =	sadd.s32 $0xFFFFE003, lr  }
0x1b: {  	s9 =	sadd.s32 $0xFFFFFEF7, lr;
	s5 =	simm.s32 $0xFFFFFFFF;
	p2 =	slt.u32 s8, $0xFFFFF086  }
0x1c: {  	p1 =	slt.u32 s9, $0xF7A;
	s5 =	simm.s32 @!p2 $0x0  }
0x1d: {  	s5 =	simm.s32 @p1 $0x1;
	p0 =	seq.s32 s7, s2  }
0x1e: {  	s7 =	smul.u32 @!p0 $0xF7A, s2;
	p2 =	seq.s32 @!p0 s5, $0x0  }
0x1f: {  	s9 =	smul.u32 $0xF7A, s1;
	s8 =	simm.s32 @!p0 $0x1BF5;
	p2 =	por !p2, p0  }
0x20: {  	[sflag:s8] =	ssyncset.s32 @!p0 $0xFFFFF086;
	s6 =	sadd.s32 @!p0 s3, s7;
	s7 =	simm.s32 @!p0 $0x108  }
0x21: {  	s3 =	sadd.s32 s3, s9;
	s6 =	sadd.s32 @!p0 $0x88, s6;
	s7 =	simm.s32 @p2 $0x1082  }
0x22: {  	[simem:s7], [sflag:s8] =	dma.local @!p0 [hbm:s6], $0xF7A  }
0x23: {  	s9 =	sor.u32 $0xD0000000, s2;
	s6 =	simm.s32 $0x108;
	_ =	swait.ge @!p0 [sflag:s8], $0x0  }
0x24: {  	s3 =	sadd.s32 $0x88, s3;
	s6 =	simm.s32 @!p1 $0x1082;
	[sflag:s4] =	ssyncset.s32 $0xFFFFF086  }
0x25: {  	[simem:s6], [sflag:s4] =	dma.local [hbm:s3], $0xF7A  }
0x26: {  	[smem:$0x3F9F] =	sst s1;
	(tag) =	ssettag s2;
	_ =	strace s9  }
0x27: {  	s1 =	sld [smem:$0x3FAF]  }
0x28: {  	s2 =	sld [smem:$0x3FB0]  }
0x29: {  	s4 =	sld [smem:$0x3FB2]  }
0x2a: {  	p0 =	seq.s32 s5, $0x0;
	s5 =	sld [smem:$0x3FB3]  }
0x2b: {  	s6 =	sld [smem:$0x3FB4]  }
0x2c: {  	s7 =	sld [smem:$0x3FB5]  }
0x2d: {  	s3 =	simm.s32 $0x108;
	s8 =	sld [smem:$0x3FB6]  }
0x2e: {  	s3 =	simm.s32 @!p0 $0x1082;
	s9 =	sld [smem:$0x3FB7]  }
0x2f: {  	lr =	sadd.s32 s0, s3;
	s0 =	sld [smem:$0x3FAE]  }
0x30: {  	s3 =	sld [smem:$0x3FB1]  }
0x31: {  	[smem:$0x3FBA] =	sst s10  }
0x32: {  	s10 =	sld [smem:$0x3FB8];
	_ =	sdelay $0x3  }
0x33: {  	p0 =	seq.s32 s10, $0x1;
	s10 =	sld [smem:$0x3FBA];
	_ =	sdelay $0x3  }
0x34: {  	[smem:$0x3FBA] =	sst s10  }
0x35: {  	s10 =	sld [smem:$0x3FB9];
	_ =	sdelay $0x3  }
0x36: {  	p1 =	seq.s32 s10, $0x1;
	s10 =	sld [smem:$0x3FBA];
	_ =	sdelay $0x3  }
0x37: {  	[smem:$0x3FBA] =	sst s10  }
0x38: {  	s10 =	sld [smem:$0x3FBB]  }
0x39: {  	_ = 	snop;
	(pc) =	sbr.ind lr, $3  }
0x3a: {  	_ = 	snop  }
0x3b: {  	_ = 	snop  }
0x3c: {  	p2 =	seq.s32 s10, $0x1;
	s10 =	sld [smem:$0x3FBA]  }
0x3d: {  	_ =	shalt  }
0x3e: {  	_ =	shalt  }
0x3f: {  	_ =	shalt  }
0x40: {  	_ =	shalt  }
0x41: {  	_ =	shalt  }
0x42: {  	_ =	shalt  }
0x43: {  	_ =	shalt  }
0x44: {  	_ =	shalt  }
0x45: {  	_ =	shalt  }
0x46: {  	_ =	shalt  }
0x47: {  	_ =	shalt  }
0x48: {  	_ =	shalt  }
0x49: {  	_ =	shalt  }
0x4a: {  	_ =	shalt  }
0x4b: {  	_ =	shalt  }
0x4c: {  	_ =	shalt  }
0x4d: {  	_ =	shalt  }
0x4e: {  	_ =	shalt  }
0x4f: {  	_ =	shalt  }
0x50: {  	_ =	shalt  }
0x51: {  	_ =	shalt  }
0x52: {  	_ =	shalt  }
0x53: {  	_ =	shalt  }
0x54: {  	_ =	shalt  }
0x55: {  	_ =	shalt  }
0x56: {  	_ =	shalt  }
0x57: {  	_ =	shalt  }
0x58: {  	_ =	shalt  }
0x59: {  	_ =	shalt  }
0x5a: {  	_ =	shalt  }
0x5b: {  	_ =	shalt  }
0x5c: {  	_ =	shalt  }
0x5d: {  	_ =	shalt  }
0x5e: {  	_ =	shalt  }
0x5f: {  	_ =	shalt  }
0x60: {  	_ =	shalt  }
0x61: {  	_ =	shalt  }
0x62: {  	_ =	shalt  }
0x63: {  	_ =	shalt  }
0x64: {  	_ =	shalt  }
0x65: {  	_ =	shalt  }
0x66: {  	_ =	shalt  }
0x67: {  	_ =	shalt  }
0x68: {  	_ =	shalt  }
0x69: {  	_ =	shalt  }
0x6a: {  	_ =	shalt  }
0x6b: {  	_ =	shalt  }
0x6c: {  	_ =	shalt  }
0x6d: {  	_ =	shalt  }
0x6e: {  	_ =	shalt  }
0x6f: {  	_ =	shalt  }
0x70: {  	_ =	shalt  }
0x71: {  	_ =	shalt  }
0x72: {  	_ =	shalt  }
0x73: {  	_ =	shalt  }
0x74: {  	_ =	shalt  }
0x75: {  	_ =	shalt  }
0x76: {  	_ =	shalt  }
0x77: {  	_ =	shalt  }
0x78: {  	_ =	shalt  }
0x79: {  	_ =	shalt  }
0x7a: {  	_ =	shalt  }
0x7b: {  	_ =	shalt  }
0x7c: {  	_ =	shalt  }
0x7d: {  	_ =	shalt  }
0x7e: {  	_ =	shalt  }
0x7f: {  	_ =	shalt  }
0x80: {  	_ =	shalt  }
0x81: {  	_ =	shalt  }
0x82: {  	_ =	shalt  }
0x83: {  	_ =	shalt  }
0x84: {  	_ =	shalt  }
0x85: {  	_ =	shalt  }
0x86: {  	_ =	shalt  }
0x87: {  	_ =	shalt  }
.Lfunc_end0:
.L_simem_size_0:
called_computation_lowered:
.L_overlay_start_0:
0x88: {  	s2 =	sld [smem:$0x3FD9]  }
0x89: {  	s3 =	sld [smem:$0x3FFE];
	_ =	sdelay $0x1  }
0x8a: {  	s1 =	srdreg.scid  }
0x8b: {  	s0 =	sand.u32 $0x1, s1  }
0x8c: {  	s17 =	sshll.u32 s0, $0xA;
	s2 =	sadd.s32 s3, s2  }
0x8d: {  	s2 =	sadd.s32 s2, s17  }
0x8e: {  	[smem:$0x3FC6] =	sst s2  }
0x8f: {  	_ = 	snop  }
0x90: {  	s2 =	sld [smem:$0x3FD0];
	(tm) =	ssettm $0x1  }
0x91: {  	s18 =	sld [smem:$0x3FFB];
	_ =	sdelay $0x3  }
0x92: {  	_ =	strace s18  }
0x93: {  	s3 =	sld [smem:$0x3FFC];
	_ =	sdelay $0x3  }
0x94: {  	_ =	strace s3  }
0x95: {  	s3 =	sld [smem:$0x3FFD];
	_ =	sdelay $0x3  }
0x96: {  	_ =	strace s3  }
0x97: {  	_ =	strace $0x8FFFFFFF  }
0x98: {  	s19 =	sld [smem:$0x3FDB];
	_ =	sdelay $0x1  }
0x99: {  	s4 =	simm.s32 $_scs_section_size  }
0x9a: {  	s5 =	simm.s32 $_size__tile_overlayer_lowered;
	s6 =	simm.s32 $_tile_overlayer_lowered  }
0x9b: {  	s22 =	simm.s32 $0x1BFF;
	s21 =	sshll.u32 s6, $0x1;
	s3 =	sadd.s32 s4, s19  }
0x9c: {  	s7 =	simm.s32 $0x0;
	s20 =	sshll.u32 s5, $0x1;
	s5 =	sadd.s32 s21, s3  }
0x9d: {  	[timem:s7], [sflag:s22] =	dma.local [hbm:s5], s20  }
0x9e: {  	_ =	swait.ge [sflag:s22], s20  }
0x9f: {  	s4 =	ssub.s32 $0x0, s20;
	[sflag:s22] =	ssyncset.done $0x0  }
0xa0: {  	[sflag:s22] =	ssyncadd.s32 s4;
	_ =	sdelay $0x1  }
0xa1: {  	s23 =	simm.s32 $0x1B8B  }
0xa2: {  	_ =	swait.ge [sflag:s23], $0x1  }
0xa3: {  	[sflag:s23] =	ssyncset.done $0x0  }
0xa4: {  	s25 =	simm.s32 $0x1B8E;
	s24 =	sld [smem:$0x3FFE];
	[sflag:s23] =	ssyncadd.s32 $0xFFFFFFFF  }
0xa5: {  	s26 =	simm.s32 $execute0_lowered;
	[smem:$0x3FD2] =	sst s25  }
0xa6: {  	s5 =	sshll.u32 s26, $0x1;
	_ =	strace $0x80000046;
	[dreg:$0x1] =	wrdreg $0xFFFFFFFF  }
0xa7: {  	s28 =	simm.s32 $_size_execute0_lowered;
	s3 =	sadd.s32 s3, s5;
	[dreg:$0x0] =	wrdreg $0x0  }
0xa8: {  	s5 =	sshll.u32 s28, $0x1;
	[dreg:$0x2] =	wrdreg s3  }
0xa9: {  	[dreg:$0x3] =	wrdreg s5  }
0xaa: {  	[dreg:$0x4] =	wrdreg $0xC0  }
0xab: {  	_ =	task [dreg:s7], $0x5FFFF  }
0xac: {  	[dreg:$0x1] =	wrdreg $0xFFFFFFFF  }
0xad: {  	[dreg:$0x0] =	wrdreg $0x60  }
0xae: {  	[dreg:$0x2] =	wrdreg s24  }
0xaf: {  	[dreg:$0x3] =	wrdreg s2  }
0xb0: {  	[dreg:$0x4] =	wrdreg $0x9  }
0xb1: {  	_ =	task.clear_ibuf [dreg:s7], $0x5FFFF;
	_ =	strace $0x90000046  }
0xb2: {  	s29 =	simm.s32 $0x9;
	_ =	strace $0x80000048  }
0xb3: {  	_ =	swait.ge [sflag:s29], $0x1  }
0xb4: {  	[sflag:s29] =	ssyncadd.s32 $0xFFFFFFFF  }
0xb5: {  	_ =	strace $0x90000048  }
0xb6: {  	_ =	sfence  }
0xb7: {  	s30 =	sld [smem:$0x0];
	_ =	sdelay $0x2  }
0xb8: {  	s31 =	sshll.u32 s1, $0xD;
	s1 =	sshrl.u32 s1, $0x2  }
0xb9: {  	s3 =	sand.u32 $0x4000, s31;
	s1 =	sadd.s32 s1, s30  }
0xba: {  	s0 =	sor.u32 s3, s0;
	s1 =	sshll.u32 s1, $0x11  }
0xbb: {  	s0 =	sor.u32 s1, s0  }
0xbc: {  	s0 =	sadd.s32 $0x8F2B, s0  }
0xbd: {  	[sflag:s0] =	ssyncadd.remote.s32 $0x1  }
0xbe: {  	_ =	sfence.sel $0xFFFF  }
0xbf: {  	[dreg:$0x0] =	wrdreg $0xFFFFFFFF;
	(pc) =	sbr.abs _section_cstart, $3  }
0xc0: {  	[dreg:$0x1] =	wrdreg $0xFFFFFFFF  }
0xc1: {  	_ =	task.clear_ibuf [dreg:s7], $0x2FFFF;
	_ =	strace $0x9FFFFFFF  }
0xc2: {  	(tm) =	ssettm $0x7FFFFFFF  }
0xc3: {  	_ =	shalt  }
tec
execute0_lowered:
.L_overlay_start_1:
0x0: {  	(tag) =	ssettag $0x1  }
0x1: {  	s4 =	rddreg [dreg:$0x0]  }
0x2: {  	s6 =	rddreg [dreg:$0x1]  }
0x3: {  	s0 =	rddreg [dreg:$0x2]  }
0x4: {  	s3 =	srdreg.scid;
	s1 =	stileid.u32  }
0x5: {  	s2 =	simm.s32 $0x0;
	s10 =	simm.s32 $0x40;
	s11 =	simm.s32 $0x4000  }
0x6: {  	s12 =	simm.s32 $0x5000;
	s13 =	simm.s32 $0x1;
	s14 =	simm.s32 $0x2  }
0x7: {  	s15 =	simm.s32 $0x6000;
	s3 =	sand.u32 $0x1, s3;
	s5 =	sshll.u32 s1, $0x1  }
0x8: {  	s16 =	simm.s32 $0x0;
	[smem:$0x7FF] =	sst s2;
	s5 =	sor.u32 s3, s5  }
.Ltmp0:
0x9: {  	_ =	strace $0x80000047;
	s8 =	ssub.s32 $0x2, s3;
	(pc) =	sbr.rel .LBB2_1-.Ltmp0, $4  }
0xa: {  	s3 =	sadd.s32 $0x187200, s4;
	s7 =	sshll.u32 s5, $0xB;
	s9 =	sshrl.u32 s8, $0x1  }
0xb: {  	s31 =	sshll.u32 s5, $0xC;
	s7 =	sadd.s32 s7, s4;
	s4 =	sadd.s32 $0x10800, s4  }
0xc: {  	s8 =	ssub.s32 s8, s9;
	s6 =	sadd.s32 s6, s31;
	s9 =	simm.s32 $0xE000  }
0xd: {  	s5 =	sadd.s32 $0x800, s7;
	s7 =	smax.u32 s8, $0x1;
	s8 =	simm.s32 $0x3  }
.LBB2_4:
0xe: {  	s16 =	sadd.s32 $0x1, s16  }
0xf: {  	p0 =	sne.s32 s16, s7  }
.Ltmp1:
0x10: {  	_ = 	snop;
	(pc) =	sbr.rel @!p0 .LBB2_5-.Ltmp1, $4  }
0x11: {  	[hbm4b:s6+s2] =	stream.linear.scatter [tilespmem:s15], [sflag:$0x3], $0x8000, $0x38;
	[tilespmem:$0xE400] =	vst v63  }
0x12: {  	_ =	swait.ge [sflag:s8], $0x8000  }
0x13: {  	[sflag:s8] =	ssyncset.done $0x0  }
0x14: {  	[sflag:s8] =	ssyncadd.s32 $0xFFFF8000  }
.LBB2_1:
0x15: {  	[tilespmem:s2], [sflag:$0x3] =	stream.linear.gather [hbm4b:s5+s2], $0x4000, $0x38;
	[tilespmem:$0xE400] =	vst v63  }
0x16: {  	_ =	swait.ge [sflag:s8], $0x4000  }
0x17: {  	[sflag:s8] =	ssyncset.done $0x0  }
0x18: {  	[sflag:s8] =	ssyncadd.s32 $0xFFFFC000  }
0x19: {  	[tilespmem:s9], [sflag:$0x3] =	stream.linear.gather [hbm4b:s4+s2], $0x400, $0x38;
	[tilespmem:$0xE400] =	vst v63  }
0x1a: {  	_ =	swait.ge [sflag:s8], $0x400  }
0x1b: {  	[sflag:s8] =	ssyncset.done $0x0  }
0x1c: {  	[sflag:s8] =	ssyncadd.s32 $0xFFFFFC00  }
0x1d: {  	[tilespmem:s11], [sflag:$0x1] =	stream.indirect.gather [hbm4b:s3+s10], $0x40, s2, s10, $0xb8;
	[tilespmem:$0xE400] =	vst v63  }
0x1e: {  	s17 =	simm.s32 $0xC0;
	s18 =	simm.s32 $0x6080;
	s19 =	simm.s32 $0x0  }
0x1f: {  	[tilespmem:s12], [sflag:$0x2] =	stream.indirect.gather [hbm4b:s3+s10], $0x40, s10, s10, $0xb8;
	[tilespmem:$0xE400] =	vst v63  }
.LBB2_2:
0x20: {  	_ =	swait.ge [sflag:s13], $0x1000  }
0x21: {  	[sflag:s13] =	ssyncset.done $0x0  }
0x22: {  	[sflag:s13] =	ssyncadd.s32 $0xFFFFF000  }
0x23: {  	v0 =	vld [tilespmem:$0x4000]  }
0x24: {  	v3 =	vld [tilespmem:$0x4010]  }
0x25: {  	v4 =	vld [tilespmem:$0x4020]  }
0x26: {  	v5 =	vld [tilespmem:$0x4030]  }
0x27: {  	v1 =	vld [tilespmem:$0x4040]  }
0x28: {  	v6 =	vld [tilespmem:$0x4050]  }
0x29: {  	v7 =	vld [tilespmem:$0x4060]  }
0x2a: {  	v8 =	vld [tilespmem:$0x4070]  }
0x2b: {  	v9 =	vld [tilespmem:$0x4080]  }
0x2c: {  	v10 =	vld [tilespmem:$0x4090]  }
0x2d: {  	v11 =	vld [tilespmem:$0x40A0]  }
0x2e: {  	v12 =	vld [tilespmem:$0x40B0]  }
0x2f: {  	v13 =	vld [tilespmem:$0x40C0]  }
0x30: {  	v14 =	vld [tilespmem:$0x40D0]  }
0x31: {  	v15 =	vld [tilespmem:$0x40E0]  }
0x32: {  	v16 =	vld [tilespmem:$0x40F0]  }
0x33: {  	v17 =	vld [tilespmem:$0x4100]  }
0x34: {  	v18 =	vld [tilespmem:$0x4110]  }
0x35: {  	v19 =	vld [tilespmem:$0x4120]  }
0x36: {  	v20 =	vld [tilespmem:$0x4130]  }
0x37: {  	v21 =	vld [tilespmem:$0x4140]  }
0x38: {  	v22 =	vld [tilespmem:$0x4150]  }
0x39: {  	v23 =	vld [tilespmem:$0x4160]  }
0x3a: {  	v24 =	vld [tilespmem:$0x4170]  }
0x3b: {  	v25 =	vld [tilespmem:$0x4180]  }
0x3c: {  	v26 =	vld [tilespmem:$0x4190]  }
0x3d: {  	v27 =	vld [tilespmem:$0x41A0]  }
0x3e: {  	v28 =	vld [tilespmem:$0x41B0]  }
0x3f: {  	v29 =	vld [tilespmem:$0x41C0]  }
0x40: {  	v30 =	vld [tilespmem:$0x41D0]  }
0x41: {  	v31 =	vld [tilespmem:$0x41E0]  }
0x42: {  	v32 =	vld [tilespmem:$0x41F0]  }
0x43: {  	v33 =	vld [tilespmem:$0x4200]  }
0x44: {  	v34 =	vld [tilespmem:$0x4210]  }
0x45: {  	v35 =	vld [tilespmem:$0x4220]  }
0x46: {  	v36 =	vld [tilespmem:$0x4230]  }
0x47: {  	v37 =	vld [tilespmem:$0x4240]  }
0x48: {  	v38 =	vld [tilespmem:$0x4250]  }
0x49: {  	v39 =	vld [tilespmem:$0x4260]  }
0x4a: {  	v40 =	vld [tilespmem:$0x4270]  }
0x4b: {  	v41 =	vld [tilespmem:$0x4280]  }
0x4c: {  	v42 =	vld [tilespmem:$0x4290]  }
0x4d: {  	v43 =	vld [tilespmem:$0x42A0]  }
0x4e: {  	v44 =	vld [tilespmem:$0x42B0]  }
0x4f: {  	v45 =	vld [tilespmem:$0x42C0]  }
0x50: {  	v46 =	vld [tilespmem:$0x42D0]  }
0x51: {  	v47 =	vld [tilespmem:$0x42E0]  }
0x52: {  	v48 =	vld [tilespmem:$0x42F0]  }
0x53: {  	v49 =	vld [tilespmem:$0x4300]  }
0x54: {  	v50 =	vld [tilespmem:$0x4310]  }
0x55: {  	v51 =	vld [tilespmem:$0x4320]  }
0x56: {  	v52 =	vld [tilespmem:$0x4330]  }
0x57: {  	v53 =	vld [tilespmem:$0x4340]  }
0x58: {  	v54 =	vld [tilespmem:$0x4350]  }
0x59: {  	v55 =	vld [tilespmem:$0x4360]  }
0x5a: {  	v56 =	vld [tilespmem:$0x4370]  }
0x5b: {  	v57 =	vld [tilespmem:$0x4380]  }
0x5c: {  	v58 =	vld [tilespmem:$0x4390]  }
0x5d: {  	v59 =	vld [tilespmem:$0x43A0]  }
0x5e: {  	v2 =	vld [tilespmem:$0x43B0]  }
0x5f: {  	v63 =	vld [tilespmem:$0x43F0]  }
0x60: {  	v60 =	vld [tilespmem:$0x43C0]  }
0x61: {  	v1 =	vadd.f32 v1, v0;
	v0 =	vld [tilespmem:$0x4430]  }
0x62: {  	v61 =	vld [tilespmem:$0x43D0]  }
0x63: {  	v62 =	vld [tilespmem:$0x43E0]  }
0x64: {  	[tilespmem:$0x1FF50] =	vst v63;
	v63 =	vld [tilespmem:$0x4400];
	v1 =	vadd.f32 v9, v1  }
0x65: {  	[tilespmem:$0x1FF40] =	vst v2;
	v2 =	vld [tilespmem:$0x4420]  }
0x66: {  	v6 =	vadd.f32 v6, v3;
	v9 =	vld [tilespmem:$0x4410];
	v13 =	vadd.f32 v13, v1;
	[tilespmem:$0x1FF60] =	vst v0  }
0x67: {  	v0 =	vld [tilespmem:$0x4440]  }
0x68: {  	v6 =	vadd.f32 v10, v6;
	v13 =	vadd.f32 v17, v13;
	v17 =	vld [tilespmem:$0x4450]  }
0x69: {  	v1 =	vld [tilespmem:$0x4460]  }
0x6a: {  	v6 =	vadd.f32 v14, v6;
	v3 =	vld [tilespmem:$0x4470]  }
0x6b: {  	v4 =	vadd.f32 v7, v4;
	v14 =	vld [tilespmem:$0x44B0]  }
0x6c: {  	v6 =	vadd.f32 v18, v6;
	v18 =	vld [tilespmem:$0x44D0];
	v13 =	vadd.f32 v21, v13  }
0x6d: {  	v5 =	vadd.f32 v8, v5;
	v4 =	vadd.f32 v11, v4;
	v7 =	vld [tilespmem:$0x44E0]  }
0x6e: {  	v11 =	vld [tilespmem:$0x4500];
	v10 =	vadd.f32 v25, v13  }
0x6f: {  	v5 =	vadd.f32 v12, v5;
	v4 =	vadd.f32 v15, v4;
	v15 =	vld [tilespmem:$0x4520]  }
0x70: {  	v8 =	vld [tilespmem:$0x4560];
	v10 =	vadd.f32 v29, v10  }
0x71: {  	v5 =	vadd.f32 v16, v5;
	v16 =	vld [tilespmem:$0x45A0]  }
0x72: {  	v4 =	vadd.f32 v19, v4;
	v21 =	vld [tilespmem:$0x4480];
	v10 =	vadd.f32 v33, v10  }
0x73: {  	v5 =	vadd.f32 v20, v5;
	v6 =	vadd.f32 v22, v6;
	v22 =	vld [tilespmem:$0x44F0]  }
0x74: {  	v4 =	vadd.f32 v23, v4;
	v23 =	vld [tilespmem:$0x4570];
	v10 =	vadd.f32 v37, v10  }
0x75: {  	v5 =	vadd.f32 v24, v5;
	v24 =	vld [tilespmem:$0x45E0];
	v6 =	vadd.f32 v26, v6  }
0x76: {  	v13 =	vld [tilespmem:$0x4490];
	v10 =	vadd.f32 v41, v10  }
0x77: {  	v25 =	vld [tilespmem:$0x44A0];
	v6 =	vadd.f32 v30, v6  }
0x78: {  	v26 =	vld [tilespmem:$0x4510];
	v10 =	vadd.f32 v45, v10  }
0x79: {  	v4 =	vadd.f32 v27, v4;
	v29 =	vld [tilespmem:$0x44C0];
	v6 =	vadd.f32 v34, v6  }
0x7a: {  	v5 =	vadd.f32 v28, v5;
	v30 =	vld [tilespmem:$0x4530];
	v10 =	vadd.f32 v49, v10  }
0x7b: {  	v4 =	vadd.f32 v31, v4;
	v31 =	vld [tilespmem:$0x45B0];
	v6 =	vadd.f32 v38, v6  }
0x7c: {  	v5 =	vadd.f32 v32, v5;
	v32 =	vld [tilespmem:$0x4620];
	v10 =	vadd.f32 v53, v10  }
0x7d: {  	v33 =	vld [tilespmem:$0x4550];
	v6 =	vadd.f32 v42, v6  }
0x7e: {  	v5 =	vadd.f32 v36, v5;
	v36 =	vld [tilespmem:$0x46D0];
	v10 =	vadd.f32 v57, v10  }
0x7f: {  	v4 =	vadd.f32 v35, v4;
	v37 =	vld [tilespmem:$0x4540];
	v6 =	vadd.f32 v46, v6  }
0x80: {  	v38 =	vld [tilespmem:$0x46F0];
	v10 =	vadd.f32 v60, v10  }
0x81: {  	v4 =	vadd.f32 v39, v4;
	v39 =	vld [tilespmem:$0x1FF40];
	v6 =	vadd.f32 v50, v6  }
0x82: {  	v5 =	vadd.f32 v40, v5;
	v40 =	vld [tilespmem:$0x4700];
	v10 =	vadd.f32 v63, v10  }
0x83: {  	v41 =	vld [tilespmem:$0x4580];
	v6 =	vadd.f32 v54, v6  }
0x84: {  	v42 =	vld [tilespmem:$0x1FF50];
	v0 =	vadd.f32 v0, v10  }
0x85: {  	v4 =	vadd.f32 v43, v4;
	v43 =	vld [tilespmem:$0x4740];
	v6 =	vadd.f32 v58, v6  }
0x86: {  	v5 =	vadd.f32 v44, v5;
	v44 =	vld [tilespmem:$0x4720];
	v0 =	vadd.f32 v21, v0  }
0x87: {  	v45 =	vld [tilespmem:$0x4590];
	v4 =	vadd.f32 v47, v4;
	v6 =	vadd.f32 v61, v6  }
0x88: {  	v46 =	vld [tilespmem:$0x45C0];
	v0 =	vadd.f32 v29, v0  }
0x89: {  	v47 =	vld [tilespmem:$0x4730];
	v4 =	vadd.f32 v51, v4;
	v6 =	vadd.f32 v9, v6  }
0x8a: {  	v5 =	vadd.f32 v48, v5;
	v48 =	vld [tilespmem:$0x47C0];
	v0 =	vadd.f32 v11, v0  }
0x8b: {  	v49 =	vld [tilespmem:$0x45D0];
	v4 =	vadd.f32 v55, v4;
	v6 =	vadd.f32 v17, v6  }
0x8c: {  	v50 =	vld [tilespmem:$0x4600];
	v0 =	vadd.f32 v37, v0  }
0x8d: {  	s20 =	sand.u32 $0x300, s19;
	v51 =	vld [tilespmem:$0x4770];
	v4 =	vadd.f32 v59, v4;
	v6 =	vadd.f32 v13, v6  }
0x8e: {  	v5 =	vadd.f32 v52, v5;
	v52 =	vld [tilespmem:s20+$0xE000];
	v0 =	vadd.f32 v41, v0  }
0x8f: {  	v54 =	vld [tilespmem:$0x4640];
	v4 =	vadd.f32 v62, v4;
	v6 =	vadd.f32 v18, v6  }
0x90: {  	v53 =	vld [tilespmem:$0x4610];
	v0 =	vadd.f32 v46, v0  }
0x91: {  	v59 =	vld [tilespmem:$0x4680];
	v2 =	vadd.f32 v2, v4;
	v6 =	vadd.f32 v26, v6  }
0x92: {  	v55 =	vld [tilespmem:$0x47B0];
	v0 =	vadd.f32 v50, v0  }
0x93: {  	v63 =	vld [tilespmem:$0x46C0];
	v1 =	vadd.f32 v1, v2;
	v6 =	vadd.f32 v33, v6  }
0x94: {  	v5 =	vadd.f32 v56, v5;
	v56 =	vld [tilespmem:$0x47D0];
	v0 =	vadd.f32 v54, v0  }
0x95: {  	v1 =	vadd.f32 v25, v1;
	v6 =	vadd.f32 v45, v6;
	v45 =	vld [tilespmem:$0x1FF60]  }
0x96: {  	v57 =	vld [tilespmem:$0x4650];
	v5 =	vadd.f32 v39, v5;
	v0 =	vadd.f32 v59, v0  }
0x97: {  	v58 =	vld [tilespmem:$0x4660];
	v1 =	vadd.f32 v7, v1;
	v6 =	vadd.f32 v49, v6  }
0x98: {  	v60 =	vld [tilespmem:$0x4690];
	v5 =	vadd.f32 v42, v5;
	v0 =	vadd.f32 v63, v0  }
0x99: {  	v1 =	vadd.f32 v15, v1;
	v46 =	vld [tilespmem:$0x4780];
	v6 =	vadd.f32 v53, v6  }
0x9a: {  	v61 =	vld [tilespmem:$0x46A0];
	v5 =	vadd.f32 v45, v5;
	v0 =	vadd.f32 v40, v0  }
0x9b: {  	v62 =	vld [tilespmem:$0x46B0];
	v1 =	vadd.f32 v8, v1;
	v6 =	vadd.f32 v57, v6  }
0x9c: {  	v41 =	vld [tilespmem:$0x4710];
	v3 =	vadd.f32 v3, v5;
	v0 =	vadd.f32 v43, v0  }
0x9d: {  	v10 =	vld [tilespmem:$0x45F0];
	v1 =	vadd.f32 v16, v1;
	v6 =	vadd.f32 v60, v6  }
0x9e: {  	v49 =	vld [tilespmem:$0x4750];
	v3 =	vadd.f32 v14, v3;
	v0 =	vadd.f32 v46, v0  }
0x9f: {  	v17 =	vld [tilespmem:$0x4670];
	v1 =	vadd.f32 v24, v1;
	v6 =	vadd.f32 v36, v6  }
0xa0: {  	v29 =	vld [tilespmem:$0x4630];
	v3 =	vadd.f32 v22, v3;
	v0 =	vadd.f32 v48, v0  }
0xa1: {  	v53 =	vld [tilespmem:$0x4790];
	v1 =	vadd.f32 v32, v1;
	v6 =	vadd.f32 v41, v6  }
0xa2: {  	v37 =	vld [tilespmem:$0x46E0];
	v3 =	vadd.f32 v30, v3;
	v0 =	vmul.f32 $2.500000000e-01, v0  }
0xa3: {  	v50 =	vld [tilespmem:$0x4760];
	v1 =	vadd.f32 v58, v1;
	v6 =	vadd.f32 v49, v6  }
0xa4: {  	v54 =	vld [tilespmem:$0x47A0];
	v3 =	vadd.f32 v23, v3;
	v0 =	vadd.f32 v52, v0  }
0xa5: {  	v57 =	vld [tilespmem:$0x47E0];
	v1 =	vadd.f32 v61, v1  }
0xa6: {  	v58 =	vld [tilespmem:$0x47F0];
	v6 =	vadd.f32 v53, v6;
	v3 =	vadd.f32 v31, v3;
	[tilespmem:s18+$0xFFFFFF80] =	vst v0  }
0xa7: {  	v1 =	vadd.f32 v37, v1;
	v60 =	vld [tilespmem:s20+$0xE010]  }
0xa8: {  	v61 =	vadd.f32 v56, v6;
	v59 =	vadd.f32 v10, v3  }
0xa9: {  	v1 =	vadd.f32 v44, v1  }
0xaa: {  	v2 =	vmul.f32 $2.500000000e-01, v61;
	v0 =	vadd.f32 v29, v59  }
0xab: {  	v1 =	vadd.f32 v50, v1  }
0xac: {  	v0 =	vadd.f32 v17, v0;
	v2 =	vadd.f32 v60, v2;
	_ =	sdelay $0x1  }
0xad: {  	v1 =	vadd.f32 v54, v1;
	v0 =	vadd.f32 v62, v0;
	[tilespmem:s18+$0xFFFFFF90] =	vst v2  }
0xae: {  	v2 =	vld [tilespmem:s20+$0xE020]  }
0xaf: {  	v1 =	vadd.f32 v57, v1;
	v0 =	vadd.f32 v38, v0;
	_ =	sdelay $0x1  }
0xb0: {  	v1 =	vmul.f32 $2.500000000e-01, v1;
	v0 =	vadd.f32 v47, v0;
	_ =	sdelay $0x1  }
0xb1: {  	v0 =	vadd.f32 v51, v0;
	v1 =	vadd.f32 v2, v1;
	_ =	sdelay $0x1  }
0xb2: {  	v0 =	vadd.f32 v55, v0;
	[tilespmem:s18+$0xFFFFFFA0] =	vst v1  }
0xb3: {  	v1 =	vld [tilespmem:s20+$0xE030]  }
0xb4: {  	v0 =	vadd.f32 v58, v0;
	_ =	sdelay $0x1  }
0xb5: {  	v0 =	vmul.f32 $2.500000000e-01, v0;
	_ =	sdelay $0x1  }
0xb6: {  	v0 =	vadd.f32 v1, v0;
	_ =	sdelay $0x1  }
0xb7: {  	[tilespmem:s18+$0xFFFFFFB0] =	vst v0  }
0xb8: {  	v0 =	vld [tilespmem:$0x4800]  }
0xb9: {  	v3 =	vld [tilespmem:$0x4810]  }
0xba: {  	v4 =	vld [tilespmem:$0x4820]  }
0xbb: {  	v5 =	vld [tilespmem:$0x4830]  }
0xbc: {  	v1 =	vld [tilespmem:$0x4840]  }
0xbd: {  	v6 =	vld [tilespmem:$0x4850]  }
0xbe: {  	v7 =	vld [tilespmem:$0x4860]  }
0xbf: {  	v8 =	vld [tilespmem:$0x4870]  }
0xc0: {  	v9 =	vld [tilespmem:$0x4880]  }
0xc1: {  	v10 =	vld [tilespmem:$0x4890]  }
0xc2: {  	v11 =	vld [tilespmem:$0x48A0]  }
0xc3: {  	v12 =	vld [tilespmem:$0x48B0]  }
0xc4: {  	v13 =	vld [tilespmem:$0x48C0]  }
0xc5: {  	v14 =	vld [tilespmem:$0x48D0]  }
0xc6: {  	v15 =	vld [tilespmem:$0x48E0]  }
0xc7: {  	v16 =	vld [tilespmem:$0x48F0]  }
0xc8: {  	v17 =	vld [tilespmem:$0x4900]  }
0xc9: {  	v18 =	vld [tilespmem:$0x4910]  }
0xca: {  	v19 =	vld [tilespmem:$0x4920]  }
0xcb: {  	v20 =	vld [tilespmem:$0x4930]  }
0xcc: {  	v21 =	vld [tilespmem:$0x4940]  }
0xcd: {  	v22 =	vld [tilespmem:$0x4950]  }
0xce: {  	v23 =	vld [tilespmem:$0x4960]  }
0xcf: {  	v24 =	vld [tilespmem:$0x4970]  }
0xd0: {  	v25 =	vld [tilespmem:$0x4980]  }
0xd1: {  	v26 =	vld [tilespmem:$0x4990]  }
0xd2: {  	v27 =	vld [tilespmem:$0x49A0]  }
0xd3: {  	v28 =	vld [tilespmem:$0x49B0]  }
0xd4: {  	v29 =	vld [tilespmem:$0x49C0]  }
0xd5: {  	v30 =	vld [tilespmem:$0x49D0]  }
0xd6: {  	v31 =	vld [tilespmem:$0x49E0]  }
0xd7: {  	v32 =	vld [tilespmem:$0x49F0]  }
0xd8: {  	v33 =	vld [tilespmem:$0x4A00]  }
0xd9: {  	v34 =	vld [tilespmem:$0x4A10]  }
0xda: {  	v35 =	vld [tilespmem:$0x4A20]  }
0xdb: {  	v36 =	vld [tilespmem:$0x4A30]  }
0xdc: {  	v37 =	vld [tilespmem:$0x4A40]  }
0xdd: {  	v38 =	vld [tilespmem:$0x4A50]  }
0xde: {  	v39 =	vld [tilespmem:$0x4A60]  }
0xdf: {  	v40 =	vld [tilespmem:$0x4A70]  }
0xe0: {  	v41 =	vld [tilespmem:$0x4A80]  }
0xe1: {  	v42 =	vld [tilespmem:$0x4A90]  }
0xe2: {  	v43 =	vld [tilespmem:$0x4AA0]  }
0xe3: {  	v44 =	vld [tilespmem:$0x4AB0]  }
0xe4: {  	v45 =	vld [tilespmem:$0x4AC0]  }
0xe5: {  	v46 =	vld [tilespmem:$0x4AD0]  }
0xe6: {  	v47 =	vld [tilespmem:$0x4AE0]  }
0xe7: {  	v48 =	vld [tilespmem:$0x4AF0]  }
0xe8: {  	v49 =	vld [tilespmem:$0x4B00]  }
0xe9: {  	v50 =	vld [tilespmem:$0x4B10]  }
0xea: {  	v51 =	vld [tilespmem:$0x4B20]  }
0xeb: {  	v52 =	vld [tilespmem:$0x4B30]  }
0xec: {  	v53 =	vld [tilespmem:$0x4B40]  }
0xed: {  	v54 =	vld [tilespmem:$0x4B50]  }
0xee: {  	v55 =	vld [tilespmem:$0x4B60]  }
0xef: {  	v56 =	vld [tilespmem:$0x4B70]  }
0xf0: {  	v57 =	vld [tilespmem:$0x4B80]  }
0xf1: {  	v58 =	vld [tilespmem:$0x4B90]  }
0xf2: {  	v59 =	vld [tilespmem:$0x4BA0]  }
0xf3: {  	v62 =	vld [tilespmem:$0x4BB0]  }
0xf4: {  	v63 =	vld [tilespmem:$0x4BF0]  }
0xf5: {  	v60 =	vld [tilespmem:$0x4BC0]  }
0xf6: {  	v61 =	vld [tilespmem:$0x4BD0]  }
0xf7: {  	v2 =	vld [tilespmem:$0x4C20]  }
0xf8: {  	[tilespmem:$0x1FF70] =	vst v62;
	v62 =	vld [tilespmem:$0x4BE0]  }
0xf9: {  	v1 =	vadd.f32 v1, v0;
	[tilespmem:$0x1FF80] =	vst v63;
	v63 =	vld [tilespmem:$0x4C00]  }
0xfa: {  	v0 =	vld [tilespmem:$0x4C30]  }
0xfb: {  	v6 =	vadd.f32 v6, v3;
	v3 =	vld [tilespmem:$0x4C70];
	v1 =	vadd.f32 v9, v1  }
0xfc: {  	v4 =	vadd.f32 v7, v4;
	v7 =	vld [tilespmem:$0x4CE0]  }
0xfd: {  	v5 =	vadd.f32 v8, v5;
	v8 =	vld [tilespmem:$0x4D60];
	v13 =	vadd.f32 v13, v1  }
0xfe: {  	v9 =	vld [tilespmem:$0x4C10];
	v6 =	vadd.f32 v10, v6  }
0xff: {  	v4 =	vadd.f32 v11, v4;
	v11 =	vld [tilespmem:$0x4D00];
	v13 =	vadd.f32 v17, v13  }
0x100: {  	v5 =	vadd.f32 v12, v5;
	v1 =	vld [tilespmem:$0x4C60]  }
0x101: {  	v6 =	vadd.f32 v14, v6;
	v14 =	vld [tilespmem:$0x4CB0];
	v13 =	vadd.f32 v21, v13  }
0x102: {  	v4 =	vadd.f32 v15, v4;
	v15 =	vld [tilespmem:$0x4D20]  }
0x103: {  	v5 =	vadd.f32 v16, v5;
	v16 =	vld [tilespmem:$0x4DA0];
	v10 =	vadd.f32 v25, v13  }
0x104: {  	[tilespmem:$0x1FF90] =	vst v0;
	v0 =	vld [tilespmem:$0x4C40]  }
0x105: {  	v17 =	vld [tilespmem:$0x4C50];
	v10 =	vadd.f32 v29, v10  }
0x106: {  	v6 =	vadd.f32 v18, v6;
	v18 =	vld [tilespmem:$0x4CD0]  }
0x107: {  	v4 =	vadd.f32 v19, v4;
	v21 =	vld [tilespmem:$0x4C80];
	v10 =	vadd.f32 v33, v10  }
0x108: {  	v5 =	vadd.f32 v20, v5;
	v6 =	vadd.f32 v22, v6;
	v22 =	vld [tilespmem:$0x4CF0]  }
0x109: {  	v4 =	vadd.f32 v23, v4;
	v23 =	vld [tilespmem:$0x4D70];
	v10 =	vadd.f32 v37, v10  }
0x10a: {  	v5 =	vadd.f32 v24, v5;
	v24 =	vld [tilespmem:$0x4DE0];
	v6 =	vadd.f32 v26, v6  }
0x10b: {  	v13 =	vld [tilespmem:$0x4C90];
	v10 =	vadd.f32 v41, v10  }
0x10c: {  	v25 =	vld [tilespmem:$0x4CA0];
	v6 =	vadd.f32 v30, v6  }
0x10d: {  	v26 =	vld [tilespmem:$0x4D10];
	v10 =	vadd.f32 v45, v10  }
0x10e: {  	v4 =	vadd.f32 v27, v4;
	v29 =	vld [tilespmem:$0x4CC0];
	v6 =	vadd.f32 v34, v6  }
0x10f: {  	v5 =	vadd.f32 v28, v5;
	v30 =	vld [tilespmem:$0x4D30];
	v10 =	vadd.f32 v49, v10  }
0x110: {  	v4 =	vadd.f32 v31, v4;
	v31 =	vld [tilespmem:$0x4DB0];
	v6 =	vadd.f32 v38, v6  }
0x111: {  	v5 =	vadd.f32 v32, v5;
	v32 =	vld [tilespmem:$0x4E20];
	v10 =	vadd.f32 v53, v10  }
0x112: {  	v33 =	vld [tilespmem:$0x4D50];
	v6 =	vadd.f32 v42, v6  }
0x113: {  	v5 =	vadd.f32 v36, v5;
	v36 =	vld [tilespmem:$0x4ED0];
	v10 =	vadd.f32 v57, v10  }
0x114: {  	v4 =	vadd.f32 v35, v4;
	v37 =	vld [tilespmem:$0x4D40];
	v6 =	vadd.f32 v46, v6  }
0x115: {  	v38 =	vld [tilespmem:$0x4EF0];
	v10 =	vadd.f32 v60, v10  }
0x116: {  	v4 =	vadd.f32 v39, v4;
	v39 =	vld [tilespmem:$0x1FF70];
	v6 =	vadd.f32 v50, v6  }
0x117: {  	v5 =	vadd.f32 v40, v5;
	v40 =	vld [tilespmem:$0x4F00];
	v10 =	vadd.f32 v63, v10  }
0x118: {  	v41 =	vld [tilespmem:$0x4D80];
	v6 =	vadd.f32 v54, v6  }
0x119: {  	v42 =	vld [tilespmem:$0x1FF80];
	v0 =	vadd.f32 v0, v10  }
0x11a: {  	v4 =	vadd.f32 v43, v4;
	v43 =	vld [tilespmem:$0x4F40];
	v6 =	vadd.f32 v58, v6  }
0x11b: {  	v5 =	vadd.f32 v44, v5;
	v44 =	vld [tilespmem:$0x4F20];
	v0 =	vadd.f32 v21, v0  }
0x11c: {  	v45 =	vld [tilespmem:$0x4D90];
	v4 =	vadd.f32 v47, v4;
	v6 =	vadd.f32 v61, v6  }
0x11d: {  	v46 =	vld [tilespmem:$0x4DC0];
	v0 =	vadd.f32 v29, v0  }
0x11e: {  	v47 =	vld [tilespmem:$0x4F30];
	v4 =	vadd.f32 v51, v4;
	v6 =	vadd.f32 v9, v6  }
0x11f: {  	v5 =	vadd.f32 v48, v5;
	v48 =	vld [tilespmem:$0x4FC0];
	v0 =	vadd.f32 v11, v0  }
0x120: {  	v49 =	vld [tilespmem:$0x4DD0];
	v4 =	vadd.f32 v55, v4;
	v6 =	vadd.f32 v17, v6  }
0x121: {  	v50 =	vld [tilespmem:$0x4E00];
	v0 =	vadd.f32 v37, v0  }
0x122: {  	v51 =	vld [tilespmem:$0x4F70];
	v4 =	vadd.f32 v59, v4;
	v6 =	vadd.f32 v13, v6  }
0x123: {  	v5 =	vadd.f32 v52, v5;
	v52 =	vld [tilespmem:s20+$0xE040];
	v0 =	vadd.f32 v41, v0  }
0x124: {  	v54 =	vld [tilespmem:$0x4E40];
	v4 =	vadd.f32 v62, v4;
	v6 =	vadd.f32 v18, v6  }
0x125: {  	v53 =	vld [tilespmem:$0x4E10];
	v0 =	vadd.f32 v46, v0  }
0x126: {  	v59 =	vld [tilespmem:$0x4E80];
	v2 =	vadd.f32 v2, v4;
	v6 =	vadd.f32 v26, v6  }
0x127: {  	v55 =	vld [tilespmem:$0x4FB0];
	v0 =	vadd.f32 v50, v0  }
0x128: {  	v63 =	vld [tilespmem:$0x4EC0];
	v1 =	vadd.f32 v1, v2;
	v6 =	vadd.f32 v33, v6  }
0x129: {  	v5 =	vadd.f32 v56, v5;
	v56 =	vld [tilespmem:$0x4FD0];
	v0 =	vadd.f32 v54, v0  }
0x12a: {  	v1 =	vadd.f32 v25, v1;
	v6 =	vadd.f32 v45, v6;
	v45 =	vld [tilespmem:$0x1FF90]  }
0x12b: {  	v57 =	vld [tilespmem:$0x4E50];
	v5 =	vadd.f32 v39, v5;
	v0 =	vadd.f32 v59, v0  }
0x12c: {  	v58 =	vld [tilespmem:$0x4E60];
	v1 =	vadd.f32 v7, v1;
	v6 =	vadd.f32 v49, v6  }
0x12d: {  	v60 =	vld [tilespmem:$0x4E90];
	v5 =	vadd.f32 v42, v5;
	v0 =	vadd.f32 v63, v0  }
0x12e: {  	v1 =	vadd.f32 v15, v1;
	v46 =	vld [tilespmem:$0x4F80];
	v6 =	vadd.f32 v53, v6  }
0x12f: {  	v61 =	vld [tilespmem:$0x4EA0];
	v5 =	vadd.f32 v45, v5;
	v0 =	vadd.f32 v40, v0  }
0x130: {  	v62 =	vld [tilespmem:$0x4EB0];
	v1 =	vadd.f32 v8, v1;
	v6 =	vadd.f32 v57, v6  }
0x131: {  	v41 =	vld [tilespmem:$0x4F10];
	v3 =	vadd.f32 v3, v5;
	v0 =	vadd.f32 v43, v0  }
0x132: {  	v10 =	vld [tilespmem:$0x4DF0];
	v1 =	vadd.f32 v16, v1;
	v6 =	vadd.f32 v60, v6  }
0x133: {  	v49 =	vld [tilespmem:$0x4F50];
	v3 =	vadd.f32 v14, v3;
	v0 =	vadd.f32 v46, v0  }
0x134: {  	v17 =	vld [tilespmem:$0x4E70];
	v1 =	vadd.f32 v24, v1;
	v6 =	vadd.f32 v36, v6  }
0x135: {  	v29 =	vld [tilespmem:$0x4E30];
	v3 =	vadd.f32 v22, v3;
	v0 =	vadd.f32 v48, v0  }
0x136: {  	v53 =	vld [tilespmem:$0x4F90];
	v1 =	vadd.f32 v32, v1;
	v6 =	vadd.f32 v41, v6  }
0x137: {  	v37 =	vld [tilespmem:$0x4EE0];
	v3 =	vadd.f32 v30, v3;
	v0 =	vmul.f32 $2.500000000e-01, v0  }
0x138: {  	v50 =	vld [tilespmem:$0x4F60];
	v1 =	vadd.f32 v58, v1;
	v6 =	vadd.f32 v49, v6  }
0x139: {  	v54 =	vld [tilespmem:$0x4FA0];
	v3 =	vadd.f32 v23, v3;
	v0 =	vadd.f32 v52, v0  }
0x13a: {  	v57 =	vld [tilespmem:$0x4FE0];
	v1 =	vadd.f32 v61, v1  }
0x13b: {  	v58 =	vld [tilespmem:$0x4FF0];
	v6 =	vadd.f32 v53, v6;
	v3 =	vadd.f32 v31, v3;
	[tilespmem:s18+$0xFFFFFFC0] =	vst v0  }
0x13c: {  	v1 =	vadd.f32 v37, v1;
	v60 =	vld [tilespmem:s20+$0xE050]  }
0x13d: {  	v61 =	vadd.f32 v56, v6;
	v59 =	vadd.f32 v10, v3  }
0x13e: {  	v1 =	vadd.f32 v44, v1  }
0x13f: {  	v2 =	vmul.f32 $2.500000000e-01, v61;
	v0 =	vadd.f32 v29, v59  }
0x140: {  	v1 =	vadd.f32 v50, v1  }
0x141: {  	v0 =	vadd.f32 v17, v0;
	v2 =	vadd.f32 v60, v2;
	_ =	sdelay $0x1  }
0x142: {  	v1 =	vadd.f32 v54, v1;
	v0 =	vadd.f32 v62, v0;
	[tilespmem:s18+$0xFFFFFFD0] =	vst v2  }
0x143: {  	v2 =	vld [tilespmem:s20+$0xE060]  }
0x144: {  	v1 =	vadd.f32 v57, v1;
	v0 =	vadd.f32 v38, v0;
	_ =	sdelay $0x1  }
0x145: {  	v1 =	vmul.f32 $2.500000000e-01, v1;
	v0 =	vadd.f32 v47, v0;
	_ =	sdelay $0x1  }
0x146: {  	v0 =	vadd.f32 v51, v0;
	v1 =	vadd.f32 v2, v1;
	_ =	sdelay $0x1  }
0x147: {  	v0 =	vadd.f32 v55, v0;
	[tilespmem:s18+$0xFFFFFFE0] =	vst v1  }
0x148: {  	v1 =	vld [tilespmem:s20+$0xE070]  }
0x149: {  	v0 =	vadd.f32 v58, v0;
	_ =	sdelay $0x1  }
0x14a: {  	v0 =	vmul.f32 $2.500000000e-01, v0;
	_ =	sdelay $0x1  }
0x14b: {  	v0 =	vadd.f32 v1, v0  }
0x14c: {  	p0 =	seq.s32 s19, $0x7F00  }
0x14d: {  	s21 =	simm.s32 @!p0 $0x40;
	s22 =	simm.s32 @!p0 $0x4000;
	s20 =	sadd.s32 @!p0 $0xFFFFFFC0, s17;
	[tilespmem:s18+$0xFFFFFFF0] =	vst v0  }
0x14e: {  	[tilespmem:s22], [sflag:$0x1] =	stream.indirect.gather @!p0 [hbm4b:s3+s21], $0x40, s20, s21, $0xb8;
	[tilespmem:$0xE400] =	vst v63  }
0x14f: {  	_ =	swait.ge [sflag:s14], $0x1000  }
0x150: {  	[sflag:s14] =	ssyncset.done $0x0  }
0x151: {  	[sflag:s14] =	ssyncadd.s32 $0xFFFFF000  }
0x152: {  	v0 =	vld [tilespmem:$0x5000]  }
0x153: {  	v3 =	vld [tilespmem:$0x5010]  }
0x154: {  	v4 =	vld [tilespmem:$0x5020]  }
0x155: {  	v5 =	vld [tilespmem:$0x5030]  }
0x156: {  	v1 =	vld [tilespmem:$0x5040]  }
0x157: {  	v6 =	vld [tilespmem:$0x5050]  }
0x158: {  	v7 =	vld [tilespmem:$0x5060]  }
0x159: {  	v8 =	vld [tilespmem:$0x5070]  }
0x15a: {  	v9 =	vld [tilespmem:$0x5080]  }
0x15b: {  	v10 =	vld [tilespmem:$0x5090]  }
0x15c: {  	v11 =	vld [tilespmem:$0x50A0]  }
0x15d: {  	v12 =	vld [tilespmem:$0x50B0]  }
0x15e: {  	v13 =	vld [tilespmem:$0x50C0]  }
0x15f: {  	v14 =	vld [tilespmem:$0x50D0]  }
0x160: {  	v15 =	vld [tilespmem:$0x50E0]  }
0x161: {  	v16 =	vld [tilespmem:$0x50F0]  }
0x162: {  	v17 =	vld [tilespmem:$0x5100]  }
0x163: {  	v18 =	vld [tilespmem:$0x5110]  }
0x164: {  	v19 =	vld [tilespmem:$0x5120]  }
0x165: {  	v20 =	vld [tilespmem:$0x5130]  }
0x166: {  	v21 =	vld [tilespmem:$0x5140]  }
0x167: {  	v22 =	vld [tilespmem:$0x5150]  }
0x168: {  	v23 =	vld [tilespmem:$0x5160]  }
0x169: {  	v24 =	vld [tilespmem:$0x5170]  }
0x16a: {  	v25 =	vld [tilespmem:$0x5180]  }
0x16b: {  	v26 =	vld [tilespmem:$0x5190]  }
0x16c: {  	v27 =	vld [tilespmem:$0x51A0]  }
0x16d: {  	v28 =	vld [tilespmem:$0x51B0]  }
0x16e: {  	v29 =	vld [tilespmem:$0x51C0]  }
0x16f: {  	v30 =	vld [tilespmem:$0x51D0]  }
0x170: {  	v31 =	vld [tilespmem:$0x51E0]  }
0x171: {  	v32 =	vld [tilespmem:$0x51F0]  }
0x172: {  	v33 =	vld [tilespmem:$0x5200]  }
0x173: {  	v34 =	vld [tilespmem:$0x5210]  }
0x174: {  	v35 =	vld [tilespmem:$0x5220]  }
0x175: {  	v36 =	vld [tilespmem:$0x5230]  }
0x176: {  	v37 =	vld [tilespmem:$0x5240]  }
0x177: {  	v38 =	vld [tilespmem:$0x5250]  }
0x178: {  	v39 =	vld [tilespmem:$0x5260]  }
0x179: {  	v40 =	vld [tilespmem:$0x5270]  }
0x17a: {  	v41 =	vld [tilespmem:$0x5280]  }
0x17b: {  	v42 =	vld [tilespmem:$0x5290]  }
0x17c: {  	v43 =	vld [tilespmem:$0x52A0]  }
0x17d: {  	v44 =	vld [tilespmem:$0x52B0]  }
0x17e: {  	v45 =	vld [tilespmem:$0x52C0]  }
0x17f: {  	v46 =	vld [tilespmem:$0x52D0]  }
0x180: {  	v47 =	vld [tilespmem:$0x52E0]  }
0x181: {  	v48 =	vld [tilespmem:$0x52F0]  }
0x182: {  	v49 =	vld [tilespmem:$0x5300]  }
0x183: {  	v50 =	vld [tilespmem:$0x5310]  }
0x184: {  	v51 =	vld [tilespmem:$0x5320]  }
0x185: {  	v52 =	vld [tilespmem:$0x5330]  }
0x186: {  	v53 =	vld [tilespmem:$0x5340]  }
0x187: {  	v54 =	vld [tilespmem:$0x5350]  }
0x188: {  	v55 =	vld [tilespmem:$0x5360]  }
0x189: {  	v56 =	vld [tilespmem:$0x5370]  }
0x18a: {  	v57 =	vld [tilespmem:$0x5380]  }
0x18b: {  	v58 =	vld [tilespmem:$0x5390]  }
0x18c: {  	v59 =	vld [tilespmem:$0x53A0]  }
0x18d: {  	v62 =	vld [tilespmem:$0x53B0]  }
0x18e: {  	v63 =	vld [tilespmem:$0x53F0]  }
0x18f: {  	v60 =	vld [tilespmem:$0x53C0]  }
0x190: {  	v61 =	vld [tilespmem:$0x53D0]  }
0x191: {  	v2 =	vld [tilespmem:$0x5420]  }
0x192: {  	[tilespmem:$0x1FFA0] =	vst v62;
	v62 =	vld [tilespmem:$0x53E0]  }
0x193: {  	v1 =	vadd.f32 v1, v0;
	[tilespmem:$0x1FFB0] =	vst v63;
	v63 =	vld [tilespmem:$0x5400]  }
0x194: {  	v0 =	vld [tilespmem:$0x5430]  }
0x195: {  	v6 =	vadd.f32 v6, v3;
	v3 =	vld [tilespmem:$0x5470];
	v1 =	vadd.f32 v9, v1  }
0x196: {  	v4 =	vadd.f32 v7, v4;
	v7 =	vld [tilespmem:$0x54E0]  }
0x197: {  	v5 =	vadd.f32 v8, v5;
	v8 =	vld [tilespmem:$0x5560];
	v13 =	vadd.f32 v13, v1  }
0x198: {  	v9 =	vld [tilespmem:$0x5410];
	v6 =	vadd.f32 v10, v6  }
0x199: {  	v4 =	vadd.f32 v11, v4;
	v11 =	vld [tilespmem:$0x5500];
	v13 =	vadd.f32 v17, v13  }
0x19a: {  	v5 =	vadd.f32 v12, v5;
	v1 =	vld [tilespmem:$0x5460]  }
0x19b: {  	v6 =	vadd.f32 v14, v6;
	v14 =	vld [tilespmem:$0x54B0];
	v13 =	vadd.f32 v21, v13  }
0x19c: {  	v4 =	vadd.f32 v15, v4;
	v15 =	vld [tilespmem:$0x5520]  }
0x19d: {  	v5 =	vadd.f32 v16, v5;
	v16 =	vld [tilespmem:$0x55A0];
	v10 =	vadd.f32 v25, v13  }
0x19e: {  	[tilespmem:$0x1FFC0] =	vst v0;
	v0 =	vld [tilespmem:$0x5440]  }
0x19f: {  	v17 =	vld [tilespmem:$0x5450];
	v10 =	vadd.f32 v29, v10  }
0x1a0: {  	v6 =	vadd.f32 v18, v6;
	v18 =	vld [tilespmem:$0x54D0]  }
0x1a1: {  	v4 =	vadd.f32 v19, v4;
	v21 =	vld [tilespmem:$0x5480];
	v10 =	vadd.f32 v33, v10  }
0x1a2: {  	v5 =	vadd.f32 v20, v5;
	v6 =	vadd.f32 v22, v6;
	v22 =	vld [tilespmem:$0x54F0]  }
0x1a3: {  	v4 =	vadd.f32 v23, v4;
	v23 =	vld [tilespmem:$0x5570];
	v10 =	vadd.f32 v37, v10  }
0x1a4: {  	v5 =	vadd.f32 v24, v5;
	v24 =	vld [tilespmem:$0x55E0];
	v6 =	vadd.f32 v26, v6  }
0x1a5: {  	v13 =	vld [tilespmem:$0x5490];
	v10 =	vadd.f32 v41, v10  }
0x1a6: {  	v25 =	vld [tilespmem:$0x54A0];
	v6 =	vadd.f32 v30, v6  }
0x1a7: {  	v26 =	vld [tilespmem:$0x5510];
	v10 =	vadd.f32 v45, v10  }
0x1a8: {  	v4 =	vadd.f32 v27, v4;
	v29 =	vld [tilespmem:$0x54C0];
	v6 =	vadd.f32 v34, v6  }
0x1a9: {  	v5 =	vadd.f32 v28, v5;
	v30 =	vld [tilespmem:$0x5530];
	v10 =	vadd.f32 v49, v10  }
0x1aa: {  	v4 =	vadd.f32 v31, v4;
	v31 =	vld [tilespmem:$0x55B0];
	v6 =	vadd.f32 v38, v6  }
0x1ab: {  	v5 =	vadd.f32 v32, v5;
	v32 =	vld [tilespmem:$0x5620];
	v10 =	vadd.f32 v53, v10  }
0x1ac: {  	v33 =	vld [tilespmem:$0x5550];
	v6 =	vadd.f32 v42, v6  }
0x1ad: {  	v5 =	vadd.f32 v36, v5;
	v36 =	vld [tilespmem:$0x56D0];
	v10 =	vadd.f32 v57, v10  }
0x1ae: {  	v4 =	vadd.f32 v35, v4;
	v37 =	vld [tilespmem:$0x5540];
	v6 =	vadd.f32 v46, v6  }
0x1af: {  	v38 =	vld [tilespmem:$0x56F0];
	v10 =	vadd.f32 v60, v10  }
0x1b0: {  	v4 =	vadd.f32 v39, v4;
	v39 =	vld [tilespmem:$0x1FFA0];
	v6 =	vadd.f32 v50, v6  }
0x1b1: {  	v5 =	vadd.f32 v40, v5;
	v40 =	vld [tilespmem:$0x5700];
	v10 =	vadd.f32 v63, v10  }
0x1b2: {  	v41 =	vld [tilespmem:$0x5580];
	v6 =	vadd.f32 v54, v6  }
0x1b3: {  	v42 =	vld [tilespmem:$0x1FFB0];
	v0 =	vadd.f32 v0, v10  }
0x1b4: {  	v4 =	vadd.f32 v43, v4;
	v43 =	vld [tilespmem:$0x5740];
	v6 =	vadd.f32 v58, v6  }
0x1b5: {  	v5 =	vadd.f32 v44, v5;
	v44 =	vld [tilespmem:$0x5720];
	v0 =	vadd.f32 v21, v0  }
0x1b6: {  	v45 =	vld [tilespmem:$0x5590];
	v4 =	vadd.f32 v47, v4;
	v6 =	vadd.f32 v61, v6  }
0x1b7: {  	v46 =	vld [tilespmem:$0x55C0];
	v0 =	vadd.f32 v29, v0  }
0x1b8: {  	v47 =	vld [tilespmem:$0x5730];
	v4 =	vadd.f32 v51, v4;
	v6 =	vadd.f32 v9, v6  }
0x1b9: {  	v5 =	vadd.f32 v48, v5;
	v48 =	vld [tilespmem:$0x57C0];
	v0 =	vadd.f32 v11, v0  }
0x1ba: {  	v49 =	vld [tilespmem:$0x55D0];
	v4 =	vadd.f32 v55, v4;
	v6 =	vadd.f32 v17, v6  }
0x1bb: {  	s31 =	sadd.s32 $0x80, s19;
	v50 =	vld [tilespmem:$0x5600];
	v0 =	vadd.f32 v37, v0  }
0x1bc: {  	s20 =	sand.u32 $0x380, s31;
	v51 =	vld [tilespmem:$0x5770];
	v4 =	vadd.f32 v59, v4;
	v6 =	vadd.f32 v13, v6  }
0x1bd: {  	v5 =	vadd.f32 v52, v5;
	v52 =	vld [tilespmem:s20+$0xE000];
	v0 =	vadd.f32 v41, v0  }
0x1be: {  	v54 =	vld [tilespmem:$0x5640];
	v4 =	vadd.f32 v62, v4;
	v6 =	vadd.f32 v18, v6  }
0x1bf: {  	v53 =	vld [tilespmem:$0x5610];
	v0 =	vadd.f32 v46, v0  }
0x1c0: {  	v59 =	vld [tilespmem:$0x5680];
	v2 =	vadd.f32 v2, v4;
	v6 =	vadd.f32 v26, v6  }
0x1c1: {  	v55 =	vld [tilespmem:$0x57B0];
	v0 =	vadd.f32 v50, v0  }
0x1c2: {  	v63 =	vld [tilespmem:$0x56C0];
	v1 =	vadd.f32 v1, v2;
	v6 =	vadd.f32 v33, v6  }
0x1c3: {  	v5 =	vadd.f32 v56, v5;
	v56 =	vld [tilespmem:$0x57D0];
	v0 =	vadd.f32 v54, v0  }
0x1c4: {  	v1 =	vadd.f32 v25, v1;
	v6 =	vadd.f32 v45, v6;
	v45 =	vld [tilespmem:$0x1FFC0]  }
0x1c5: {  	v57 =	vld [tilespmem:$0x5650];
	v5 =	vadd.f32 v39, v5;
	v0 =	vadd.f32 v59, v0  }
0x1c6: {  	v58 =	vld [tilespmem:$0x5660];
	v1 =	vadd.f32 v7, v1;
	v6 =	vadd.f32 v49, v6  }
0x1c7: {  	v60 =	vld [tilespmem:$0x5690];
	v5 =	vadd.f32 v42, v5;
	v0 =	vadd.f32 v63, v0  }
0x1c8: {  	v1 =	vadd.f32 v15, v1;
	v46 =	vld [tilespmem:$0x5780];
	v6 =	vadd.f32 v53, v6  }
0x1c9: {  	v61 =	vld [tilespmem:$0x56A0];
	v5 =	vadd.f32 v45, v5;
	v0 =	vadd.f32 v40, v0  }
0x1ca: {  	v62 =	vld [tilespmem:$0x56B0];
	v1 =	vadd.f32 v8, v1;
	v6 =	vadd.f32 v57, v6  }
0x1cb: {  	v41 =	vld [tilespmem:$0x5710];
	v3 =	vadd.f32 v3, v5;
	v0 =	vadd.f32 v43, v0  }
0x1cc: {  	v10 =	vld [tilespmem:$0x55F0];
	v1 =	vadd.f32 v16, v1;
	v6 =	vadd.f32 v60, v6  }
0x1cd: {  	v49 =	vld [tilespmem:$0x5750];
	v3 =	vadd.f32 v14, v3;
	v0 =	vadd.f32 v46, v0  }
0x1ce: {  	v17 =	vld [tilespmem:$0x5670];
	v1 =	vadd.f32 v24, v1;
	v6 =	vadd.f32 v36, v6  }
0x1cf: {  	v29 =	vld [tilespmem:$0x5630];
	v3 =	vadd.f32 v22, v3;
	v0 =	vadd.f32 v48, v0  }
0x1d0: {  	v53 =	vld [tilespmem:$0x5790];
	v1 =	vadd.f32 v32, v1;
	v6 =	vadd.f32 v41, v6  }
0x1d1: {  	v37 =	vld [tilespmem:$0x56E0];
	v3 =	vadd.f32 v30, v3;
	v0 =	vmul.f32 $2.500000000e-01, v0  }
0x1d2: {  	v50 =	vld [tilespmem:$0x5760];
	v1 =	vadd.f32 v58, v1;
	v6 =	vadd.f32 v49, v6  }
0x1d3: {  	v54 =	vld [tilespmem:$0x57A0];
	v3 =	vadd.f32 v23, v3;
	v0 =	vadd.f32 v52, v0  }
0x1d4: {  	v57 =	vld [tilespmem:$0x57E0];
	v1 =	vadd.f32 v61, v1  }
0x1d5: {  	v58 =	vld [tilespmem:$0x57F0];
	v6 =	vadd.f32 v53, v6;
	v3 =	vadd.f32 v31, v3;
	[tilespmem:s18+$0x0] =	vst v0  }
0x1d6: {  	v1 =	vadd.f32 v37, v1;
	v60 =	vld [tilespmem:s20+$0xE010]  }
0x1d7: {  	v61 =	vadd.f32 v56, v6;
	v59 =	vadd.f32 v10, v3  }
0x1d8: {  	v1 =	vadd.f32 v44, v1  }
0x1d9: {  	v2 =	vmul.f32 $2.500000000e-01, v61;
	v0 =	vadd.f32 v29, v59  }
0x1da: {  	v1 =	vadd.f32 v50, v1  }
0x1db: {  	v0 =	vadd.f32 v17, v0;
	v2 =	vadd.f32 v60, v2;
	_ =	sdelay $0x1  }
0x1dc: {  	v1 =	vadd.f32 v54, v1;
	v0 =	vadd.f32 v62, v0;
	[tilespmem:s18+$0x10] =	vst v2  }
0x1dd: {  	v2 =	vld [tilespmem:s20+$0xE020]  }
0x1de: {  	v1 =	vadd.f32 v57, v1;
	v0 =	vadd.f32 v38, v0;
	_ =	sdelay $0x1  }
0x1df: {  	v1 =	vmul.f32 $2.500000000e-01, v1;
	v0 =	vadd.f32 v47, v0;
	_ =	sdelay $0x1  }
0x1e0: {  	v0 =	vadd.f32 v51, v0;
	v1 =	vadd.f32 v2, v1;
	_ =	sdelay $0x1  }
0x1e1: {  	v0 =	vadd.f32 v55, v0;
	[tilespmem:s18+$0x20] =	vst v1  }
0x1e2: {  	v1 =	vld [tilespmem:s20+$0xE030]  }
0x1e3: {  	v0 =	vadd.f32 v58, v0;
	_ =	sdelay $0x1  }
0x1e4: {  	v0 =	vmul.f32 $2.500000000e-01, v0;
	_ =	sdelay $0x1  }
0x1e5: {  	v0 =	vadd.f32 v1, v0;
	_ =	sdelay $0x1  }
0x1e6: {  	[tilespmem:s18+$0x30] =	vst v0  }
0x1e7: {  	v0 =	vld [tilespmem:$0x5800]  }
0x1e8: {  	v3 =	vld [tilespmem:$0x5810]  }
0x1e9: {  	v4 =	vld [tilespmem:$0x5820]  }
0x1ea: {  	v5 =	vld [tilespmem:$0x5830]  }
0x1eb: {  	v1 =	vld [tilespmem:$0x5840]  }
0x1ec: {  	v6 =	vld [tilespmem:$0x5850]  }
0x1ed: {  	v7 =	vld [tilespmem:$0x5860]  }
0x1ee: {  	v8 =	vld [tilespmem:$0x5870]  }
0x1ef: {  	v9 =	vld [tilespmem:$0x5880]  }
0x1f0: {  	v10 =	vld [tilespmem:$0x5890]  }
0x1f1: {  	v11 =	vld [tilespmem:$0x58A0]  }
0x1f2: {  	v12 =	vld [tilespmem:$0x58B0]  }
0x1f3: {  	v13 =	vld [tilespmem:$0x58C0]  }
0x1f4: {  	v14 =	vld [tilespmem:$0x58D0]  }
0x1f5: {  	v15 =	vld [tilespmem:$0x58E0]  }
0x1f6: {  	v16 =	vld [tilespmem:$0x58F0]  }
0x1f7: {  	v17 =	vld [tilespmem:$0x5900]  }
0x1f8: {  	v18 =	vld [tilespmem:$0x5910]  }
0x1f9: {  	v19 =	vld [tilespmem:$0x5920]  }
0x1fa: {  	v20 =	vld [tilespmem:$0x5930]  }
0x1fb: {  	v21 =	vld [tilespmem:$0x5940]  }
0x1fc: {  	v22 =	vld [tilespmem:$0x5950]  }
0x1fd: {  	v23 =	vld [tilespmem:$0x5960]  }
0x1fe: {  	v24 =	vld [tilespmem:$0x5970]  }
0x1ff: {  	v25 =	vld [tilespmem:$0x5980]  }
0x200: {  	v26 =	vld [tilespmem:$0x5990]  }
0x201: {  	v27 =	vld [tilespmem:$0x59A0]  }
0x202: {  	v28 =	vld [tilespmem:$0x59B0]  }
0x203: {  	v29 =	vld [tilespmem:$0x59C0]  }
0x204: {  	v30 =	vld [tilespmem:$0x59D0]  }
0x205: {  	v31 =	vld [tilespmem:$0x59E0]  }
0x206: {  	v32 =	vld [tilespmem:$0x59F0]  }
0x207: {  	v33 =	vld [tilespmem:$0x5A00]  }
0x208: {  	v34 =	vld [tilespmem:$0x5A10]  }
0x209: {  	v35 =	vld [tilespmem:$0x5A20]  }
0x20a: {  	v36 =	vld [tilespmem:$0x5A30]  }
0x20b: {  	v37 =	vld [tilespmem:$0x5A40]  }
0x20c: {  	v38 =	vld [tilespmem:$0x5A50]  }
0x20d: {  	v39 =	vld [tilespmem:$0x5A60]  }
0x20e: {  	v40 =	vld [tilespmem:$0x5A70]  }
0x20f: {  	v41 =	vld [tilespmem:$0x5A80]  }
0x210: {  	v42 =	vld [tilespmem:$0x5A90]  }
0x211: {  	v43 =	vld [tilespmem:$0x5AA0]  }
0x212: {  	v44 =	vld [tilespmem:$0x5AB0]  }
0x213: {  	v45 =	vld [tilespmem:$0x5AC0]  }
0x214: {  	v46 =	vld [tilespmem:$0x5AD0]  }
0x215: {  	v47 =	vld [tilespmem:$0x5AE0]  }
0x216: {  	v48 =	vld [tilespmem:$0x5AF0]  }
0x217: {  	v49 =	vld [tilespmem:$0x5B00]  }
0x218: {  	v50 =	vld [tilespmem:$0x5B10]  }
0x219: {  	v51 =	vld [tilespmem:$0x5B20]  }
0x21a: {  	v52 =	vld [tilespmem:$0x5B30]  }
0x21b: {  	v53 =	vld [tilespmem:$0x5B40]  }
0x21c: {  	v54 =	vld [tilespmem:$0x5B50]  }
0x21d: {  	v55 =	vld [tilespmem:$0x5B60]  }
0x21e: {  	v56 =	vld [tilespmem:$0x5B70]  }
0x21f: {  	v57 =	vld [tilespmem:$0x5B80]  }
0x220: {  	v58 =	vld [tilespmem:$0x5B90]  }
0x221: {  	v59 =	vld [tilespmem:$0x5BA0]  }
0x222: {  	v62 =	vld [tilespmem:$0x5BB0]  }
0x223: {  	v63 =	vld [tilespmem:$0x5BF0]  }
0x224: {  	v60 =	vld [tilespmem:$0x5BC0]  }
0x225: {  	v61 =	vld [tilespmem:$0x5BD0]  }
0x226: {  	v2 =	vld [tilespmem:$0x5C20]  }
0x227: {  	[tilespmem:$0x1FFD0] =	vst v62;
	v62 =	vld [tilespmem:$0x5BE0]  }
0x228: {  	v1 =	vadd.f32 v1, v0;
	[tilespmem:$0x1FFE0] =	vst v63;
	v63 =	vld [tilespmem:$0x5C00]  }
0x229: {  	v0 =	vld [tilespmem:$0x5C30]  }
0x22a: {  	v6 =	vadd.f32 v6, v3;
	v3 =	vld [tilespmem:$0x5C70];
	v1 =	vadd.f32 v9, v1  }
0x22b: {  	v4 =	vadd.f32 v7, v4;
	v7 =	vld [tilespmem:$0x5CE0]  }
0x22c: {  	v5 =	vadd.f32 v8, v5;
	v8 =	vld [tilespmem:$0x5D60];
	v13 =	vadd.f32 v13, v1  }
0x22d: {  	v9 =	vld [tilespmem:$0x5C10];
	v6 =	vadd.f32 v10, v6  }
0x22e: {  	v4 =	vadd.f32 v11, v4;
	v11 =	vld [tilespmem:$0x5D00];
	v13 =	vadd.f32 v17, v13  }
0x22f: {  	v5 =	vadd.f32 v12, v5;
	v1 =	vld [tilespmem:$0x5C60]  }
0x230: {  	v6 =	vadd.f32 v14, v6;
	v14 =	vld [tilespmem:$0x5CB0];
	v13 =	vadd.f32 v21, v13  }
0x231: {  	v4 =	vadd.f32 v15, v4;
	v15 =	vld [tilespmem:$0x5D20]  }
0x232: {  	v5 =	vadd.f32 v16, v5;
	v16 =	vld [tilespmem:$0x5DA0];
	v10 =	vadd.f32 v25, v13  }
0x233: {  	[tilespmem:$0x1FFF0] =	vst v0;
	v0 =	vld [tilespmem:$0x5C40]  }
0x234: {  	v17 =	vld [tilespmem:$0x5C50];
	v10 =	vadd.f32 v29, v10  }
0x235: {  	v6 =	vadd.f32 v18, v6;
	v18 =	vld [tilespmem:$0x5CD0]  }
0x236: {  	v4 =	vadd.f32 v19, v4;
	v21 =	vld [tilespmem:$0x5C80];
	v10 =	vadd.f32 v33, v10  }
0x237: {  	v5 =	vadd.f32 v20, v5;
	v6 =	vadd.f32 v22, v6;
	v22 =	vld [tilespmem:$0x5CF0]  }
0x238: {  	v4 =	vadd.f32 v23, v4;
	v23 =	vld [tilespmem:$0x5D70];
	v10 =	vadd.f32 v37, v10  }
0x239: {  	v5 =	vadd.f32 v24, v5;
	v24 =	vld [tilespmem:$0x5DE0];
	v6 =	vadd.f32 v26, v6  }
0x23a: {  	v13 =	vld [tilespmem:$0x5C90];
	v10 =	vadd.f32 v41, v10  }
0x23b: {  	v25 =	vld [tilespmem:$0x5CA0];
	v6 =	vadd.f32 v30, v6  }
0x23c: {  	v26 =	vld [tilespmem:$0x5D10];
	v10 =	vadd.f32 v45, v10  }
0x23d: {  	v4 =	vadd.f32 v27, v4;
	v29 =	vld [tilespmem:$0x5CC0];
	v6 =	vadd.f32 v34, v6  }
0x23e: {  	v5 =	vadd.f32 v28, v5;
	v30 =	vld [tilespmem:$0x5D30];
	v10 =	vadd.f32 v49, v10  }
0x23f: {  	v4 =	vadd.f32 v31, v4;
	v31 =	vld [tilespmem:$0x5DB0];
	v6 =	vadd.f32 v38, v6  }
0x240: {  	v5 =	vadd.f32 v32, v5;
	v32 =	vld [tilespmem:$0x5E20];
	v10 =	vadd.f32 v53, v10  }
0x241: {  	v33 =	vld [tilespmem:$0x5D50];
	v6 =	vadd.f32 v42, v6  }
0x242: {  	v5 =	vadd.f32 v36, v5;
	v36 =	vld [tilespmem:$0x5EB0];
	v10 =	vadd.f32 v57, v10  }
0x243: {  	v4 =	vadd.f32 v35, v4;
	v37 =	vld [tilespmem:$0x5D40];
	v6 =	vadd.f32 v46, v6  }
0x244: {  	v38 =	vld [tilespmem:$0x5ED0];
	v10 =	vadd.f32 v60, v10  }
0x245: {  	v4 =	vadd.f32 v39, v4;
	v39 =	vld [tilespmem:$0x5EE0];
	v6 =	vadd.f32 v50, v6  }
0x246: {  	v5 =	vadd.f32 v40, v5;
	v40 =	vld [tilespmem:$0x5EF0];
	v10 =	vadd.f32 v63, v10  }
0x247: {  	v41 =	vld [tilespmem:$0x5D80];
	v6 =	vadd.f32 v54, v6  }
0x248: {  	v42 =	vld [tilespmem:$0x5F00];
	v0 =	vadd.f32 v0, v10  }
0x249: {  	v4 =	vadd.f32 v43, v4;
	v43 =	vld [tilespmem:$0x5F10];
	v6 =	vadd.f32 v58, v6  }
0x24a: {  	v5 =	vadd.f32 v44, v5;
	v44 =	vld [tilespmem:$0x1FFE0];
	v0 =	vadd.f32 v21, v0  }
0x24b: {  	v45 =	vld [tilespmem:$0x5D90];
	v4 =	vadd.f32 v47, v4;
	v6 =	vadd.f32 v61, v6  }
0x24c: {  	v46 =	vld [tilespmem:$0x5DC0];
	v0 =	vadd.f32 v29, v0  }
0x24d: {  	v47 =	vld [tilespmem:$0x1FFF0];
	v4 =	vadd.f32 v51, v4;
	v6 =	vadd.f32 v9, v6  }
0x24e: {  	v5 =	vadd.f32 v48, v5;
	v48 =	vld [tilespmem:$0x5F80];
	v0 =	vadd.f32 v11, v0  }
0x24f: {  	v49 =	vld [tilespmem:$0x5DD0];
	v4 =	vadd.f32 v55, v4;
	v6 =	vadd.f32 v17, v6  }
0x250: {  	v50 =	vld [tilespmem:$0x5E00];
	v0 =	vadd.f32 v37, v0  }
0x251: {  	v51 =	vld [tilespmem:$0x5F50];
	v4 =	vadd.f32 v59, v4;
	v6 =	vadd.f32 v13, v6  }
0x252: {  	v5 =	vadd.f32 v52, v5;
	v52 =	vld [tilespmem:$0x5F60];
	v0 =	vadd.f32 v41, v0  }
0x253: {  	v54 =	vld [tilespmem:$0x5E40];
	v4 =	vadd.f32 v62, v4;
	v6 =	vadd.f32 v18, v6  }
0x254: {  	v60 =	vld [tilespmem:$0x5E80];
	v0 =	vadd.f32 v46, v0  }
0x255: {  	v2 =	vadd.f32 v2, v4;
	v6 =	vadd.f32 v26, v6;
	v41 =	vld [tilespmem:$0x1FFD0]  }
0x256: {  	v53 =	vld [tilespmem:$0x5E10];
	v0 =	vadd.f32 v50, v0  }
0x257: {  	v1 =	vadd.f32 v1, v2;
	v37 =	vld [tilespmem:$0x5EC0];
	v6 =	vadd.f32 v33, v6  }
0x258: {  	v5 =	vadd.f32 v56, v5;
	v55 =	vld [tilespmem:$0x5F90];
	v0 =	vadd.f32 v54, v0  }
0x259: {  	v56 =	vld [tilespmem:$0x5FA0];
	v1 =	vadd.f32 v25, v1;
	v6 =	vadd.f32 v45, v6  }
0x25a: {  	v57 =	vld [tilespmem:$0x5E50];
	v5 =	vadd.f32 v41, v5;
	v0 =	vadd.f32 v60, v0  }
0x25b: {  	v1 =	vadd.f32 v7, v1;
	v45 =	vld [tilespmem:$0x5F40];
	v6 =	vadd.f32 v49, v6  }
0x25c: {  	v61 =	vld [tilespmem:$0x5E90];
	v5 =	vadd.f32 v44, v5;
	v0 =	vadd.f32 v37, v0  }
0x25d: {  	v58 =	vld [tilespmem:$0x5E60];
	v1 =	vadd.f32 v15, v1;
	v6 =	vadd.f32 v53, v6  }
0x25e: {  	v59 =	vld [tilespmem:$0x5FE0];
	v5 =	vadd.f32 v47, v5;
	v0 =	vadd.f32 v42, v0  }
0x25f: {  	v1 =	vadd.f32 v8, v1;
	v50 =	vld [tilespmem:$0x5FC0];
	v6 =	vadd.f32 v57, v6  }
0x260: {  	v63 =	vld [tilespmem:$0x5EA0];
	v3 =	vadd.f32 v3, v5;
	v0 =	vadd.f32 v45, v0  }
0x261: {  	v10 =	vld [tilespmem:$0x5DF0];
	v1 =	vadd.f32 v16, v1;
	v6 =	vadd.f32 v61, v6  }
0x262: {  	v17 =	vld [tilespmem:$0x5E70];
	v3 =	vadd.f32 v14, v3;
	v0 =	vadd.f32 v48, v0  }
0x263: {  	v1 =	vadd.f32 v24, v1;
	v54 =	vld [tilespmem:s20+$0xE040];
	v6 =	vadd.f32 v38, v6  }
0x264: {  	v29 =	vld [tilespmem:$0x5E30];
	v3 =	vadd.f32 v22, v3;
	v0 =	vadd.f32 v50, v0  }
0x265: {  	v46 =	vld [tilespmem:$0x5F20];
	v1 =	vadd.f32 v32, v1;
	v6 =	vadd.f32 v43, v6  }
0x266: {  	v49 =	vld [tilespmem:$0x5F30];
	v3 =	vadd.f32 v30, v3;
	v0 =	vmul.f32 $2.500000000e-01, v0  }
0x267: {  	v1 =	vadd.f32 v58, v1;
	v58 =	vld [tilespmem:$0x5FD0];
	v6 =	vadd.f32 v51, v6  }
0x268: {  	v53 =	vld [tilespmem:$0x5F70];
	v3 =	vadd.f32 v23, v3;
	v0 =	vadd.f32 v54, v0  }
0x269: {  	v57 =	vld [tilespmem:$0x5FB0];
	v1 =	vadd.f32 v63, v1  }
0x26a: {  	v60 =	vld [tilespmem:$0x5FF0];
	v5 =	vadd.f32 v55, v6;
	v3 =	vadd.f32 v31, v3;
	[tilespmem:s18+$0x40] =	vst v0  }
0x26b: {  	v1 =	vadd.f32 v39, v1;
	v62 =	vld [tilespmem:s20+$0xE050]  }
0x26c: {  	v63 =	vadd.f32 v58, v5;
	v61 =	vadd.f32 v10, v3  }
0x26d: {  	v1 =	vadd.f32 v46, v1  }
0x26e: {  	v2 =	vmul.f32 $2.500000000e-01, v63;
	v0 =	vadd.f32 v29, v61  }
0x26f: {  	v1 =	vadd.f32 v52, v1  }
0x270: {  	v0 =	vadd.f32 v17, v0;
	v2 =	vadd.f32 v62, v2;
	_ =	sdelay $0x1  }
0x271: {  	v1 =	vadd.f32 v56, v1;
	v0 =	vadd.f32 v36, v0;
	[tilespmem:s18+$0x50] =	vst v2  }
0x272: {  	v2 =	vld [tilespmem:s20+$0xE060]  }
0x273: {  	v1 =	vadd.f32 v59, v1;
	v0 =	vadd.f32 v40, v0;
	_ =	sdelay $0x1  }
0x274: {  	v1 =	vmul.f32 $2.500000000e-01, v1;
	v0 =	vadd.f32 v49, v0;
	_ =	sdelay $0x1  }
0x275: {  	v0 =	vadd.f32 v53, v0;
	v1 =	vadd.f32 v2, v1;
	_ =	sdelay $0x1  }
0x276: {  	v0 =	vadd.f32 v57, v0;
	[tilespmem:s18+$0x60] =	vst v1  }
0x277: {  	v1 =	vld [tilespmem:s20+$0xE070]  }
0x278: {  	v0 =	vadd.f32 v60, v0;
	_ =	sdelay $0x1  }
.Ltmp2:
0x279: {  	v0 =	vmul.f32 $2.500000000e-01, v0;
	(pc) =	sbr.rel @p0 .LBB2_4-.Ltmp2, $3  }
0x27a: {  	_ = 	snop  }
0x27b: {  	v0 =	vadd.f32 v1, v0;
	_ =	sdelay $0x1  }
0x27c: {  	[tilespmem:s18+$0x70] =	vst v0  }
.Ltmp3:
0x27d: {  	(pc) =	sbr.rel .LBB2_2-.Ltmp3, $3  }
0x27e: {  	_ =	sdelay $0x1  }
0x27f: {  	[tilespmem:s12], [sflag:$0x2] =	stream.indirect.gather [hbm4b:s3+s10], $0x40, s17, s10, $0xb8;
	[tilespmem:$0xE400] =	vst v63  }
0x280: {  	s17 =	sadd.s32 $0x80, s17;
	s19 =	sadd.s32 $0x100, s19;
	s18 =	sadd.s32 $0x100, s18  }
.LBB2_5:
0x281: {  	_ =	sfence.sel $0x180000  }
0x282: {  	[bflag:$0x0] =	sbarrier.arrive $0xFFFF  }
0x283: {  	p0 =	sne.s32 s1, $0x0;
	_ =	strace $0x90000047  }
0x284: {  	s0 =	sadd.s32 @!p0 $0x100000, s0;
	[bflag:$0x2] =	sbarrier.arrive $0xFFFF  }
0x285: {  	[sflag:s0] =	ssyncadd.tile.s32 @!p0 $0x1;
	_ =	shalt  }
.Lfunc_end2:
_tile_overlayer_lowered:
.L_overlay_start_2:
0x286: {  	(tag) =	ssettag $0x2  }
0x287: {  	s0 =	rddreg [dreg:$0x0];
	s2 =	stileid.u32  }
0x288: {  	s1 =	rddreg [dreg:$0x1];
	p0 =	sne.s32 s2, $0x0  }
0x289: {  	s3 =	rddreg [dreg:$0x2];
	[bflag:$0x3] =	sbarrier.arrive $0xFFFF;
	s2 =	simm.s32 @!p0 $0x1C03  }
0x28a: {  	[timem:s3], [sflag:s2] =	dma.local @!p0 [hbm:s0], s1  }
0x28b: {  	s0 =	simm.s32 @!p0 $0x3  }
0x28c: {  	_ =	swait.ge @!p0 [sflag:s0], s1  }
0x28d: {  	s1 =	ssub.s32 @!p0 $0x0, s1;
	[sflag:s0] =	ssyncset.done @!p0 $0x0  }
0x28e: {  	[sflag:s0] =	ssyncadd.s32 @!p0 s1  }
0x28f: {  	[bflag:$0x3] =	sbarrier.arrive $0xFFFF  }
0x290: {  	_ =	shalt  }

</sc_bundles>
